<compile_context>
chip_gen: v7x
topology: tpu7x:2x2x1
jax: 0.10.2.dev20260603
libtpu: 0.0.44.dev20260713+nightly
codegen_flags: <defaults>
</compile_context>

<pallas_src>
import functools

import jax
import jax.numpy as jnp
from jax import lax
from jax.experimental import pallas as pl
from jax.experimental.pallas import tpu as pltpu
from jax.experimental.pallas import tpu_sc as plsc

NC = 2
NS = 16
L = 16
NW = NC * NS

B = 16384
D = 128
BPW = B // NW
CH = 128
CHUNKS = (64, 128, 128, 128, 64)
OFFS = (0, 64, 192, 320, 448)
NBUF = 2
RUNROLL = 4


def _body(uid_h, iid_h, ue_h, ie_h, ub_h, ib_h, gb_h, out_h,
          uidx_all, iidx_all, uev, iev, ubv, ibv, gbs, outv,
          sem0, sem1, semb):
    cid = lax.axis_index("c")
    sid = lax.axis_index("s")
    wid = sid * NC + cid
    base = wid * BPW
    sems = [sem0, sem1]
    lane = lax.iota(jnp.int32, L)

    pltpu.sync_copy(gb_h, gbs)

    pltpu.sync_copy(uid_h.at[pl.ds(base, BPW)], uidx_all)
    pltpu.sync_copy(iid_h.at[pl.ds(base, BPW)], iidx_all)

    def issue(c, b):
        isl = pl.ds(OFFS[c], CHUNKS[c])
        dsl = pl.ds(0, CHUNKS[c])
        pltpu.async_copy(ue_h.at[uidx_all.at[isl]], uev.at[b, dsl], sems[b])
        pltpu.async_copy(ie_h.at[iidx_all.at[isl]], iev.at[b, dsl], sems[b])

    def drain(c, b):
        isl = pl.ds(OFFS[c], CHUNKS[c])
        dsl = pl.ds(0, CHUNKS[c])
        pltpu.make_async_copy(ue_h.at[uidx_all.at[isl]], uev.at[b, dsl],
                              sems[b]).wait()
        pltpu.make_async_copy(ie_h.at[iidx_all.at[isl]], iev.at[b, dsl],
                              sems[b]).wait()

    issue(0, 0)
    issue(1, 1)

    bias_cps = []
    for q in range(BPW // 128):
        sl = pl.ds(q * 128, 128)
        bias_cps.append(pltpu.async_copy(ub_h.at[uidx_all.at[sl]],
                                         ubv.at[sl], semb))
        bias_cps.append(pltpu.async_copy(ib_h.at[iidx_all.at[sl]],
                                         ibv.at[sl], semb))

    for c in range(len(CHUNKS)):
        b = c % NBUF
        drain(c, b)

        def group_body(g, carry2, b=b, c=c):
            def sub_body(rr, out16):
                for q in range(RUNROLL):
                    r = rr * RUNROLL + q
                    row = g * L + r
                    pacc = (uev[b, row, pl.ds(0, L)] *
                            iev[b, row, pl.ds(0, L)])
                    for j in range(1, D // L):
                        pacc = pacc + (uev[b, row, pl.ds(j * L, L)] *
                                       iev[b, row, pl.ds(j * L, L)])
                    s = jnp.sum(pacc)
                    out16 = jnp.where(lane == r, s, out16)
                return out16

            out16 = lax.fori_loop(0, L // RUNROLL, sub_body,
                                  jnp.zeros((L,), jnp.float32))
            outv[pl.ds(OFFS[c] + g * L, L)] = out16
            return carry2

        lax.fori_loop(0, CHUNKS[c] // L, group_body, 0)

        if c + NBUF < len(CHUNKS):
            issue(c + NBUF, b)

    for cp in bias_cps:
        cp.wait()
    gb = gbs[...]

    def bias_body(g, carry):
        sl = pl.ds(g * L, L)
        outv[sl] = outv[sl] + ubv[sl] + ibv[sl] + gb
        return carry

    lax.fori_loop(0, BPW // L, bias_body, 0)

    pltpu.sync_copy(outv.at[pl.ds(0, BPW)], out_h.at[pl.ds(base, BPW)])


@functools.partial(jax.jit, static_argnames=())
def kernel(user_ids, item_ids, user_emb, item_emb, user_bias, item_bias,
           global_bias):
    gb1 = jnp.broadcast_to(global_bias.astype(jnp.float32), (L,))
    mesh = plsc.VectorSubcoreMesh(core_axis_name="c", subcore_axis_name="s",
                                  num_cores=NC, num_subcores=NS)
    run = pl.kernel(
        _body,
        out_type=jax.ShapeDtypeStruct((B,), jnp.float32),
        mesh=mesh,
        compiler_params=pltpu.CompilerParams(needs_layout_passes=False),
        scratch_types=[
            pltpu.VMEM((BPW,), jnp.int32),
            pltpu.VMEM((BPW,), jnp.int32),
            pltpu.VMEM((NBUF, CH, D), jnp.float32),
            pltpu.VMEM((NBUF, CH, D), jnp.float32),
            pltpu.VMEM((BPW,), jnp.float32),
            pltpu.VMEM((BPW,), jnp.float32),
            pltpu.VMEM((L,), jnp.float32),
            pltpu.VMEM((BPW + L,), jnp.float32),
            pltpu.SemaphoreType.DMA,
            pltpu.SemaphoreType.DMA,
            pltpu.SemaphoreType.DMA,
        ],
    )
    return run(user_ids.astype(jnp.int32), item_ids.astype(jnp.int32),
               user_emb, item_emb, user_bias, item_bias, gb1)

# --- scband reference (transcript-rebuilt; emitter-appended) ---
"""Pipeline reference for scband-trust-svd-72945724555839 (READ-ONLY COPY).

The authoritative reference and input builder live on the scoring server;
editing this copy changes nothing except your own understanding.
"""

import jax, jax.numpy as jnp
import numpy as np

N_USER = 100000
N_ITEM = 100000
N_FACTOR = 128
BATCH = 16384

def setup_inputs(seed: int = 0) -> dict:
    key = jax.random.key(seed)
    k1, k2, k3, k4 = jax.random.split(key, 4)
    user_ids = jax.random.randint(k1, (BATCH,), 0, N_USER, dtype=jnp.int64 if jax.config.jax_enable_x64 else jnp.int32)
    item_ids = jax.random.randint(k2, (BATCH,), 0, N_ITEM, dtype=jnp.int64 if jax.config.jax_enable_x64 else jnp.int32)
    user_emb = jax.random.normal(k3, (N_USER, N_FACTOR), dtype=jnp.float32) * 0.01
    item_emb = jax.random.normal(k4, (N_ITEM, N_FACTOR), dtype=jnp.float32) * 0.01
    user_bias = jnp.zeros((N_USER,), dtype=jnp.float32)
    item_bias = jnp.zeros((N_ITEM,), dtype=jnp.float32)
    global_bias = jnp.array(0.0, dtype=jnp.float32)
    return {
        "user_ids": user_ids,
        "item_ids": item_ids,
        "user_emb": user_emb,
        "item_emb": item_emb,
        "user_bias": user_bias,
        "item_bias": item_bias,
        "global_bias": global_bias,
    }

def reference(user_ids, item_ids, user_emb, item_emb, user_bias, item_bias, global_bias):
    ue = jnp.take(user_emb, user_ids, axis=0)
    ie = jnp.take(item_emb, item_ids, axis=0)
    ub = jnp.take(user_bias, user_ids, axis=0)
    ib = jnp.take(item_bias, item_ids, axis=0)
    pred = global_bias + ub + ib + (ue * ie).sum(axis=1)
    return pred

if __name__ == "__main__":
    import jax
    _d = setup_inputs()
    print(jax.jit(kernel)(*tuple(_d.values())))

</pallas_src>

<mosaic_0001>
#map = affine_map<(d0, d1) -> (0)>
#map1 = affine_map<(d0, d1) -> (0, 0)>
module attributes {stable_mosaic.version = 14 : i64} {
  func.func @_body(%arg0: i32, %arg1: i32, %arg2: memref<16384xi32, #tpu.memory_space<hbm>>, %arg3: memref<16384xi32, #tpu.memory_space<hbm>>, %arg4: memref<100000x128xf32, #tpu.memory_space<hbm>>, %arg5: memref<100000x128xf32, #tpu.memory_space<hbm>>, %arg6: memref<100000xf32, #tpu.memory_space<hbm>>, %arg7: memref<100000xf32, #tpu.memory_space<hbm>>, %arg8: memref<16xf32, #tpu.memory_space<hbm>>, %arg9: memref<16384xf32, #tpu.memory_space<hbm>>, %arg10: memref<512xi32, #tpu.memory_space<vmem>>, %arg11: memref<512xi32, #tpu.memory_space<vmem>>, %arg12: memref<2x128x128xf32, #tpu.memory_space<vmem>>, %arg13: memref<2x128x128xf32, #tpu.memory_space<vmem>>, %arg14: memref<512xf32, #tpu.memory_space<vmem>>, %arg15: memref<512xf32, #tpu.memory_space<vmem>>, %arg16: memref<16xf32, #tpu.memory_space<vmem>>, %arg17: memref<528xf32, #tpu.memory_space<vmem>>, %arg18: memref<!tpu.dma_semaphore, #tpu.memory_space<semaphore_mem>>, %arg19: memref<!tpu.dma_semaphore, #tpu.memory_space<semaphore_mem>>, %arg20: memref<!tpu.dma_semaphore, #tpu.memory_space<semaphore_mem>>) attributes {dimension_semantics = [#tpu.dimension_semantics<core_parallel>, #tpu.dimension_semantics<subcore_parallel>], iteration_bounds = array<i64: 2, 16>, scalar_prefetch = 0 : i64, scratch_operands = 11 : i64, tpu.core_type = #tpu.core_type<sc_vector_subcore>, window_params = [{transform_indices = #map}, {transform_indices = #map}, {transform_indices = #map1}, {transform_indices = #map1}, {transform_indices = #map}, {transform_indices = #map}, {transform_indices = #map}, {transform_indices = #map}]} {
    %mul3A = arith.constant 2 : i32
    %mul3A_0 = arith.muli %arg1, %mul3A : i32
    %add3A = arith.addi %mul3A_0, %arg0 : i32
    %mul3A_1 = arith.constant 512 : i32
    %mul3A_2 = arith.muli %add3A, %mul3A_1 : i32
    %iota3A = tpu.iota {dimensions = array<i32: 0>} : vector<16xi32>
    "tpu.region"() ({
      %run_scoped3A = tpu.sem_alloc : memref<!tpu.dma_semaphore, #tpu.memory_space<semaphore_mem>>
      tpu.enqueue_dma source(%arg8 : memref<16xf32, #tpu.memory_space<hbm>>) target(%arg16 : memref<16xf32, #tpu.memory_space<vmem>>) target_semaphore(%run_scoped3A : memref<!tpu.dma_semaphore, #tpu.memory_space<semaphore_mem>>)
      tpu.wait_dma2 semaphore(%run_scoped3A : memref<!tpu.dma_semaphore, #tpu.memory_space<semaphore_mem>>) src(%arg8 : memref<16xf32, #tpu.memory_space<hbm>>) dst(%arg16 : memref<16xf32, #tpu.memory_space<vmem>>)
      tpu.yield
    }) : () -> ()
    "tpu.region"() ({
      %run_scoped3A = tpu.sem_alloc : memref<!tpu.dma_semaphore, #tpu.memory_space<semaphore_mem>>
      %dma_start3A_333 = tpu.memref_slice %arg2[%mul3A_2] : memref<16384xi32, #tpu.memory_space<hbm>> -> memref<512xi32, #tpu.memory_space<hbm>>
      %dma_start3A_334 = tpu.memref_slice %arg2[%mul3A_2] : memref<16384xi32, #tpu.memory_space<hbm>> -> memref<512xi32, #tpu.memory_space<hbm>>
      tpu.enqueue_dma source(%dma_start3A_334 : memref<512xi32, #tpu.memory_space<hbm>>) target(%arg10 : memref<512xi32, #tpu.memory_space<vmem>>) target_semaphore(%run_scoped3A : memref<!tpu.dma_semaphore, #tpu.memory_space<semaphore_mem>>)
      %dma_wait3A_335 = tpu.memref_slice %arg2[%mul3A_2] : memref<16384xi32, #tpu.memory_space<hbm>> -> memref<512xi32, #tpu.memory_space<hbm>>
      %dma_wait3A_336 = tpu.memref_slice %arg2[%mul3A_2] : memref<16384xi32, #tpu.memory_space<hbm>> -> memref<512xi32, #tpu.memory_space<hbm>>
      tpu.wait_dma2 semaphore(%run_scoped3A : memref<!tpu.dma_semaphore, #tpu.memory_space<semaphore_mem>>) src(%dma_wait3A_336 : memref<512xi32, #tpu.memory_space<hbm>>) dst(%arg10 : memref<512xi32, #tpu.memory_space<vmem>>)
      tpu.yield
    }) : () -> ()
    "tpu.region"() ({
      %run_scoped3A = tpu.sem_alloc : memref<!tpu.dma_semaphore, #tpu.memory_space<semaphore_mem>>
      %dma_start3A_333 = tpu.memref_slice %arg3[%mul3A_2] : memref<16384xi32, #tpu.memory_space<hbm>> -> memref<512xi32, #tpu.memory_space<hbm>>
      %dma_start3A_334 = tpu.memref_slice %arg3[%mul3A_2] : memref<16384xi32, #tpu.memory_space<hbm>> -> memref<512xi32, #tpu.memory_space<hbm>>
      tpu.enqueue_dma source(%dma_start3A_334 : memref<512xi32, #tpu.memory_space<hbm>>) target(%arg11 : memref<512xi32, #tpu.memory_space<vmem>>) target_semaphore(%run_scoped3A : memref<!tpu.dma_semaphore, #tpu.memory_space<semaphore_mem>>)
      %dma_wait3A_335 = tpu.memref_slice %arg3[%mul3A_2] : memref<16384xi32, #tpu.memory_space<hbm>> -> memref<512xi32, #tpu.memory_space<hbm>>
      %dma_wait3A_336 = tpu.memref_slice %arg3[%mul3A_2] : memref<16384xi32, #tpu.memory_space<hbm>> -> memref<512xi32, #tpu.memory_space<hbm>>
      tpu.wait_dma2 semaphore(%run_scoped3A : memref<!tpu.dma_semaphore, #tpu.memory_space<semaphore_mem>>) src(%dma_wait3A_336 : memref<512xi32, #tpu.memory_space<hbm>>) dst(%arg11 : memref<512xi32, #tpu.memory_space<vmem>>)
      tpu.yield
    }) : () -> ()
    %dma_start3A = arith.constant 0 : i32
    %dma_start3A_3 = arith.constant 0 : i32
    %dma_start3A_4 = arith.constant 0 : i32
    %dma_start3A_5 = tpu.memref_slice %arg12[%dma_start3A, %dma_start3A_3, %dma_start3A_4] : memref<2x128x128xf32, #tpu.memory_space<vmem>> -> memref<1x64x128xf32, #tpu.memory_space<vmem>>
    %dma_start3A_6 = tpu.memref_squeeze %dma_start3A_5 : memref<1x64x128xf32, #tpu.memory_space<vmem>> -> memref<64x128xf32, #tpu.memory_space<vmem>>
    %dma_start3A_7 = arith.constant 0 : i32
    %dma_start3A_8 = tpu.memref_slice %arg10[%dma_start3A_7] : memref<512xi32, #tpu.memory_space<vmem>> -> memref<64xi32, #tpu.memory_space<vmem>>
    %dma_start3A_9 = arith.constant 0 : i32
    %dma_start3A_10 = arith.constant 0 : i32
    %dma_start3A_11 = tpu.memref_slice %arg4[%dma_start3A_9, %dma_start3A_10] : memref<100000x128xf32, #tpu.memory_space<hbm>> -> memref<100000x128xf32, #tpu.memory_space<hbm>>
    tpu.enqueue_indirect_dma source(%dma_start3A_11 : memref<100000x128xf32, #tpu.memory_space<hbm>>) target(%dma_start3A_6 : memref<64x128xf32, #tpu.memory_space<vmem>>) offsets(%dma_start3A_8 : memref<64xi32, #tpu.memory_space<vmem>>) semaphore(%arg18 : memref<!tpu.dma_semaphore, #tpu.memory_space<semaphore_mem>>)
    %dma_start3A_12 = arith.constant 0 : i32
    %dma_start3A_13 = arith.constant 0 : i32
    %dma_start3A_14 = arith.constant 0 : i32
    %dma_start3A_15 = tpu.memref_slice %arg13[%dma_start3A_12, %dma_start3A_13, %dma_start3A_14] : memref<2x128x128xf32, #tpu.memory_space<vmem>> -> memref<1x64x128xf32, #tpu.memory_space<vmem>>
    %dma_start3A_16 = tpu.memref_squeeze %dma_start3A_15 : memref<1x64x128xf32, #tpu.memory_space<vmem>> -> memref<64x128xf32, #tpu.memory_space<vmem>>
    %dma_start3A_17 = arith.constant 0 : i32
    %dma_start3A_18 = tpu.memref_slice %arg11[%dma_start3A_17] : memref<512xi32, #tpu.memory_space<vmem>> -> memref<64xi32, #tpu.memory_space<vmem>>
    %dma_start3A_19 = arith.constant 0 : i32
    %dma_start3A_20 = arith.constant 0 : i32
    %dma_start3A_21 = tpu.memref_slice %arg5[%dma_start3A_19, %dma_start3A_20] : memref<100000x128xf32, #tpu.memory_space<hbm>> -> memref<100000x128xf32, #tpu.memory_space<hbm>>
    tpu.enqueue_indirect_dma source(%dma_start3A_21 : memref<100000x128xf32, #tpu.memory_space<hbm>>) target(%dma_start3A_16 : memref<64x128xf32, #tpu.memory_space<vmem>>) offsets(%dma_start3A_18 : memref<64xi32, #tpu.memory_space<vmem>>) semaphore(%arg18 : memref<!tpu.dma_semaphore, #tpu.memory_space<semaphore_mem>>)
    %dma_start3A_22 = arith.constant 1 : i32
    %dma_start3A_23 = arith.constant 0 : i32
    %dma_start3A_24 = arith.constant 0 : i32
    %dma_start3A_25 = tpu.memref_slice %arg12[%dma_start3A_22, %dma_start3A_23, %dma_start3A_24] : memref<2x128x128xf32, #tpu.memory_space<vmem>> -> memref<1x128x128xf32, #tpu.memory_space<vmem>>
    %dma_start3A_26 = tpu.memref_squeeze %dma_start3A_25 : memref<1x128x128xf32, #tpu.memory_space<vmem>> -> memref<128x128xf32, #tpu.memory_space<vmem>>
    %dma_start3A_27 = arith.constant 64 : i32
    %dma_start3A_28 = tpu.memref_slice %arg10[%dma_start3A_27] : memref<512xi32, #tpu.memory_space<vmem>> -> memref<128xi32, #tpu.memory_space<vmem>>
    %dma_start3A_29 = arith.constant 0 : i32
    %dma_start3A_30 = arith.constant 0 : i32
    %dma_start3A_31 = tpu.memref_slice %arg4[%dma_start3A_29, %dma_start3A_30] : memref<100000x128xf32, #tpu.memory_space<hbm>> -> memref<100000x128xf32, #tpu.memory_space<hbm>>
    tpu.enqueue_indirect_dma source(%dma_start3A_31 : memref<100000x128xf32, #tpu.memory_space<hbm>>) target(%dma_start3A_26 : memref<128x128xf32, #tpu.memory_space<vmem>>) offsets(%dma_start3A_28 : memref<128xi32, #tpu.memory_space<vmem>>) semaphore(%arg19 : memref<!tpu.dma_semaphore, #tpu.memory_space<semaphore_mem>>)
    %dma_start3A_32 = arith.constant 1 : i32
    %dma_start3A_33 = arith.constant 0 : i32
    %dma_start3A_34 = arith.constant 0 : i32
    %dma_start3A_35 = tpu.memref_slice %arg13[%dma_start3A_32, %dma_start3A_33, %dma_start3A_34] : memref<2x128x128xf32, #tpu.memory_space<vmem>> -> memref<1x128x128xf32, #tpu.memory_space<vmem>>
    %dma_start3A_36 = tpu.memref_squeeze %dma_start3A_35 : memref<1x128x128xf32, #tpu.memory_space<vmem>> -> memref<128x128xf32, #tpu.memory_space<vmem>>
    %dma_start3A_37 = arith.constant 64 : i32
    %dma_start3A_38 = tpu.memref_slice %arg11[%dma_start3A_37] : memref<512xi32, #tpu.memory_space<vmem>> -> memref<128xi32, #tpu.memory_space<vmem>>
    %dma_start3A_39 = arith.constant 0 : i32
    %dma_start3A_40 = arith.constant 0 : i32
    %dma_start3A_41 = tpu.memref_slice %arg5[%dma_start3A_39, %dma_start3A_40] : memref<100000x128xf32, #tpu.memory_space<hbm>> -> memref<100000x128xf32, #tpu.memory_space<hbm>>
    tpu.enqueue_indirect_dma source(%dma_start3A_41 : memref<100000x128xf32, #tpu.memory_space<hbm>>) target(%dma_start3A_36 : memref<128x128xf32, #tpu.memory_space<vmem>>) offsets(%dma_start3A_38 : memref<128xi32, #tpu.memory_space<vmem>>) semaphore(%arg19 : memref<!tpu.dma_semaphore, #tpu.memory_space<semaphore_mem>>)
    %dma_start3A_42 = arith.constant 0 : i32
    %dma_start3A_43 = tpu.memref_slice %arg14[%dma_start3A_42] : memref<512xf32, #tpu.memory_space<vmem>> -> memref<128xf32, #tpu.memory_space<vmem>>
    %dma_start3A_44 = arith.constant 0 : i32
    %dma_start3A_45 = tpu.memref_slice %arg10[%dma_start3A_44] : memref<512xi32, #tpu.memory_space<vmem>> -> memref<128xi32, #tpu.memory_space<vmem>>
    %dma_start3A_46 = arith.constant 0 : i32
    %dma_start3A_47 = tpu.memref_slice %arg6[%dma_start3A_46] : memref<100000xf32, #tpu.memory_space<hbm>> -> memref<100000xf32, #tpu.memory_space<hbm>>
    tpu.enqueue_indirect_dma source(%dma_start3A_47 : memref<100000xf32, #tpu.memory_space<hbm>>) target(%dma_start3A_43 : memref<128xf32, #tpu.memory_space<vmem>>) offsets(%dma_start3A_45 : memref<128xi32, #tpu.memory_space<vmem>>) semaphore(%arg20 : memref<!tpu.dma_semaphore, #tpu.memory_space<semaphore_mem>>)
    %dma_start3A_48 = arith.constant 0 : i32
    %dma_start3A_49 = tpu.memref_slice %arg15[%dma_start3A_48] : memref<512xf32, #tpu.memory_space<vmem>> -> memref<128xf32, #tpu.memory_space<vmem>>
    %dma_start3A_50 = arith.constant 0 : i32
    %dma_start3A_51 = tpu.memref_slice %arg11[%dma_start3A_50] : memref<512xi32, #tpu.memory_space<vmem>> -> memref<128xi32, #tpu.memory_space<vmem>>
    %dma_start3A_52 = arith.constant 0 : i32
    %dma_start3A_53 = tpu.memref_slice %arg7[%dma_start3A_52] : memref<100000xf32, #tpu.memory_space<hbm>> -> memref<100000xf32, #tpu.memory_space<hbm>>
    tpu.enqueue_indirect_dma source(%dma_start3A_53 : memref<100000xf32, #tpu.memory_space<hbm>>) target(%dma_start3A_49 : memref<128xf32, #tpu.memory_space<vmem>>) offsets(%dma_start3A_51 : memref<128xi32, #tpu.memory_space<vmem>>) semaphore(%arg20 : memref<!tpu.dma_semaphore, #tpu.memory_space<semaphore_mem>>)
    %dma_start3A_54 = arith.constant 128 : i32
    %dma_start3A_55 = tpu.memref_slice %arg14[%dma_start3A_54] : memref<512xf32, #tpu.memory_space<vmem>> -> memref<128xf32, #tpu.memory_space<vmem>>
    %dma_start3A_56 = arith.constant 128 : i32
    %dma_start3A_57 = tpu.memref_slice %arg10[%dma_start3A_56] : memref<512xi32, #tpu.memory_space<vmem>> -> memref<128xi32, #tpu.memory_space<vmem>>
    %dma_start3A_58 = arith.constant 0 : i32
    %dma_start3A_59 = tpu.memref_slice %arg6[%dma_start3A_58] : memref<100000xf32, #tpu.memory_space<hbm>> -> memref<100000xf32, #tpu.memory_space<hbm>>
    tpu.enqueue_indirect_dma source(%dma_start3A_59 : memref<100000xf32, #tpu.memory_space<hbm>>) target(%dma_start3A_55 : memref<128xf32, #tpu.memory_space<vmem>>) offsets(%dma_start3A_57 : memref<128xi32, #tpu.memory_space<vmem>>) semaphore(%arg20 : memref<!tpu.dma_semaphore, #tpu.memory_space<semaphore_mem>>)
    %dma_start3A_60 = arith.constant 128 : i32
    %dma_start3A_61 = tpu.memref_slice %arg15[%dma_start3A_60] : memref<512xf32, #tpu.memory_space<vmem>> -> memref<128xf32, #tpu.memory_space<vmem>>
    %dma_start3A_62 = arith.constant 128 : i32
    %dma_start3A_63 = tpu.memref_slice %arg11[%dma_start3A_62] : memref<512xi32, #tpu.memory_space<vmem>> -> memref<128xi32, #tpu.memory_space<vmem>>
    %dma_start3A_64 = arith.constant 0 : i32
    %dma_start3A_65 = tpu.memref_slice %arg7[%dma_start3A_64] : memref<100000xf32, #tpu.memory_space<hbm>> -> memref<100000xf32, #tpu.memory_space<hbm>>
    tpu.enqueue_indirect_dma source(%dma_start3A_65 : memref<100000xf32, #tpu.memory_space<hbm>>) target(%dma_start3A_61 : memref<128xf32, #tpu.memory_space<vmem>>) offsets(%dma_start3A_63 : memref<128xi32, #tpu.memory_space<vmem>>) semaphore(%arg20 : memref<!tpu.dma_semaphore, #tpu.memory_space<semaphore_mem>>)
    %dma_start3A_66 = arith.constant 256 : i32
    %dma_start3A_67 = tpu.memref_slice %arg14[%dma_start3A_66] : memref<512xf32, #tpu.memory_space<vmem>> -> memref<128xf32, #tpu.memory_space<vmem>>
    %dma_start3A_68 = arith.constant 256 : i32
    %dma_start3A_69 = tpu.memref_slice %arg10[%dma_start3A_68] : memref<512xi32, #tpu.memory_space<vmem>> -> memref<128xi32, #tpu.memory_space<vmem>>
    %dma_start3A_70 = arith.constant 0 : i32
    %dma_start3A_71 = tpu.memref_slice %arg6[%dma_start3A_70] : memref<100000xf32, #tpu.memory_space<hbm>> -> memref<100000xf32, #tpu.memory_space<hbm>>
    tpu.enqueue_indirect_dma source(%dma_start3A_71 : memref<100000xf32, #tpu.memory_space<hbm>>) target(%dma_start3A_67 : memref<128xf32, #tpu.memory_space<vmem>>) offsets(%dma_start3A_69 : memref<128xi32, #tpu.memory_space<vmem>>) semaphore(%arg20 : memref<!tpu.dma_semaphore, #tpu.memory_space<semaphore_mem>>)
    %dma_start3A_72 = arith.constant 256 : i32
    %dma_start3A_73 = tpu.memref_slice %arg15[%dma_start3A_72] : memref<512xf32, #tpu.memory_space<vmem>> -> memref<128xf32, #tpu.memory_space<vmem>>
    %dma_start3A_74 = arith.constant 256 : i32
    %dma_start3A_75 = tpu.memref_slice %arg11[%dma_start3A_74] : memref<512xi32, #tpu.memory_space<vmem>> -> memref<128xi32, #tpu.memory_space<vmem>>
    %dma_start3A_76 = arith.constant 0 : i32
    %dma_start3A_77 = tpu.memref_slice %arg7[%dma_start3A_76] : memref<100000xf32, #tpu.memory_space<hbm>> -> memref<100000xf32, #tpu.memory_space<hbm>>
    tpu.enqueue_indirect_dma source(%dma_start3A_77 : memref<100000xf32, #tpu.memory_space<hbm>>) target(%dma_start3A_73 : memref<128xf32, #tpu.memory_space<vmem>>) offsets(%dma_start3A_75 : memref<128xi32, #tpu.memory_space<vmem>>) semaphore(%arg20 : memref<!tpu.dma_semaphore, #tpu.memory_space<semaphore_mem>>)
    %dma_start3A_78 = arith.constant 384 : i32
    %dma_start3A_79 = tpu.memref_slice %arg14[%dma_start3A_78] : memref<512xf32, #tpu.memory_space<vmem>> -> memref<128xf32, #tpu.memory_space<vmem>>
    %dma_start3A_80 = arith.constant 384 : i32
    %dma_start3A_81 = tpu.memref_slice %arg10[%dma_start3A_80] : memref<512xi32, #tpu.memory_space<vmem>> -> memref<128xi32, #tpu.memory_space<vmem>>
    %dma_start3A_82 = arith.constant 0 : i32
    %dma_start3A_83 = tpu.memref_slice %arg6[%dma_start3A_82] : memref<100000xf32, #tpu.memory_space<hbm>> -> memref<100000xf32, #tpu.memory_space<hbm>>
    tpu.enqueue_indirect_dma source(%dma_start3A_83 : memref<100000xf32, #tpu.memory_space<hbm>>) target(%dma_start3A_79 : memref<128xf32, #tpu.memory_space<vmem>>) offsets(%dma_start3A_81 : memref<128xi32, #tpu.memory_space<vmem>>) semaphore(%arg20 : memref<!tpu.dma_semaphore, #tpu.memory_space<semaphore_mem>>)
    %dma_start3A_84 = arith.constant 384 : i32
    %dma_start3A_85 = tpu.memref_slice %arg15[%dma_start3A_84] : memref<512xf32, #tpu.memory_space<vmem>> -> memref<128xf32, #tpu.memory_space<vmem>>
    %dma_start3A_86 = arith.constant 384 : i32
    %dma_start3A_87 = tpu.memref_slice %arg11[%dma_start3A_86] : memref<512xi32, #tpu.memory_space<vmem>> -> memref<128xi32, #tpu.memory_space<vmem>>
    %dma_start3A_88 = arith.constant 0 : i32
    %dma_start3A_89 = tpu.memref_slice %arg7[%dma_start3A_88] : memref<100000xf32, #tpu.memory_space<hbm>> -> memref<100000xf32, #tpu.memory_space<hbm>>
    tpu.enqueue_indirect_dma source(%dma_start3A_89 : memref<100000xf32, #tpu.memory_space<hbm>>) target(%dma_start3A_85 : memref<128xf32, #tpu.memory_space<vmem>>) offsets(%dma_start3A_87 : memref<128xi32, #tpu.memory_space<vmem>>) semaphore(%arg20 : memref<!tpu.dma_semaphore, #tpu.memory_space<semaphore_mem>>)
    %dma_wait3A = arith.constant 0 : i32
    %dma_wait3A_90 = arith.constant 0 : i32
    %dma_wait3A_91 = arith.constant 0 : i32
    %dma_wait3A_92 = tpu.memref_slice %arg12[%dma_wait3A, %dma_wait3A_90, %dma_wait3A_91] : memref<2x128x128xf32, #tpu.memory_space<vmem>> -> memref<1x64x128xf32, #tpu.memory_space<vmem>>
    %dma_wait3A_93 = tpu.memref_squeeze %dma_wait3A_92 : memref<1x64x128xf32, #tpu.memory_space<vmem>> -> memref<64x128xf32, #tpu.memory_space<vmem>>
    %dma_wait3A_94 = arith.constant 0 : i32
    %dma_wait3A_95 = tpu.memref_slice %arg10[%dma_wait3A_94] : memref<512xi32, #tpu.memory_space<vmem>> -> memref<64xi32, #tpu.memory_space<vmem>>
    %dma_wait3A_96 = arith.constant 0 : i32
    %dma_wait3A_97 = arith.constant 0 : i32
    %dma_wait3A_98 = tpu.memref_slice %arg4[%dma_wait3A_96, %dma_wait3A_97] : memref<100000x128xf32, #tpu.memory_space<hbm>> -> memref<100000x128xf32, #tpu.memory_space<hbm>>
    tpu.wait_indirect_dma semaphore(%arg18 : memref<!tpu.dma_semaphore, #tpu.memory_space<semaphore_mem>>) src(%dma_wait3A_98 : memref<100000x128xf32, #tpu.memory_space<hbm>>) dst(%dma_wait3A_93 : memref<64x128xf32, #tpu.memory_space<vmem>>)
    %dma_wait3A_99 = arith.constant 0 : i32
    %dma_wait3A_100 = arith.constant 0 : i32
    %dma_wait3A_101 = arith.constant 0 : i32
    %dma_wait3A_102 = tpu.memref_slice %arg13[%dma_wait3A_99, %dma_wait3A_100, %dma_wait3A_101] : memref<2x128x128xf32, #tpu.memory_space<vmem>> -> memref<1x64x128xf32, #tpu.memory_space<vmem>>
    %dma_wait3A_103 = tpu.memref_squeeze %dma_wait3A_102 : memref<1x64x128xf32, #tpu.memory_space<vmem>> -> memref<64x128xf32, #tpu.memory_space<vmem>>
    %dma_wait3A_104 = arith.constant 0 : i32
    %dma_wait3A_105 = tpu.memref_slice %arg11[%dma_wait3A_104] : memref<512xi32, #tpu.memory_space<vmem>> -> memref<64xi32, #tpu.memory_space<vmem>>
    %dma_wait3A_106 = arith.constant 0 : i32
    %dma_wait3A_107 = arith.constant 0 : i32
    %dma_wait3A_108 = tpu.memref_slice %arg5[%dma_wait3A_106, %dma_wait3A_107] : memref<100000x128xf32, #tpu.memory_space<hbm>> -> memref<100000x128xf32, #tpu.memory_space<hbm>>
    tpu.wait_indirect_dma semaphore(%arg18 : memref<!tpu.dma_semaphore, #tpu.memory_space<semaphore_mem>>) src(%dma_wait3A_108 : memref<100000x128xf32, #tpu.memory_space<hbm>>) dst(%dma_wait3A_103 : memref<64x128xf32, #tpu.memory_space<vmem>>)
    %scan3A = arith.constant 0 : i32
    %scan3A_109 = arith.constant 0 : i32
    %scan3A_110 = arith.constant 4 : i32
    %scan3A_111 = arith.addi %scan3A_109, %scan3A_110 : i32
    %scan3A_112 = arith.constant 1 : i32
    scf.for %scan3A_333 = %scan3A_109 to %scan3A_111 step %scan3A_112  : i32 {
      %broadcast_in_dim3A = arith.constant 0.000000e+00 : f32
      %broadcast_in_dim3A_334 = vector.broadcast %broadcast_in_dim3A : f32 to vector<16xf32>
      %scan3A_335 = arith.constant 0 : i32
      %scan3A_336 = arith.constant 4 : i32
      %scan3A_337 = arith.addi %scan3A_335, %scan3A_336 : i32
      %scan3A_338 = arith.constant 1 : i32
      %scan3A_339 = scf.for %scan3A_346 = %scan3A_335 to %scan3A_337 step %scan3A_338 iter_args(%scan3A_347 = %broadcast_in_dim3A_334) -> (vector<16xf32>)  : i32 {
        %mul3A_348 = arith.constant 4 : i32
        %mul3A_349 = arith.muli %scan3A_346, %mul3A_348 : i32
        %add3A_350 = arith.constant 0 : i32
        %add3A_351 = arith.addi %mul3A_349, %add3A_350 : i32
        %mul3A_352 = arith.constant 16 : i32
        %mul3A_353 = arith.muli %scan3A_333, %mul3A_352 : i32
        %add3A_354 = arith.addi %mul3A_353, %add3A_351 : i32
        %get3A_355 = arith.constant 0 : i32
        %get3A_356 = arith.index_cast %get3A_355 : i32 to index
        %get3A_357 = arith.index_cast %add3A_354 : i32 to index
        %get3A_358 = arith.constant 0 : index
        %get3A_359 = tpu.vector_load %arg12[%get3A_356, %get3A_357, %get3A_358] {strides = array<i32>} : memref<2x128x128xf32, #tpu.memory_space<vmem>>, vector<16xf32>,
        %get3A_360 = arith.constant 0 : i32
        %get3A_361 = arith.index_cast %get3A_360 : i32 to index
        %get3A_362 = arith.index_cast %add3A_354 : i32 to index
        %get3A_363 = arith.constant 0 : index
        %get3A_364 = tpu.vector_load %arg13[%get3A_361, %get3A_362, %get3A_363] {strides = array<i32>} : memref<2x128x128xf32, #tpu.memory_space<vmem>>, vector<16xf32>,
        %mul3A_365 = arith.mulf %get3A_359, %get3A_364 : vector<16xf32>
        %get3A_366 = arith.constant 0 : i32
        %get3A_367 = arith.index_cast %get3A_366 : i32 to index
        %get3A_368 = arith.index_cast %add3A_354 : i32 to index
        %get3A_369 = arith.constant 16 : index
        %get3A_370 = tpu.vector_load %arg12[%get3A_367, %get3A_368, %get3A_369] {strides = array<i32>} : memref<2x128x128xf32, #tpu.memory_space<vmem>>, vector<16xf32>,
        %get3A_371 = arith.constant 0 : i32
        %get3A_372 = arith.index_cast %get3A_371 : i32 to index
        %get3A_373 = arith.index_cast %add3A_354 : i32 to index
        %get3A_374 = arith.constant 16 : index
        %get3A_375 = tpu.vector_load %arg13[%get3A_372, %get3A_373, %get3A_374] {strides = array<i32>} : memref<2x128x128xf32, #tpu.memory_space<vmem>>, vector<16xf32>,
        %mul3A_376 = arith.mulf %get3A_370, %get3A_375 : vector<16xf32>
        %add3A_377 = arith.addf %mul3A_365, %mul3A_376 : vector<16xf32>
        %get3A_378 = arith.constant 0 : i32
        %get3A_379 = arith.index_cast %get3A_378 : i32 to index
        %get3A_380 = arith.index_cast %add3A_354 : i32 to index
        %get3A_381 = arith.constant 32 : index
        %get3A_382 = tpu.vector_load %arg12[%get3A_379, %get3A_380, %get3A_381] {strides = array<i32>} : memref<2x128x128xf32, #tpu.memory_space<vmem>>, vector<16xf32>,
        %get3A_383 = arith.constant 0 : i32
        %get3A_384 = arith.index_cast %get3A_383 : i32 to index
        %get3A_385 = arith.index_cast %add3A_354 : i32 to index
        %get3A_386 = arith.constant 32 : index
        %get3A_387 = tpu.vector_load %arg13[%get3A_384, %get3A_385, %get3A_386] {strides = array<i32>} : memref<2x128x128xf32, #tpu.memory_space<vmem>>, vector<16xf32>,
        %mul3A_388 = arith.mulf %get3A_382, %get3A_387 : vector<16xf32>
        %add3A_389 = arith.addf %add3A_377, %mul3A_388 : vector<16xf32>
        %get3A_390 = arith.constant 0 : i32
        %get3A_391 = arith.index_cast %get3A_390 : i32 to index
        %get3A_392 = arith.index_cast %add3A_354 : i32 to index
        %get3A_393 = arith.constant 48 : index
        %get3A_394 = tpu.vector_load %arg12[%get3A_391, %get3A_392, %get3A_393] {strides = array<i32>} : memref<2x128x128xf32, #tpu.memory_space<vmem>>, vector<16xf32>,
        %get3A_395 = arith.constant 0 : i32
        %get3A_396 = arith.index_cast %get3A_395 : i32 to index
        %get3A_397 = arith.index_cast %add3A_354 : i32 to index
        %get3A_398 = arith.constant 48 : index
        %get3A_399 = tpu.vector_load %arg13[%get3A_396, %get3A_397, %get3A_398] {strides = array<i32>} : memref<2x128x128xf32, #tpu.memory_space<vmem>>, vector<16xf32>,
        %mul3A_400 = arith.mulf %get3A_394, %get3A_399 : vector<16xf32>
        %add3A_401 = arith.addf %add3A_389, %mul3A_400 : vector<16xf32>
        %get3A_402 = arith.constant 0 : i32
        %get3A_403 = arith.index_cast %get3A_402 : i32 to index
        %get3A_404 = arith.index_cast %add3A_354 : i32 to index
        %get3A_405 = arith.constant 64 : index
        %get3A_406 = tpu.vector_load %arg12[%get3A_403, %get3A_404, %get3A_405] {strides = array<i32>} : memref<2x128x128xf32, #tpu.memory_space<vmem>>, vector<16xf32>,
        %get3A_407 = arith.constant 0 : i32
        %get3A_408 = arith.index_cast %get3A_407 : i32 to index
        %get3A_409 = arith.index_cast %add3A_354 : i32 to index
        %get3A_410 = arith.constant 64 : index
        %get3A_411 = tpu.vector_load %arg13[%get3A_408, %get3A_409, %get3A_410] {strides = array<i32>} : memref<2x128x128xf32, #tpu.memory_space<vmem>>, vector<16xf32>,
        %mul3A_412 = arith.mulf %get3A_406, %get3A_411 : vector<16xf32>
        %add3A_413 = arith.addf %add3A_401, %mul3A_412 : vector<16xf32>
        %get3A_414 = arith.constant 0 : i32
        %get3A_415 = arith.index_cast %get3A_414 : i32 to index
        %get3A_416 = arith.index_cast %add3A_354 : i32 to index
        %get3A_417 = arith.constant 80 : index
        %get3A_418 = tpu.vector_load %arg12[%get3A_415, %get3A_416, %get3A_417] {strides = array<i32>} : memref<2x128x128xf32, #tpu.memory_space<vmem>>, vector<16xf32>,
        %get3A_419 = arith.constant 0 : i32
        %get3A_420 = arith.index_cast %get3A_419 : i32 to index
        %get3A_421 = arith.index_cast %add3A_354 : i32 to index
        %get3A_422 = arith.constant 80 : index
        %get3A_423 = tpu.vector_load %arg13[%get3A_420, %get3A_421, %get3A_422] {strides = array<i32>} : memref<2x128x128xf32, #tpu.memory_space<vmem>>, vector<16xf32>,
        %mul3A_424 = arith.mulf %get3A_418, %get3A_423 : vector<16xf32>
        %add3A_425 = arith.addf %add3A_413, %mul3A_424 : vector<16xf32>
        %get3A_426 = arith.constant 0 : i32
        %get3A_427 = arith.index_cast %get3A_426 : i32 to index
        %get3A_428 = arith.index_cast %add3A_354 : i32 to index
        %get3A_429 = arith.constant 96 : index
        %get3A_430 = tpu.vector_load %arg12[%get3A_427, %get3A_428, %get3A_429] {strides = array<i32>} : memref<2x128x128xf32, #tpu.memory_space<vmem>>, vector<16xf32>,
        %get3A_431 = arith.constant 0 : i32
        %get3A_432 = arith.index_cast %get3A_431 : i32 to index
        %get3A_433 = arith.index_cast %add3A_354 : i32 to index
        %get3A_434 = arith.constant 96 : index
        %get3A_435 = tpu.vector_load %arg13[%get3A_432, %get3A_433, %get3A_434] {strides = array<i32>} : memref<2x128x128xf32, #tpu.memory_space<vmem>>, vector<16xf32>,
        %mul3A_436 = arith.mulf %get3A_430, %get3A_435 : vector<16xf32>
        %add3A_437 = arith.addf %add3A_425, %mul3A_436 : vector<16xf32>
        %get3A_438 = arith.constant 0 : i32
        %get3A_439 = arith.index_cast %get3A_438 : i32 to index
        %get3A_440 = arith.index_cast %add3A_354 : i32 to index
        %get3A_441 = arith.constant 112 : index
        %get3A_442 = tpu.vector_load %arg12[%get3A_439, %get3A_440, %get3A_441] {strides = array<i32>} : memref<2x128x128xf32, #tpu.memory_space<vmem>>, vector<16xf32>,
        %get3A_443 = arith.constant 0 : i32
        %get3A_444 = arith.index_cast %get3A_443 : i32 to index
        %get3A_445 = arith.index_cast %add3A_354 : i32 to index
        %get3A_446 = arith.constant 112 : index
        %get3A_447 = tpu.vector_load %arg13[%get3A_444, %get3A_445, %get3A_446] {strides = array<i32>} : memref<2x128x128xf32, #tpu.memory_space<vmem>>, vector<16xf32>,
        %mul3A_448 = arith.mulf %get3A_442, %get3A_447 : vector<16xf32>
        %add3A_449 = arith.addf %add3A_437, %mul3A_448 : vector<16xf32>
        %reduce_sum3A = arith.constant true
        %reduce_sum3A_450 = vector.broadcast %reduce_sum3A : i1 to vector<16xi1>
        %reduce_sum3A_451 = tpu.scan <sum>, %add3A_449 masked %reduce_sum3A_450 : vector<16xf32>, vector<16xi1> -> vector<16xf32>
        %reduce_sum3A_452 = vector.extract %reduce_sum3A_451[15] : f32 from vector<16xf32>
        %eq3A = vector.broadcast %add3A_351 : i32 to vector<16xi32>
        %eq3A_453 = arith.cmpi eq, %iota3A, %eq3A : vector<16xi32>
        %broadcast_in_dim3A_454 = vector.broadcast %reduce_sum3A_452 : f32 to vector<16xf32>
        %select_n3A = arith.select %eq3A_453, %broadcast_in_dim3A_454, %scan3A_347 : vector<16xi1>, vector<16xf32>
        %mul3A_455 = arith.constant 4 : i32
        %mul3A_456 = arith.muli %scan3A_346, %mul3A_455 : i32
        %add3A_457 = arith.constant 1 : i32
        %add3A_458 = arith.addi %mul3A_456, %add3A_457 : i32
        %mul3A_459 = arith.constant 16 : i32
        %mul3A_460 = arith.muli %scan3A_333, %mul3A_459 : i32
        %add3A_461 = arith.addi %mul3A_460, %add3A_458 : i32
        %get3A_462 = arith.constant 0 : i32
        %get3A_463 = arith.index_cast %get3A_462 : i32 to index
        %get3A_464 = arith.index_cast %add3A_461 : i32 to index
        %get3A_465 = arith.constant 0 : index
        %get3A_466 = tpu.vector_load %arg12[%get3A_463, %get3A_464, %get3A_465] {strides = array<i32>} : memref<2x128x128xf32, #tpu.memory_space<vmem>>, vector<16xf32>,
        %get3A_467 = arith.constant 0 : i32
        %get3A_468 = arith.index_cast %get3A_467 : i32 to index
        %get3A_469 = arith.index_cast %add3A_461 : i32 to index
        %get3A_470 = arith.constant 0 : index
        %get3A_471 = tpu.vector_load %arg13[%get3A_468, %get3A_469, %get3A_470] {strides = array<i32>} : memref<2x128x128xf32, #tpu.memory_space<vmem>>, vector<16xf32>,
        %mul3A_472 = arith.mulf %get3A_466, %get3A_471 : vector<16xf32>
        %get3A_473 = arith.constant 0 : i32
        %get3A_474 = arith.index_cast %get3A_473 : i32 to index
        %get3A_475 = arith.index_cast %add3A_461 : i32 to index
        %get3A_476 = arith.constant 16 : index
        %get3A_477 = tpu.vector_load %arg12[%get3A_474, %get3A_475, %get3A_476] {strides = array<i32>} : memref<2x128x128xf32, #tpu.memory_space<vmem>>, vector<16xf32>,
        %get3A_478 = arith.constant 0 : i32
        %get3A_479 = arith.index_cast %get3A_478 : i32 to index
        %get3A_480 = arith.index_cast %add3A_461 : i32 to index
        %get3A_481 = arith.constant 16 : index
        %get3A_482 = tpu.vector_load %arg13[%get3A_479, %get3A_480, %get3A_481] {strides = array<i32>} : memref<2x128x128xf32, #tpu.memory_space<vmem>>, vector<16xf32>,
        %mul3A_483 = arith.mulf %get3A_477, %get3A_482 : vector<16xf32>
        %add3A_484 = arith.addf %mul3A_472, %mul3A_483 : vector<16xf32>
        %get3A_485 = arith.constant 0 : i32
        %get3A_486 = arith.index_cast %get3A_485 : i32 to index
        %get3A_487 = arith.index_cast %add3A_461 : i32 to index
        %get3A_488 = arith.constant 32 : index
        %get3A_489 = tpu.vector_load %arg12[%get3A_486, %get3A_487, %get3A_488] {strides = array<i32>} : memref<2x128x128xf32, #tpu.memory_space<vmem>>, vector<16xf32>,
        %get3A_490 = arith.constant 0 : i32
        %get3A_491 = arith.index_cast %get3A_490 : i32 to index
        %get3A_492 = arith.index_cast %add3A_461 : i32 to index
        %get3A_493 = arith.constant 32 : index
        %get3A_494 = tpu.vector_load %arg13[%get3A_491, %get3A_492, %get3A_493] {strides = array<i32>} : memref<2x128x128xf32, #tpu.memory_space<vmem>>, vector<16xf32>,
        %mul3A_495 = arith.mulf %get3A_489, %get3A_494 : vector<16xf32>
        %add3A_496 = arith.addf %add3A_484, %mul3A_495 : vector<16xf32>
        %get3A_497 = arith.constant 0 : i32
        %get3A_498 = arith.index_cast %get3A_497 : i32 to index
        %get3A_499 = arith.index_cast %add3A_461 : i32 to index
        %get3A_500 = arith.constant 48 : index
        %get3A_501 = tpu.vector_load %arg12[%get3A_498, %get3A_499, %get3A_500] {strides = array<i32>} : memref<2x128x128xf32, #tpu.memory_space<vmem>>, vector<16xf32>,
        %get3A_502 = arith.constant 0 : i32
        %get3A_503 = arith.index_cast %get3A_502 : i32 to index
        %get3A_504 = arith.index_cast %add3A_461 : i32 to index
        %get3A_505 = arith.constant 48 : index
        %get3A_506 = tpu.vector_load %arg13[%get3A_503, %get3A_504, %get3A_505] {strides = array<i32>} : memref<2x128x128xf32, #tpu.memory_space<vmem>>, vector<16xf32>,
        %mul3A_507 = arith.mulf %get3A_501, %get3A_506 : vector<16xf32>
        %add3A_508 = arith.addf %add3A_496, %mul3A_507 : vector<16xf32>
        %get3A_509 = arith.constant 0 : i32
        %get3A_510 = arith.index_cast %get3A_509 : i32 to index
        %get3A_511 = arith.index_cast %add3A_461 : i32 to index
        %get3A_512 = arith.constant 64 : index
        %get3A_513 = tpu.vector_load %arg12[%get3A_510, %get3A_511, %get3A_512] {strides = array<i32>} : memref<2x128x128xf32, #tpu.memory_space<vmem>>, vector<16xf32>,
        %get3A_514 = arith.constant 0 : i32
        %get3A_515 = arith.index_cast %get3A_514 : i32 to index
        %get3A_516 = arith.index_cast %add3A_461 : i32 to index
        %get3A_517 = arith.constant 64 : index
        %get3A_518 = tpu.vector_load %arg13[%get3A_515, %get3A_516, %get3A_517] {strides = array<i32>} : memref<2x128x128xf32, #tpu.memory_space<vmem>>, vector<16xf32>,
        %mul3A_519 = arith.mulf %get3A_513, %get3A_518 : vector<16xf32>
        %add3A_520 = arith.addf %add3A_508, %mul3A_519 : vector<16xf32>
        %get3A_521 = arith.constant 0 : i32
        %get3A_522 = arith.index_cast %get3A_521 : i32 to index
        %get3A_523 = arith.index_cast %add3A_461 : i32 to index
        %get3A_524 = arith.constant 80 : index
        %get3A_525 = tpu.vector_load %arg12[%get3A_522, %get3A_523, %get3A_524] {strides = array<i32>} : memref<2x128x128xf32, #tpu.memory_space<vmem>>, vector<16xf32>,
        %get3A_526 = arith.constant 0 : i32
        %get3A_527 = arith.index_cast %get3A_526 : i32 to index
        %get3A_528 = arith.index_cast %add3A_461 : i32 to index
        %get3A_529 = arith.constant 80 : index
        %get3A_530 = tpu.vector_load %arg13[%get3A_527, %get3A_528, %get3A_529] {strides = array<i32>} : memref<2x128x128xf32, #tpu.memory_space<vmem>>, vector<16xf32>,
        %mul3A_531 = arith.mulf %get3A_525, %get3A_530 : vector<16xf32>
        %add3A_532 = arith.addf %add3A_520, %mul3A_531 : vector<16xf32>
        %get3A_533 = arith.constant 0 : i32
        %get3A_534 = arith.index_cast %get3A_533 : i32 to index
        %get3A_535 = arith.index_cast %add3A_461 : i32 to index
        %get3A_536 = arith.constant 96 : index
        %get3A_537 = tpu.vector_load %arg12[%get3A_534, %get3A_535, %get3A_536] {strides = array<i32>} : memref<2x128x128xf32, #tpu.memory_space<vmem>>, vector<16xf32>,
        %get3A_538 = arith.constant 0 : i32
        %get3A_539 = arith.index_cast %get3A_538 : i32 to index
        %get3A_540 = arith.index_cast %add3A_461 : i32 to index
        %get3A_541 = arith.constant 96 : index
        %get3A_542 = tpu.vector_load %arg13[%get3A_539, %get3A_540, %get3A_541] {strides = array<i32>} : memref<2x128x128xf32, #tpu.memory_space<vmem>>, vector<16xf32>,
        %mul3A_543 = arith.mulf %get3A_537, %get3A_542 : vector<16xf32>
        %add3A_544 = arith.addf %add3A_532, %mul3A_543 : vector<16xf32>
        %get3A_545 = arith.constant 0 : i32
        %get3A_546 = arith.index_cast %get3A_545 : i32 to index
        %get3A_547 = arith.index_cast %add3A_461 : i32 to index
        %get3A_548 = arith.constant 112 : index
        %get3A_549 = tpu.vector_load %arg12[%get3A_546, %get3A_547, %get3A_548] {strides = array<i32>} : memref<2x128x128xf32, #tpu.memory_space<vmem>>, vector<16xf32>,
        %get3A_550 = arith.constant 0 : i32
        %get3A_551 = arith.index_cast %get3A_550 : i32 to index
        %get3A_552 = arith.index_cast %add3A_461 : i32 to index
        %get3A_553 = arith.constant 112 : index
        %get3A_554 = tpu.vector_load %arg13[%get3A_551, %get3A_552, %get3A_553] {strides = array<i32>} : memref<2x128x128xf32, #tpu.memory_space<vmem>>, vector<16xf32>,
        %mul3A_555 = arith.mulf %get3A_549, %get3A_554 : vector<16xf32>
        %add3A_556 = arith.addf %add3A_544, %mul3A_555 : vector<16xf32>
        %reduce_sum3A_557 = arith.constant true
        %reduce_sum3A_558 = vector.broadcast %reduce_sum3A_557 : i1 to vector<16xi1>
        %reduce_sum3A_559 = tpu.scan <sum>, %add3A_556 masked %reduce_sum3A_558 : vector<16xf32>, vector<16xi1> -> vector<16xf32>
        %reduce_sum3A_560 = vector.extract %reduce_sum3A_559[15] : f32 from vector<16xf32>
        %eq3A_561 = vector.broadcast %add3A_458 : i32 to vector<16xi32>
        %eq3A_562 = arith.cmpi eq, %iota3A, %eq3A_561 : vector<16xi32>
        %broadcast_in_dim3A_563 = vector.broadcast %reduce_sum3A_560 : f32 to vector<16xf32>
        %select_n3A_564 = arith.select %eq3A_562, %broadcast_in_dim3A_563, %select_n3A : vector<16xi1>, vector<16xf32>
        %mul3A_565 = arith.constant 4 : i32
        %mul3A_566 = arith.muli %scan3A_346, %mul3A_565 : i32
        %add3A_567 = arith.constant 2 : i32
        %add3A_568 = arith.addi %mul3A_566, %add3A_567 : i32
        %mul3A_569 = arith.constant 16 : i32
        %mul3A_570 = arith.muli %scan3A_333, %mul3A_569 : i32
        %add3A_571 = arith.addi %mul3A_570, %add3A_568 : i32
        %get3A_572 = arith.constant 0 : i32
        %get3A_573 = arith.index_cast %get3A_572 : i32 to index
        %get3A_574 = arith.index_cast %add3A_571 : i32 to index
        %get3A_575 = arith.constant 0 : index
        %get3A_576 = tpu.vector_load %arg12[%get3A_573, %get3A_574, %get3A_575] {strides = array<i32>} : memref<2x128x128xf32, #tpu.memory_space<vmem>>, vector<16xf32>,
        %get3A_577 = arith.constant 0 : i32
        %get3A_578 = arith.index_cast %get3A_577 : i32 to index
        %get3A_579 = arith.index_cast %add3A_571 : i32 to index
        %get3A_580 = arith.constant 0 : index
        %get3A_581 = tpu.vector_load %arg13[%get3A_578, %get3A_579, %get3A_580] {strides = array<i32>} : memref<2x128x128xf32, #tpu.memory_space<vmem>>, vector<16xf32>,
        %mul3A_582 = arith.mulf %get3A_576, %get3A_581 : vector<16xf32>
        %get3A_583 = arith.constant 0 : i32
        %get3A_584 = arith.index_cast %get3A_583 : i32 to index
        %get3A_585 = arith.index_cast %add3A_571 : i32 to index
        %get3A_586 = arith.constant 16 : index
        %get3A_587 = tpu.vector_load %arg12[%get3A_584, %get3A_585, %get3A_586] {strides = array<i32>} : memref<2x128x128xf32, #tpu.memory_space<vmem>>, vector<16xf32>,
        %get3A_588 = arith.constant 0 : i32
        %get3A_589 = arith.index_cast %get3A_588 : i32 to index
        %get3A_590 = arith.index_cast %add3A_571 : i32 to index
        %get3A_591 = arith.constant 16 : index
        %get3A_592 = tpu.vector_load %arg13[%get3A_589, %get3A_590, %get3A_591] {strides = array<i32>} : memref<2x128x128xf32, #tpu.memory_space<vmem>>, vector<16xf32>,
        %mul3A_593 = arith.mulf %get3A_587, %get3A_592 : vector<16xf32>
        %add3A_594 = arith.addf %mul3A_582, %mul3A_593 : vector<16xf32>
        %get3A_595 = arith.constant 0 : i32
        %get3A_596 = arith.index_cast %get3A_595 : i32 to index
        %get3A_597 = arith.index_cast %add3A_571 : i32 to index
        %get3A_598 = arith.constant 32 : index
        %get3A_599 = tpu.vector_load %arg12[%get3A_596, %get3A_597, %get3A_598] {strides = array<i32>} : memref<2x128x128xf32, #tpu.memory_space<vmem>>, vector<16xf32>,
        %get3A_600 = arith.constant 0 : i32
        %get3A_601 = arith.index_cast %get3A_600 : i32 to index
        %get3A_602 = arith.index_cast %add3A_571 : i32 to index
        %get3A_603 = arith.constant 32 : index
        %get3A_604 = tpu.vector_load %arg13[%get3A_601, %get3A_602, %get3A_603] {strides = array<i32>} : memref<2x128x128xf32, #tpu.memory_space<vmem>>, vector<16xf32>,
        %mul3A_605 = arith.mulf %get3A_599, %get3A_604 : vector<16xf32>
        %add3A_606 = arith.addf %add3A_594, %mul3A_605 : vector<16xf32>
        %get3A_607 = arith.constant 0 : i32
        %get3A_608 = arith.index_cast %get3A_607 : i32 to index
        %get3A_609 = arith.index_cast %add3A_571 : i32 to index
        %get3A_610 = arith.constant 48 : index
        %get3A_611 = tpu.vector_load %arg12[%get3A_608, %get3A_609, %get3A_610] {strides = array<i32>} : memref<2x128x128xf32, #tpu.memory_space<vmem>>, vector<16xf32>,
        %get3A_612 = arith.constant 0 : i32
        %get3A_613 = arith.index_cast %get3A_612 : i32 to index
        %get3A_614 = arith.index_cast %add3A_571 : i32 to index
        %get3A_615 = arith.constant 48 : index
        %get3A_616 = tpu.vector_load %arg13[%get3A_613, %get3A_614, %get3A_615] {strides = array<i32>} : memref<2x128x128xf32, #tpu.memory_space<vmem>>, vector<16xf32>,
        %mul3A_617 = arith.mulf %get3A_611, %get3A_616 : vector<16xf32>
        %add3A_618 = arith.addf %add3A_606, %mul3A_617 : vector<16xf32>
        %get3A_619 = arith.constant 0 : i32
        %get3A_620 = arith.index_cast %get3A_619 : i32 to index
        %get3A_621 = arith.index_cast %add3A_571 : i32 to index
        %get3A_622 = arith.constant 64 : index
        %get3A_623 = tpu.vector_load %arg12[%get3A_620, %get3A_621, %get3A_622] {strides = array<i32>} : memref<2x128x128xf32, #tpu.memory_space<vmem>>, vector<16xf32>,
        %get3A_624 = arith.constant 0 : i32
        %get3A_625 = arith.index_cast %get3A_624 : i32 to index
        %get3A_626 = arith.index_cast %add3A_571 : i32 to index
        %get3A_627 = arith.constant 64 : index
        %get3A_628 = tpu.vector_load %arg13[%get3A_625, %get3A_626, %get3A_627] {strides = array<i32>} : memref<2x128x128xf32, #tpu.memory_space<vmem>>, vector<16xf32>,
        %mul3A_629 = arith.mulf %get3A_623, %get3A_628 : vector<16xf32>
        %add3A_630 = arith.addf %add3A_618, %mul3A_629 : vector<16xf32>
        %get3A_631 = arith.constant 0 : i32
        %get3A_632 = arith.index_cast %get3A_631 : i32 to index
        %get3A_633 = arith.index_cast %add3A_571 : i32 to index
        %get3A_634 = arith.constant 80 : index
        %get3A_635 = tpu.vector_load %arg12[%get3A_632, %get3A_633, %get3A_634] {strides = array<i32>} : memref<2x128x128xf32, #tpu.memory_space<vmem>>, vector<16xf32>,
        %get3A_636 = arith.constant 0 : i32
        %get3A_637 = arith.index_cast %get3A_636 : i32 to index
        %get3A_638 = arith.index_cast %add3A_571 : i32 to index
        %get3A_639 = arith.constant 80 : index
        %get3A_640 = tpu.vector_load %arg13[%get3A_637, %get3A_638, %get3A_639] {strides = array<i32>} : memref<2x128x128xf32, #tpu.memory_space<vmem>>, vector<16xf32>,
        %mul3A_641 = arith.mulf %get3A_635, %get3A_640 : vector<16xf32>
        %add3A_642 = arith.addf %add3A_630, %mul3A_641 : vector<16xf32>
        %get3A_643 = arith.constant 0 : i32
        %get3A_644 = arith.index_cast %get3A_643 : i32 to index
        %get3A_645 = arith.index_cast %add3A_571 : i32 to index
        %get3A_646 = arith.constant 96 : index
        %get3A_647 = tpu.vector_load %arg12[%get3A_644, %get3A_645, %get3A_646] {strides = array<i32>} : memref<2x128x128xf32, #tpu.memory_space<vmem>>, vector<16xf32>,
        %get3A_648 = arith.constant 0 : i32
        %get3A_649 = arith.index_cast %get3A_648 : i32 to index
        %get3A_650 = arith.index_cast %add3A_571 : i32 to index
        %get3A_651 = arith.constant 96 : index
        %get3A_652 = tpu.vector_load %arg13[%get3A_649, %get3A_650, %get3A_651] {strides = array<i32>} : memref<2x128x128xf32, #tpu.memory_space<vmem>>, vector<16xf32>,
        %mul3A_653 = arith.mulf %get3A_647, %get3A_652 : vector<16xf32>
        %add3A_654 = arith.addf %add3A_642, %mul3A_653 : vector<16xf32>
        %get3A_655 = arith.constant 0 : i32
        %get3A_656 = arith.index_cast %get3A_655 : i32 to index
        %get3A_657 = arith.index_cast %add3A_571 : i32 to index
        %get3A_658 = arith.constant 112 : index
        %get3A_659 = tpu.vector_load %arg12[%get3A_656, %get3A_657, %get3A_658] {strides = array<i32>} : memref<2x128x128xf32, #tpu.memory_space<vmem>>, vector<16xf32>,
        %get3A_660 = arith.constant 0 : i32
        %get3A_661 = arith.index_cast %get3A_660 : i32 to index
        %get3A_662 = arith.index_cast %add3A_571 : i32 to index
        %get3A_663 = arith.constant 112 : index
        %get3A_664 = tpu.vector_load %arg13[%get3A_661, %get3A_662, %get3A_663] {strides = array<i32>} : memref<2x128x128xf32, #tpu.memory_space<vmem>>, vector<16xf32>,
        %mul3A_665 = arith.mulf %get3A_659, %get3A_664 : vector<16xf32>
        %add3A_666 = arith.addf %add3A_654, %mul3A_665 : vector<16xf32>
        %reduce_sum3A_667 = arith.constant true
        %reduce_sum3A_668 = vector.broadcast %reduce_sum3A_667 : i1 to vector<16xi1>
        %reduce_sum3A_669 = tpu.scan <sum>, %add3A_666 masked %reduce_sum3A_668 : vector<16xf32>, vector<16xi1> -> vector<16xf32>
        %reduce_sum3A_670 = vector.extract %reduce_sum3A_669[15] : f32 from vector<16xf32>
        %eq3A_671 = vector.broadcast %add3A_568 : i32 to vector<16xi32>
        %eq3A_672 = arith.cmpi eq, %iota3A, %eq3A_671 : vector<16xi32>
        %broadcast_in_dim3A_673 = vector.broadcast %reduce_sum3A_670 : f32 to vector<16xf32>
        %select_n3A_674 = arith.select %eq3A_672, %broadcast_in_dim3A_673, %select_n3A_564 : vector<16xi1>, vector<16xf32>
        %mul3A_675 = arith.constant 4 : i32
        %mul3A_676 = arith.muli %scan3A_346, %mul3A_675 : i32
        %add3A_677 = arith.constant 3 : i32
        %add3A_678 = arith.addi %mul3A_676, %add3A_677 : i32
        %mul3A_679 = arith.constant 16 : i32
        %mul3A_680 = arith.muli %scan3A_333, %mul3A_679 : i32
        %add3A_681 = arith.addi %mul3A_680, %add3A_678 : i32
        %get3A_682 = arith.constant 0 : i32
        %get3A_683 = arith.index_cast %get3A_682 : i32 to index
        %get3A_684 = arith.index_cast %add3A_681 : i32 to index
        %get3A_685 = arith.constant 0 : index
        %get3A_686 = tpu.vector_load %arg12[%get3A_683, %get3A_684, %get3A_685] {strides = array<i32>} : memref<2x128x128xf32, #tpu.memory_space<vmem>>, vector<16xf32>,
        %get3A_687 = arith.constant 0 : i32
        %get3A_688 = arith.index_cast %get3A_687 : i32 to index
        %get3A_689 = arith.index_cast %add3A_681 : i32 to index
        %get3A_690 = arith.constant 0 : index
        %get3A_691 = tpu.vector_load %arg13[%get3A_688, %get3A_689, %get3A_690] {strides = array<i32>} : memref<2x128x128xf32, #tpu.memory_space<vmem>>, vector<16xf32>,
        %mul3A_692 = arith.mulf %get3A_686, %get3A_691 : vector<16xf32>
        %get3A_693 = arith.constant 0 : i32
        %get3A_694 = arith.index_cast %get3A_693 : i32 to index
        %get3A_695 = arith.index_cast %add3A_681 : i32 to index
        %get3A_696 = arith.constant 16 : index
        %get3A_697 = tpu.vector_load %arg12[%get3A_694, %get3A_695, %get3A_696] {strides = array<i32>} : memref<2x128x128xf32, #tpu.memory_space<vmem>>, vector<16xf32>,
        %get3A_698 = arith.constant 0 : i32
        %get3A_699 = arith.index_cast %get3A_698 : i32 to index
        %get3A_700 = arith.index_cast %add3A_681 : i32 to index
        %get3A_701 = arith.constant 16 : index
        %get3A_702 = tpu.vector_load %arg13[%get3A_699, %get3A_700, %get3A_701] {strides = array<i32>} : memref<2x128x128xf32, #tpu.memory_space<vmem>>, vector<16xf32>,
        %mul3A_703 = arith.mulf %get3A_697, %get3A_702 : vector<16xf32>
        %add3A_704 = arith.addf %mul3A_692, %mul3A_703 : vector<16xf32>
        %get3A_705 = arith.constant 0 : i32
        %get3A_706 = arith.index_cast %get3A_705 : i32 to index
        %get3A_707 = arith.index_cast %add3A_681 : i32 to index
        %get3A_708 = arith.constant 32 : index
        %get3A_709 = tpu.vector_load %arg12[%get3A_706, %get3A_707, %get3A_708] {strides = array<i32>} : memref<2x128x128xf32, #tpu.memory_space<vmem>>, vector<16xf32>,
        %get3A_710 = arith.constant 0 : i32
        %get3A_711 = arith.index_cast %get3A_710 : i32 to index
        %get3A_712 = arith.index_cast %add3A_681 : i32 to index
        %get3A_713 = arith.constant 32 : index
        %get3A_714 = tpu.vector_load %arg13[%get3A_711, %get3A_712, %get3A_713] {strides = array<i32>} : memref<2x128x128xf32, #tpu.memory_space<vmem>>, vector<16xf32>,
        %mul3A_715 = arith.mulf %get3A_709, %get3A_714 : vector<16xf32>
        %add3A_716 = arith.addf %add3A_704, %mul3A_715 : vector<16xf32>
        %get3A_717 = arith.constant 0 : i32
        %get3A_718 = arith.index_cast %get3A_717 : i32 to index
        %get3A_719 = arith.index_cast %add3A_681 : i32 to index
        %get3A_720 = arith.constant 48 : index
        %get3A_721 = tpu.vector_load %arg12[%get3A_718, %get3A_719, %get3A_720] {strides = array<i32>} : memref<2x128x128xf32, #tpu.memory_space<vmem>>, vector<16xf32>,
        %get3A_722 = arith.constant 0 : i32
        %get3A_723 = arith.index_cast %get3A_722 : i32 to index
        %get3A_724 = arith.index_cast %add3A_681 : i32 to index
        %get3A_725 = arith.constant 48 : index
        %get3A_726 = tpu.vector_load %arg13[%get3A_723, %get3A_724, %get3A_725] {strides = array<i32>} : memref<2x128x128xf32, #tpu.memory_space<vmem>>, vector<16xf32>,
        %mul3A_727 = arith.mulf %get3A_721, %get3A_726 : vector<16xf32>
        %add3A_728 = arith.addf %add3A_716, %mul3A_727 : vector<16xf32>
        %get3A_729 = arith.constant 0 : i32
        %get3A_730 = arith.index_cast %get3A_729 : i32 to index
        %get3A_731 = arith.index_cast %add3A_681 : i32 to index
        %get3A_732 = arith.constant 64 : index
        %get3A_733 = tpu.vector_load %arg12[%get3A_730, %get3A_731, %get3A_732] {strides = array<i32>} : memref<2x128x128xf32, #tpu.memory_space<vmem>>, vector<16xf32>,
        %get3A_734 = arith.constant 0 : i32
        %get3A_735 = arith.index_cast %get3A_734 : i32 to index
        %get3A_736 = arith.index_cast %add3A_681 : i32 to index
        %get3A_737 = arith.constant 64 : index
        %get3A_738 = tpu.vector_load %arg13[%get3A_735, %get3A_736, %get3A_737] {strides = array<i32>} : memref<2x128x128xf32, #tpu.memory_space<vmem>>, vector<16xf32>,
        %mul3A_739 = arith.mulf %get3A_733, %get3A_738 : vector<16xf32>
        %add3A_740 = arith.addf %add3A_728, %mul3A_739 : vector<16xf32>
        %get3A_741 = arith.constant 0 : i32
        %get3A_742 = arith.index_cast %get3A_741 : i32 to index
        %get3A_743 = arith.index_cast %add3A_681 : i32 to index
        %get3A_744 = arith.constant 80 : index
        %get3A_745 = tpu.vector_load %arg12[%get3A_742, %get3A_743, %get3A_744] {strides = array<i32>} : memref<2x128x128xf32, #tpu.memory_space<vmem>>, vector<16xf32>,
        %get3A_746 = arith.constant 0 : i32
        %get3A_747 = arith.index_cast %get3A_746 : i32 to index
        %get3A_748 = arith.index_cast %add3A_681 : i32 to index
        %get3A_749 = arith.constant 80 : index
        %get3A_750 = tpu.vector_load %arg13[%get3A_747, %get3A_748, %get3A_749] {strides = array<i32>} : memref<2x128x128xf32, #tpu.memory_space<vmem>>, vector<16xf32>,
        %mul3A_751 = arith.mulf %get3A_745, %get3A_750 : vector<16xf32>
        %add3A_752 = arith.addf %add3A_740, %mul3A_751 : vector<16xf32>
        %get3A_753 = arith.constant 0 : i32
        %get3A_754 = arith.index_cast %get3A_753 : i32 to index
        %get3A_755 = arith.index_cast %add3A_681 : i32 to index
        %get3A_756 = arith.constant 96 : index
        %get3A_757 = tpu.vector_load %arg12[%get3A_754, %get3A_755, %get3A_756] {strides = array<i32>} : memref<2x128x128xf32, #tpu.memory_space<vmem>>, vector<16xf32>,
        %get3A_758 = arith.constant 0 : i32
        %get3A_759 = arith.index_cast %get3A_758 : i32 to index
        %get3A_760 = arith.index_cast %add3A_681 : i32 to index
        %get3A_761 = arith.constant 96 : index
        %get3A_762 = tpu.vector_load %arg13[%get3A_759, %get3A_760, %get3A_761] {strides = array<i32>} : memref<2x128x128xf32, #tpu.memory_space<vmem>>, vector<16xf32>,
        %mul3A_763 = arith.mulf %get3A_757, %get3A_762 : vector<16xf32>
        %add3A_764 = arith.addf %add3A_752, %mul3A_763 : vector<16xf32>
        %get3A_765 = arith.constant 0 : i32
        %get3A_766 = arith.index_cast %get3A_765 : i32 to index
        %get3A_767 = arith.index_cast %add3A_681 : i32 to index
        %get3A_768 = arith.constant 112 : index
        %get3A_769 = tpu.vector_load %arg12[%get3A_766, %get3A_767, %get3A_768] {strides = array<i32>} : memref<2x128x128xf32, #tpu.memory_space<vmem>>, vector<16xf32>,
        %get3A_770 = arith.constant 0 : i32
        %get3A_771 = arith.index_cast %get3A_770 : i32 to index
        %get3A_772 = arith.index_cast %add3A_681 : i32 to index
        %get3A_773 = arith.constant 112 : index
        %get3A_774 = tpu.vector_load %arg13[%get3A_771, %get3A_772, %get3A_773] {strides = array<i32>} : memref<2x128x128xf32, #tpu.memory_space<vmem>>, vector<16xf32>,
        %mul3A_775 = arith.mulf %get3A_769, %get3A_774 : vector<16xf32>
        %add3A_776 = arith.addf %add3A_764, %mul3A_775 : vector<16xf32>
        %reduce_sum3A_777 = arith.constant true
        %reduce_sum3A_778 = vector.broadcast %reduce_sum3A_777 : i1 to vector<16xi1>
        %reduce_sum3A_779 = tpu.scan <sum>, %add3A_776 masked %reduce_sum3A_778 : vector<16xf32>, vector<16xi1> -> vector<16xf32>
        %reduce_sum3A_780 = vector.extract %reduce_sum3A_779[15] : f32 from vector<16xf32>
        %eq3A_781 = vector.broadcast %add3A_678 : i32 to vector<16xi32>
        %eq3A_782 = arith.cmpi eq, %iota3A, %eq3A_781 : vector<16xi32>
        %broadcast_in_dim3A_783 = vector.broadcast %reduce_sum3A_780 : f32 to vector<16xf32>
        %select_n3A_784 = arith.select %eq3A_782, %broadcast_in_dim3A_783, %select_n3A_674 : vector<16xi1>, vector<16xf32>
        scf.yield %select_n3A_784 : vector<16xf32>
      }
      %scan3A_340 = arith.constant 4 : i32
      %mul3A_341 = arith.constant 16 : i32
      %mul3A_342 = arith.muli %scan3A_333, %mul3A_341 : i32
      %add3A_343 = arith.constant 0 : i32
      %add3A_344 = arith.addi %add3A_343, %mul3A_342 : i32
      %swap3A = arith.index_cast %add3A_344 : i32 to index
      %swap3A_345 = tpu.vector_load %arg17[%swap3A] {strides = array<i32>} : memref<528xf32, #tpu.memory_space<vmem>>, vector<16xf32>,
      tpu.vector_store %arg17[%swap3A], %scan3A_339 {strides = array<i32>} : memref<528xf32, #tpu.memory_space<vmem>>, vector<16xf32>,
    }
    %scan3A_113 = arith.constant 4 : i32
    %dma_start3A_114 = arith.constant 0 : i32
    %dma_start3A_115 = arith.constant 0 : i32
    %dma_start3A_116 = arith.constant 0 : i32
    %dma_start3A_117 = tpu.memref_slice %arg12[%dma_start3A_114, %dma_start3A_115, %dma_start3A_116] : memref<2x128x128xf32, #tpu.memory_space<vmem>> -> memref<1x128x128xf32, #tpu.memory_space<vmem>>
    %dma_start3A_118 = tpu.memref_squeeze %dma_start3A_117 : memref<1x128x128xf32, #tpu.memory_space<vmem>> -> memref<128x128xf32, #tpu.memory_space<vmem>>
    %dma_start3A_119 = arith.constant 192 : i32
    %dma_start3A_120 = tpu.memref_slice %arg10[%dma_start3A_119] : memref<512xi32, #tpu.memory_space<vmem>> -> memref<128xi32, #tpu.memory_space<vmem>>
    %dma_start3A_121 = arith.constant 0 : i32
    %dma_start3A_122 = arith.constant 0 : i32
    %dma_start3A_123 = tpu.memref_slice %arg4[%dma_start3A_121, %dma_start3A_122] : memref<100000x128xf32, #tpu.memory_space<hbm>> -> memref<100000x128xf32, #tpu.memory_space<hbm>>
    tpu.enqueue_indirect_dma source(%dma_start3A_123 : memref<100000x128xf32, #tpu.memory_space<hbm>>) target(%dma_start3A_118 : memref<128x128xf32, #tpu.memory_space<vmem>>) offsets(%dma_start3A_120 : memref<128xi32, #tpu.memory_space<vmem>>) semaphore(%arg18 : memref<!tpu.dma_semaphore, #tpu.memory_space<semaphore_mem>>)
    %dma_start3A_124 = arith.constant 0 : i32
    %dma_start3A_125 = arith.constant 0 : i32
    %dma_start3A_126 = arith.constant 0 : i32
    %dma_start3A_127 = tpu.memref_slice %arg13[%dma_start3A_124, %dma_start3A_125, %dma_start3A_126] : memref<2x128x128xf32, #tpu.memory_space<vmem>> -> memref<1x128x128xf32, #tpu.memory_space<vmem>>
    %dma_start3A_128 = tpu.memref_squeeze %dma_start3A_127 : memref<1x128x128xf32, #tpu.memory_space<vmem>> -> memref<128x128xf32, #tpu.memory_space<vmem>>
    %dma_start3A_129 = arith.constant 192 : i32
    %dma_start3A_130 = tpu.memref_slice %arg11[%dma_start3A_129] : memref<512xi32, #tpu.memory_space<vmem>> -> memref<128xi32, #tpu.memory_space<vmem>>
    %dma_start3A_131 = arith.constant 0 : i32
    %dma_start3A_132 = arith.constant 0 : i32
    %dma_start3A_133 = tpu.memref_slice %arg5[%dma_start3A_131, %dma_start3A_132] : memref<100000x128xf32, #tpu.memory_space<hbm>> -> memref<100000x128xf32, #tpu.memory_space<hbm>>
    tpu.enqueue_indirect_dma source(%dma_start3A_133 : memref<100000x128xf32, #tpu.memory_space<hbm>>) target(%dma_start3A_128 : memref<128x128xf32, #tpu.memory_space<vmem>>) offsets(%dma_start3A_130 : memref<128xi32, #tpu.memory_space<vmem>>) semaphore(%arg18 : memref<!tpu.dma_semaphore, #tpu.memory_space<semaphore_mem>>)
    %dma_wait3A_134 = arith.constant 1 : i32
    %dma_wait3A_135 = arith.constant 0 : i32
    %dma_wait3A_136 = arith.constant 0 : i32
    %dma_wait3A_137 = tpu.memref_slice %arg12[%dma_wait3A_134, %dma_wait3A_135, %dma_wait3A_136] : memref<2x128x128xf32, #tpu.memory_space<vmem>> -> memref<1x128x128xf32, #tpu.memory_space<vmem>>
    %dma_wait3A_138 = tpu.memref_squeeze %dma_wait3A_137 : memref<1x128x128xf32, #tpu.memory_space<vmem>> -> memref<128x128xf32, #tpu.memory_space<vmem>>
    %dma_wait3A_139 = arith.constant 64 : i32
    %dma_wait3A_140 = tpu.memref_slice %arg10[%dma_wait3A_139] : memref<512xi32, #tpu.memory_space<vmem>> -> memref<128xi32, #tpu.memory_space<vmem>>
    %dma_wait3A_141 = arith.constant 0 : i32
    %dma_wait3A_142 = arith.constant 0 : i32
    %dma_wait3A_143 = tpu.memref_slice %arg4[%dma_wait3A_141, %dma_wait3A_142] : memref<100000x128xf32, #tpu.memory_space<hbm>> -> memref<100000x128xf32, #tpu.memory_space<hbm>>
    tpu.wait_indirect_dma semaphore(%arg19 : memref<!tpu.dma_semaphore, #tpu.memory_space<semaphore_mem>>) src(%dma_wait3A_143 : memref<100000x128xf32, #tpu.memory_space<hbm>>) dst(%dma_wait3A_138 : memref<128x128xf32, #tpu.memory_space<vmem>>)
    %dma_wait3A_144 = arith.constant 1 : i32
    %dma_wait3A_145 = arith.constant 0 : i32
    %dma_wait3A_146 = arith.constant 0 : i32
    %dma_wait3A_147 = tpu.memref_slice %arg13[%dma_wait3A_144, %dma_wait3A_145, %dma_wait3A_146] : memref<2x128x128xf32, #tpu.memory_space<vmem>> -> memref<1x128x128xf32, #tpu.memory_space<vmem>>
    %dma_wait3A_148 = tpu.memref_squeeze %dma_wait3A_147 : memref<1x128x128xf32, #tpu.memory_space<vmem>> -> memref<128x128xf32, #tpu.memory_space<vmem>>
    %dma_wait3A_149 = arith.constant 64 : i32
    %dma_wait3A_150 = tpu.memref_slice %arg11[%dma_wait3A_149] : memref<512xi32, #tpu.memory_space<vmem>> -> memref<128xi32, #tpu.memory_space<vmem>>
    %dma_wait3A_151 = arith.constant 0 : i32
    %dma_wait3A_152 = arith.constant 0 : i32
    %dma_wait3A_153 = tpu.memref_slice %arg5[%dma_wait3A_151, %dma_wait3A_152] : memref<100000x128xf32, #tpu.memory_space<hbm>> -> memref<100000x128xf32, #tpu.memory_space<hbm>>
    tpu.wait_indirect_dma semaphore(%arg19 : memref<!tpu.dma_semaphore, #tpu.memory_space<semaphore_mem>>) src(%dma_wait3A_153 : memref<100000x128xf32, #tpu.memory_space<hbm>>) dst(%dma_wait3A_148 : memref<128x128xf32, #tpu.memory_space<vmem>>)
    %scan3A_154 = arith.constant 0 : i32
    %scan3A_155 = arith.constant 0 : i32
    %scan3A_156 = arith.constant 8 : i32
    %scan3A_157 = arith.addi %scan3A_155, %scan3A_156 : i32
    %scan3A_158 = arith.constant 1 : i32
    scf.for %scan3A_333 = %scan3A_155 to %scan3A_157 step %scan3A_158  : i32 {
      %broadcast_in_dim3A = arith.constant 0.000000e+00 : f32
      %broadcast_in_dim3A_334 = vector.broadcast %broadcast_in_dim3A : f32 to vector<16xf32>
      %scan3A_335 = arith.constant 0 : i32
      %scan3A_336 = arith.constant 4 : i32
      %scan3A_337 = arith.addi %scan3A_335, %scan3A_336 : i32
      %scan3A_338 = arith.constant 1 : i32
      %scan3A_339 = scf.for %scan3A_346 = %scan3A_335 to %scan3A_337 step %scan3A_338 iter_args(%scan3A_347 = %broadcast_in_dim3A_334) -> (vector<16xf32>)  : i32 {
        %mul3A_348 = arith.constant 4 : i32
        %mul3A_349 = arith.muli %scan3A_346, %mul3A_348 : i32
        %add3A_350 = arith.constant 0 : i32
        %add3A_351 = arith.addi %mul3A_349, %add3A_350 : i32
        %mul3A_352 = arith.constant 16 : i32
        %mul3A_353 = arith.muli %scan3A_333, %mul3A_352 : i32
        %add3A_354 = arith.addi %mul3A_353, %add3A_351 : i32
        %get3A_355 = arith.constant 1 : i32
        %get3A_356 = arith.index_cast %get3A_355 : i32 to index
        %get3A_357 = arith.index_cast %add3A_354 : i32 to index
        %get3A_358 = arith.constant 0 : index
        %get3A_359 = tpu.vector_load %arg12[%get3A_356, %get3A_357, %get3A_358] {strides = array<i32>} : memref<2x128x128xf32, #tpu.memory_space<vmem>>, vector<16xf32>,
        %get3A_360 = arith.constant 1 : i32
        %get3A_361 = arith.index_cast %get3A_360 : i32 to index
        %get3A_362 = arith.index_cast %add3A_354 : i32 to index
        %get3A_363 = arith.constant 0 : index
        %get3A_364 = tpu.vector_load %arg13[%get3A_361, %get3A_362, %get3A_363] {strides = array<i32>} : memref<2x128x128xf32, #tpu.memory_space<vmem>>, vector<16xf32>,
        %mul3A_365 = arith.mulf %get3A_359, %get3A_364 : vector<16xf32>
        %get3A_366 = arith.constant 1 : i32
        %get3A_367 = arith.index_cast %get3A_366 : i32 to index
        %get3A_368 = arith.index_cast %add3A_354 : i32 to index
        %get3A_369 = arith.constant 16 : index
        %get3A_370 = tpu.vector_load %arg12[%get3A_367, %get3A_368, %get3A_369] {strides = array<i32>} : memref<2x128x128xf32, #tpu.memory_space<vmem>>, vector<16xf32>,
        %get3A_371 = arith.constant 1 : i32
        %get3A_372 = arith.index_cast %get3A_371 : i32 to index
        %get3A_373 = arith.index_cast %add3A_354 : i32 to index
        %get3A_374 = arith.constant 16 : index
        %get3A_375 = tpu.vector_load %arg13[%get3A_372, %get3A_373, %get3A_374] {strides = array<i32>} : memref<2x128x128xf32, #tpu.memory_space<vmem>>, vector<16xf32>,
        %mul3A_376 = arith.mulf %get3A_370, %get3A_375 : vector<16xf32>
        %add3A_377 = arith.addf %mul3A_365, %mul3A_376 : vector<16xf32>
        %get3A_378 = arith.constant 1 : i32
        %get3A_379 = arith.index_cast %get3A_378 : i32 to index
        %get3A_380 = arith.index_cast %add3A_354 : i32 to index
        %get3A_381 = arith.constant 32 : index
        %get3A_382 = tpu.vector_load %arg12[%get3A_379, %get3A_380, %get3A_381] {strides = array<i32>} : memref<2x128x128xf32, #tpu.memory_space<vmem>>, vector<16xf32>,
        %get3A_383 = arith.constant 1 : i32
        %get3A_384 = arith.index_cast %get3A_383 : i32 to index
        %get3A_385 = arith.index_cast %add3A_354 : i32 to index
        %get3A_386 = arith.constant 32 : index
        %get3A_387 = tpu.vector_load %arg13[%get3A_384, %get3A_385, %get3A_386] {strides = array<i32>} : memref<2x128x128xf32, #tpu.memory_space<vmem>>, vector<16xf32>,
        %mul3A_388 = arith.mulf %get3A_382, %get3A_387 : vector<16xf32>
        %add3A_389 = arith.addf %add3A_377, %mul3A_388 : vector<16xf32>
        %get3A_390 = arith.constant 1 : i32
        %get3A_391 = arith.index_cast %get3A_390 : i32 to index
        %get3A_392 = arith.index_cast %add3A_354 : i32 to index
        %get3A_393 = arith.constant 48 : index
        %get3A_394 = tpu.vector_load %arg12[%get3A_391, %get3A_392, %get3A_393] {strides = array<i32>} : memref<2x128x128xf32, #tpu.memory_space<vmem>>, vector<16xf32>,
        %get3A_395 = arith.constant 1 : i32
        %get3A_396 = arith.index_cast %get3A_395 : i32 to index
        %get3A_397 = arith.index_cast %add3A_354 : i32 to index
        %get3A_398 = arith.constant 48 : index
        %get3A_399 = tpu.vector_load %arg13[%get3A_396, %get3A_397, %get3A_398] {strides = array<i32>} : memref<2x128x128xf32, #tpu.memory_space<vmem>>, vector<16xf32>,
        %mul3A_400 = arith.mulf %get3A_394, %get3A_399 : vector<16xf32>
        %add3A_401 = arith.addf %add3A_389, %mul3A_400 : vector<16xf32>
        %get3A_402 = arith.constant 1 : i32
        %get3A_403 = arith.index_cast %get3A_402 : i32 to index
        %get3A_404 = arith.index_cast %add3A_354 : i32 to index
        %get3A_405 = arith.constant 64 : index
        %get3A_406 = tpu.vector_load %arg12[%get3A_403, %get3A_404, %get3A_405] {strides = array<i32>} : memref<2x128x128xf32, #tpu.memory_space<vmem>>, vector<16xf32>,
        %get3A_407 = arith.constant 1 : i32
        %get3A_408 = arith.index_cast %get3A_407 : i32 to index
        %get3A_409 = arith.index_cast %add3A_354 : i32 to index
        %get3A_410 = arith.constant 64 : index
        %get3A_411 = tpu.vector_load %arg13[%get3A_408, %get3A_409, %get3A_410] {strides = array<i32>} : memref<2x128x128xf32, #tpu.memory_space<vmem>>, vector<16xf32>,
        %mul3A_412 = arith.mulf %get3A_406, %get3A_411 : vector<16xf32>
        %add3A_413 = arith.addf %add3A_401, %mul3A_412 : vector<16xf32>
        %get3A_414 = arith.constant 1 : i32
        %get3A_415 = arith.index_cast %get3A_414 : i32 to index
        %get3A_416 = arith.index_cast %add3A_354 : i32 to index
        %get3A_417 = arith.constant 80 : index
        %get3A_418 = tpu.vector_load %arg12[%get3A_415, %get3A_416, %get3A_417] {strides = array<i32>} : memref<2x128x128xf32, #tpu.memory_space<vmem>>, vector<16xf32>,
        %get3A_419 = arith.constant 1 : i32
        %get3A_420 = arith.index_cast %get3A_419 : i32 to index
        %get3A_421 = arith.index_cast %add3A_354 : i32 to index
        %get3A_422 = arith.constant 80 : index
        %get3A_423 = tpu.vector_load %arg13[%get3A_420, %get3A_421, %get3A_422] {strides = array<i32>} : memref<2x128x128xf32, #tpu.memory_space<vmem>>, vector<16xf32>,
        %mul3A_424 = arith.mulf %get3A_418, %get3A_423 : vector<16xf32>
        %add3A_425 = arith.addf %add3A_413, %mul3A_424 : vector<16xf32>
        %get3A_426 = arith.constant 1 : i32
        %get3A_427 = arith.index_cast %get3A_426 : i32 to index
        %get3A_428 = arith.index_cast %add3A_354 : i32 to index
        %get3A_429 = arith.constant 96 : index
        %get3A_430 = tpu.vector_load %arg12[%get3A_427, %get3A_428, %get3A_429] {strides = array<i32>} : memref<2x128x128xf32, #tpu.memory_space<vmem>>, vector<16xf32>,
        %get3A_431 = arith.constant 1 : i32
        %get3A_432 = arith.index_cast %get3A_431 : i32 to index
        %get3A_433 = arith.index_cast %add3A_354 : i32 to index
        %get3A_434 = arith.constant 96 : index
        %get3A_435 = tpu.vector_load %arg13[%get3A_432, %get3A_433, %get3A_434] {strides = array<i32>} : memref<2x128x128xf32, #tpu.memory_space<vmem>>, vector<16xf32>,
        %mul3A_436 = arith.mulf %get3A_430, %get3A_435 : vector<16xf32>
        %add3A_437 = arith.addf %add3A_425, %mul3A_436 : vector<16xf32>
        %get3A_438 = arith.constant 1 : i32
        %get3A_439 = arith.index_cast %get3A_438 : i32 to index
        %get3A_440 = arith.index_cast %add3A_354 : i32 to index
        %get3A_441 = arith.constant 112 : index
        %get3A_442 = tpu.vector_load %arg12[%get3A_439, %get3A_440, %get3A_441] {strides = array<i32>} : memref<2x128x128xf32, #tpu.memory_space<vmem>>, vector<16xf32>,
        %get3A_443 = arith.constant 1 : i32
        %get3A_444 = arith.index_cast %get3A_443 : i32 to index
        %get3A_445 = arith.index_cast %add3A_354 : i32 to index
        %get3A_446 = arith.constant 112 : index
        %get3A_447 = tpu.vector_load %arg13[%get3A_444, %get3A_445, %get3A_446] {strides = array<i32>} : memref<2x128x128xf32, #tpu.memory_space<vmem>>, vector<16xf32>,
        %mul3A_448 = arith.mulf %get3A_442, %get3A_447 : vector<16xf32>
        %add3A_449 = arith.addf %add3A_437, %mul3A_448 : vector<16xf32>
        %reduce_sum3A = arith.constant true
        %reduce_sum3A_450 = vector.broadcast %reduce_sum3A : i1 to vector<16xi1>
        %reduce_sum3A_451 = tpu.scan <sum>, %add3A_449 masked %reduce_sum3A_450 : vector<16xf32>, vector<16xi1> -> vector<16xf32>
        %reduce_sum3A_452 = vector.extract %reduce_sum3A_451[15] : f32 from vector<16xf32>
        %eq3A = vector.broadcast %add3A_351 : i32 to vector<16xi32>
        %eq3A_453 = arith.cmpi eq, %iota3A, %eq3A : vector<16xi32>
        %broadcast_in_dim3A_454 = vector.broadcast %reduce_sum3A_452 : f32 to vector<16xf32>
        %select_n3A = arith.select %eq3A_453, %broadcast_in_dim3A_454, %scan3A_347 : vector<16xi1>, vector<16xf32>
        %mul3A_455 = arith.constant 4 : i32
        %mul3A_456 = arith.muli %scan3A_346, %mul3A_455 : i32
        %add3A_457 = arith.constant 1 : i32
        %add3A_458 = arith.addi %mul3A_456, %add3A_457 : i32
        %mul3A_459 = arith.constant 16 : i32
        %mul3A_460 = arith.muli %scan3A_333, %mul3A_459 : i32
        %add3A_461 = arith.addi %mul3A_460, %add3A_458 : i32
        %get3A_462 = arith.constant 1 : i32
        %get3A_463 = arith.index_cast %get3A_462 : i32 to index
        %get3A_464 = arith.index_cast %add3A_461 : i32 to index
        %get3A_465 = arith.constant 0 : index
        %get3A_466 = tpu.vector_load %arg12[%get3A_463, %get3A_464, %get3A_465] {strides = array<i32>} : memref<2x128x128xf32, #tpu.memory_space<vmem>>, vector<16xf32>,
        %get3A_467 = arith.constant 1 : i32
        %get3A_468 = arith.index_cast %get3A_467 : i32 to index
        %get3A_469 = arith.index_cast %add3A_461 : i32 to index
        %get3A_470 = arith.constant 0 : index
        %get3A_471 = tpu.vector_load %arg13[%get3A_468, %get3A_469, %get3A_470] {strides = array<i32>} : memref<2x128x128xf32, #tpu.memory_space<vmem>>, vector<16xf32>,
        %mul3A_472 = arith.mulf %get3A_466, %get3A_471 : vector<16xf32>
        %get3A_473 = arith.constant 1 : i32
        %get3A_474 = arith.index_cast %get3A_473 : i32 to index
        %get3A_475 = arith.index_cast %add3A_461 : i32 to index
        %get3A_476 = arith.constant 16 : index
        %get3A_477 = tpu.vector_load %arg12[%get3A_474, %get3A_475, %get3A_476] {strides = array<i32>} : memref<2x128x128xf32, #tpu.memory_space<vmem>>, vector<16xf32>,
        %get3A_478 = arith.constant 1 : i32
        %get3A_479 = arith.index_cast %get3A_478 : i32 to index
        %get3A_480 = arith.index_cast %add3A_461 : i32 to index
        %get3A_481 = arith.constant 16 : index
        %get3A_482 = tpu.vector_load %arg13[%get3A_479, %get3A_480, %get3A_481] {strides = array<i32>} : memref<2x128x128xf32, #tpu.memory_space<vmem>>, vector<16xf32>,
        %mul3A_483 = arith.mulf %get3A_477, %get3A_482 : vector<16xf32>
        %add3A_484 = arith.addf %mul3A_472, %mul3A_483 : vector<16xf32>
        %get3A_485 = arith.constant 1 : i32
        %get3A_486 = arith.index_cast %get3A_485 : i32 to index
        %get3A_487 = arith.index_cast %add3A_461 : i32 to index
        %get3A_488 = arith.constant 32 : index
        %get3A_489 = tpu.vector_load %arg12[%get3A_486, %get3A_487, %get3A_488] {strides = array<i32>} : memref<2x128x128xf32, #tpu.memory_space<vmem>>, vector<16xf32>,
        %get3A_490 = arith.constant 1 : i32
        %get3A_491 = arith.index_cast %get3A_490 : i32 to index
        %get3A_492 = arith.index_cast %add3A_461 : i32 to index
        %get3A_493 = arith.constant 32 : index
        %get3A_494 = tpu.vector_load %arg13[%get3A_491, %get3A_492, %get3A_493] {strides = array<i32>} : memref<2x128x128xf32, #tpu.memory_space<vmem>>, vector<16xf32>,
        %mul3A_495 = arith.mulf %get3A_489, %get3A_494 : vector<16xf32>
        %add3A_496 = arith.addf %add3A_484, %mul3A_495 : vector<16xf32>
        %get3A_497 = arith.constant 1 : i32
        %get3A_498 = arith.index_cast %get3A_497 : i32 to index
        %get3A_499 = arith.index_cast %add3A_461 : i32 to index
        %get3A_500 = arith.constant 48 : index
        %get3A_501 = tpu.vector_load %arg12[%get3A_498, %get3A_499, %get3A_500] {strides = array<i32>} : memref<2x128x128xf32, #tpu.memory_space<vmem>>, vector<16xf32>,
        %get3A_502 = arith.constant 1 : i32
        %get3A_503 = arith.index_cast %get3A_502 : i32 to index
        %get3A_504 = arith.index_cast %add3A_461 : i32 to index
        %get3A_505 = arith.constant 48 : index
        %get3A_506 = tpu.vector_load %arg13[%get3A_503, %get3A_504, %get3A_505] {strides = array<i32>} : memref<2x128x128xf32, #tpu.memory_space<vmem>>, vector<16xf32>,
        %mul3A_507 = arith.mulf %get3A_501, %get3A_506 : vector<16xf32>
        %add3A_508 = arith.addf %add3A_496, %mul3A_507 : vector<16xf32>
        %get3A_509 = arith.constant 1 : i32
        %get3A_510 = arith.index_cast %get3A_509 : i32 to index
        %get3A_511 = arith.index_cast %add3A_461 : i32 to index
        %get3A_512 = arith.constant 64 : index
        %get3A_513 = tpu.vector_load %arg12[%get3A_510, %get3A_511, %get3A_512] {strides = array<i32>} : memref<2x128x128xf32, #tpu.memory_space<vmem>>, vector<16xf32>,
        %get3A_514 = arith.constant 1 : i32
        %get3A_515 = arith.index_cast %get3A_514 : i32 to index
        %get3A_516 = arith.index_cast %add3A_461 : i32 to index
        %get3A_517 = arith.constant 64 : index
        %get3A_518 = tpu.vector_load %arg13[%get3A_515, %get3A_516, %get3A_517] {strides = array<i32>} : memref<2x128x128xf32, #tpu.memory_space<vmem>>, vector<16xf32>,
        %mul3A_519 = arith.mulf %get3A_513, %get3A_518 : vector<16xf32>
        %add3A_520 = arith.addf %add3A_508, %mul3A_519 : vector<16xf32>
        %get3A_521 = arith.constant 1 : i32
        %get3A_522 = arith.index_cast %get3A_521 : i32 to index
        %get3A_523 = arith.index_cast %add3A_461 : i32 to index
        %get3A_524 = arith.constant 80 : index
        %get3A_525 = tpu.vector_load %arg12[%get3A_522, %get3A_523, %get3A_524] {strides = array<i32>} : memref<2x128x128xf32, #tpu.memory_space<vmem>>, vector<16xf32>,
        %get3A_526 = arith.constant 1 : i32
        %get3A_527 = arith.index_cast %get3A_526 : i32 to index
        %get3A_528 = arith.index_cast %add3A_461 : i32 to index
        %get3A_529 = arith.constant 80 : index
        %get3A_530 = tpu.vector_load %arg13[%get3A_527, %get3A_528, %get3A_529] {strides = array<i32>} : memref<2x128x128xf32, #tpu.memory_space<vmem>>, vector<16xf32>,
        %mul3A_531 = arith.mulf %get3A_525, %get3A_530 : vector<16xf32>
        %add3A_532 = arith.addf %add3A_520, %mul3A_531 : vector<16xf32>
        %get3A_533 = arith.constant 1 : i32
        %get3A_534 = arith.index_cast %get3A_533 : i32 to index
        %get3A_535 = arith.index_cast %add3A_461 : i32 to index
        %get3A_536 = arith.constant 96 : index
        %get3A_537 = tpu.vector_load %arg12[%get3A_534, %get3A_535, %get3A_536] {strides = array<i32>} : memref<2x128x128xf32, #tpu.memory_space<vmem>>, vector<16xf32>,
        %get3A_538 = arith.constant 1 : i32
        %get3A_539 = arith.index_cast %get3A_538 : i32 to index
        %get3A_540 = arith.index_cast %add3A_461 : i32 to index
        %get3A_541 = arith.constant 96 : index
        %get3A_542 = tpu.vector_load %arg13[%get3A_539, %get3A_540, %get3A_541] {strides = array<i32>} : memref<2x128x128xf32, #tpu.memory_space<vmem>>, vector<16xf32>,
        %mul3A_543 = arith.mulf %get3A_537, %get3A_542 : vector<16xf32>
        %add3A_544 = arith.addf %add3A_532, %mul3A_543 : vector<16xf32>
        %get3A_545 = arith.constant 1 : i32
        %get3A_546 = arith.index_cast %get3A_545 : i32 to index
        %get3A_547 = arith.index_cast %add3A_461 : i32 to index
        %get3A_548 = arith.constant 112 : index
        %get3A_549 = tpu.vector_load %arg12[%get3A_546, %get3A_547, %get3A_548] {strides = array<i32>} : memref<2x128x128xf32, #tpu.memory_space<vmem>>, vector<16xf32>,
        %get3A_550 = arith.constant 1 : i32
        %get3A_551 = arith.index_cast %get3A_550 : i32 to index
        %get3A_552 = arith.index_cast %add3A_461 : i32 to index
        %get3A_553 = arith.constant 112 : index
        %get3A_554 = tpu.vector_load %arg13[%get3A_551, %get3A_552, %get3A_553] {strides = array<i32>} : memref<2x128x128xf32, #tpu.memory_space<vmem>>, vector<16xf32>,
        %mul3A_555 = arith.mulf %get3A_549, %get3A_554 : vector<16xf32>
        %add3A_556 = arith.addf %add3A_544, %mul3A_555 : vector<16xf32>
        %reduce_sum3A_557 = arith.constant true
        %reduce_sum3A_558 = vector.broadcast %reduce_sum3A_557 : i1 to vector<16xi1>
        %reduce_sum3A_559 = tpu.scan <sum>, %add3A_556 masked %reduce_sum3A_558 : vector<16xf32>, vector<16xi1> -> vector<16xf32>
        %reduce_sum3A_560 = vector.extract %reduce_sum3A_559[15] : f32 from vector<16xf32>
        %eq3A_561 = vector.broadcast %add3A_458 : i32 to vector<16xi32>
        %eq3A_562 = arith.cmpi eq, %iota3A, %eq3A_561 : vector<16xi32>
        %broadcast_in_dim3A_563 = vector.broadcast %reduce_sum3A_560 : f32 to vector<16xf32>
        %select_n3A_564 = arith.select %eq3A_562, %broadcast_in_dim3A_563, %select_n3A : vector<16xi1>, vector<16xf32>
        %mul3A_565 = arith.constant 4 : i32
        %mul3A_566 = arith.muli %scan3A_346, %mul3A_565 : i32
        %add3A_567 = arith.constant 2 : i32
        %add3A_568 = arith.addi %mul3A_566, %add3A_567 : i32
        %mul3A_569 = arith.constant 16 : i32
        %mul3A_570 = arith.muli %scan3A_333, %mul3A_569 : i32
        %add3A_571 = arith.addi %mul3A_570, %add3A_568 : i32
        %get3A_572 = arith.constant 1 : i32
        %get3A_573 = arith.index_cast %get3A_572 : i32 to index
        %get3A_574 = arith.index_cast %add3A_571 : i32 to index
        %get3A_575 = arith.constant 0 : index
        %get3A_576 = tpu.vector_load %arg12[%get3A_573, %get3A_574, %get3A_575] {strides = array<i32>} : memref<2x128x128xf32, #tpu.memory_space<vmem>>, vector<16xf32>,
        %get3A_577 = arith.constant 1 : i32
        %get3A_578 = arith.index_cast %get3A_577 : i32 to index
        %get3A_579 = arith.index_cast %add3A_571 : i32 to index
        %get3A_580 = arith.constant 0 : index
        %get3A_581 = tpu.vector_load %arg13[%get3A_578, %get3A_579, %get3A_580] {strides = array<i32>} : memref<2x128x128xf32, #tpu.memory_space<vmem>>, vector<16xf32>,
        %mul3A_582 = arith.mulf %get3A_576, %get3A_581 : vector<16xf32>
        %get3A_583 = arith.constant 1 : i32
        %get3A_584 = arith.index_cast %get3A_583 : i32 to index
        %get3A_585 = arith.index_cast %add3A_571 : i32 to index
        %get3A_586 = arith.constant 16 : index
        %get3A_587 = tpu.vector_load %arg12[%get3A_584, %get3A_585, %get3A_586] {strides = array<i32>} : memref<2x128x128xf32, #tpu.memory_space<vmem>>, vector<16xf32>,
        %get3A_588 = arith.constant 1 : i32
        %get3A_589 = arith.index_cast %get3A_588 : i32 to index
        %get3A_590 = arith.index_cast %add3A_571 : i32 to index
        %get3A_591 = arith.constant 16 : index
        %get3A_592 = tpu.vector_load %arg13[%get3A_589, %get3A_590, %get3A_591] {strides = array<i32>} : memref<2x128x128xf32, #tpu.memory_space<vmem>>, vector<16xf32>,
        %mul3A_593 = arith.mulf %get3A_587, %get3A_592 : vector<16xf32>
        %add3A_594 = arith.addf %mul3A_582, %mul3A_593 : vector<16xf32>
        %get3A_595 = arith.constant 1 : i32
        %get3A_596 = arith.index_cast %get3A_595 : i32 to index
        %get3A_597 = arith.index_cast %add3A_571 : i32 to index
        %get3A_598 = arith.constant 32 : index
        %get3A_599 = tpu.vector_load %arg12[%get3A_596, %get3A_597, %get3A_598] {strides = array<i32>} : memref<2x128x128xf32, #tpu.memory_space<vmem>>, vector<16xf32>,
        %get3A_600 = arith.constant 1 : i32
        %get3A_601 = arith.index_cast %get3A_600 : i32 to index
        %get3A_602 = arith.index_cast %add3A_571 : i32 to index
        %get3A_603 = arith.constant 32 : index
        %get3A_604 = tpu.vector_load %arg13[%get3A_601, %get3A_602, %get3A_603] {strides = array<i32>} : memref<2x128x128xf32, #tpu.memory_space<vmem>>, vector<16xf32>,
        %mul3A_605 = arith.mulf %get3A_599, %get3A_604 : vector<16xf32>
        %add3A_606 = arith.addf %add3A_594, %mul3A_605 : vector<16xf32>
        %get3A_607 = arith.constant 1 : i32
        %get3A_608 = arith.index_cast %get3A_607 : i32 to index
        %get3A_609 = arith.index_cast %add3A_571 : i32 to index
        %get3A_610 = arith.constant 48 : index
        %get3A_611 = tpu.vector_load %arg12[%get3A_608, %get3A_609, %get3A_610] {strides = array<i32>} : memref<2x128x128xf32, #tpu.memory_space<vmem>>, vector<16xf32>,
        %get3A_612 = arith.constant 1 : i32
        %get3A_613 = arith.index_cast %get3A_612 : i32 to index
        %get3A_614 = arith.index_cast %add3A_571 : i32 to index
        %get3A_615 = arith.constant 48 : index
        %get3A_616 = tpu.vector_load %arg13[%get3A_613, %get3A_614, %get3A_615] {strides = array<i32>} : memref<2x128x128xf32, #tpu.memory_space<vmem>>, vector<16xf32>,
        %mul3A_617 = arith.mulf %get3A_611, %get3A_616 : vector<16xf32>
        %add3A_618 = arith.addf %add3A_606, %mul3A_617 : vector<16xf32>
        %get3A_619 = arith.constant 1 : i32
        %get3A_620 = arith.index_cast %get3A_619 : i32 to index
        %get3A_621 = arith.index_cast %add3A_571 : i32 to index
        %get3A_622 = arith.constant 64 : index
        %get3A_623 = tpu.vector_load %arg12[%get3A_620, %get3A_621, %get3A_622] {strides = array<i32>} : memref<2x128x128xf32, #tpu.memory_space<vmem>>, vector<16xf32>,
        %get3A_624 = arith.constant 1 : i32
        %get3A_625 = arith.index_cast %get3A_624 : i32 to index
        %get3A_626 = arith.index_cast %add3A_571 : i32 to index
        %get3A_627 = arith.constant 64 : index
        %get3A_628 = tpu.vector_load %arg13[%get3A_625, %get3A_626, %get3A_627] {strides = array<i32>} : memref<2x128x128xf32, #tpu.memory_space<vmem>>, vector<16xf32>,
        %mul3A_629 = arith.mulf %get3A_623, %get3A_628 : vector<16xf32>
        %add3A_630 = arith.addf %add3A_618, %mul3A_629 : vector<16xf32>
        %get3A_631 = arith.constant 1 : i32
        %get3A_632 = arith.index_cast %get3A_631 : i32 to index
        %get3A_633 = arith.index_cast %add3A_571 : i32 to index
        %get3A_634 = arith.constant 80 : index
        %get3A_635 = tpu.vector_load %arg12[%get3A_632, %get3A_633, %get3A_634] {strides = array<i32>} : memref<2x128x128xf32, #tpu.memory_space<vmem>>, vector<16xf32>,
        %get3A_636 = arith.constant 1 : i32
        %get3A_637 = arith.index_cast %get3A_636 : i32 to index
        %get3A_638 = arith.index_cast %add3A_571 : i32 to index
        %get3A_639 = arith.constant 80 : index
        %get3A_640 = tpu.vector_load %arg13[%get3A_637, %get3A_638, %get3A_639] {strides = array<i32>} : memref<2x128x128xf32, #tpu.memory_space<vmem>>, vector<16xf32>,
        %mul3A_641 = arith.mulf %get3A_635, %get3A_640 : vector<16xf32>
        %add3A_642 = arith.addf %add3A_630, %mul3A_641 : vector<16xf32>
        %get3A_643 = arith.constant 1 : i32
        %get3A_644 = arith.index_cast %get3A_643 : i32 to index
        %get3A_645 = arith.index_cast %add3A_571 : i32 to index
        %get3A_646 = arith.constant 96 : index
        %get3A_647 = tpu.vector_load %arg12[%get3A_644, %get3A_645, %get3A_646] {strides = array<i32>} : memref<2x128x128xf32, #tpu.memory_space<vmem>>, vector<16xf32>,
        %get3A_648 = arith.constant 1 : i32
        %get3A_649 = arith.index_cast %get3A_648 : i32 to index
        %get3A_650 = arith.index_cast %add3A_571 : i32 to index
        %get3A_651 = arith.constant 96 : index
        %get3A_652 = tpu.vector_load %arg13[%get3A_649, %get3A_650, %get3A_651] {strides = array<i32>} : memref<2x128x128xf32, #tpu.memory_space<vmem>>, vector<16xf32>,
        %mul3A_653 = arith.mulf %get3A_647, %get3A_652 : vector<16xf32>
        %add3A_654 = arith.addf %add3A_642, %mul3A_653 : vector<16xf32>
        %get3A_655 = arith.constant 1 : i32
        %get3A_656 = arith.index_cast %get3A_655 : i32 to index
        %get3A_657 = arith.index_cast %add3A_571 : i32 to index
        %get3A_658 = arith.constant 112 : index
        %get3A_659 = tpu.vector_load %arg12[%get3A_656, %get3A_657, %get3A_658] {strides = array<i32>} : memref<2x128x128xf32, #tpu.memory_space<vmem>>, vector<16xf32>,
        %get3A_660 = arith.constant 1 : i32
        %get3A_661 = arith.index_cast %get3A_660 : i32 to index
        %get3A_662 = arith.index_cast %add3A_571 : i32 to index
        %get3A_663 = arith.constant 112 : index
        %get3A_664 = tpu.vector_load %arg13[%get3A_661, %get3A_662, %get3A_663] {strides = array<i32>} : memref<2x128x128xf32, #tpu.memory_space<vmem>>, vector<16xf32>,
        %mul3A_665 = arith.mulf %get3A_659, %get3A_664 : vector<16xf32>
        %add3A_666 = arith.addf %add3A_654, %mul3A_665 : vector<16xf32>
        %reduce_sum3A_667 = arith.constant true
        %reduce_sum3A_668 = vector.broadcast %reduce_sum3A_667 : i1 to vector<16xi1>
        %reduce_sum3A_669 = tpu.scan <sum>, %add3A_666 masked %reduce_sum3A_668 : vector<16xf32>, vector<16xi1> -> vector<16xf32>
        %reduce_sum3A_670 = vector.extract %reduce_sum3A_669[15] : f32 from vector<16xf32>
        %eq3A_671 = vector.broadcast %add3A_568 : i32 to vector<16xi32>
        %eq3A_672 = arith.cmpi eq, %iota3A, %eq3A_671 : vector<16xi32>
        %broadcast_in_dim3A_673 = vector.broadcast %reduce_sum3A_670 : f32 to vector<16xf32>
        %select_n3A_674 = arith.select %eq3A_672, %broadcast_in_dim3A_673, %select_n3A_564 : vector<16xi1>, vector<16xf32>
        %mul3A_675 = arith.constant 4 : i32
        %mul3A_676 = arith.muli %scan3A_346, %mul3A_675 : i32
        %add3A_677 = arith.constant 3 : i32
        %add3A_678 = arith.addi %mul3A_676, %add3A_677 : i32
        %mul3A_679 = arith.constant 16 : i32
        %mul3A_680 = arith.muli %scan3A_333, %mul3A_679 : i32
        %add3A_681 = arith.addi %mul3A_680, %add3A_678 : i32
        %get3A_682 = arith.constant 1 : i32
        %get3A_683 = arith.index_cast %get3A_682 : i32 to index
        %get3A_684 = arith.index_cast %add3A_681 : i32 to index
        %get3A_685 = arith.constant 0 : index
        %get3A_686 = tpu.vector_load %arg12[%get3A_683, %get3A_684, %get3A_685] {strides = array<i32>} : memref<2x128x128xf32, #tpu.memory_space<vmem>>, vector<16xf32>,
        %get3A_687 = arith.constant 1 : i32
        %get3A_688 = arith.index_cast %get3A_687 : i32 to index
        %get3A_689 = arith.index_cast %add3A_681 : i32 to index
        %get3A_690 = arith.constant 0 : index
        %get3A_691 = tpu.vector_load %arg13[%get3A_688, %get3A_689, %get3A_690] {strides = array<i32>} : memref<2x128x128xf32, #tpu.memory_space<vmem>>, vector<16xf32>,
        %mul3A_692 = arith.mulf %get3A_686, %get3A_691 : vector<16xf32>
        %get3A_693 = arith.constant 1 : i32
        %get3A_694 = arith.index_cast %get3A_693 : i32 to index
        %get3A_695 = arith.index_cast %add3A_681 : i32 to index
        %get3A_696 = arith.constant 16 : index
        %get3A_697 = tpu.vector_load %arg12[%get3A_694, %get3A_695, %get3A_696] {strides = array<i32>} : memref<2x128x128xf32, #tpu.memory_space<vmem>>, vector<16xf32>,
        %get3A_698 = arith.constant 1 : i32
        %get3A_699 = arith.index_cast %get3A_698 : i32 to index
        %get3A_700 = arith.index_cast %add3A_681 : i32 to index
        %get3A_701 = arith.constant 16 : index
        %get3A_702 = tpu.vector_load %arg13[%get3A_699, %get3A_700, %get3A_701] {strides = array<i32>} : memref<2x128x128xf32, #tpu.memory_space<vmem>>, vector<16xf32>,
        %mul3A_703 = arith.mulf %get3A_697, %get3A_702 : vector<16xf32>
        %add3A_704 = arith.addf %mul3A_692, %mul3A_703 : vector<16xf32>
        %get3A_705 = arith.constant 1 : i32
        %get3A_706 = arith.index_cast %get3A_705 : i32 to index
        %get3A_707 = arith.index_cast %add3A_681 : i32 to index
        %get3A_708 = arith.constant 32 : index
        %get3A_709 = tpu.vector_load %arg12[%get3A_706, %get3A_707, %get3A_708] {strides = array<i32>} : memref<2x128x128xf32, #tpu.memory_space<vmem>>, vector<16xf32>,
        %get3A_710 = arith.constant 1 : i32
        %get3A_711 = arith.index_cast %get3A_710 : i32 to index
        %get3A_712 = arith.index_cast %add3A_681 : i32 to index
        %get3A_713 = arith.constant 32 : index
        %get3A_714 = tpu.vector_load %arg13[%get3A_711, %get3A_712, %get3A_713] {strides = array<i32>} : memref<2x128x128xf32, #tpu.memory_space<vmem>>, vector<16xf32>,
        %mul3A_715 = arith.mulf %get3A_709, %get3A_714 : vector<16xf32>
        %add3A_716 = arith.addf %add3A_704, %mul3A_715 : vector<16xf32>
        %get3A_717 = arith.constant 1 : i32
        %get3A_718 = arith.index_cast %get3A_717 : i32 to index
        %get3A_719 = arith.index_cast %add3A_681 : i32 to index
        %get3A_720 = arith.constant 48 : index
        %get3A_721 = tpu.vector_load %arg12[%get3A_718, %get3A_719, %get3A_720] {strides = array<i32>} : memref<2x128x128xf32, #tpu.memory_space<vmem>>, vector<16xf32>,
        %get3A_722 = arith.constant 1 : i32
        %get3A_723 = arith.index_cast %get3A_722 : i32 to index
        %get3A_724 = arith.index_cast %add3A_681 : i32 to index
        %get3A_725 = arith.constant 48 : index
        %get3A_726 = tpu.vector_load %arg13[%get3A_723, %get3A_724, %get3A_725] {strides = array<i32>} : memref<2x128x128xf32, #tpu.memory_space<vmem>>, vector<16xf32>,
        %mul3A_727 = arith.mulf %get3A_721, %get3A_726 : vector<16xf32>
        %add3A_728 = arith.addf %add3A_716, %mul3A_727 : vector<16xf32>
        %get3A_729 = arith.constant 1 : i32
        %get3A_730 = arith.index_cast %get3A_729 : i32 to index
        %get3A_731 = arith.index_cast %add3A_681 : i32 to index
        %get3A_732 = arith.constant 64 : index
        %get3A_733 = tpu.vector_load %arg12[%get3A_730, %get3A_731, %get3A_732] {strides = array<i32>} : memref<2x128x128xf32, #tpu.memory_space<vmem>>, vector<16xf32>,
        %get3A_734 = arith.constant 1 : i32
        %get3A_735 = arith.index_cast %get3A_734 : i32 to index
        %get3A_736 = arith.index_cast %add3A_681 : i32 to index
        %get3A_737 = arith.constant 64 : index
        %get3A_738 = tpu.vector_load %arg13[%get3A_735, %get3A_736, %get3A_737] {strides = array<i32>} : memref<2x128x128xf32, #tpu.memory_space<vmem>>, vector<16xf32>,
        %mul3A_739 = arith.mulf %get3A_733, %get3A_738 : vector<16xf32>
        %add3A_740 = arith.addf %add3A_728, %mul3A_739 : vector<16xf32>
        %get3A_741 = arith.constant 1 : i32
        %get3A_742 = arith.index_cast %get3A_741 : i32 to index
        %get3A_743 = arith.index_cast %add3A_681 : i32 to index
        %get3A_744 = arith.constant 80 : index
        %get3A_745 = tpu.vector_load %arg12[%get3A_742, %get3A_743, %get3A_744] {strides = array<i32>} : memref<2x128x128xf32, #tpu.memory_space<vmem>>, vector<16xf32>,
        %get3A_746 = arith.constant 1 : i32
        %get3A_747 = arith.index_cast %get3A_746 : i32 to index
        %get3A_748 = arith.index_cast %add3A_681 : i32 to index
        %get3A_749 = arith.constant 80 : index
        %get3A_750 = tpu.vector_load %arg13[%get3A_747, %get3A_748, %get3A_749] {strides = array<i32>} : memref<2x128x128xf32, #tpu.memory_space<vmem>>, vector<16xf32>,
        %mul3A_751 = arith.mulf %get3A_745, %get3A_750 : vector<16xf32>
        %add3A_752 = arith.addf %add3A_740, %mul3A_751 : vector<16xf32>
        %get3A_753 = arith.constant 1 : i32
        %get3A_754 = arith.index_cast %get3A_753 : i32 to index
        %get3A_755 = arith.index_cast %add3A_681 : i32 to index
        %get3A_756 = arith.constant 96 : index
        %get3A_757 = tpu.vector_load %arg12[%get3A_754, %get3A_755, %get3A_756] {strides = array<i32>} : memref<2x128x128xf32, #tpu.memory_space<vmem>>, vector<16xf32>,
        %get3A_758 = arith.constant 1 : i32
        %get3A_759 = arith.index_cast %get3A_758 : i32 to index
        %get3A_760 = arith.index_cast %add3A_681 : i32 to index
        %get3A_761 = arith.constant 96 : index
        %get3A_762 = tpu.vector_load %arg13[%get3A_759, %get3A_760, %get3A_761] {strides = array<i32>} : memref<2x128x128xf32, #tpu.memory_space<vmem>>, vector<16xf32>,
        %mul3A_763 = arith.mulf %get3A_757, %get3A_762 : vector<16xf32>
        %add3A_764 = arith.addf %add3A_752, %mul3A_763 : vector<16xf32>
        %get3A_765 = arith.constant 1 : i32
        %get3A_766 = arith.index_cast %get3A_765 : i32 to index
        %get3A_767 = arith.index_cast %add3A_681 : i32 to index
        %get3A_768 = arith.constant 112 : index
        %get3A_769 = tpu.vector_load %arg12[%get3A_766, %get3A_767, %get3A_768] {strides = array<i32>} : memref<2x128x128xf32, #tpu.memory_space<vmem>>, vector<16xf32>,
        %get3A_770 = arith.constant 1 : i32
        %get3A_771 = arith.index_cast %get3A_770 : i32 to index
        %get3A_772 = arith.index_cast %add3A_681 : i32 to index
        %get3A_773 = arith.constant 112 : index
        %get3A_774 = tpu.vector_load %arg13[%get3A_771, %get3A_772, %get3A_773] {strides = array<i32>} : memref<2x128x128xf32, #tpu.memory_space<vmem>>, vector<16xf32>,
        %mul3A_775 = arith.mulf %get3A_769, %get3A_774 : vector<16xf32>
        %add3A_776 = arith.addf %add3A_764, %mul3A_775 : vector<16xf32>
        %reduce_sum3A_777 = arith.constant true
        %reduce_sum3A_778 = vector.broadcast %reduce_sum3A_777 : i1 to vector<16xi1>
        %reduce_sum3A_779 = tpu.scan <sum>, %add3A_776 masked %reduce_sum3A_778 : vector<16xf32>, vector<16xi1> -> vector<16xf32>
        %reduce_sum3A_780 = vector.extract %reduce_sum3A_779[15] : f32 from vector<16xf32>
        %eq3A_781 = vector.broadcast %add3A_678 : i32 to vector<16xi32>
        %eq3A_782 = arith.cmpi eq, %iota3A, %eq3A_781 : vector<16xi32>
        %broadcast_in_dim3A_783 = vector.broadcast %reduce_sum3A_780 : f32 to vector<16xf32>
        %select_n3A_784 = arith.select %eq3A_782, %broadcast_in_dim3A_783, %select_n3A_674 : vector<16xi1>, vector<16xf32>
        scf.yield %select_n3A_784 : vector<16xf32>
      }
      %scan3A_340 = arith.constant 4 : i32
      %mul3A_341 = arith.constant 16 : i32
      %mul3A_342 = arith.muli %scan3A_333, %mul3A_341 : i32
      %add3A_343 = arith.constant 64 : i32
      %add3A_344 = arith.addi %add3A_343, %mul3A_342 : i32
      %swap3A = arith.index_cast %add3A_344 : i32 to index
      %swap3A_345 = tpu.vector_load %arg17[%swap3A] {strides = array<i32>} : memref<528xf32, #tpu.memory_space<vmem>>, vector<16xf32>,
      tpu.vector_store %arg17[%swap3A], %scan3A_339 {strides = array<i32>} : memref<528xf32, #tpu.memory_space<vmem>>, vector<16xf32>,
    }
    %scan3A_159 = arith.constant 8 : i32
    %dma_start3A_160 = arith.constant 1 : i32
    %dma_start3A_161 = arith.constant 0 : i32
    %dma_start3A_162 = arith.constant 0 : i32
    %dma_start3A_163 = tpu.memref_slice %arg12[%dma_start3A_160, %dma_start3A_161, %dma_start3A_162] : memref<2x128x128xf32, #tpu.memory_space<vmem>> -> memref<1x128x128xf32, #tpu.memory_space<vmem>>
    %dma_start3A_164 = tpu.memref_squeeze %dma_start3A_163 : memref<1x128x128xf32, #tpu.memory_space<vmem>> -> memref<128x128xf32, #tpu.memory_space<vmem>>
    %dma_start3A_165 = arith.constant 320 : i32
    %dma_start3A_166 = tpu.memref_slice %arg10[%dma_start3A_165] : memref<512xi32, #tpu.memory_space<vmem>> -> memref<128xi32, #tpu.memory_space<vmem>>
    %dma_start3A_167 = arith.constant 0 : i32
    %dma_start3A_168 = arith.constant 0 : i32
    %dma_start3A_169 = tpu.memref_slice %arg4[%dma_start3A_167, %dma_start3A_168] : memref<100000x128xf32, #tpu.memory_space<hbm>> -> memref<100000x128xf32, #tpu.memory_space<hbm>>
    tpu.enqueue_indirect_dma source(%dma_start3A_169 : memref<100000x128xf32, #tpu.memory_space<hbm>>) target(%dma_start3A_164 : memref<128x128xf32, #tpu.memory_space<vmem>>) offsets(%dma_start3A_166 : memref<128xi32, #tpu.memory_space<vmem>>) semaphore(%arg19 : memref<!tpu.dma_semaphore, #tpu.memory_space<semaphore_mem>>)
    %dma_start3A_170 = arith.constant 1 : i32
    %dma_start3A_171 = arith.constant 0 : i32
    %dma_start3A_172 = arith.constant 0 : i32
    %dma_start3A_173 = tpu.memref_slice %arg13[%dma_start3A_170, %dma_start3A_171, %dma_start3A_172] : memref<2x128x128xf32, #tpu.memory_space<vmem>> -> memref<1x128x128xf32, #tpu.memory_space<vmem>>
    %dma_start3A_174 = tpu.memref_squeeze %dma_start3A_173 : memref<1x128x128xf32, #tpu.memory_space<vmem>> -> memref<128x128xf32, #tpu.memory_space<vmem>>
    %dma_start3A_175 = arith.constant 320 : i32
    %dma_start3A_176 = tpu.memref_slice %arg11[%dma_start3A_175] : memref<512xi32, #tpu.memory_space<vmem>> -> memref<128xi32, #tpu.memory_space<vmem>>
    %dma_start3A_177 = arith.constant 0 : i32
    %dma_start3A_178 = arith.constant 0 : i32
    %dma_start3A_179 = tpu.memref_slice %arg5[%dma_start3A_177, %dma_start3A_178] : memref<100000x128xf32, #tpu.memory_space<hbm>> -> memref<100000x128xf32, #tpu.memory_space<hbm>>
    tpu.enqueue_indirect_dma source(%dma_start3A_179 : memref<100000x128xf32, #tpu.memory_space<hbm>>) target(%dma_start3A_174 : memref<128x128xf32, #tpu.memory_space<vmem>>) offsets(%dma_start3A_176 : memref<128xi32, #tpu.memory_space<vmem>>) semaphore(%arg19 : memref<!tpu.dma_semaphore, #tpu.memory_space<semaphore_mem>>)
    %dma_wait3A_180 = arith.constant 0 : i32
    %dma_wait3A_181 = arith.constant 0 : i32
    %dma_wait3A_182 = arith.constant 0 : i32
    %dma_wait3A_183 = tpu.memref_slice %arg12[%dma_wait3A_180, %dma_wait3A_181, %dma_wait3A_182] : memref<2x128x128xf32, #tpu.memory_space<vmem>> -> memref<1x128x128xf32, #tpu.memory_space<vmem>>
    %dma_wait3A_184 = tpu.memref_squeeze %dma_wait3A_183 : memref<1x128x128xf32, #tpu.memory_space<vmem>> -> memref<128x128xf32, #tpu.memory_space<vmem>>
    %dma_wait3A_185 = arith.constant 192 : i32
    %dma_wait3A_186 = tpu.memref_slice %arg10[%dma_wait3A_185] : memref<512xi32, #tpu.memory_space<vmem>> -> memref<128xi32, #tpu.memory_space<vmem>>
    %dma_wait3A_187 = arith.constant 0 : i32
    %dma_wait3A_188 = arith.constant 0 : i32
    %dma_wait3A_189 = tpu.memref_slice %arg4[%dma_wait3A_187, %dma_wait3A_188] : memref<100000x128xf32, #tpu.memory_space<hbm>> -> memref<100000x128xf32, #tpu.memory_space<hbm>>
    tpu.wait_indirect_dma semaphore(%arg18 : memref<!tpu.dma_semaphore, #tpu.memory_space<semaphore_mem>>) src(%dma_wait3A_189 : memref<100000x128xf32, #tpu.memory_space<hbm>>) dst(%dma_wait3A_184 : memref<128x128xf32, #tpu.memory_space<vmem>>)
    %dma_wait3A_190 = arith.constant 0 : i32
    %dma_wait3A_191 = arith.constant 0 : i32
    %dma_wait3A_192 = arith.constant 0 : i32
    %dma_wait3A_193 = tpu.memref_slice %arg13[%dma_wait3A_190, %dma_wait3A_191, %dma_wait3A_192] : memref<2x128x128xf32, #tpu.memory_space<vmem>> -> memref<1x128x128xf32, #tpu.memory_space<vmem>>
    %dma_wait3A_194 = tpu.memref_squeeze %dma_wait3A_193 : memref<1x128x128xf32, #tpu.memory_space<vmem>> -> memref<128x128xf32, #tpu.memory_space<vmem>>
    %dma_wait3A_195 = arith.constant 192 : i32
    %dma_wait3A_196 = tpu.memref_slice %arg11[%dma_wait3A_195] : memref<512xi32, #tpu.memory_space<vmem>> -> memref<128xi32, #tpu.memory_space<vmem>>
    %dma_wait3A_197 = arith.constant 0 : i32
    %dma_wait3A_198 = arith.constant 0 : i32
    %dma_wait3A_199 = tpu.memref_slice %arg5[%dma_wait3A_197, %dma_wait3A_198] : memref<100000x128xf32, #tpu.memory_space<hbm>> -> memref<100000x128xf32, #tpu.memory_space<hbm>>
    tpu.wait_indirect_dma semaphore(%arg18 : memref<!tpu.dma_semaphore, #tpu.memory_space<semaphore_mem>>) src(%dma_wait3A_199 : memref<100000x128xf32, #tpu.memory_space<hbm>>) dst(%dma_wait3A_194 : memref<128x128xf32, #tpu.memory_space<vmem>>)
    %scan3A_200 = arith.constant 0 : i32
    %scan3A_201 = arith.constant 0 : i32
    %scan3A_202 = arith.constant 8 : i32
    %scan3A_203 = arith.addi %scan3A_201, %scan3A_202 : i32
    %scan3A_204 = arith.constant 1 : i32
    scf.for %scan3A_333 = %scan3A_201 to %scan3A_203 step %scan3A_204  : i32 {
      %broadcast_in_dim3A = arith.constant 0.000000e+00 : f32
      %broadcast_in_dim3A_334 = vector.broadcast %broadcast_in_dim3A : f32 to vector<16xf32>
      %scan3A_335 = arith.constant 0 : i32
      %scan3A_336 = arith.constant 4 : i32
      %scan3A_337 = arith.addi %scan3A_335, %scan3A_336 : i32
      %scan3A_338 = arith.constant 1 : i32
      %scan3A_339 = scf.for %scan3A_346 = %scan3A_335 to %scan3A_337 step %scan3A_338 iter_args(%scan3A_347 = %broadcast_in_dim3A_334) -> (vector<16xf32>)  : i32 {
        %mul3A_348 = arith.constant 4 : i32
        %mul3A_349 = arith.muli %scan3A_346, %mul3A_348 : i32
        %add3A_350 = arith.constant 0 : i32
        %add3A_351 = arith.addi %mul3A_349, %add3A_350 : i32
        %mul3A_352 = arith.constant 16 : i32
        %mul3A_353 = arith.muli %scan3A_333, %mul3A_352 : i32
        %add3A_354 = arith.addi %mul3A_353, %add3A_351 : i32
        %get3A_355 = arith.constant 0 : i32
        %get3A_356 = arith.index_cast %get3A_355 : i32 to index
        %get3A_357 = arith.index_cast %add3A_354 : i32 to index
        %get3A_358 = arith.constant 0 : index
        %get3A_359 = tpu.vector_load %arg12[%get3A_356, %get3A_357, %get3A_358] {strides = array<i32>} : memref<2x128x128xf32, #tpu.memory_space<vmem>>, vector<16xf32>,
        %get3A_360 = arith.constant 0 : i32
        %get3A_361 = arith.index_cast %get3A_360 : i32 to index
        %get3A_362 = arith.index_cast %add3A_354 : i32 to index
        %get3A_363 = arith.constant 0 : index
        %get3A_364 = tpu.vector_load %arg13[%get3A_361, %get3A_362, %get3A_363] {strides = array<i32>} : memref<2x128x128xf32, #tpu.memory_space<vmem>>, vector<16xf32>,
        %mul3A_365 = arith.mulf %get3A_359, %get3A_364 : vector<16xf32>
        %get3A_366 = arith.constant 0 : i32
        %get3A_367 = arith.index_cast %get3A_366 : i32 to index
        %get3A_368 = arith.index_cast %add3A_354 : i32 to index
        %get3A_369 = arith.constant 16 : index
        %get3A_370 = tpu.vector_load %arg12[%get3A_367, %get3A_368, %get3A_369] {strides = array<i32>} : memref<2x128x128xf32, #tpu.memory_space<vmem>>, vector<16xf32>,
        %get3A_371 = arith.constant 0 : i32
        %get3A_372 = arith.index_cast %get3A_371 : i32 to index
        %get3A_373 = arith.index_cast %add3A_354 : i32 to index
        %get3A_374 = arith.constant 16 : index
        %get3A_375 = tpu.vector_load %arg13[%get3A_372, %get3A_373, %get3A_374] {strides = array<i32>} : memref<2x128x128xf32, #tpu.memory_space<vmem>>, vector<16xf32>,
        %mul3A_376 = arith.mulf %get3A_370, %get3A_375 : vector<16xf32>
        %add3A_377 = arith.addf %mul3A_365, %mul3A_376 : vector<16xf32>
        %get3A_378 = arith.constant 0 : i32
        %get3A_379 = arith.index_cast %get3A_378 : i32 to index
        %get3A_380 = arith.index_cast %add3A_354 : i32 to index
        %get3A_381 = arith.constant 32 : index
        %get3A_382 = tpu.vector_load %arg12[%get3A_379, %get3A_380, %get3A_381] {strides = array<i32>} : memref<2x128x128xf32, #tpu.memory_space<vmem>>, vector<16xf32>,
        %get3A_383 = arith.constant 0 : i32
        %get3A_384 = arith.index_cast %get3A_383 : i32 to index
        %get3A_385 = arith.index_cast %add3A_354 : i32 to index
        %get3A_386 = arith.constant 32 : index
        %get3A_387 = tpu.vector_load %arg13[%get3A_384, %get3A_385, %get3A_386] {strides = array<i32>} : memref<2x128x128xf32, #tpu.memory_space<vmem>>, vector<16xf32>,
        %mul3A_388 = arith.mulf %get3A_382, %get3A_387 : vector<16xf32>
        %add3A_389 = arith.addf %add3A_377, %mul3A_388 : vector<16xf32>
        %get3A_390 = arith.constant 0 : i32
        %get3A_391 = arith.index_cast %get3A_390 : i32 to index
        %get3A_392 = arith.index_cast %add3A_354 : i32 to index
        %get3A_393 = arith.constant 48 : index
        %get3A_394 = tpu.vector_load %arg12[%get3A_391, %get3A_392, %get3A_393] {strides = array<i32>} : memref<2x128x128xf32, #tpu.memory_space<vmem>>, vector<16xf32>,
        %get3A_395 = arith.constant 0 : i32
        %get3A_396 = arith.index_cast %get3A_395 : i32 to index
        %get3A_397 = arith.index_cast %add3A_354 : i32 to index
        %get3A_398 = arith.constant 48 : index
        %get3A_399 = tpu.vector_load %arg13[%get3A_396, %get3A_397, %get3A_398] {strides = array<i32>} : memref<2x128x128xf32, #tpu.memory_space<vmem>>, vector<16xf32>,
        %mul3A_400 = arith.mulf %get3A_394, %get3A_399 : vector<16xf32>
        %add3A_401 = arith.addf %add3A_389, %mul3A_400 : vector<16xf32>
        %get3A_402 = arith.constant 0 : i32
        %get3A_403 = arith.index_cast %get3A_402 : i32 to index
        %get3A_404 = arith.index_cast %add3A_354 : i32 to index
        %get3A_405 = arith.constant 64 : index
        %get3A_406 = tpu.vector_load %arg12[%get3A_403, %get3A_404, %get3A_405] {strides = array<i32>} : memref<2x128x128xf32, #tpu.memory_space<vmem>>, vector<16xf32>,
        %get3A_407 = arith.constant 0 : i32
        %get3A_408 = arith.index_cast %get3A_407 : i32 to index
        %get3A_409 = arith.index_cast %add3A_354 : i32 to index
        %get3A_410 = arith.constant 64 : index
        %get3A_411 = tpu.vector_load %arg13[%get3A_408, %get3A_409, %get3A_410] {strides = array<i32>} : memref<2x128x128xf32, #tpu.memory_space<vmem>>, vector<16xf32>,
        %mul3A_412 = arith.mulf %get3A_406, %get3A_411 : vector<16xf32>
        %add3A_413 = arith.addf %add3A_401, %mul3A_412 : vector<16xf32>
        %get3A_414 = arith.constant 0 : i32
        %get3A_415 = arith.index_cast %get3A_414 : i32 to index
        %get3A_416 = arith.index_cast %add3A_354 : i32 to index
        %get3A_417 = arith.constant 80 : index
        %get3A_418 = tpu.vector_load %arg12[%get3A_415, %get3A_416, %get3A_417] {strides = array<i32>} : memref<2x128x128xf32, #tpu.memory_space<vmem>>, vector<16xf32>,
        %get3A_419 = arith.constant 0 : i32
        %get3A_420 = arith.index_cast %get3A_419 : i32 to index
        %get3A_421 = arith.index_cast %add3A_354 : i32 to index
        %get3A_422 = arith.constant 80 : index
        %get3A_423 = tpu.vector_load %arg13[%get3A_420, %get3A_421, %get3A_422] {strides = array<i32>} : memref<2x128x128xf32, #tpu.memory_space<vmem>>, vector<16xf32>,
        %mul3A_424 = arith.mulf %get3A_418, %get3A_423 : vector<16xf32>
        %add3A_425 = arith.addf %add3A_413, %mul3A_424 : vector<16xf32>
        %get3A_426 = arith.constant 0 : i32
        %get3A_427 = arith.index_cast %get3A_426 : i32 to index
        %get3A_428 = arith.index_cast %add3A_354 : i32 to index
        %get3A_429 = arith.constant 96 : index
        %get3A_430 = tpu.vector_load %arg12[%get3A_427, %get3A_428, %get3A_429] {strides = array<i32>} : memref<2x128x128xf32, #tpu.memory_space<vmem>>, vector<16xf32>,
        %get3A_431 = arith.constant 0 : i32
        %get3A_432 = arith.index_cast %get3A_431 : i32 to index
        %get3A_433 = arith.index_cast %add3A_354 : i32 to index
        %get3A_434 = arith.constant 96 : index
        %get3A_435 = tpu.vector_load %arg13[%get3A_432, %get3A_433, %get3A_434] {strides = array<i32>} : memref<2x128x128xf32, #tpu.memory_space<vmem>>, vector<16xf32>,
        %mul3A_436 = arith.mulf %get3A_430, %get3A_435 : vector<16xf32>
        %add3A_437 = arith.addf %add3A_425, %mul3A_436 : vector<16xf32>
        %get3A_438 = arith.constant 0 : i32
        %get3A_439 = arith.index_cast %get3A_438 : i32 to index
        %get3A_440 = arith.index_cast %add3A_354 : i32 to index
        %get3A_441 = arith.constant 112 : index
        %get3A_442 = tpu.vector_load %arg12[%get3A_439, %get3A_440, %get3A_441] {strides = array<i32>} : memref<2x128x128xf32, #tpu.memory_space<vmem>>, vector<16xf32>,
        %get3A_443 = arith.constant 0 : i32
        %get3A_444 = arith.index_cast %get3A_443 : i32 to index
        %get3A_445 = arith.index_cast %add3A_354 : i32 to index
        %get3A_446 = arith.constant 112 : index
        %get3A_447 = tpu.vector_load %arg13[%get3A_444, %get3A_445, %get3A_446] {strides = array<i32>} : memref<2x128x128xf32, #tpu.memory_space<vmem>>, vector<16xf32>,
        %mul3A_448 = arith.mulf %get3A_442, %get3A_447 : vector<16xf32>
        %add3A_449 = arith.addf %add3A_437, %mul3A_448 : vector<16xf32>
        %reduce_sum3A = arith.constant true
        %reduce_sum3A_450 = vector.broadcast %reduce_sum3A : i1 to vector<16xi1>
        %reduce_sum3A_451 = tpu.scan <sum>, %add3A_449 masked %reduce_sum3A_450 : vector<16xf32>, vector<16xi1> -> vector<16xf32>
        %reduce_sum3A_452 = vector.extract %reduce_sum3A_451[15] : f32 from vector<16xf32>
        %eq3A = vector.broadcast %add3A_351 : i32 to vector<16xi32>
        %eq3A_453 = arith.cmpi eq, %iota3A, %eq3A : vector<16xi32>
        %broadcast_in_dim3A_454 = vector.broadcast %reduce_sum3A_452 : f32 to vector<16xf32>
        %select_n3A = arith.select %eq3A_453, %broadcast_in_dim3A_454, %scan3A_347 : vector<16xi1>, vector<16xf32>
        %mul3A_455 = arith.constant 4 : i32
        %mul3A_456 = arith.muli %scan3A_346, %mul3A_455 : i32
        %add3A_457 = arith.constant 1 : i32
        %add3A_458 = arith.addi %mul3A_456, %add3A_457 : i32
        %mul3A_459 = arith.constant 16 : i32
        %mul3A_460 = arith.muli %scan3A_333, %mul3A_459 : i32
        %add3A_461 = arith.addi %mul3A_460, %add3A_458 : i32
        %get3A_462 = arith.constant 0 : i32
        %get3A_463 = arith.index_cast %get3A_462 : i32 to index
        %get3A_464 = arith.index_cast %add3A_461 : i32 to index
        %get3A_465 = arith.constant 0 : index
        %get3A_466 = tpu.vector_load %arg12[%get3A_463, %get3A_464, %get3A_465] {strides = array<i32>} : memref<2x128x128xf32, #tpu.memory_space<vmem>>, vector<16xf32>,
        %get3A_467 = arith.constant 0 : i32
        %get3A_468 = arith.index_cast %get3A_467 : i32 to index
        %get3A_469 = arith.index_cast %add3A_461 : i32 to index
        %get3A_470 = arith.constant 0 : index
        %get3A_471 = tpu.vector_load %arg13[%get3A_468, %get3A_469, %get3A_470] {strides = array<i32>} : memref<2x128x128xf32, #tpu.memory_space<vmem>>, vector<16xf32>,
        %mul3A_472 = arith.mulf %get3A_466, %get3A_471 : vector<16xf32>
        %get3A_473 = arith.constant 0 : i32
        %get3A_474 = arith.index_cast %get3A_473 : i32 to index
        %get3A_475 = arith.index_cast %add3A_461 : i32 to index
        %get3A_476 = arith.constant 16 : index
        %get3A_477 = tpu.vector_load %arg12[%get3A_474, %get3A_475, %get3A_476] {strides = array<i32>} : memref<2x128x128xf32, #tpu.memory_space<vmem>>, vector<16xf32>,
        %get3A_478 = arith.constant 0 : i32
        %get3A_479 = arith.index_cast %get3A_478 : i32 to index
        %get3A_480 = arith.index_cast %add3A_461 : i32 to index
        %get3A_481 = arith.constant 16 : index
        %get3A_482 = tpu.vector_load %arg13[%get3A_479, %get3A_480, %get3A_481] {strides = array<i32>} : memref<2x128x128xf32, #tpu.memory_space<vmem>>, vector<16xf32>,
        %mul3A_483 = arith.mulf %get3A_477, %get3A_482 : vector<16xf32>
        %add3A_484 = arith.addf %mul3A_472, %mul3A_483 : vector<16xf32>
        %get3A_485 = arith.constant 0 : i32
        %get3A_486 = arith.index_cast %get3A_485 : i32 to index
        %get3A_487 = arith.index_cast %add3A_461 : i32 to index
        %get3A_488 = arith.constant 32 : index
        %get3A_489 = tpu.vector_load %arg12[%get3A_486, %get3A_487, %get3A_488] {strides = array<i32>} : memref<2x128x128xf32, #tpu.memory_space<vmem>>, vector<16xf32>,
        %get3A_490 = arith.constant 0 : i32
        %get3A_491 = arith.index_cast %get3A_490 : i32 to index
        %get3A_492 = arith.index_cast %add3A_461 : i32 to index
        %get3A_493 = arith.constant 32 : index
        %get3A_494 = tpu.vector_load %arg13[%get3A_491, %get3A_492, %get3A_493] {strides = array<i32>} : memref<2x128x128xf32, #tpu.memory_space<vmem>>, vector<16xf32>,
        %mul3A_495 = arith.mulf %get3A_489, %get3A_494 : vector<16xf32>
        %add3A_496 = arith.addf %add3A_484, %mul3A_495 : vector<16xf32>
        %get3A_497 = arith.constant 0 : i32
        %get3A_498 = arith.index_cast %get3A_497 : i32 to index
        %get3A_499 = arith.index_cast %add3A_461 : i32 to index
        %get3A_500 = arith.constant 48 : index
        %get3A_501 = tpu.vector_load %arg12[%get3A_498, %get3A_499, %get3A_500] {strides = array<i32>} : memref<2x128x128xf32, #tpu.memory_space<vmem>>, vector<16xf32>,
        %get3A_502 = arith.constant 0 : i32
        %get3A_503 = arith.index_cast %get3A_502 : i32 to index
        %get3A_504 = arith.index_cast %add3A_461 : i32 to index
        %get3A_505 = arith.constant 48 : index
        %get3A_506 = tpu.vector_load %arg13[%get3A_503, %get3A_504, %get3A_505] {strides = array<i32>} : memref<2x128x128xf32, #tpu.memory_space<vmem>>, vector<16xf32>,
        %mul3A_507 = arith.mulf %get3A_501, %get3A_506 : vector<16xf32>
        %add3A_508 = arith.addf %add3A_496, %mul3A_507 : vector<16xf32>
        %get3A_509 = arith.constant 0 : i32
        %get3A_510 = arith.index_cast %get3A_509 : i32 to index
        %get3A_511 = arith.index_cast %add3A_461 : i32 to index
        %get3A_512 = arith.constant 64 : index
        %get3A_513 = tpu.vector_load %arg12[%get3A_510, %get3A_511, %get3A_512] {strides = array<i32>} : memref<2x128x128xf32, #tpu.memory_space<vmem>>, vector<16xf32>,
        %get3A_514 = arith.constant 0 : i32
        %get3A_515 = arith.index_cast %get3A_514 : i32 to index
        %get3A_516 = arith.index_cast %add3A_461 : i32 to index
        %get3A_517 = arith.constant 64 : index
        %get3A_518 = tpu.vector_load %arg13[%get3A_515, %get3A_516, %get3A_517] {strides = array<i32>} : memref<2x128x128xf32, #tpu.memory_space<vmem>>, vector<16xf32>,
        %mul3A_519 = arith.mulf %get3A_513, %get3A_518 : vector<16xf32>
        %add3A_520 = arith.addf %add3A_508, %mul3A_519 : vector<16xf32>
        %get3A_521 = arith.constant 0 : i32
        %get3A_522 = arith.index_cast %get3A_521 : i32 to index
        %get3A_523 = arith.index_cast %add3A_461 : i32 to index
        %get3A_524 = arith.constant 80 : index
        %get3A_525 = tpu.vector_load %arg12[%get3A_522, %get3A_523, %get3A_524] {strides = array<i32>} : memref<2x128x128xf32, #tpu.memory_space<vmem>>, vector<16xf32>,
        %get3A_526 = arith.constant 0 : i32
        %get3A_527 = arith.index_cast %get3A_526 : i32 to index
        %get3A_528 = arith.index_cast %add3A_461 : i32 to index
        %get3A_529 = arith.constant 80 : index
        %get3A_530 = tpu.vector_load %arg13[%get3A_527, %get3A_528, %get3A_529] {strides = array<i32>} : memref<2x128x128xf32, #tpu.memory_space<vmem>>, vector<16xf32>,
        %mul3A_531 = arith.mulf %get3A_525, %get3A_530 : vector<16xf32>
        %add3A_532 = arith.addf %add3A_520, %mul3A_531 : vector<16xf32>
        %get3A_533 = arith.constant 0 : i32
        %get3A_534 = arith.index_cast %get3A_533 : i32 to index
        %get3A_535 = arith.index_cast %add3A_461 : i32 to index
        %get3A_536 = arith.constant 96 : index
        %get3A_537 = tpu.vector_load %arg12[%get3A_534, %get3A_535, %get3A_536] {strides = array<i32>} : memref<2x128x128xf32, #tpu.memory_space<vmem>>, vector<16xf32>,
        %get3A_538 = arith.constant 0 : i32
        %get3A_539 = arith.index_cast %get3A_538 : i32 to index
        %get3A_540 = arith.index_cast %add3A_461 : i32 to index
        %get3A_541 = arith.constant 96 : index
        %get3A_542 = tpu.vector_load %arg13[%get3A_539, %get3A_540, %get3A_541] {strides = array<i32>} : memref<2x128x128xf32, #tpu.memory_space<vmem>>, vector<16xf32>,
        %mul3A_543 = arith.mulf %get3A_537, %get3A_542 : vector<16xf32>
        %add3A_544 = arith.addf %add3A_532, %mul3A_543 : vector<16xf32>
        %get3A_545 = arith.constant 0 : i32
        %get3A_546 = arith.index_cast %get3A_545 : i32 to index
        %get3A_547 = arith.index_cast %add3A_461 : i32 to index
        %get3A_548 = arith.constant 112 : index
        %get3A_549 = tpu.vector_load %arg12[%get3A_546, %get3A_547, %get3A_548] {strides = array<i32>} : memref<2x128x128xf32, #tpu.memory_space<vmem>>, vector<16xf32>,
        %get3A_550 = arith.constant 0 : i32
        %get3A_551 = arith.index_cast %get3A_550 : i32 to index
        %get3A_552 = arith.index_cast %add3A_461 : i32 to index
        %get3A_553 = arith.constant 112 : index
        %get3A_554 = tpu.vector_load %arg13[%get3A_551, %get3A_552, %get3A_553] {strides = array<i32>} : memref<2x128x128xf32, #tpu.memory_space<vmem>>, vector<16xf32>,
        %mul3A_555 = arith.mulf %get3A_549, %get3A_554 : vector<16xf32>
        %add3A_556 = arith.addf %add3A_544, %mul3A_555 : vector<16xf32>
        %reduce_sum3A_557 = arith.constant true
        %reduce_sum3A_558 = vector.broadcast %reduce_sum3A_557 : i1 to vector<16xi1>
        %reduce_sum3A_559 = tpu.scan <sum>, %add3A_556 masked %reduce_sum3A_558 : vector<16xf32>, vector<16xi1> -> vector<16xf32>
        %reduce_sum3A_560 = vector.extract %reduce_sum3A_559[15] : f32 from vector<16xf32>
        %eq3A_561 = vector.broadcast %add3A_458 : i32 to vector<16xi32>
        %eq3A_562 = arith.cmpi eq, %iota3A, %eq3A_561 : vector<16xi32>
        %broadcast_in_dim3A_563 = vector.broadcast %reduce_sum3A_560 : f32 to vector<16xf32>
        %select_n3A_564 = arith.select %eq3A_562, %broadcast_in_dim3A_563, %select_n3A : vector<16xi1>, vector<16xf32>
        %mul3A_565 = arith.constant 4 : i32
        %mul3A_566 = arith.muli %scan3A_346, %mul3A_565 : i32
        %add3A_567 = arith.constant 2 : i32
        %add3A_568 = arith.addi %mul3A_566, %add3A_567 : i32
        %mul3A_569 = arith.constant 16 : i32
        %mul3A_570 = arith.muli %scan3A_333, %mul3A_569 : i32
        %add3A_571 = arith.addi %mul3A_570, %add3A_568 : i32
        %get3A_572 = arith.constant 0 : i32
        %get3A_573 = arith.index_cast %get3A_572 : i32 to index
        %get3A_574 = arith.index_cast %add3A_571 : i32 to index
        %get3A_575 = arith.constant 0 : index
        %get3A_576 = tpu.vector_load %arg12[%get3A_573, %get3A_574, %get3A_575] {strides = array<i32>} : memref<2x128x128xf32, #tpu.memory_space<vmem>>, vector<16xf32>,
        %get3A_577 = arith.constant 0 : i32
        %get3A_578 = arith.index_cast %get3A_577 : i32 to index
        %get3A_579 = arith.index_cast %add3A_571 : i32 to index
        %get3A_580 = arith.constant 0 : index
        %get3A_581 = tpu.vector_load %arg13[%get3A_578, %get3A_579, %get3A_580] {strides = array<i32>} : memref<2x128x128xf32, #tpu.memory_space<vmem>>, vector<16xf32>,
        %mul3A_582 = arith.mulf %get3A_576, %get3A_581 : vector<16xf32>
        %get3A_583 = arith.constant 0 : i32
        %get3A_584 = arith.index_cast %get3A_583 : i32 to index
        %get3A_585 = arith.index_cast %add3A_571 : i32 to index
        %get3A_586 = arith.constant 16 : index
        %get3A_587 = tpu.vector_load %arg12[%get3A_584, %get3A_585, %get3A_586] {strides = array<i32>} : memref<2x128x128xf32, #tpu.memory_space<vmem>>, vector<16xf32>,
        %get3A_588 = arith.constant 0 : i32
        %get3A_589 = arith.index_cast %get3A_588 : i32 to index
        %get3A_590 = arith.index_cast %add3A_571 : i32 to index
        %get3A_591 = arith.constant 16 : index
        %get3A_592 = tpu.vector_load %arg13[%get3A_589, %get3A_590, %get3A_591] {strides = array<i32>} : memref<2x128x128xf32, #tpu.memory_space<vmem>>, vector<16xf32>,
        %mul3A_593 = arith.mulf %get3A_587, %get3A_592 : vector<16xf32>
        %add3A_594 = arith.addf %mul3A_582, %mul3A_593 : vector<16xf32>
        %get3A_595 = arith.constant 0 : i32
        %get3A_596 = arith.index_cast %get3A_595 : i32 to index
        %get3A_597 = arith.index_cast %add3A_571 : i32 to index
        %get3A_598 = arith.constant 32 : index
        %get3A_599 = tpu.vector_load %arg12[%get3A_596, %get3A_597, %get3A_598] {strides = array<i32>} : memref<2x128x128xf32, #tpu.memory_space<vmem>>, vector<16xf32>,
        %get3A_600 = arith.constant 0 : i32
        %get3A_601 = arith.index_cast %get3A_600 : i32 to index
        %get3A_602 = arith.index_cast %add3A_571 : i32 to index
        %get3A_603 = arith.constant 32 : index
        %get3A_604 = tpu.vector_load %arg13[%get3A_601, %get3A_602, %get3A_603] {strides = array<i32>} : memref<2x128x128xf32, #tpu.memory_space<vmem>>, vector<16xf32>,
        %mul3A_605 = arith.mulf %get3A_599, %get3A_604 : vector<16xf32>
        %add3A_606 = arith.addf %add3A_594, %mul3A_605 : vector<16xf32>
        %get3A_607 = arith.constant 0 : i32
        %get3A_608 = arith.index_cast %get3A_607 : i32 to index
        %get3A_609 = arith.index_cast %add3A_571 : i32 to index
        %get3A_610 = arith.constant 48 : index
        %get3A_611 = tpu.vector_load %arg12[%get3A_608, %get3A_609, %get3A_610] {strides = array<i32>} : memref<2x128x128xf32, #tpu.memory_space<vmem>>, vector<16xf32>,
        %get3A_612 = arith.constant 0 : i32
        %get3A_613 = arith.index_cast %get3A_612 : i32 to index
        %get3A_614 = arith.index_cast %add3A_571 : i32 to index
        %get3A_615 = arith.constant 48 : index
        %get3A_616 = tpu.vector_load %arg13[%get3A_613, %get3A_614, %get3A_615] {strides = array<i32>} : memref<2x128x128xf32, #tpu.memory_space<vmem>>, vector<16xf32>,
        %mul3A_617 = arith.mulf %get3A_611, %get3A_616 : vector<16xf32>
        %add3A_618 = arith.addf %add3A_606, %mul3A_617 : vector<16xf32>
        %get3A_619 = arith.constant 0 : i32
        %get3A_620 = arith.index_cast %get3A_619 : i32 to index
        %get3A_621 = arith.index_cast %add3A_571 : i32 to index
        %get3A_622 = arith.constant 64 : index
        %get3A_623 = tpu.vector_load %arg12[%get3A_620, %get3A_621, %get3A_622] {strides = array<i32>} : memref<2x128x128xf32, #tpu.memory_space<vmem>>, vector<16xf32>,
        %get3A_624 = arith.constant 0 : i32
        %get3A_625 = arith.index_cast %get3A_624 : i32 to index
        %get3A_626 = arith.index_cast %add3A_571 : i32 to index
        %get3A_627 = arith.constant 64 : index
        %get3A_628 = tpu.vector_load %arg13[%get3A_625, %get3A_626, %get3A_627] {strides = array<i32>} : memref<2x128x128xf32, #tpu.memory_space<vmem>>, vector<16xf32>,
        %mul3A_629 = arith.mulf %get3A_623, %get3A_628 : vector<16xf32>
        %add3A_630 = arith.addf %add3A_618, %mul3A_629 : vector<16xf32>
        %get3A_631 = arith.constant 0 : i32
        %get3A_632 = arith.index_cast %get3A_631 : i32 to index
        %get3A_633 = arith.index_cast %add3A_571 : i32 to index
        %get3A_634 = arith.constant 80 : index
        %get3A_635 = tpu.vector_load %arg12[%get3A_632, %get3A_633, %get3A_634] {strides = array<i32>} : memref<2x128x128xf32, #tpu.memory_space<vmem>>, vector<16xf32>,
        %get3A_636 = arith.constant 0 : i32
        %get3A_637 = arith.index_cast %get3A_636 : i32 to index
        %get3A_638 = arith.index_cast %add3A_571 : i32 to index
        %get3A_639 = arith.constant 80 : index
        %get3A_640 = tpu.vector_load %arg13[%get3A_637, %get3A_638, %get3A_639] {strides = array<i32>} : memref<2x128x128xf32, #tpu.memory_space<vmem>>, vector<16xf32>,
        %mul3A_641 = arith.mulf %get3A_635, %get3A_640 : vector<16xf32>
        %add3A_642 = arith.addf %add3A_630, %mul3A_641 : vector<16xf32>
        %get3A_643 = arith.constant 0 : i32
        %get3A_644 = arith.index_cast %get3A_643 : i32 to index
        %get3A_645 = arith.index_cast %add3A_571 : i32 to index
        %get3A_646 = arith.constant 96 : index
        %get3A_647 = tpu.vector_load %arg12[%get3A_644, %get3A_645, %get3A_646] {strides = array<i32>} : memref<2x128x128xf32, #tpu.memory_space<vmem>>, vector<16xf32>,
        %get3A_648 = arith.constant 0 : i32
        %get3A_649 = arith.index_cast %get3A_648 : i32 to index
        %get3A_650 = arith.index_cast %add3A_571 : i32 to index
        %get3A_651 = arith.constant 96 : index
        %get3A_652 = tpu.vector_load %arg13[%get3A_649, %get3A_650, %get3A_651] {strides = array<i32>} : memref<2x128x128xf32, #tpu.memory_space<vmem>>, vector<16xf32>,
        %mul3A_653 = arith.mulf %get3A_647, %get3A_652 : vector<16xf32>
        %add3A_654 = arith.addf %add3A_642, %mul3A_653 : vector<16xf32>
        %get3A_655 = arith.constant 0 : i32
        %get3A_656 = arith.index_cast %get3A_655 : i32 to index
        %get3A_657 = arith.index_cast %add3A_571 : i32 to index
        %get3A_658 = arith.constant 112 : index
        %get3A_659 = tpu.vector_load %arg12[%get3A_656, %get3A_657, %get3A_658] {strides = array<i32>} : memref<2x128x128xf32, #tpu.memory_space<vmem>>, vector<16xf32>,
        %get3A_660 = arith.constant 0 : i32
        %get3A_661 = arith.index_cast %get3A_660 : i32 to index
        %get3A_662 = arith.index_cast %add3A_571 : i32 to index
        %get3A_663 = arith.constant 112 : index
        %get3A_664 = tpu.vector_load %arg13[%get3A_661, %get3A_662, %get3A_663] {strides = array<i32>} : memref<2x128x128xf32, #tpu.memory_space<vmem>>, vector<16xf32>,
        %mul3A_665 = arith.mulf %get3A_659, %get3A_664 : vector<16xf32>
        %add3A_666 = arith.addf %add3A_654, %mul3A_665 : vector<16xf32>
        %reduce_sum3A_667 = arith.constant true
        %reduce_sum3A_668 = vector.broadcast %reduce_sum3A_667 : i1 to vector<16xi1>
        %reduce_sum3A_669 = tpu.scan <sum>, %add3A_666 masked %reduce_sum3A_668 : vector<16xf32>, vector<16xi1> -> vector<16xf32>
        %reduce_sum3A_670 = vector.extract %reduce_sum3A_669[15] : f32 from vector<16xf32>
        %eq3A_671 = vector.broadcast %add3A_568 : i32 to vector<16xi32>
        %eq3A_672 = arith.cmpi eq, %iota3A, %eq3A_671 : vector<16xi32>
        %broadcast_in_dim3A_673 = vector.broadcast %reduce_sum3A_670 : f32 to vector<16xf32>
        %select_n3A_674 = arith.select %eq3A_672, %broadcast_in_dim3A_673, %select_n3A_564 : vector<16xi1>, vector<16xf32>
        %mul3A_675 = arith.constant 4 : i32
        %mul3A_676 = arith.muli %scan3A_346, %mul3A_675 : i32
        %add3A_677 = arith.constant 3 : i32
        %add3A_678 = arith.addi %mul3A_676, %add3A_677 : i32
        %mul3A_679 = arith.constant 16 : i32
        %mul3A_680 = arith.muli %scan3A_333, %mul3A_679 : i32
        %add3A_681 = arith.addi %mul3A_680, %add3A_678 : i32
        %get3A_682 = arith.constant 0 : i32
        %get3A_683 = arith.index_cast %get3A_682 : i32 to index
        %get3A_684 = arith.index_cast %add3A_681 : i32 to index
        %get3A_685 = arith.constant 0 : index
        %get3A_686 = tpu.vector_load %arg12[%get3A_683, %get3A_684, %get3A_685] {strides = array<i32>} : memref<2x128x128xf32, #tpu.memory_space<vmem>>, vector<16xf32>,
        %get3A_687 = arith.constant 0 : i32
        %get3A_688 = arith.index_cast %get3A_687 : i32 to index
        %get3A_689 = arith.index_cast %add3A_681 : i32 to index
        %get3A_690 = arith.constant 0 : index
        %get3A_691 = tpu.vector_load %arg13[%get3A_688, %get3A_689, %get3A_690] {strides = array<i32>} : memref<2x128x128xf32, #tpu.memory_space<vmem>>, vector<16xf32>,
        %mul3A_692 = arith.mulf %get3A_686, %get3A_691 : vector<16xf32>
        %get3A_693 = arith.constant 0 : i32
        %get3A_694 = arith.index_cast %get3A_693 : i32 to index
        %get3A_695 = arith.index_cast %add3A_681 : i32 to index
        %get3A_696 = arith.constant 16 : index
        %get3A_697 = tpu.vector_load %arg12[%get3A_694, %get3A_695, %get3A_696] {strides = array<i32>} : memref<2x128x128xf32, #tpu.memory_space<vmem>>, vector<16xf32>,
        %get3A_698 = arith.constant 0 : i32
        %get3A_699 = arith.index_cast %get3A_698 : i32 to index
        %get3A_700 = arith.index_cast %add3A_681 : i32 to index
        %get3A_701 = arith.constant 16 : index
        %get3A_702 = tpu.vector_load %arg13[%get3A_699, %get3A_700, %get3A_701] {strides = array<i32>} : memref<2x128x128xf32, #tpu.memory_space<vmem>>, vector<16xf32>,
        %mul3A_703 = arith.mulf %get3A_697, %get3A_702 : vector<16xf32>
        %add3A_704 = arith.addf %mul3A_692, %mul3A_703 : vector<16xf32>
        %get3A_705 = arith.constant 0 : i32
        %get3A_706 = arith.index_cast %get3A_705 : i32 to index
        %get3A_707 = arith.index_cast %add3A_681 : i32 to index
        %get3A_708 = arith.constant 32 : index
        %get3A_709 = tpu.vector_load %arg12[%get3A_706, %get3A_707, %get3A_708] {strides = array<i32>} : memref<2x128x128xf32, #tpu.memory_space<vmem>>, vector<16xf32>,
        %get3A_710 = arith.constant 0 : i32
        %get3A_711 = arith.index_cast %get3A_710 : i32 to index
        %get3A_712 = arith.index_cast %add3A_681 : i32 to index
        %get3A_713 = arith.constant 32 : index
        %get3A_714 = tpu.vector_load %arg13[%get3A_711, %get3A_712, %get3A_713] {strides = array<i32>} : memref<2x128x128xf32, #tpu.memory_space<vmem>>, vector<16xf32>,
        %mul3A_715 = arith.mulf %get3A_709, %get3A_714 : vector<16xf32>
        %add3A_716 = arith.addf %add3A_704, %mul3A_715 : vector<16xf32>
        %get3A_717 = arith.constant 0 : i32
        %get3A_718 = arith.index_cast %get3A_717 : i32 to index
        %get3A_719 = arith.index_cast %add3A_681 : i32 to index
        %get3A_720 = arith.constant 48 : index
        %get3A_721 = tpu.vector_load %arg12[%get3A_718, %get3A_719, %get3A_720] {strides = array<i32>} : memref<2x128x128xf32, #tpu.memory_space<vmem>>, vector<16xf32>,
        %get3A_722 = arith.constant 0 : i32
        %get3A_723 = arith.index_cast %get3A_722 : i32 to index
        %get3A_724 = arith.index_cast %add3A_681 : i32 to index
        %get3A_725 = arith.constant 48 : index
        %get3A_726 = tpu.vector_load %arg13[%get3A_723, %get3A_724, %get3A_725] {strides = array<i32>} : memref<2x128x128xf32, #tpu.memory_space<vmem>>, vector<16xf32>,
        %mul3A_727 = arith.mulf %get3A_721, %get3A_726 : vector<16xf32>
        %add3A_728 = arith.addf %add3A_716, %mul3A_727 : vector<16xf32>
        %get3A_729 = arith.constant 0 : i32
        %get3A_730 = arith.index_cast %get3A_729 : i32 to index
        %get3A_731 = arith.index_cast %add3A_681 : i32 to index
        %get3A_732 = arith.constant 64 : index
        %get3A_733 = tpu.vector_load %arg12[%get3A_730, %get3A_731, %get3A_732] {strides = array<i32>} : memref<2x128x128xf32, #tpu.memory_space<vmem>>, vector<16xf32>,
        %get3A_734 = arith.constant 0 : i32
        %get3A_735 = arith.index_cast %get3A_734 : i32 to index
        %get3A_736 = arith.index_cast %add3A_681 : i32 to index
        %get3A_737 = arith.constant 64 : index
        %get3A_738 = tpu.vector_load %arg13[%get3A_735, %get3A_736, %get3A_737] {strides = array<i32>} : memref<2x128x128xf32, #tpu.memory_space<vmem>>, vector<16xf32>,
        %mul3A_739 = arith.mulf %get3A_733, %get3A_738 : vector<16xf32>
        %add3A_740 = arith.addf %add3A_728, %mul3A_739 : vector<16xf32>
        %get3A_741 = arith.constant 0 : i32
        %get3A_742 = arith.index_cast %get3A_741 : i32 to index
        %get3A_743 = arith.index_cast %add3A_681 : i32 to index
        %get3A_744 = arith.constant 80 : index
        %get3A_745 = tpu.vector_load %arg12[%get3A_742, %get3A_743, %get3A_744] {strides = array<i32>} : memref<2x128x128xf32, #tpu.memory_space<vmem>>, vector<16xf32>,
        %get3A_746 = arith.constant 0 : i32
        %get3A_747 = arith.index_cast %get3A_746 : i32 to index
        %get3A_748 = arith.index_cast %add3A_681 : i32 to index
        %get3A_749 = arith.constant 80 : index
        %get3A_750 = tpu.vector_load %arg13[%get3A_747, %get3A_748, %get3A_749] {strides = array<i32>} : memref<2x128x128xf32, #tpu.memory_space<vmem>>, vector<16xf32>,
        %mul3A_751 = arith.mulf %get3A_745, %get3A_750 : vector<16xf32>
        %add3A_752 = arith.addf %add3A_740, %mul3A_751 : vector<16xf32>
        %get3A_753 = arith.constant 0 : i32
        %get3A_754 = arith.index_cast %get3A_753 : i32 to index
        %get3A_755 = arith.index_cast %add3A_681 : i32 to index
        %get3A_756 = arith.constant 96 : index
        %get3A_757 = tpu.vector_load %arg12[%get3A_754, %get3A_755, %get3A_756] {strides = array<i32>} : memref<2x128x128xf32, #tpu.memory_space<vmem>>, vector<16xf32>,
        %get3A_758 = arith.constant 0 : i32
        %get3A_759 = arith.index_cast %get3A_758 : i32 to index
        %get3A_760 = arith.index_cast %add3A_681 : i32 to index
        %get3A_761 = arith.constant 96 : index
        %get3A_762 = tpu.vector_load %arg13[%get3A_759, %get3A_760, %get3A_761] {strides = array<i32>} : memref<2x128x128xf32, #tpu.memory_space<vmem>>, vector<16xf32>,
        %mul3A_763 = arith.mulf %get3A_757, %get3A_762 : vector<16xf32>
        %add3A_764 = arith.addf %add3A_752, %mul3A_763 : vector<16xf32>
        %get3A_765 = arith.constant 0 : i32
        %get3A_766 = arith.index_cast %get3A_765 : i32 to index
        %get3A_767 = arith.index_cast %add3A_681 : i32 to index
        %get3A_768 = arith.constant 112 : index
        %get3A_769 = tpu.vector_load %arg12[%get3A_766, %get3A_767, %get3A_768] {strides = array<i32>} : memref<2x128x128xf32, #tpu.memory_space<vmem>>, vector<16xf32>,
        %get3A_770 = arith.constant 0 : i32
        %get3A_771 = arith.index_cast %get3A_770 : i32 to index
        %get3A_772 = arith.index_cast %add3A_681 : i32 to index
        %get3A_773 = arith.constant 112 : index
        %get3A_774 = tpu.vector_load %arg13[%get3A_771, %get3A_772, %get3A_773] {strides = array<i32>} : memref<2x128x128xf32, #tpu.memory_space<vmem>>, vector<16xf32>,
        %mul3A_775 = arith.mulf %get3A_769, %get3A_774 : vector<16xf32>
        %add3A_776 = arith.addf %add3A_764, %mul3A_775 : vector<16xf32>
        %reduce_sum3A_777 = arith.constant true
        %reduce_sum3A_778 = vector.broadcast %reduce_sum3A_777 : i1 to vector<16xi1>
        %reduce_sum3A_779 = tpu.scan <sum>, %add3A_776 masked %reduce_sum3A_778 : vector<16xf32>, vector<16xi1> -> vector<16xf32>
        %reduce_sum3A_780 = vector.extract %reduce_sum3A_779[15] : f32 from vector<16xf32>
        %eq3A_781 = vector.broadcast %add3A_678 : i32 to vector<16xi32>
        %eq3A_782 = arith.cmpi eq, %iota3A, %eq3A_781 : vector<16xi32>
        %broadcast_in_dim3A_783 = vector.broadcast %reduce_sum3A_780 : f32 to vector<16xf32>
        %select_n3A_784 = arith.select %eq3A_782, %broadcast_in_dim3A_783, %select_n3A_674 : vector<16xi1>, vector<16xf32>
        scf.yield %select_n3A_784 : vector<16xf32>
      }
      %scan3A_340 = arith.constant 4 : i32
      %mul3A_341 = arith.constant 16 : i32
      %mul3A_342 = arith.muli %scan3A_333, %mul3A_341 : i32
      %add3A_343 = arith.constant 192 : i32
      %add3A_344 = arith.addi %add3A_343, %mul3A_342 : i32
      %swap3A = arith.index_cast %add3A_344 : i32 to index
      %swap3A_345 = tpu.vector_load %arg17[%swap3A] {strides = array<i32>} : memref<528xf32, #tpu.memory_space<vmem>>, vector<16xf32>,
      tpu.vector_store %arg17[%swap3A], %scan3A_339 {strides = array<i32>} : memref<528xf32, #tpu.memory_space<vmem>>, vector<16xf32>,
    }
    %scan3A_205 = arith.constant 8 : i32
    %dma_start3A_206 = arith.constant 0 : i32
    %dma_start3A_207 = arith.constant 0 : i32
    %dma_start3A_208 = arith.constant 0 : i32
    %dma_start3A_209 = tpu.memref_slice %arg12[%dma_start3A_206, %dma_start3A_207, %dma_start3A_208] : memref<2x128x128xf32, #tpu.memory_space<vmem>> -> memref<1x64x128xf32, #tpu.memory_space<vmem>>
    %dma_start3A_210 = tpu.memref_squeeze %dma_start3A_209 : memref<1x64x128xf32, #tpu.memory_space<vmem>> -> memref<64x128xf32, #tpu.memory_space<vmem>>
    %dma_start3A_211 = arith.constant 448 : i32
    %dma_start3A_212 = tpu.memref_slice %arg10[%dma_start3A_211] : memref<512xi32, #tpu.memory_space<vmem>> -> memref<64xi32, #tpu.memory_space<vmem>>
    %dma_start3A_213 = arith.constant 0 : i32
    %dma_start3A_214 = arith.constant 0 : i32
    %dma_start3A_215 = tpu.memref_slice %arg4[%dma_start3A_213, %dma_start3A_214] : memref<100000x128xf32, #tpu.memory_space<hbm>> -> memref<100000x128xf32, #tpu.memory_space<hbm>>
    tpu.enqueue_indirect_dma source(%dma_start3A_215 : memref<100000x128xf32, #tpu.memory_space<hbm>>) target(%dma_start3A_210 : memref<64x128xf32, #tpu.memory_space<vmem>>) offsets(%dma_start3A_212 : memref<64xi32, #tpu.memory_space<vmem>>) semaphore(%arg18 : memref<!tpu.dma_semaphore, #tpu.memory_space<semaphore_mem>>)
    %dma_start3A_216 = arith.constant 0 : i32
    %dma_start3A_217 = arith.constant 0 : i32
    %dma_start3A_218 = arith.constant 0 : i32
    %dma_start3A_219 = tpu.memref_slice %arg13[%dma_start3A_216, %dma_start3A_217, %dma_start3A_218] : memref<2x128x128xf32, #tpu.memory_space<vmem>> -> memref<1x64x128xf32, #tpu.memory_space<vmem>>
    %dma_start3A_220 = tpu.memref_squeeze %dma_start3A_219 : memref<1x64x128xf32, #tpu.memory_space<vmem>> -> memref<64x128xf32, #tpu.memory_space<vmem>>
    %dma_start3A_221 = arith.constant 448 : i32
    %dma_start3A_222 = tpu.memref_slice %arg11[%dma_start3A_221] : memref<512xi32, #tpu.memory_space<vmem>> -> memref<64xi32, #tpu.memory_space<vmem>>
    %dma_start3A_223 = arith.constant 0 : i32
    %dma_start3A_224 = arith.constant 0 : i32
    %dma_start3A_225 = tpu.memref_slice %arg5[%dma_start3A_223, %dma_start3A_224] : memref<100000x128xf32, #tpu.memory_space<hbm>> -> memref<100000x128xf32, #tpu.memory_space<hbm>>
    tpu.enqueue_indirect_dma source(%dma_start3A_225 : memref<100000x128xf32, #tpu.memory_space<hbm>>) target(%dma_start3A_220 : memref<64x128xf32, #tpu.memory_space<vmem>>) offsets(%dma_start3A_222 : memref<64xi32, #tpu.memory_space<vmem>>) semaphore(%arg18 : memref<!tpu.dma_semaphore, #tpu.memory_space<semaphore_mem>>)
    %dma_wait3A_226 = arith.constant 1 : i32
    %dma_wait3A_227 = arith.constant 0 : i32
    %dma_wait3A_228 = arith.constant 0 : i32
    %dma_wait3A_229 = tpu.memref_slice %arg12[%dma_wait3A_226, %dma_wait3A_227, %dma_wait3A_228] : memref<2x128x128xf32, #tpu.memory_space<vmem>> -> memref<1x128x128xf32, #tpu.memory_space<vmem>>
    %dma_wait3A_230 = tpu.memref_squeeze %dma_wait3A_229 : memref<1x128x128xf32, #tpu.memory_space<vmem>> -> memref<128x128xf32, #tpu.memory_space<vmem>>
    %dma_wait3A_231 = arith.constant 320 : i32
    %dma_wait3A_232 = tpu.memref_slice %arg10[%dma_wait3A_231] : memref<512xi32, #tpu.memory_space<vmem>> -> memref<128xi32, #tpu.memory_space<vmem>>
    %dma_wait3A_233 = arith.constant 0 : i32
    %dma_wait3A_234 = arith.constant 0 : i32
    %dma_wait3A_235 = tpu.memref_slice %arg4[%dma_wait3A_233, %dma_wait3A_234] : memref<100000x128xf32, #tpu.memory_space<hbm>> -> memref<100000x128xf32, #tpu.memory_space<hbm>>
    tpu.wait_indirect_dma semaphore(%arg19 : memref<!tpu.dma_semaphore, #tpu.memory_space<semaphore_mem>>) src(%dma_wait3A_235 : memref<100000x128xf32, #tpu.memory_space<hbm>>) dst(%dma_wait3A_230 : memref<128x128xf32, #tpu.memory_space<vmem>>)
    %dma_wait3A_236 = arith.constant 1 : i32
    %dma_wait3A_237 = arith.constant 0 : i32
    %dma_wait3A_238 = arith.constant 0 : i32
    %dma_wait3A_239 = tpu.memref_slice %arg13[%dma_wait3A_236, %dma_wait3A_237, %dma_wait3A_238] : memref<2x128x128xf32, #tpu.memory_space<vmem>> -> memref<1x128x128xf32, #tpu.memory_space<vmem>>
    %dma_wait3A_240 = tpu.memref_squeeze %dma_wait3A_239 : memref<1x128x128xf32, #tpu.memory_space<vmem>> -> memref<128x128xf32, #tpu.memory_space<vmem>>
    %dma_wait3A_241 = arith.constant 320 : i32
    %dma_wait3A_242 = tpu.memref_slice %arg11[%dma_wait3A_241] : memref<512xi32, #tpu.memory_space<vmem>> -> memref<128xi32, #tpu.memory_space<vmem>>
    %dma_wait3A_243 = arith.constant 0 : i32
    %dma_wait3A_244 = arith.constant 0 : i32
    %dma_wait3A_245 = tpu.memref_slice %arg5[%dma_wait3A_243, %dma_wait3A_244] : memref<100000x128xf32, #tpu.memory_space<hbm>> -> memref<100000x128xf32, #tpu.memory_space<hbm>>
    tpu.wait_indirect_dma semaphore(%arg19 : memref<!tpu.dma_semaphore, #tpu.memory_space<semaphore_mem>>) src(%dma_wait3A_245 : memref<100000x128xf32, #tpu.memory_space<hbm>>) dst(%dma_wait3A_240 : memref<128x128xf32, #tpu.memory_space<vmem>>)
    %scan3A_246 = arith.constant 0 : i32
    %scan3A_247 = arith.constant 0 : i32
    %scan3A_248 = arith.constant 8 : i32
    %scan3A_249 = arith.addi %scan3A_247, %scan3A_248 : i32
    %scan3A_250 = arith.constant 1 : i32
    scf.for %scan3A_333 = %scan3A_247 to %scan3A_249 step %scan3A_250  : i32 {
      %broadcast_in_dim3A = arith.constant 0.000000e+00 : f32
      %broadcast_in_dim3A_334 = vector.broadcast %broadcast_in_dim3A : f32 to vector<16xf32>
      %scan3A_335 = arith.constant 0 : i32
      %scan3A_336 = arith.constant 4 : i32
      %scan3A_337 = arith.addi %scan3A_335, %scan3A_336 : i32
      %scan3A_338 = arith.constant 1 : i32
      %scan3A_339 = scf.for %scan3A_346 = %scan3A_335 to %scan3A_337 step %scan3A_338 iter_args(%scan3A_347 = %broadcast_in_dim3A_334) -> (vector<16xf32>)  : i32 {
        %mul3A_348 = arith.constant 4 : i32
        %mul3A_349 = arith.muli %scan3A_346, %mul3A_348 : i32
        %add3A_350 = arith.constant 0 : i32
        %add3A_351 = arith.addi %mul3A_349, %add3A_350 : i32
        %mul3A_352 = arith.constant 16 : i32
        %mul3A_353 = arith.muli %scan3A_333, %mul3A_352 : i32
        %add3A_354 = arith.addi %mul3A_353, %add3A_351 : i32
        %get3A_355 = arith.constant 1 : i32
        %get3A_356 = arith.index_cast %get3A_355 : i32 to index
        %get3A_357 = arith.index_cast %add3A_354 : i32 to index
        %get3A_358 = arith.constant 0 : index
        %get3A_359 = tpu.vector_load %arg12[%get3A_356, %get3A_357, %get3A_358] {strides = array<i32>} : memref<2x128x128xf32, #tpu.memory_space<vmem>>, vector<16xf32>,
        %get3A_360 = arith.constant 1 : i32
        %get3A_361 = arith.index_cast %get3A_360 : i32 to index
        %get3A_362 = arith.index_cast %add3A_354 : i32 to index
        %get3A_363 = arith.constant 0 : index
        %get3A_364 = tpu.vector_load %arg13[%get3A_361, %get3A_362, %get3A_363] {strides = array<i32>} : memref<2x128x128xf32, #tpu.memory_space<vmem>>, vector<16xf32>,
        %mul3A_365 = arith.mulf %get3A_359, %get3A_364 : vector<16xf32>
        %get3A_366 = arith.constant 1 : i32
        %get3A_367 = arith.index_cast %get3A_366 : i32 to index
        %get3A_368 = arith.index_cast %add3A_354 : i32 to index
        %get3A_369 = arith.constant 16 : index
        %get3A_370 = tpu.vector_load %arg12[%get3A_367, %get3A_368, %get3A_369] {strides = array<i32>} : memref<2x128x128xf32, #tpu.memory_space<vmem>>, vector<16xf32>,
        %get3A_371 = arith.constant 1 : i32
        %get3A_372 = arith.index_cast %get3A_371 : i32 to index
        %get3A_373 = arith.index_cast %add3A_354 : i32 to index
        %get3A_374 = arith.constant 16 : index
        %get3A_375 = tpu.vector_load %arg13[%get3A_372, %get3A_373, %get3A_374] {strides = array<i32>} : memref<2x128x128xf32, #tpu.memory_space<vmem>>, vector<16xf32>,
        %mul3A_376 = arith.mulf %get3A_370, %get3A_375 : vector<16xf32>
        %add3A_377 = arith.addf %mul3A_365, %mul3A_376 : vector<16xf32>
        %get3A_378 = arith.constant 1 : i32
        %get3A_379 = arith.index_cast %get3A_378 : i32 to index
        %get3A_380 = arith.index_cast %add3A_354 : i32 to index
        %get3A_381 = arith.constant 32 : index
        %get3A_382 = tpu.vector_load %arg12[%get3A_379, %get3A_380, %get3A_381] {strides = array<i32>} : memref<2x128x128xf32, #tpu.memory_space<vmem>>, vector<16xf32>,
        %get3A_383 = arith.constant 1 : i32
        %get3A_384 = arith.index_cast %get3A_383 : i32 to index
        %get3A_385 = arith.index_cast %add3A_354 : i32 to index
        %get3A_386 = arith.constant 32 : index
        %get3A_387 = tpu.vector_load %arg13[%get3A_384, %get3A_385, %get3A_386] {strides = array<i32>} : memref<2x128x128xf32, #tpu.memory_space<vmem>>, vector<16xf32>,
        %mul3A_388 = arith.mulf %get3A_382, %get3A_387 : vector<16xf32>
        %add3A_389 = arith.addf %add3A_377, %mul3A_388 : vector<16xf32>
        %get3A_390 = arith.constant 1 : i32
        %get3A_391 = arith.index_cast %get3A_390 : i32 to index
        %get3A_392 = arith.index_cast %add3A_354 : i32 to index
        %get3A_393 = arith.constant 48 : index
        %get3A_394 = tpu.vector_load %arg12[%get3A_391, %get3A_392, %get3A_393] {strides = array<i32>} : memref<2x128x128xf32, #tpu.memory_space<vmem>>, vector<16xf32>,
        %get3A_395 = arith.constant 1 : i32
        %get3A_396 = arith.index_cast %get3A_395 : i32 to index
        %get3A_397 = arith.index_cast %add3A_354 : i32 to index
        %get3A_398 = arith.constant 48 : index
        %get3A_399 = tpu.vector_load %arg13[%get3A_396, %get3A_397, %get3A_398] {strides = array<i32>} : memref<2x128x128xf32, #tpu.memory_space<vmem>>, vector<16xf32>,
        %mul3A_400 = arith.mulf %get3A_394, %get3A_399 : vector<16xf32>
        %add3A_401 = arith.addf %add3A_389, %mul3A_400 : vector<16xf32>
        %get3A_402 = arith.constant 1 : i32
        %get3A_403 = arith.index_cast %get3A_402 : i32 to index
        %get3A_404 = arith.index_cast %add3A_354 : i32 to index
        %get3A_405 = arith.constant 64 : index
        %get3A_406 = tpu.vector_load %arg12[%get3A_403, %get3A_404, %get3A_405] {strides = array<i32>} : memref<2x128x128xf32, #tpu.memory_space<vmem>>, vector<16xf32>,
        %get3A_407 = arith.constant 1 : i32
        %get3A_408 = arith.index_cast %get3A_407 : i32 to index
        %get3A_409 = arith.index_cast %add3A_354 : i32 to index
        %get3A_410 = arith.constant 64 : index
        %get3A_411 = tpu.vector_load %arg13[%get3A_408, %get3A_409, %get3A_410] {strides = array<i32>} : memref<2x128x128xf32, #tpu.memory_space<vmem>>, vector<16xf32>,
        %mul3A_412 = arith.mulf %get3A_406, %get3A_411 : vector<16xf32>
        %add3A_413 = arith.addf %add3A_401, %mul3A_412 : vector<16xf32>
        %get3A_414 = arith.constant 1 : i32
        %get3A_415 = arith.index_cast %get3A_414 : i32 to index
        %get3A_416 = arith.index_cast %add3A_354 : i32 to index
        %get3A_417 = arith.constant 80 : index
        %get3A_418 = tpu.vector_load %arg12[%get3A_415, %get3A_416, %get3A_417] {strides = array<i32>} : memref<2x128x128xf32, #tpu.memory_space<vmem>>, vector<16xf32>,
        %get3A_419 = arith.constant 1 : i32
        %get3A_420 = arith.index_cast %get3A_419 : i32 to index
        %get3A_421 = arith.index_cast %add3A_354 : i32 to index
        %get3A_422 = arith.constant 80 : index
        %get3A_423 = tpu.vector_load %arg13[%get3A_420, %get3A_421, %get3A_422] {strides = array<i32>} : memref<2x128x128xf32, #tpu.memory_space<vmem>>, vector<16xf32>,
        %mul3A_424 = arith.mulf %get3A_418, %get3A_423 : vector<16xf32>
        %add3A_425 = arith.addf %add3A_413, %mul3A_424 : vector<16xf32>
        %get3A_426 = arith.constant 1 : i32
        %get3A_427 = arith.index_cast %get3A_426 : i32 to index
        %get3A_428 = arith.index_cast %add3A_354 : i32 to index
        %get3A_429 = arith.constant 96 : index
        %get3A_430 = tpu.vector_load %arg12[%get3A_427, %get3A_428, %get3A_429] {strides = array<i32>} : memref<2x128x128xf32, #tpu.memory_space<vmem>>, vector<16xf32>,
        %get3A_431 = arith.constant 1 : i32
        %get3A_432 = arith.index_cast %get3A_431 : i32 to index
        %get3A_433 = arith.index_cast %add3A_354 : i32 to index
        %get3A_434 = arith.constant 96 : index
        %get3A_435 = tpu.vector_load %arg13[%get3A_432, %get3A_433, %get3A_434] {strides = array<i32>} : memref<2x128x128xf32, #tpu.memory_space<vmem>>, vector<16xf32>,
        %mul3A_436 = arith.mulf %get3A_430, %get3A_435 : vector<16xf32>
        %add3A_437 = arith.addf %add3A_425, %mul3A_436 : vector<16xf32>
        %get3A_438 = arith.constant 1 : i32
        %get3A_439 = arith.index_cast %get3A_438 : i32 to index
        %get3A_440 = arith.index_cast %add3A_354 : i32 to index
        %get3A_441 = arith.constant 112 : index
        %get3A_442 = tpu.vector_load %arg12[%get3A_439, %get3A_440, %get3A_441] {strides = array<i32>} : memref<2x128x128xf32, #tpu.memory_space<vmem>>, vector<16xf32>,
        %get3A_443 = arith.constant 1 : i32
        %get3A_444 = arith.index_cast %get3A_443 : i32 to index
        %get3A_445 = arith.index_cast %add3A_354 : i32 to index
        %get3A_446 = arith.constant 112 : index
        %get3A_447 = tpu.vector_load %arg13[%get3A_444, %get3A_445, %get3A_446] {strides = array<i32>} : memref<2x128x128xf32, #tpu.memory_space<vmem>>, vector<16xf32>,
        %mul3A_448 = arith.mulf %get3A_442, %get3A_447 : vector<16xf32>
        %add3A_449 = arith.addf %add3A_437, %mul3A_448 : vector<16xf32>
        %reduce_sum3A = arith.constant true
        %reduce_sum3A_450 = vector.broadcast %reduce_sum3A : i1 to vector<16xi1>
        %reduce_sum3A_451 = tpu.scan <sum>, %add3A_449 masked %reduce_sum3A_450 : vector<16xf32>, vector<16xi1> -> vector<16xf32>
        %reduce_sum3A_452 = vector.extract %reduce_sum3A_451[15] : f32 from vector<16xf32>
        %eq3A = vector.broadcast %add3A_351 : i32 to vector<16xi32>
        %eq3A_453 = arith.cmpi eq, %iota3A, %eq3A : vector<16xi32>
        %broadcast_in_dim3A_454 = vector.broadcast %reduce_sum3A_452 : f32 to vector<16xf32>
        %select_n3A = arith.select %eq3A_453, %broadcast_in_dim3A_454, %scan3A_347 : vector<16xi1>, vector<16xf32>
        %mul3A_455 = arith.constant 4 : i32
        %mul3A_456 = arith.muli %scan3A_346, %mul3A_455 : i32
        %add3A_457 = arith.constant 1 : i32
        %add3A_458 = arith.addi %mul3A_456, %add3A_457 : i32
        %mul3A_459 = arith.constant 16 : i32
        %mul3A_460 = arith.muli %scan3A_333, %mul3A_459 : i32
        %add3A_461 = arith.addi %mul3A_460, %add3A_458 : i32
        %get3A_462 = arith.constant 1 : i32
        %get3A_463 = arith.index_cast %get3A_462 : i32 to index
        %get3A_464 = arith.index_cast %add3A_461 : i32 to index
        %get3A_465 = arith.constant 0 : index
        %get3A_466 = tpu.vector_load %arg12[%get3A_463, %get3A_464, %get3A_465] {strides = array<i32>} : memref<2x128x128xf32, #tpu.memory_space<vmem>>, vector<16xf32>,
        %get3A_467 = arith.constant 1 : i32
        %get3A_468 = arith.index_cast %get3A_467 : i32 to index
        %get3A_469 = arith.index_cast %add3A_461 : i32 to index
        %get3A_470 = arith.constant 0 : index
        %get3A_471 = tpu.vector_load %arg13[%get3A_468, %get3A_469, %get3A_470] {strides = array<i32>} : memref<2x128x128xf32, #tpu.memory_space<vmem>>, vector<16xf32>,
        %mul3A_472 = arith.mulf %get3A_466, %get3A_471 : vector<16xf32>
        %get3A_473 = arith.constant 1 : i32
        %get3A_474 = arith.index_cast %get3A_473 : i32 to index
        %get3A_475 = arith.index_cast %add3A_461 : i32 to index
        %get3A_476 = arith.constant 16 : index
        %get3A_477 = tpu.vector_load %arg12[%get3A_474, %get3A_475, %get3A_476] {strides = array<i32>} : memref<2x128x128xf32, #tpu.memory_space<vmem>>, vector<16xf32>,
        %get3A_478 = arith.constant 1 : i32
        %get3A_479 = arith.index_cast %get3A_478 : i32 to index
        %get3A_480 = arith.index_cast %add3A_461 : i32 to index
        %get3A_481 = arith.constant 16 : index
        %get3A_482 = tpu.vector_load %arg13[%get3A_479, %get3A_480, %get3A_481] {strides = array<i32>} : memref<2x128x128xf32, #tpu.memory_space<vmem>>, vector<16xf32>,
        %mul3A_483 = arith.mulf %get3A_477, %get3A_482 : vector<16xf32>
        %add3A_484 = arith.addf %mul3A_472, %mul3A_483 : vector<16xf32>
        %get3A_485 = arith.constant 1 : i32
        %get3A_486 = arith.index_cast %get3A_485 : i32 to index
        %get3A_487 = arith.index_cast %add3A_461 : i32 to index
        %get3A_488 = arith.constant 32 : index
        %get3A_489 = tpu.vector_load %arg12[%get3A_486, %get3A_487, %get3A_488] {strides = array<i32>} : memref<2x128x128xf32, #tpu.memory_space<vmem>>, vector<16xf32>,
        %get3A_490 = arith.constant 1 : i32
        %get3A_491 = arith.index_cast %get3A_490 : i32 to index
        %get3A_492 = arith.index_cast %add3A_461 : i32 to index
        %get3A_493 = arith.constant 32 : index
        %get3A_494 = tpu.vector_load %arg13[%get3A_491, %get3A_492, %get3A_493] {strides = array<i32>} : memref<2x128x128xf32, #tpu.memory_space<vmem>>, vector<16xf32>,
        %mul3A_495 = arith.mulf %get3A_489, %get3A_494 : vector<16xf32>
        %add3A_496 = arith.addf %add3A_484, %mul3A_495 : vector<16xf32>
        %get3A_497 = arith.constant 1 : i32
        %get3A_498 = arith.index_cast %get3A_497 : i32 to index
        %get3A_499 = arith.index_cast %add3A_461 : i32 to index
        %get3A_500 = arith.constant 48 : index
        %get3A_501 = tpu.vector_load %arg12[%get3A_498, %get3A_499, %get3A_500] {strides = array<i32>} : memref<2x128x128xf32, #tpu.memory_space<vmem>>, vector<16xf32>,
        %get3A_502 = arith.constant 1 : i32
        %get3A_503 = arith.index_cast %get3A_502 : i32 to index
        %get3A_504 = arith.index_cast %add3A_461 : i32 to index
        %get3A_505 = arith.constant 48 : index
        %get3A_506 = tpu.vector_load %arg13[%get3A_503, %get3A_504, %get3A_505] {strides = array<i32>} : memref<2x128x128xf32, #tpu.memory_space<vmem>>, vector<16xf32>,
        %mul3A_507 = arith.mulf %get3A_501, %get3A_506 : vector<16xf32>
        %add3A_508 = arith.addf %add3A_496, %mul3A_507 : vector<16xf32>
        %get3A_509 = arith.constant 1 : i32
        %get3A_510 = arith.index_cast %get3A_509 : i32 to index
        %get3A_511 = arith.index_cast %add3A_461 : i32 to index
        %get3A_512 = arith.constant 64 : index
        %get3A_513 = tpu.vector_load %arg12[%get3A_510, %get3A_511, %get3A_512] {strides = array<i32>} : memref<2x128x128xf32, #tpu.memory_space<vmem>>, vector<16xf32>,
        %get3A_514 = arith.constant 1 : i32
        %get3A_515 = arith.index_cast %get3A_514 : i32 to index
        %get3A_516 = arith.index_cast %add3A_461 : i32 to index
        %get3A_517 = arith.constant 64 : index
        %get3A_518 = tpu.vector_load %arg13[%get3A_515, %get3A_516, %get3A_517] {strides = array<i32>} : memref<2x128x128xf32, #tpu.memory_space<vmem>>, vector<16xf32>,
        %mul3A_519 = arith.mulf %get3A_513, %get3A_518 : vector<16xf32>
        %add3A_520 = arith.addf %add3A_508, %mul3A_519 : vector<16xf32>
        %get3A_521 = arith.constant 1 : i32
        %get3A_522 = arith.index_cast %get3A_521 : i32 to index
        %get3A_523 = arith.index_cast %add3A_461 : i32 to index
        %get3A_524 = arith.constant 80 : index
        %get3A_525 = tpu.vector_load %arg12[%get3A_522, %get3A_523, %get3A_524] {strides = array<i32>} : memref<2x128x128xf32, #tpu.memory_space<vmem>>, vector<16xf32>,
        %get3A_526 = arith.constant 1 : i32
        %get3A_527 = arith.index_cast %get3A_526 : i32 to index
        %get3A_528 = arith.index_cast %add3A_461 : i32 to index
        %get3A_529 = arith.constant 80 : index
        %get3A_530 = tpu.vector_load %arg13[%get3A_527, %get3A_528, %get3A_529] {strides = array<i32>} : memref<2x128x128xf32, #tpu.memory_space<vmem>>, vector<16xf32>,
        %mul3A_531 = arith.mulf %get3A_525, %get3A_530 : vector<16xf32>
        %add3A_532 = arith.addf %add3A_520, %mul3A_531 : vector<16xf32>
        %get3A_533 = arith.constant 1 : i32
        %get3A_534 = arith.index_cast %get3A_533 : i32 to index
        %get3A_535 = arith.index_cast %add3A_461 : i32 to index
        %get3A_536 = arith.constant 96 : index
        %get3A_537 = tpu.vector_load %arg12[%get3A_534, %get3A_535, %get3A_536] {strides = array<i32>} : memref<2x128x128xf32, #tpu.memory_space<vmem>>, vector<16xf32>,
        %get3A_538 = arith.constant 1 : i32
        %get3A_539 = arith.index_cast %get3A_538 : i32 to index
        %get3A_540 = arith.index_cast %add3A_461 : i32 to index
        %get3A_541 = arith.constant 96 : index
        %get3A_542 = tpu.vector_load %arg13[%get3A_539, %get3A_540, %get3A_541] {strides = array<i32>} : memref<2x128x128xf32, #tpu.memory_space<vmem>>, vector<16xf32>,
        %mul3A_543 = arith.mulf %get3A_537, %get3A_542 : vector<16xf32>
        %add3A_544 = arith.addf %add3A_532, %mul3A_543 : vector<16xf32>
        %get3A_545 = arith.constant 1 : i32
        %get3A_546 = arith.index_cast %get3A_545 : i32 to index
        %get3A_547 = arith.index_cast %add3A_461 : i32 to index
        %get3A_548 = arith.constant 112 : index
        %get3A_549 = tpu.vector_load %arg12[%get3A_546, %get3A_547, %get3A_548] {strides = array<i32>} : memref<2x128x128xf32, #tpu.memory_space<vmem>>, vector<16xf32>,
        %get3A_550 = arith.constant 1 : i32
        %get3A_551 = arith.index_cast %get3A_550 : i32 to index
        %get3A_552 = arith.index_cast %add3A_461 : i32 to index
        %get3A_553 = arith.constant 112 : index
        %get3A_554 = tpu.vector_load %arg13[%get3A_551, %get3A_552, %get3A_553] {strides = array<i32>} : memref<2x128x128xf32, #tpu.memory_space<vmem>>, vector<16xf32>,
        %mul3A_555 = arith.mulf %get3A_549, %get3A_554 : vector<16xf32>
        %add3A_556 = arith.addf %add3A_544, %mul3A_555 : vector<16xf32>
        %reduce_sum3A_557 = arith.constant true
        %reduce_sum3A_558 = vector.broadcast %reduce_sum3A_557 : i1 to vector<16xi1>
        %reduce_sum3A_559 = tpu.scan <sum>, %add3A_556 masked %reduce_sum3A_558 : vector<16xf32>, vector<16xi1> -> vector<16xf32>
        %reduce_sum3A_560 = vector.extract %reduce_sum3A_559[15] : f32 from vector<16xf32>
        %eq3A_561 = vector.broadcast %add3A_458 : i32 to vector<16xi32>
        %eq3A_562 = arith.cmpi eq, %iota3A, %eq3A_561 : vector<16xi32>
        %broadcast_in_dim3A_563 = vector.broadcast %reduce_sum3A_560 : f32 to vector<16xf32>
        %select_n3A_564 = arith.select %eq3A_562, %broadcast_in_dim3A_563, %select_n3A : vector<16xi1>, vector<16xf32>
        %mul3A_565 = arith.constant 4 : i32
        %mul3A_566 = arith.muli %scan3A_346, %mul3A_565 : i32
        %add3A_567 = arith.constant 2 : i32
        %add3A_568 = arith.addi %mul3A_566, %add3A_567 : i32
        %mul3A_569 = arith.constant 16 : i32
        %mul3A_570 = arith.muli %scan3A_333, %mul3A_569 : i32
        %add3A_571 = arith.addi %mul3A_570, %add3A_568 : i32
        %get3A_572 = arith.constant 1 : i32
        %get3A_573 = arith.index_cast %get3A_572 : i32 to index
        %get3A_574 = arith.index_cast %add3A_571 : i32 to index
        %get3A_575 = arith.constant 0 : index
        %get3A_576 = tpu.vector_load %arg12[%get3A_573, %get3A_574, %get3A_575] {strides = array<i32>} : memref<2x128x128xf32, #tpu.memory_space<vmem>>, vector<16xf32>,
        %get3A_577 = arith.constant 1 : i32
        %get3A_578 = arith.index_cast %get3A_577 : i32 to index
        %get3A_579 = arith.index_cast %add3A_571 : i32 to index
        %get3A_580 = arith.constant 0 : index
        %get3A_581 = tpu.vector_load %arg13[%get3A_578, %get3A_579, %get3A_580] {strides = array<i32>} : memref<2x128x128xf32, #tpu.memory_space<vmem>>, vector<16xf32>,
        %mul3A_582 = arith.mulf %get3A_576, %get3A_581 : vector<16xf32>
        %get3A_583 = arith.constant 1 : i32
        %get3A_584 = arith.index_cast %get3A_583 : i32 to index
        %get3A_585 = arith.index_cast %add3A_571 : i32 to index
        %get3A_586 = arith.constant 16 : index
        %get3A_587 = tpu.vector_load %arg12[%get3A_584, %get3A_585, %get3A_586] {strides = array<i32>} : memref<2x128x128xf32, #tpu.memory_space<vmem>>, vector<16xf32>,
        %get3A_588 = arith.constant 1 : i32
        %get3A_589 = arith.index_cast %get3A_588 : i32 to index
        %get3A_590 = arith.index_cast %add3A_571 : i32 to index
        %get3A_591 = arith.constant 16 : index
        %get3A_592 = tpu.vector_load %arg13[%get3A_589, %get3A_590, %get3A_591] {strides = array<i32>} : memref<2x128x128xf32, #tpu.memory_space<vmem>>, vector<16xf32>,
        %mul3A_593 = arith.mulf %get3A_587, %get3A_592 : vector<16xf32>
        %add3A_594 = arith.addf %mul3A_582, %mul3A_593 : vector<16xf32>
        %get3A_595 = arith.constant 1 : i32
        %get3A_596 = arith.index_cast %get3A_595 : i32 to index
        %get3A_597 = arith.index_cast %add3A_571 : i32 to index
        %get3A_598 = arith.constant 32 : index
        %get3A_599 = tpu.vector_load %arg12[%get3A_596, %get3A_597, %get3A_598] {strides = array<i32>} : memref<2x128x128xf32, #tpu.memory_space<vmem>>, vector<16xf32>,
        %get3A_600 = arith.constant 1 : i32
        %get3A_601 = arith.index_cast %get3A_600 : i32 to index
        %get3A_602 = arith.index_cast %add3A_571 : i32 to index
        %get3A_603 = arith.constant 32 : index
        %get3A_604 = tpu.vector_load %arg13[%get3A_601, %get3A_602, %get3A_603] {strides = array<i32>} : memref<2x128x128xf32, #tpu.memory_space<vmem>>, vector<16xf32>,
        %mul3A_605 = arith.mulf %get3A_599, %get3A_604 : vector<16xf32>
        %add3A_606 = arith.addf %add3A_594, %mul3A_605 : vector<16xf32>
        %get3A_607 = arith.constant 1 : i32
        %get3A_608 = arith.index_cast %get3A_607 : i32 to index
        %get3A_609 = arith.index_cast %add3A_571 : i32 to index
        %get3A_610 = arith.constant 48 : index
        %get3A_611 = tpu.vector_load %arg12[%get3A_608, %get3A_609, %get3A_610] {strides = array<i32>} : memref<2x128x128xf32, #tpu.memory_space<vmem>>, vector<16xf32>,
        %get3A_612 = arith.constant 1 : i32
        %get3A_613 = arith.index_cast %get3A_612 : i32 to index
        %get3A_614 = arith.index_cast %add3A_571 : i32 to index
        %get3A_615 = arith.constant 48 : index
        %get3A_616 = tpu.vector_load %arg13[%get3A_613, %get3A_614, %get3A_615] {strides = array<i32>} : memref<2x128x128xf32, #tpu.memory_space<vmem>>, vector<16xf32>,
        %mul3A_617 = arith.mulf %get3A_611, %get3A_616 : vector<16xf32>
        %add3A_618 = arith.addf %add3A_606, %mul3A_617 : vector<16xf32>
        %get3A_619 = arith.constant 1 : i32
        %get3A_620 = arith.index_cast %get3A_619 : i32 to index
        %get3A_621 = arith.index_cast %add3A_571 : i32 to index
        %get3A_622 = arith.constant 64 : index
        %get3A_623 = tpu.vector_load %arg12[%get3A_620, %get3A_621, %get3A_622] {strides = array<i32>} : memref<2x128x128xf32, #tpu.memory_space<vmem>>, vector<16xf32>,
        %get3A_624 = arith.constant 1 : i32
        %get3A_625 = arith.index_cast %get3A_624 : i32 to index
        %get3A_626 = arith.index_cast %add3A_571 : i32 to index
        %get3A_627 = arith.constant 64 : index
        %get3A_628 = tpu.vector_load %arg13[%get3A_625, %get3A_626, %get3A_627] {strides = array<i32>} : memref<2x128x128xf32, #tpu.memory_space<vmem>>, vector<16xf32>,
        %mul3A_629 = arith.mulf %get3A_623, %get3A_628 : vector<16xf32>
        %add3A_630 = arith.addf %add3A_618, %mul3A_629 : vector<16xf32>
        %get3A_631 = arith.constant 1 : i32
        %get3A_632 = arith.index_cast %get3A_631 : i32 to index
        %get3A_633 = arith.index_cast %add3A_571 : i32 to index
        %get3A_634 = arith.constant 80 : index
        %get3A_635 = tpu.vector_load %arg12[%get3A_632, %get3A_633, %get3A_634] {strides = array<i32>} : memref<2x128x128xf32, #tpu.memory_space<vmem>>, vector<16xf32>,
        %get3A_636 = arith.constant 1 : i32
        %get3A_637 = arith.index_cast %get3A_636 : i32 to index
        %get3A_638 = arith.index_cast %add3A_571 : i32 to index
        %get3A_639 = arith.constant 80 : index
        %get3A_640 = tpu.vector_load %arg13[%get3A_637, %get3A_638, %get3A_639] {strides = array<i32>} : memref<2x128x128xf32, #tpu.memory_space<vmem>>, vector<16xf32>,
        %mul3A_641 = arith.mulf %get3A_635, %get3A_640 : vector<16xf32>
        %add3A_642 = arith.addf %add3A_630, %mul3A_641 : vector<16xf32>
        %get3A_643 = arith.constant 1 : i32
        %get3A_644 = arith.index_cast %get3A_643 : i32 to index
        %get3A_645 = arith.index_cast %add3A_571 : i32 to index
        %get3A_646 = arith.constant 96 : index
        %get3A_647 = tpu.vector_load %arg12[%get3A_644, %get3A_645, %get3A_646] {strides = array<i32>} : memref<2x128x128xf32, #tpu.memory_space<vmem>>, vector<16xf32>,
        %get3A_648 = arith.constant 1 : i32
        %get3A_649 = arith.index_cast %get3A_648 : i32 to index
        %get3A_650 = arith.index_cast %add3A_571 : i32 to index
        %get3A_651 = arith.constant 96 : index
        %get3A_652 = tpu.vector_load %arg13[%get3A_649, %get3A_650, %get3A_651] {strides = array<i32>} : memref<2x128x128xf32, #tpu.memory_space<vmem>>, vector<16xf32>,
        %mul3A_653 = arith.mulf %get3A_647, %get3A_652 : vector<16xf32>
        %add3A_654 = arith.addf %add3A_642, %mul3A_653 : vector<16xf32>
        %get3A_655 = arith.constant 1 : i32
        %get3A_656 = arith.index_cast %get3A_655 : i32 to index
        %get3A_657 = arith.index_cast %add3A_571 : i32 to index
        %get3A_658 = arith.constant 112 : index
        %get3A_659 = tpu.vector_load %arg12[%get3A_656, %get3A_657, %get3A_658] {strides = array<i32>} : memref<2x128x128xf32, #tpu.memory_space<vmem>>, vector<16xf32>,
        %get3A_660 = arith.constant 1 : i32
        %get3A_661 = arith.index_cast %get3A_660 : i32 to index
        %get3A_662 = arith.index_cast %add3A_571 : i32 to index
        %get3A_663 = arith.constant 112 : index
        %get3A_664 = tpu.vector_load %arg13[%get3A_661, %get3A_662, %get3A_663] {strides = array<i32>} : memref<2x128x128xf32, #tpu.memory_space<vmem>>, vector<16xf32>,
        %mul3A_665 = arith.mulf %get3A_659, %get3A_664 : vector<16xf32>
        %add3A_666 = arith.addf %add3A_654, %mul3A_665 : vector<16xf32>
        %reduce_sum3A_667 = arith.constant true
        %reduce_sum3A_668 = vector.broadcast %reduce_sum3A_667 : i1 to vector<16xi1>
        %reduce_sum3A_669 = tpu.scan <sum>, %add3A_666 masked %reduce_sum3A_668 : vector<16xf32>, vector<16xi1> -> vector<16xf32>
        %reduce_sum3A_670 = vector.extract %reduce_sum3A_669[15] : f32 from vector<16xf32>
        %eq3A_671 = vector.broadcast %add3A_568 : i32 to vector<16xi32>
        %eq3A_672 = arith.cmpi eq, %iota3A, %eq3A_671 : vector<16xi32>
        %broadcast_in_dim3A_673 = vector.broadcast %reduce_sum3A_670 : f32 to vector<16xf32>
        %select_n3A_674 = arith.select %eq3A_672, %broadcast_in_dim3A_673, %select_n3A_564 : vector<16xi1>, vector<16xf32>
        %mul3A_675 = arith.constant 4 : i32
        %mul3A_676 = arith.muli %scan3A_346, %mul3A_675 : i32
        %add3A_677 = arith.constant 3 : i32
        %add3A_678 = arith.addi %mul3A_676, %add3A_677 : i32
        %mul3A_679 = arith.constant 16 : i32
        %mul3A_680 = arith.muli %scan3A_333, %mul3A_679 : i32
        %add3A_681 = arith.addi %mul3A_680, %add3A_678 : i32
        %get3A_682 = arith.constant 1 : i32
        %get3A_683 = arith.index_cast %get3A_682 : i32 to index
        %get3A_684 = arith.index_cast %add3A_681 : i32 to index
        %get3A_685 = arith.constant 0 : index
        %get3A_686 = tpu.vector_load %arg12[%get3A_683, %get3A_684, %get3A_685] {strides = array<i32>} : memref<2x128x128xf32, #tpu.memory_space<vmem>>, vector<16xf32>,
        %get3A_687 = arith.constant 1 : i32
        %get3A_688 = arith.index_cast %get3A_687 : i32 to index
        %get3A_689 = arith.index_cast %add3A_681 : i32 to index
        %get3A_690 = arith.constant 0 : index
        %get3A_691 = tpu.vector_load %arg13[%get3A_688, %get3A_689, %get3A_690] {strides = array<i32>} : memref<2x128x128xf32, #tpu.memory_space<vmem>>, vector<16xf32>,
        %mul3A_692 = arith.mulf %get3A_686, %get3A_691 : vector<16xf32>
        %get3A_693 = arith.constant 1 : i32
        %get3A_694 = arith.index_cast %get3A_693 : i32 to index
        %get3A_695 = arith.index_cast %add3A_681 : i32 to index
        %get3A_696 = arith.constant 16 : index
        %get3A_697 = tpu.vector_load %arg12[%get3A_694, %get3A_695, %get3A_696] {strides = array<i32>} : memref<2x128x128xf32, #tpu.memory_space<vmem>>, vector<16xf32>,
        %get3A_698 = arith.constant 1 : i32
        %get3A_699 = arith.index_cast %get3A_698 : i32 to index
        %get3A_700 = arith.index_cast %add3A_681 : i32 to index
        %get3A_701 = arith.constant 16 : index
        %get3A_702 = tpu.vector_load %arg13[%get3A_699, %get3A_700, %get3A_701] {strides = array<i32>} : memref<2x128x128xf32, #tpu.memory_space<vmem>>, vector<16xf32>,
        %mul3A_703 = arith.mulf %get3A_697, %get3A_702 : vector<16xf32>
        %add3A_704 = arith.addf %mul3A_692, %mul3A_703 : vector<16xf32>
        %get3A_705 = arith.constant 1 : i32
        %get3A_706 = arith.index_cast %get3A_705 : i32 to index
        %get3A_707 = arith.index_cast %add3A_681 : i32 to index
        %get3A_708 = arith.constant 32 : index
        %get3A_709 = tpu.vector_load %arg12[%get3A_706, %get3A_707, %get3A_708] {strides = array<i32>} : memref<2x128x128xf32, #tpu.memory_space<vmem>>, vector<16xf32>,
        %get3A_710 = arith.constant 1 : i32
        %get3A_711 = arith.index_cast %get3A_710 : i32 to index
        %get3A_712 = arith.index_cast %add3A_681 : i32 to index
        %get3A_713 = arith.constant 32 : index
        %get3A_714 = tpu.vector_load %arg13[%get3A_711, %get3A_712, %get3A_713] {strides = array<i32>} : memref<2x128x128xf32, #tpu.memory_space<vmem>>, vector<16xf32>,
        %mul3A_715 = arith.mulf %get3A_709, %get3A_714 : vector<16xf32>
        %add3A_716 = arith.addf %add3A_704, %mul3A_715 : vector<16xf32>
        %get3A_717 = arith.constant 1 : i32
        %get3A_718 = arith.index_cast %get3A_717 : i32 to index
        %get3A_719 = arith.index_cast %add3A_681 : i32 to index
        %get3A_720 = arith.constant 48 : index
        %get3A_721 = tpu.vector_load %arg12[%get3A_718, %get3A_719, %get3A_720] {strides = array<i32>} : memref<2x128x128xf32, #tpu.memory_space<vmem>>, vector<16xf32>,
        %get3A_722 = arith.constant 1 : i32
        %get3A_723 = arith.index_cast %get3A_722 : i32 to index
        %get3A_724 = arith.index_cast %add3A_681 : i32 to index
        %get3A_725 = arith.constant 48 : index
        %get3A_726 = tpu.vector_load %arg13[%get3A_723, %get3A_724, %get3A_725] {strides = array<i32>} : memref<2x128x128xf32, #tpu.memory_space<vmem>>, vector<16xf32>,
        %mul3A_727 = arith.mulf %get3A_721, %get3A_726 : vector<16xf32>
        %add3A_728 = arith.addf %add3A_716, %mul3A_727 : vector<16xf32>
        %get3A_729 = arith.constant 1 : i32
        %get3A_730 = arith.index_cast %get3A_729 : i32 to index
        %get3A_731 = arith.index_cast %add3A_681 : i32 to index
        %get3A_732 = arith.constant 64 : index
        %get3A_733 = tpu.vector_load %arg12[%get3A_730, %get3A_731, %get3A_732] {strides = array<i32>} : memref<2x128x128xf32, #tpu.memory_space<vmem>>, vector<16xf32>,
        %get3A_734 = arith.constant 1 : i32
        %get3A_735 = arith.index_cast %get3A_734 : i32 to index
        %get3A_736 = arith.index_cast %add3A_681 : i32 to index
        %get3A_737 = arith.constant 64 : index
        %get3A_738 = tpu.vector_load %arg13[%get3A_735, %get3A_736, %get3A_737] {strides = array<i32>} : memref<2x128x128xf32, #tpu.memory_space<vmem>>, vector<16xf32>,
        %mul3A_739 = arith.mulf %get3A_733, %get3A_738 : vector<16xf32>
        %add3A_740 = arith.addf %add3A_728, %mul3A_739 : vector<16xf32>
        %get3A_741 = arith.constant 1 : i32
        %get3A_742 = arith.index_cast %get3A_741 : i32 to index
        %get3A_743 = arith.index_cast %add3A_681 : i32 to index
        %get3A_744 = arith.constant 80 : index
        %get3A_745 = tpu.vector_load %arg12[%get3A_742, %get3A_743, %get3A_744] {strides = array<i32>} : memref<2x128x128xf32, #tpu.memory_space<vmem>>, vector<16xf32>,
        %get3A_746 = arith.constant 1 : i32
        %get3A_747 = arith.index_cast %get3A_746 : i32 to index
        %get3A_748 = arith.index_cast %add3A_681 : i32 to index
        %get3A_749 = arith.constant 80 : index
        %get3A_750 = tpu.vector_load %arg13[%get3A_747, %get3A_748, %get3A_749] {strides = array<i32>} : memref<2x128x128xf32, #tpu.memory_space<vmem>>, vector<16xf32>,
        %mul3A_751 = arith.mulf %get3A_745, %get3A_750 : vector<16xf32>
        %add3A_752 = arith.addf %add3A_740, %mul3A_751 : vector<16xf32>
        %get3A_753 = arith.constant 1 : i32
        %get3A_754 = arith.index_cast %get3A_753 : i32 to index
        %get3A_755 = arith.index_cast %add3A_681 : i32 to index
        %get3A_756 = arith.constant 96 : index
        %get3A_757 = tpu.vector_load %arg12[%get3A_754, %get3A_755, %get3A_756] {strides = array<i32>} : memref<2x128x128xf32, #tpu.memory_space<vmem>>, vector<16xf32>,
        %get3A_758 = arith.constant 1 : i32
        %get3A_759 = arith.index_cast %get3A_758 : i32 to index
        %get3A_760 = arith.index_cast %add3A_681 : i32 to index
        %get3A_761 = arith.constant 96 : index
        %get3A_762 = tpu.vector_load %arg13[%get3A_759, %get3A_760, %get3A_761] {strides = array<i32>} : memref<2x128x128xf32, #tpu.memory_space<vmem>>, vector<16xf32>,
        %mul3A_763 = arith.mulf %get3A_757, %get3A_762 : vector<16xf32>
        %add3A_764 = arith.addf %add3A_752, %mul3A_763 : vector<16xf32>
        %get3A_765 = arith.constant 1 : i32
        %get3A_766 = arith.index_cast %get3A_765 : i32 to index
        %get3A_767 = arith.index_cast %add3A_681 : i32 to index
        %get3A_768 = arith.constant 112 : index
        %get3A_769 = tpu.vector_load %arg12[%get3A_766, %get3A_767, %get3A_768] {strides = array<i32>} : memref<2x128x128xf32, #tpu.memory_space<vmem>>, vector<16xf32>,
        %get3A_770 = arith.constant 1 : i32
        %get3A_771 = arith.index_cast %get3A_770 : i32 to index
        %get3A_772 = arith.index_cast %add3A_681 : i32 to index
        %get3A_773 = arith.constant 112 : index
        %get3A_774 = tpu.vector_load %arg13[%get3A_771, %get3A_772, %get3A_773] {strides = array<i32>} : memref<2x128x128xf32, #tpu.memory_space<vmem>>, vector<16xf32>,
        %mul3A_775 = arith.mulf %get3A_769, %get3A_774 : vector<16xf32>
        %add3A_776 = arith.addf %add3A_764, %mul3A_775 : vector<16xf32>
        %reduce_sum3A_777 = arith.constant true
        %reduce_sum3A_778 = vector.broadcast %reduce_sum3A_777 : i1 to vector<16xi1>
        %reduce_sum3A_779 = tpu.scan <sum>, %add3A_776 masked %reduce_sum3A_778 : vector<16xf32>, vector<16xi1> -> vector<16xf32>
        %reduce_sum3A_780 = vector.extract %reduce_sum3A_779[15] : f32 from vector<16xf32>
        %eq3A_781 = vector.broadcast %add3A_678 : i32 to vector<16xi32>
        %eq3A_782 = arith.cmpi eq, %iota3A, %eq3A_781 : vector<16xi32>
        %broadcast_in_dim3A_783 = vector.broadcast %reduce_sum3A_780 : f32 to vector<16xf32>
        %select_n3A_784 = arith.select %eq3A_782, %broadcast_in_dim3A_783, %select_n3A_674 : vector<16xi1>, vector<16xf32>
        scf.yield %select_n3A_784 : vector<16xf32>
      }
      %scan3A_340 = arith.constant 4 : i32
      %mul3A_341 = arith.constant 16 : i32
      %mul3A_342 = arith.muli %scan3A_333, %mul3A_341 : i32
      %add3A_343 = arith.constant 320 : i32
      %add3A_344 = arith.addi %add3A_343, %mul3A_342 : i32
      %swap3A = arith.index_cast %add3A_344 : i32 to index
      %swap3A_345 = tpu.vector_load %arg17[%swap3A] {strides = array<i32>} : memref<528xf32, #tpu.memory_space<vmem>>, vector<16xf32>,
      tpu.vector_store %arg17[%swap3A], %scan3A_339 {strides = array<i32>} : memref<528xf32, #tpu.memory_space<vmem>>, vector<16xf32>,
    }
    %scan3A_251 = arith.constant 8 : i32
    %dma_wait3A_252 = arith.constant 0 : i32
    %dma_wait3A_253 = arith.constant 0 : i32
    %dma_wait3A_254 = arith.constant 0 : i32
    %dma_wait3A_255 = tpu.memref_slice %arg12[%dma_wait3A_252, %dma_wait3A_253, %dma_wait3A_254] : memref<2x128x128xf32, #tpu.memory_space<vmem>> -> memref<1x64x128xf32, #tpu.memory_space<vmem>>
    %dma_wait3A_256 = tpu.memref_squeeze %dma_wait3A_255 : memref<1x64x128xf32, #tpu.memory_space<vmem>> -> memref<64x128xf32, #tpu.memory_space<vmem>>
    %dma_wait3A_257 = arith.constant 448 : i32
    %dma_wait3A_258 = tpu.memref_slice %arg10[%dma_wait3A_257] : memref<512xi32, #tpu.memory_space<vmem>> -> memref<64xi32, #tpu.memory_space<vmem>>
    %dma_wait3A_259 = arith.constant 0 : i32
    %dma_wait3A_260 = arith.constant 0 : i32
    %dma_wait3A_261 = tpu.memref_slice %arg4[%dma_wait3A_259, %dma_wait3A_260] : memref<100000x128xf32, #tpu.memory_space<hbm>> -> memref<100000x128xf32, #tpu.memory_space<hbm>>
    tpu.wait_indirect_dma semaphore(%arg18 : memref<!tpu.dma_semaphore, #tpu.memory_space<semaphore_mem>>) src(%dma_wait3A_261 : memref<100000x128xf32, #tpu.memory_space<hbm>>) dst(%dma_wait3A_256 : memref<64x128xf32, #tpu.memory_space<vmem>>)
    %dma_wait3A_262 = arith.constant 0 : i32
    %dma_wait3A_263 = arith.constant 0 : i32
    %dma_wait3A_264 = arith.constant 0 : i32
    %dma_wait3A_265 = tpu.memref_slice %arg13[%dma_wait3A_262, %dma_wait3A_263, %dma_wait3A_264] : memref<2x128x128xf32, #tpu.memory_space<vmem>> -> memref<1x64x128xf32, #tpu.memory_space<vmem>>
    %dma_wait3A_266 = tpu.memref_squeeze %dma_wait3A_265 : memref<1x64x128xf32, #tpu.memory_space<vmem>> -> memref<64x128xf32, #tpu.memory_space<vmem>>
    %dma_wait3A_267 = arith.constant 448 : i32
    %dma_wait3A_268 = tpu.memref_slice %arg11[%dma_wait3A_267] : memref<512xi32, #tpu.memory_space<vmem>> -> memref<64xi32, #tpu.memory_space<vmem>>
    %dma_wait3A_269 = arith.constant 0 : i32
    %dma_wait3A_270 = arith.constant 0 : i32
    %dma_wait3A_271 = tpu.memref_slice %arg5[%dma_wait3A_269, %dma_wait3A_270] : memref<100000x128xf32, #tpu.memory_space<hbm>> -> memref<100000x128xf32, #tpu.memory_space<hbm>>
    tpu.wait_indirect_dma semaphore(%arg18 : memref<!tpu.dma_semaphore, #tpu.memory_space<semaphore_mem>>) src(%dma_wait3A_271 : memref<100000x128xf32, #tpu.memory_space<hbm>>) dst(%dma_wait3A_266 : memref<64x128xf32, #tpu.memory_space<vmem>>)
    %scan3A_272 = arith.constant 0 : i32
    %scan3A_273 = arith.constant 0 : i32
    %scan3A_274 = arith.constant 4 : i32
    %scan3A_275 = arith.addi %scan3A_273, %scan3A_274 : i32
    %scan3A_276 = arith.constant 1 : i32
    scf.for %scan3A_333 = %scan3A_273 to %scan3A_275 step %scan3A_276  : i32 {
      %broadcast_in_dim3A = arith.constant 0.000000e+00 : f32
      %broadcast_in_dim3A_334 = vector.broadcast %broadcast_in_dim3A : f32 to vector<16xf32>
      %scan3A_335 = arith.constant 0 : i32
      %scan3A_336 = arith.constant 4 : i32
      %scan3A_337 = arith.addi %scan3A_335, %scan3A_336 : i32
      %scan3A_338 = arith.constant 1 : i32
      %scan3A_339 = scf.for %scan3A_346 = %scan3A_335 to %scan3A_337 step %scan3A_338 iter_args(%scan3A_347 = %broadcast_in_dim3A_334) -> (vector<16xf32>)  : i32 {
        %mul3A_348 = arith.constant 4 : i32
        %mul3A_349 = arith.muli %scan3A_346, %mul3A_348 : i32
        %add3A_350 = arith.constant 0 : i32
        %add3A_351 = arith.addi %mul3A_349, %add3A_350 : i32
        %mul3A_352 = arith.constant 16 : i32
        %mul3A_353 = arith.muli %scan3A_333, %mul3A_352 : i32
        %add3A_354 = arith.addi %mul3A_353, %add3A_351 : i32
        %get3A_355 = arith.constant 0 : i32
        %get3A_356 = arith.index_cast %get3A_355 : i32 to index
        %get3A_357 = arith.index_cast %add3A_354 : i32 to index
        %get3A_358 = arith.constant 0 : index
        %get3A_359 = tpu.vector_load %arg12[%get3A_356, %get3A_357, %get3A_358] {strides = array<i32>} : memref<2x128x128xf32, #tpu.memory_space<vmem>>, vector<16xf32>,
        %get3A_360 = arith.constant 0 : i32
        %get3A_361 = arith.index_cast %get3A_360 : i32 to index
        %get3A_362 = arith.index_cast %add3A_354 : i32 to index
        %get3A_363 = arith.constant 0 : index
        %get3A_364 = tpu.vector_load %arg13[%get3A_361, %get3A_362, %get3A_363] {strides = array<i32>} : memref<2x128x128xf32, #tpu.memory_space<vmem>>, vector<16xf32>,
        %mul3A_365 = arith.mulf %get3A_359, %get3A_364 : vector<16xf32>
        %get3A_366 = arith.constant 0 : i32
        %get3A_367 = arith.index_cast %get3A_366 : i32 to index
        %get3A_368 = arith.index_cast %add3A_354 : i32 to index
        %get3A_369 = arith.constant 16 : index
        %get3A_370 = tpu.vector_load %arg12[%get3A_367, %get3A_368, %get3A_369] {strides = array<i32>} : memref<2x128x128xf32, #tpu.memory_space<vmem>>, vector<16xf32>,
        %get3A_371 = arith.constant 0 : i32
        %get3A_372 = arith.index_cast %get3A_371 : i32 to index
        %get3A_373 = arith.index_cast %add3A_354 : i32 to index
        %get3A_374 = arith.constant 16 : index
        %get3A_375 = tpu.vector_load %arg13[%get3A_372, %get3A_373, %get3A_374] {strides = array<i32>} : memref<2x128x128xf32, #tpu.memory_space<vmem>>, vector<16xf32>,
        %mul3A_376 = arith.mulf %get3A_370, %get3A_375 : vector<16xf32>
        %add3A_377 = arith.addf %mul3A_365, %mul3A_376 : vector<16xf32>
        %get3A_378 = arith.constant 0 : i32
        %get3A_379 = arith.index_cast %get3A_378 : i32 to index
        %get3A_380 = arith.index_cast %add3A_354 : i32 to index
        %get3A_381 = arith.constant 32 : index
        %get3A_382 = tpu.vector_load %arg12[%get3A_379, %get3A_380, %get3A_381] {strides = array<i32>} : memref<2x128x128xf32, #tpu.memory_space<vmem>>, vector<16xf32>,
        %get3A_383 = arith.constant 0 : i32
        %get3A_384 = arith.index_cast %get3A_383 : i32 to index
        %get3A_385 = arith.index_cast %add3A_354 : i32 to index
        %get3A_386 = arith.constant 32 : index
        %get3A_387 = tpu.vector_load %arg13[%get3A_384, %get3A_385, %get3A_386] {strides = array<i32>} : memref<2x128x128xf32, #tpu.memory_space<vmem>>, vector<16xf32>,
        %mul3A_388 = arith.mulf %get3A_382, %get3A_387 : vector<16xf32>
        %add3A_389 = arith.addf %add3A_377, %mul3A_388 : vector<16xf32>
        %get3A_390 = arith.constant 0 : i32
        %get3A_391 = arith.index_cast %get3A_390 : i32 to index
        %get3A_392 = arith.index_cast %add3A_354 : i32 to index
        %get3A_393 = arith.constant 48 : index
        %get3A_394 = tpu.vector_load %arg12[%get3A_391, %get3A_392, %get3A_393] {strides = array<i32>} : memref<2x128x128xf32, #tpu.memory_space<vmem>>, vector<16xf32>,
        %get3A_395 = arith.constant 0 : i32
        %get3A_396 = arith.index_cast %get3A_395 : i32 to index
        %get3A_397 = arith.index_cast %add3A_354 : i32 to index
        %get3A_398 = arith.constant 48 : index
        %get3A_399 = tpu.vector_load %arg13[%get3A_396, %get3A_397, %get3A_398] {strides = array<i32>} : memref<2x128x128xf32, #tpu.memory_space<vmem>>, vector<16xf32>,
        %mul3A_400 = arith.mulf %get3A_394, %get3A_399 : vector<16xf32>
        %add3A_401 = arith.addf %add3A_389, %mul3A_400 : vector<16xf32>
        %get3A_402 = arith.constant 0 : i32
        %get3A_403 = arith.index_cast %get3A_402 : i32 to index
        %get3A_404 = arith.index_cast %add3A_354 : i32 to index
        %get3A_405 = arith.constant 64 : index
        %get3A_406 = tpu.vector_load %arg12[%get3A_403, %get3A_404, %get3A_405] {strides = array<i32>} : memref<2x128x128xf32, #tpu.memory_space<vmem>>, vector<16xf32>,
        %get3A_407 = arith.constant 0 : i32
        %get3A_408 = arith.index_cast %get3A_407 : i32 to index
        %get3A_409 = arith.index_cast %add3A_354 : i32 to index
        %get3A_410 = arith.constant 64 : index
        %get3A_411 = tpu.vector_load %arg13[%get3A_408, %get3A_409, %get3A_410] {strides = array<i32>} : memref<2x128x128xf32, #tpu.memory_space<vmem>>, vector<16xf32>,
        %mul3A_412 = arith.mulf %get3A_406, %get3A_411 : vector<16xf32>
        %add3A_413 = arith.addf %add3A_401, %mul3A_412 : vector<16xf32>
        %get3A_414 = arith.constant 0 : i32
        %get3A_415 = arith.index_cast %get3A_414 : i32 to index
        %get3A_416 = arith.index_cast %add3A_354 : i32 to index
        %get3A_417 = arith.constant 80 : index
        %get3A_418 = tpu.vector_load %arg12[%get3A_415, %get3A_416, %get3A_417] {strides = array<i32>} : memref<2x128x128xf32, #tpu.memory_space<vmem>>, vector<16xf32>,
        %get3A_419 = arith.constant 0 : i32
        %get3A_420 = arith.index_cast %get3A_419 : i32 to index
        %get3A_421 = arith.index_cast %add3A_354 : i32 to index
        %get3A_422 = arith.constant 80 : index
        %get3A_423 = tpu.vector_load %arg13[%get3A_420, %get3A_421, %get3A_422] {strides = array<i32>} : memref<2x128x128xf32, #tpu.memory_space<vmem>>, vector<16xf32>,
        %mul3A_424 = arith.mulf %get3A_418, %get3A_423 : vector<16xf32>
        %add3A_425 = arith.addf %add3A_413, %mul3A_424 : vector<16xf32>
        %get3A_426 = arith.constant 0 : i32
        %get3A_427 = arith.index_cast %get3A_426 : i32 to index
        %get3A_428 = arith.index_cast %add3A_354 : i32 to index
        %get3A_429 = arith.constant 96 : index
        %get3A_430 = tpu.vector_load %arg12[%get3A_427, %get3A_428, %get3A_429] {strides = array<i32>} : memref<2x128x128xf32, #tpu.memory_space<vmem>>, vector<16xf32>,
        %get3A_431 = arith.constant 0 : i32
        %get3A_432 = arith.index_cast %get3A_431 : i32 to index
        %get3A_433 = arith.index_cast %add3A_354 : i32 to index
        %get3A_434 = arith.constant 96 : index
        %get3A_435 = tpu.vector_load %arg13[%get3A_432, %get3A_433, %get3A_434] {strides = array<i32>} : memref<2x128x128xf32, #tpu.memory_space<vmem>>, vector<16xf32>,
        %mul3A_436 = arith.mulf %get3A_430, %get3A_435 : vector<16xf32>
        %add3A_437 = arith.addf %add3A_425, %mul3A_436 : vector<16xf32>
        %get3A_438 = arith.constant 0 : i32
        %get3A_439 = arith.index_cast %get3A_438 : i32 to index
        %get3A_440 = arith.index_cast %add3A_354 : i32 to index
        %get3A_441 = arith.constant 112 : index
        %get3A_442 = tpu.vector_load %arg12[%get3A_439, %get3A_440, %get3A_441] {strides = array<i32>} : memref<2x128x128xf32, #tpu.memory_space<vmem>>, vector<16xf32>,
        %get3A_443 = arith.constant 0 : i32
        %get3A_444 = arith.index_cast %get3A_443 : i32 to index
        %get3A_445 = arith.index_cast %add3A_354 : i32 to index
        %get3A_446 = arith.constant 112 : index
        %get3A_447 = tpu.vector_load %arg13[%get3A_444, %get3A_445, %get3A_446] {strides = array<i32>} : memref<2x128x128xf32, #tpu.memory_space<vmem>>, vector<16xf32>,
        %mul3A_448 = arith.mulf %get3A_442, %get3A_447 : vector<16xf32>
        %add3A_449 = arith.addf %add3A_437, %mul3A_448 : vector<16xf32>
        %reduce_sum3A = arith.constant true
        %reduce_sum3A_450 = vector.broadcast %reduce_sum3A : i1 to vector<16xi1>
        %reduce_sum3A_451 = tpu.scan <sum>, %add3A_449 masked %reduce_sum3A_450 : vector<16xf32>, vector<16xi1> -> vector<16xf32>
        %reduce_sum3A_452 = vector.extract %reduce_sum3A_451[15] : f32 from vector<16xf32>
        %eq3A = vector.broadcast %add3A_351 : i32 to vector<16xi32>
        %eq3A_453 = arith.cmpi eq, %iota3A, %eq3A : vector<16xi32>
        %broadcast_in_dim3A_454 = vector.broadcast %reduce_sum3A_452 : f32 to vector<16xf32>
        %select_n3A = arith.select %eq3A_453, %broadcast_in_dim3A_454, %scan3A_347 : vector<16xi1>, vector<16xf32>
        %mul3A_455 = arith.constant 4 : i32
        %mul3A_456 = arith.muli %scan3A_346, %mul3A_455 : i32
        %add3A_457 = arith.constant 1 : i32
        %add3A_458 = arith.addi %mul3A_456, %add3A_457 : i32
        %mul3A_459 = arith.constant 16 : i32
        %mul3A_460 = arith.muli %scan3A_333, %mul3A_459 : i32
        %add3A_461 = arith.addi %mul3A_460, %add3A_458 : i32
        %get3A_462 = arith.constant 0 : i32
        %get3A_463 = arith.index_cast %get3A_462 : i32 to index
        %get3A_464 = arith.index_cast %add3A_461 : i32 to index
        %get3A_465 = arith.constant 0 : index
        %get3A_466 = tpu.vector_load %arg12[%get3A_463, %get3A_464, %get3A_465] {strides = array<i32>} : memref<2x128x128xf32, #tpu.memory_space<vmem>>, vector<16xf32>,
        %get3A_467 = arith.constant 0 : i32
        %get3A_468 = arith.index_cast %get3A_467 : i32 to index
        %get3A_469 = arith.index_cast %add3A_461 : i32 to index
        %get3A_470 = arith.constant 0 : index
        %get3A_471 = tpu.vector_load %arg13[%get3A_468, %get3A_469, %get3A_470] {strides = array<i32>} : memref<2x128x128xf32, #tpu.memory_space<vmem>>, vector<16xf32>,
        %mul3A_472 = arith.mulf %get3A_466, %get3A_471 : vector<16xf32>
        %get3A_473 = arith.constant 0 : i32
        %get3A_474 = arith.index_cast %get3A_473 : i32 to index
        %get3A_475 = arith.index_cast %add3A_461 : i32 to index
        %get3A_476 = arith.constant 16 : index
        %get3A_477 = tpu.vector_load %arg12[%get3A_474, %get3A_475, %get3A_476] {strides = array<i32>} : memref<2x128x128xf32, #tpu.memory_space<vmem>>, vector<16xf32>,
        %get3A_478 = arith.constant 0 : i32
        %get3A_479 = arith.index_cast %get3A_478 : i32 to index
        %get3A_480 = arith.index_cast %add3A_461 : i32 to index
        %get3A_481 = arith.constant 16 : index
        %get3A_482 = tpu.vector_load %arg13[%get3A_479, %get3A_480, %get3A_481] {strides = array<i32>} : memref<2x128x128xf32, #tpu.memory_space<vmem>>, vector<16xf32>,
        %mul3A_483 = arith.mulf %get3A_477, %get3A_482 : vector<16xf32>
        %add3A_484 = arith.addf %mul3A_472, %mul3A_483 : vector<16xf32>
        %get3A_485 = arith.constant 0 : i32
        %get3A_486 = arith.index_cast %get3A_485 : i32 to index
        %get3A_487 = arith.index_cast %add3A_461 : i32 to index
        %get3A_488 = arith.constant 32 : index
        %get3A_489 = tpu.vector_load %arg12[%get3A_486, %get3A_487, %get3A_488] {strides = array<i32>} : memref<2x128x128xf32, #tpu.memory_space<vmem>>, vector<16xf32>,
        %get3A_490 = arith.constant 0 : i32
        %get3A_491 = arith.index_cast %get3A_490 : i32 to index
        %get3A_492 = arith.index_cast %add3A_461 : i32 to index
        %get3A_493 = arith.constant 32 : index
        %get3A_494 = tpu.vector_load %arg13[%get3A_491, %get3A_492, %get3A_493] {strides = array<i32>} : memref<2x128x128xf32, #tpu.memory_space<vmem>>, vector<16xf32>,
        %mul3A_495 = arith.mulf %get3A_489, %get3A_494 : vector<16xf32>
        %add3A_496 = arith.addf %add3A_484, %mul3A_495 : vector<16xf32>
        %get3A_497 = arith.constant 0 : i32
        %get3A_498 = arith.index_cast %get3A_497 : i32 to index
        %get3A_499 = arith.index_cast %add3A_461 : i32 to index
        %get3A_500 = arith.constant 48 : index
        %get3A_501 = tpu.vector_load %arg12[%get3A_498, %get3A_499, %get3A_500] {strides = array<i32>} : memref<2x128x128xf32, #tpu.memory_space<vmem>>, vector<16xf32>,
        %get3A_502 = arith.constant 0 : i32
        %get3A_503 = arith.index_cast %get3A_502 : i32 to index
        %get3A_504 = arith.index_cast %add3A_461 : i32 to index
        %get3A_505 = arith.constant 48 : index
        %get3A_506 = tpu.vector_load %arg13[%get3A_503, %get3A_504, %get3A_505] {strides = array<i32>} : memref<2x128x128xf32, #tpu.memory_space<vmem>>, vector<16xf32>,
        %mul3A_507 = arith.mulf %get3A_501, %get3A_506 : vector<16xf32>
        %add3A_508 = arith.addf %add3A_496, %mul3A_507 : vector<16xf32>
        %get3A_509 = arith.constant 0 : i32
        %get3A_510 = arith.index_cast %get3A_509 : i32 to index
        %get3A_511 = arith.index_cast %add3A_461 : i32 to index
        %get3A_512 = arith.constant 64 : index
        %get3A_513 = tpu.vector_load %arg12[%get3A_510, %get3A_511, %get3A_512] {strides = array<i32>} : memref<2x128x128xf32, #tpu.memory_space<vmem>>, vector<16xf32>,
        %get3A_514 = arith.constant 0 : i32
        %get3A_515 = arith.index_cast %get3A_514 : i32 to index
        %get3A_516 = arith.index_cast %add3A_461 : i32 to index
        %get3A_517 = arith.constant 64 : index
        %get3A_518 = tpu.vector_load %arg13[%get3A_515, %get3A_516, %get3A_517] {strides = array<i32>} : memref<2x128x128xf32, #tpu.memory_space<vmem>>, vector<16xf32>,
        %mul3A_519 = arith.mulf %get3A_513, %get3A_518 : vector<16xf32>
        %add3A_520 = arith.addf %add3A_508, %mul3A_519 : vector<16xf32>
        %get3A_521 = arith.constant 0 : i32
        %get3A_522 = arith.index_cast %get3A_521 : i32 to index
        %get3A_523 = arith.index_cast %add3A_461 : i32 to index
        %get3A_524 = arith.constant 80 : index
        %get3A_525 = tpu.vector_load %arg12[%get3A_522, %get3A_523, %get3A_524] {strides = array<i32>} : memref<2x128x128xf32, #tpu.memory_space<vmem>>, vector<16xf32>,
        %get3A_526 = arith.constant 0 : i32
        %get3A_527 = arith.index_cast %get3A_526 : i32 to index
        %get3A_528 = arith.index_cast %add3A_461 : i32 to index
        %get3A_529 = arith.constant 80 : index
        %get3A_530 = tpu.vector_load %arg13[%get3A_527, %get3A_528, %get3A_529] {strides = array<i32>} : memref<2x128x128xf32, #tpu.memory_space<vmem>>, vector<16xf32>,
        %mul3A_531 = arith.mulf %get3A_525, %get3A_530 : vector<16xf32>
        %add3A_532 = arith.addf %add3A_520, %mul3A_531 : vector<16xf32>
        %get3A_533 = arith.constant 0 : i32
        %get3A_534 = arith.index_cast %get3A_533 : i32 to index
        %get3A_535 = arith.index_cast %add3A_461 : i32 to index
        %get3A_536 = arith.constant 96 : index
        %get3A_537 = tpu.vector_load %arg12[%get3A_534, %get3A_535, %get3A_536] {strides = array<i32>} : memref<2x128x128xf32, #tpu.memory_space<vmem>>, vector<16xf32>,
        %get3A_538 = arith.constant 0 : i32
        %get3A_539 = arith.index_cast %get3A_538 : i32 to index
        %get3A_540 = arith.index_cast %add3A_461 : i32 to index
        %get3A_541 = arith.constant 96 : index
        %get3A_542 = tpu.vector_load %arg13[%get3A_539, %get3A_540, %get3A_541] {strides = array<i32>} : memref<2x128x128xf32, #tpu.memory_space<vmem>>, vector<16xf32>,
        %mul3A_543 = arith.mulf %get3A_537, %get3A_542 : vector<16xf32>
        %add3A_544 = arith.addf %add3A_532, %mul3A_543 : vector<16xf32>
        %get3A_545 = arith.constant 0 : i32
        %get3A_546 = arith.index_cast %get3A_545 : i32 to index
        %get3A_547 = arith.index_cast %add3A_461 : i32 to index
        %get3A_548 = arith.constant 112 : index
        %get3A_549 = tpu.vector_load %arg12[%get3A_546, %get3A_547, %get3A_548] {strides = array<i32>} : memref<2x128x128xf32, #tpu.memory_space<vmem>>, vector<16xf32>,
        %get3A_550 = arith.constant 0 : i32
        %get3A_551 = arith.index_cast %get3A_550 : i32 to index
        %get3A_552 = arith.index_cast %add3A_461 : i32 to index
        %get3A_553 = arith.constant 112 : index
        %get3A_554 = tpu.vector_load %arg13[%get3A_551, %get3A_552, %get3A_553] {strides = array<i32>} : memref<2x128x128xf32, #tpu.memory_space<vmem>>, vector<16xf32>,
        %mul3A_555 = arith.mulf %get3A_549, %get3A_554 : vector<16xf32>
        %add3A_556 = arith.addf %add3A_544, %mul3A_555 : vector<16xf32>
        %reduce_sum3A_557 = arith.constant true
        %reduce_sum3A_558 = vector.broadcast %reduce_sum3A_557 : i1 to vector<16xi1>
        %reduce_sum3A_559 = tpu.scan <sum>, %add3A_556 masked %reduce_sum3A_558 : vector<16xf32>, vector<16xi1> -> vector<16xf32>
        %reduce_sum3A_560 = vector.extract %reduce_sum3A_559[15] : f32 from vector<16xf32>
        %eq3A_561 = vector.broadcast %add3A_458 : i32 to vector<16xi32>
        %eq3A_562 = arith.cmpi eq, %iota3A, %eq3A_561 : vector<16xi32>
        %broadcast_in_dim3A_563 = vector.broadcast %reduce_sum3A_560 : f32 to vector<16xf32>
        %select_n3A_564 = arith.select %eq3A_562, %broadcast_in_dim3A_563, %select_n3A : vector<16xi1>, vector<16xf32>
        %mul3A_565 = arith.constant 4 : i32
        %mul3A_566 = arith.muli %scan3A_346, %mul3A_565 : i32
        %add3A_567 = arith.constant 2 : i32
        %add3A_568 = arith.addi %mul3A_566, %add3A_567 : i32
        %mul3A_569 = arith.constant 16 : i32
        %mul3A_570 = arith.muli %scan3A_333, %mul3A_569 : i32
        %add3A_571 = arith.addi %mul3A_570, %add3A_568 : i32
        %get3A_572 = arith.constant 0 : i32
        %get3A_573 = arith.index_cast %get3A_572 : i32 to index
        %get3A_574 = arith.index_cast %add3A_571 : i32 to index
        %get3A_575 = arith.constant 0 : index
        %get3A_576 = tpu.vector_load %arg12[%get3A_573, %get3A_574, %get3A_575] {strides = array<i32>} : memref<2x128x128xf32, #tpu.memory_space<vmem>>, vector<16xf32>,
        %get3A_577 = arith.constant 0 : i32
        %get3A_578 = arith.index_cast %get3A_577 : i32 to index
        %get3A_579 = arith.index_cast %add3A_571 : i32 to index
        %get3A_580 = arith.constant 0 : index
        %get3A_581 = tpu.vector_load %arg13[%get3A_578, %get3A_579, %get3A_580] {strides = array<i32>} : memref<2x128x128xf32, #tpu.memory_space<vmem>>, vector<16xf32>,
        %mul3A_582 = arith.mulf %get3A_576, %get3A_581 : vector<16xf32>
        %get3A_583 = arith.constant 0 : i32
        %get3A_584 = arith.index_cast %get3A_583 : i32 to index
        %get3A_585 = arith.index_cast %add3A_571 : i32 to index
        %get3A_586 = arith.constant 16 : index
        %get3A_587 = tpu.vector_load %arg12[%get3A_584, %get3A_585, %get3A_586] {strides = array<i32>} : memref<2x128x128xf32, #tpu.memory_space<vmem>>, vector<16xf32>,
        %get3A_588 = arith.constant 0 : i32
        %get3A_589 = arith.index_cast %get3A_588 : i32 to index
        %get3A_590 = arith.index_cast %add3A_571 : i32 to index
        %get3A_591 = arith.constant 16 : index
        %get3A_592 = tpu.vector_load %arg13[%get3A_589, %get3A_590, %get3A_591] {strides = array<i32>} : memref<2x128x128xf32, #tpu.memory_space<vmem>>, vector<16xf32>,
        %mul3A_593 = arith.mulf %get3A_587, %get3A_592 : vector<16xf32>
        %add3A_594 = arith.addf %mul3A_582, %mul3A_593 : vector<16xf32>
        %get3A_595 = arith.constant 0 : i32
        %get3A_596 = arith.index_cast %get3A_595 : i32 to index
        %get3A_597 = arith.index_cast %add3A_571 : i32 to index
        %get3A_598 = arith.constant 32 : index
        %get3A_599 = tpu.vector_load %arg12[%get3A_596, %get3A_597, %get3A_598] {strides = array<i32>} : memref<2x128x128xf32, #tpu.memory_space<vmem>>, vector<16xf32>,
        %get3A_600 = arith.constant 0 : i32
        %get3A_601 = arith.index_cast %get3A_600 : i32 to index
        %get3A_602 = arith.index_cast %add3A_571 : i32 to index
        %get3A_603 = arith.constant 32 : index
        %get3A_604 = tpu.vector_load %arg13[%get3A_601, %get3A_602, %get3A_603] {strides = array<i32>} : memref<2x128x128xf32, #tpu.memory_space<vmem>>, vector<16xf32>,
        %mul3A_605 = arith.mulf %get3A_599, %get3A_604 : vector<16xf32>
        %add3A_606 = arith.addf %add3A_594, %mul3A_605 : vector<16xf32>
        %get3A_607 = arith.constant 0 : i32
        %get3A_608 = arith.index_cast %get3A_607 : i32 to index
        %get3A_609 = arith.index_cast %add3A_571 : i32 to index
        %get3A_610 = arith.constant 48 : index
        %get3A_611 = tpu.vector_load %arg12[%get3A_608, %get3A_609, %get3A_610] {strides = array<i32>} : memref<2x128x128xf32, #tpu.memory_space<vmem>>, vector<16xf32>,
        %get3A_612 = arith.constant 0 : i32
        %get3A_613 = arith.index_cast %get3A_612 : i32 to index
        %get3A_614 = arith.index_cast %add3A_571 : i32 to index
        %get3A_615 = arith.constant 48 : index
        %get3A_616 = tpu.vector_load %arg13[%get3A_613, %get3A_614, %get3A_615] {strides = array<i32>} : memref<2x128x128xf32, #tpu.memory_space<vmem>>, vector<16xf32>,
        %mul3A_617 = arith.mulf %get3A_611, %get3A_616 : vector<16xf32>
        %add3A_618 = arith.addf %add3A_606, %mul3A_617 : vector<16xf32>
        %get3A_619 = arith.constant 0 : i32
        %get3A_620 = arith.index_cast %get3A_619 : i32 to index
        %get3A_621 = arith.index_cast %add3A_571 : i32 to index
        %get3A_622 = arith.constant 64 : index
        %get3A_623 = tpu.vector_load %arg12[%get3A_620, %get3A_621, %get3A_622] {strides = array<i32>} : memref<2x128x128xf32, #tpu.memory_space<vmem>>, vector<16xf32>,
        %get3A_624 = arith.constant 0 : i32
        %get3A_625 = arith.index_cast %get3A_624 : i32 to index
        %get3A_626 = arith.index_cast %add3A_571 : i32 to index
        %get3A_627 = arith.constant 64 : index
        %get3A_628 = tpu.vector_load %arg13[%get3A_625, %get3A_626, %get3A_627] {strides = array<i32>} : memref<2x128x128xf32, #tpu.memory_space<vmem>>, vector<16xf32>,
        %mul3A_629 = arith.mulf %get3A_623, %get3A_628 : vector<16xf32>
        %add3A_630 = arith.addf %add3A_618, %mul3A_629 : vector<16xf32>
        %get3A_631 = arith.constant 0 : i32
        %get3A_632 = arith.index_cast %get3A_631 : i32 to index
        %get3A_633 = arith.index_cast %add3A_571 : i32 to index
        %get3A_634 = arith.constant 80 : index
        %get3A_635 = tpu.vector_load %arg12[%get3A_632, %get3A_633, %get3A_634] {strides = array<i32>} : memref<2x128x128xf32, #tpu.memory_space<vmem>>, vector<16xf32>,
        %get3A_636 = arith.constant 0 : i32
        %get3A_637 = arith.index_cast %get3A_636 : i32 to index
        %get3A_638 = arith.index_cast %add3A_571 : i32 to index
        %get3A_639 = arith.constant 80 : index
        %get3A_640 = tpu.vector_load %arg13[%get3A_637, %get3A_638, %get3A_639] {strides = array<i32>} : memref<2x128x128xf32, #tpu.memory_space<vmem>>, vector<16xf32>,
        %mul3A_641 = arith.mulf %get3A_635, %get3A_640 : vector<16xf32>
        %add3A_642 = arith.addf %add3A_630, %mul3A_641 : vector<16xf32>
        %get3A_643 = arith.constant 0 : i32
        %get3A_644 = arith.index_cast %get3A_643 : i32 to index
        %get3A_645 = arith.index_cast %add3A_571 : i32 to index
        %get3A_646 = arith.constant 96 : index
        %get3A_647 = tpu.vector_load %arg12[%get3A_644, %get3A_645, %get3A_646] {strides = array<i32>} : memref<2x128x128xf32, #tpu.memory_space<vmem>>, vector<16xf32>,
        %get3A_648 = arith.constant 0 : i32
        %get3A_649 = arith.index_cast %get3A_648 : i32 to index
        %get3A_650 = arith.index_cast %add3A_571 : i32 to index
        %get3A_651 = arith.constant 96 : index
        %get3A_652 = tpu.vector_load %arg13[%get3A_649, %get3A_650, %get3A_651] {strides = array<i32>} : memref<2x128x128xf32, #tpu.memory_space<vmem>>, vector<16xf32>,
        %mul3A_653 = arith.mulf %get3A_647, %get3A_652 : vector<16xf32>
        %add3A_654 = arith.addf %add3A_642, %mul3A_653 : vector<16xf32>
        %get3A_655 = arith.constant 0 : i32
        %get3A_656 = arith.index_cast %get3A_655 : i32 to index
        %get3A_657 = arith.index_cast %add3A_571 : i32 to index
        %get3A_658 = arith.constant 112 : index
        %get3A_659 = tpu.vector_load %arg12[%get3A_656, %get3A_657, %get3A_658] {strides = array<i32>} : memref<2x128x128xf32, #tpu.memory_space<vmem>>, vector<16xf32>,
        %get3A_660 = arith.constant 0 : i32
        %get3A_661 = arith.index_cast %get3A_660 : i32 to index
        %get3A_662 = arith.index_cast %add3A_571 : i32 to index
        %get3A_663 = arith.constant 112 : index
        %get3A_664 = tpu.vector_load %arg13[%get3A_661, %get3A_662, %get3A_663] {strides = array<i32>} : memref<2x128x128xf32, #tpu.memory_space<vmem>>, vector<16xf32>,
        %mul3A_665 = arith.mulf %get3A_659, %get3A_664 : vector<16xf32>
        %add3A_666 = arith.addf %add3A_654, %mul3A_665 : vector<16xf32>
        %reduce_sum3A_667 = arith.constant true
        %reduce_sum3A_668 = vector.broadcast %reduce_sum3A_667 : i1 to vector<16xi1>
        %reduce_sum3A_669 = tpu.scan <sum>, %add3A_666 masked %reduce_sum3A_668 : vector<16xf32>, vector<16xi1> -> vector<16xf32>
        %reduce_sum3A_670 = vector.extract %reduce_sum3A_669[15] : f32 from vector<16xf32>
        %eq3A_671 = vector.broadcast %add3A_568 : i32 to vector<16xi32>
        %eq3A_672 = arith.cmpi eq, %iota3A, %eq3A_671 : vector<16xi32>
        %broadcast_in_dim3A_673 = vector.broadcast %reduce_sum3A_670 : f32 to vector<16xf32>
        %select_n3A_674 = arith.select %eq3A_672, %broadcast_in_dim3A_673, %select_n3A_564 : vector<16xi1>, vector<16xf32>
        %mul3A_675 = arith.constant 4 : i32
        %mul3A_676 = arith.muli %scan3A_346, %mul3A_675 : i32
        %add3A_677 = arith.constant 3 : i32
        %add3A_678 = arith.addi %mul3A_676, %add3A_677 : i32
        %mul3A_679 = arith.constant 16 : i32
        %mul3A_680 = arith.muli %scan3A_333, %mul3A_679 : i32
        %add3A_681 = arith.addi %mul3A_680, %add3A_678 : i32
        %get3A_682 = arith.constant 0 : i32
        %get3A_683 = arith.index_cast %get3A_682 : i32 to index
        %get3A_684 = arith.index_cast %add3A_681 : i32 to index
        %get3A_685 = arith.constant 0 : index
        %get3A_686 = tpu.vector_load %arg12[%get3A_683, %get3A_684, %get3A_685] {strides = array<i32>} : memref<2x128x128xf32, #tpu.memory_space<vmem>>, vector<16xf32>,
        %get3A_687 = arith.constant 0 : i32
        %get3A_688 = arith.index_cast %get3A_687 : i32 to index
        %get3A_689 = arith.index_cast %add3A_681 : i32 to index
        %get3A_690 = arith.constant 0 : index
        %get3A_691 = tpu.vector_load %arg13[%get3A_688, %get3A_689, %get3A_690] {strides = array<i32>} : memref<2x128x128xf32, #tpu.memory_space<vmem>>, vector<16xf32>,
        %mul3A_692 = arith.mulf %get3A_686, %get3A_691 : vector<16xf32>
        %get3A_693 = arith.constant 0 : i32
        %get3A_694 = arith.index_cast %get3A_693 : i32 to index
        %get3A_695 = arith.index_cast %add3A_681 : i32 to index
        %get3A_696 = arith.constant 16 : index
        %get3A_697 = tpu.vector_load %arg12[%get3A_694, %get3A_695, %get3A_696] {strides = array<i32>} : memref<2x128x128xf32, #tpu.memory_space<vmem>>, vector<16xf32>,
        %get3A_698 = arith.constant 0 : i32
        %get3A_699 = arith.index_cast %get3A_698 : i32 to index
        %get3A_700 = arith.index_cast %add3A_681 : i32 to index
        %get3A_701 = arith.constant 16 : index
        %get3A_702 = tpu.vector_load %arg13[%get3A_699, %get3A_700, %get3A_701] {strides = array<i32>} : memref<2x128x128xf32, #tpu.memory_space<vmem>>, vector<16xf32>,
        %mul3A_703 = arith.mulf %get3A_697, %get3A_702 : vector<16xf32>
        %add3A_704 = arith.addf %mul3A_692, %mul3A_703 : vector<16xf32>
        %get3A_705 = arith.constant 0 : i32
        %get3A_706 = arith.index_cast %get3A_705 : i32 to index
        %get3A_707 = arith.index_cast %add3A_681 : i32 to index
        %get3A_708 = arith.constant 32 : index
        %get3A_709 = tpu.vector_load %arg12[%get3A_706, %get3A_707, %get3A_708] {strides = array<i32>} : memref<2x128x128xf32, #tpu.memory_space<vmem>>, vector<16xf32>,
        %get3A_710 = arith.constant 0 : i32
        %get3A_711 = arith.index_cast %get3A_710 : i32 to index
        %get3A_712 = arith.index_cast %add3A_681 : i32 to index
        %get3A_713 = arith.constant 32 : index
        %get3A_714 = tpu.vector_load %arg13[%get3A_711, %get3A_712, %get3A_713] {strides = array<i32>} : memref<2x128x128xf32, #tpu.memory_space<vmem>>, vector<16xf32>,
        %mul3A_715 = arith.mulf %get3A_709, %get3A_714 : vector<16xf32>
        %add3A_716 = arith.addf %add3A_704, %mul3A_715 : vector<16xf32>
        %get3A_717 = arith.constant 0 : i32
        %get3A_718 = arith.index_cast %get3A_717 : i32 to index
        %get3A_719 = arith.index_cast %add3A_681 : i32 to index
        %get3A_720 = arith.constant 48 : index
        %get3A_721 = tpu.vector_load %arg12[%get3A_718, %get3A_719, %get3A_720] {strides = array<i32>} : memref<2x128x128xf32, #tpu.memory_space<vmem>>, vector<16xf32>,
        %get3A_722 = arith.constant 0 : i32
        %get3A_723 = arith.index_cast %get3A_722 : i32 to index
        %get3A_724 = arith.index_cast %add3A_681 : i32 to index
        %get3A_725 = arith.constant 48 : index
        %get3A_726 = tpu.vector_load %arg13[%get3A_723, %get3A_724, %get3A_725] {strides = array<i32>} : memref<2x128x128xf32, #tpu.memory_space<vmem>>, vector<16xf32>,
        %mul3A_727 = arith.mulf %get3A_721, %get3A_726 : vector<16xf32>
        %add3A_728 = arith.addf %add3A_716, %mul3A_727 : vector<16xf32>
        %get3A_729 = arith.constant 0 : i32
        %get3A_730 = arith.index_cast %get3A_729 : i32 to index
        %get3A_731 = arith.index_cast %add3A_681 : i32 to index
        %get3A_732 = arith.constant 64 : index
        %get3A_733 = tpu.vector_load %arg12[%get3A_730, %get3A_731, %get3A_732] {strides = array<i32>} : memref<2x128x128xf32, #tpu.memory_space<vmem>>, vector<16xf32>,
        %get3A_734 = arith.constant 0 : i32
        %get3A_735 = arith.index_cast %get3A_734 : i32 to index
        %get3A_736 = arith.index_cast %add3A_681 : i32 to index
        %get3A_737 = arith.constant 64 : index
        %get3A_738 = tpu.vector_load %arg13[%get3A_735, %get3A_736, %get3A_737] {strides = array<i32>} : memref<2x128x128xf32, #tpu.memory_space<vmem>>, vector<16xf32>,
        %mul3A_739 = arith.mulf %get3A_733, %get3A_738 : vector<16xf32>
        %add3A_740 = arith.addf %add3A_728, %mul3A_739 : vector<16xf32>
        %get3A_741 = arith.constant 0 : i32
        %get3A_742 = arith.index_cast %get3A_741 : i32 to index
        %get3A_743 = arith.index_cast %add3A_681 : i32 to index
        %get3A_744 = arith.constant 80 : index
        %get3A_745 = tpu.vector_load %arg12[%get3A_742, %get3A_743, %get3A_744] {strides = array<i32>} : memref<2x128x128xf32, #tpu.memory_space<vmem>>, vector<16xf32>,
        %get3A_746 = arith.constant 0 : i32
        %get3A_747 = arith.index_cast %get3A_746 : i32 to index
        %get3A_748 = arith.index_cast %add3A_681 : i32 to index
        %get3A_749 = arith.constant 80 : index
        %get3A_750 = tpu.vector_load %arg13[%get3A_747, %get3A_748, %get3A_749] {strides = array<i32>} : memref<2x128x128xf32, #tpu.memory_space<vmem>>, vector<16xf32>,
        %mul3A_751 = arith.mulf %get3A_745, %get3A_750 : vector<16xf32>
        %add3A_752 = arith.addf %add3A_740, %mul3A_751 : vector<16xf32>
        %get3A_753 = arith.constant 0 : i32
        %get3A_754 = arith.index_cast %get3A_753 : i32 to index
        %get3A_755 = arith.index_cast %add3A_681 : i32 to index
        %get3A_756 = arith.constant 96 : index
        %get3A_757 = tpu.vector_load %arg12[%get3A_754, %get3A_755, %get3A_756] {strides = array<i32>} : memref<2x128x128xf32, #tpu.memory_space<vmem>>, vector<16xf32>,
        %get3A_758 = arith.constant 0 : i32
        %get3A_759 = arith.index_cast %get3A_758 : i32 to index
        %get3A_760 = arith.index_cast %add3A_681 : i32 to index
        %get3A_761 = arith.constant 96 : index
        %get3A_762 = tpu.vector_load %arg13[%get3A_759, %get3A_760, %get3A_761] {strides = array<i32>} : memref<2x128x128xf32, #tpu.memory_space<vmem>>, vector<16xf32>,
        %mul3A_763 = arith.mulf %get3A_757, %get3A_762 : vector<16xf32>
        %add3A_764 = arith.addf %add3A_752, %mul3A_763 : vector<16xf32>
        %get3A_765 = arith.constant 0 : i32
        %get3A_766 = arith.index_cast %get3A_765 : i32 to index
        %get3A_767 = arith.index_cast %add3A_681 : i32 to index
        %get3A_768 = arith.constant 112 : index
        %get3A_769 = tpu.vector_load %arg12[%get3A_766, %get3A_767, %get3A_768] {strides = array<i32>} : memref<2x128x128xf32, #tpu.memory_space<vmem>>, vector<16xf32>,
        %get3A_770 = arith.constant 0 : i32
        %get3A_771 = arith.index_cast %get3A_770 : i32 to index
        %get3A_772 = arith.index_cast %add3A_681 : i32 to index
        %get3A_773 = arith.constant 112 : index
        %get3A_774 = tpu.vector_load %arg13[%get3A_771, %get3A_772, %get3A_773] {strides = array<i32>} : memref<2x128x128xf32, #tpu.memory_space<vmem>>, vector<16xf32>,
        %mul3A_775 = arith.mulf %get3A_769, %get3A_774 : vector<16xf32>
        %add3A_776 = arith.addf %add3A_764, %mul3A_775 : vector<16xf32>
        %reduce_sum3A_777 = arith.constant true
        %reduce_sum3A_778 = vector.broadcast %reduce_sum3A_777 : i1 to vector<16xi1>
        %reduce_sum3A_779 = tpu.scan <sum>, %add3A_776 masked %reduce_sum3A_778 : vector<16xf32>, vector<16xi1> -> vector<16xf32>
        %reduce_sum3A_780 = vector.extract %reduce_sum3A_779[15] : f32 from vector<16xf32>
        %eq3A_781 = vector.broadcast %add3A_678 : i32 to vector<16xi32>
        %eq3A_782 = arith.cmpi eq, %iota3A, %eq3A_781 : vector<16xi32>
        %broadcast_in_dim3A_783 = vector.broadcast %reduce_sum3A_780 : f32 to vector<16xf32>
        %select_n3A_784 = arith.select %eq3A_782, %broadcast_in_dim3A_783, %select_n3A_674 : vector<16xi1>, vector<16xf32>
        scf.yield %select_n3A_784 : vector<16xf32>
      }
      %scan3A_340 = arith.constant 4 : i32
      %mul3A_341 = arith.constant 16 : i32
      %mul3A_342 = arith.muli %scan3A_333, %mul3A_341 : i32
      %add3A_343 = arith.constant 448 : i32
      %add3A_344 = arith.addi %add3A_343, %mul3A_342 : i32
      %swap3A = arith.index_cast %add3A_344 : i32 to index
      %swap3A_345 = tpu.vector_load %arg17[%swap3A] {strides = array<i32>} : memref<528xf32, #tpu.memory_space<vmem>>, vector<16xf32>,
      tpu.vector_store %arg17[%swap3A], %scan3A_339 {strides = array<i32>} : memref<528xf32, #tpu.memory_space<vmem>>, vector<16xf32>,
    }
    %scan3A_277 = arith.constant 4 : i32
    %dma_wait3A_278 = arith.constant 0 : i32
    %dma_wait3A_279 = tpu.memref_slice %arg14[%dma_wait3A_278] : memref<512xf32, #tpu.memory_space<vmem>> -> memref<128xf32, #tpu.memory_space<vmem>>
    %dma_wait3A_280 = arith.constant 0 : i32
    %dma_wait3A_281 = tpu.memref_slice %arg10[%dma_wait3A_280] : memref<512xi32, #tpu.memory_space<vmem>> -> memref<128xi32, #tpu.memory_space<vmem>>
    %dma_wait3A_282 = arith.constant 0 : i32
    %dma_wait3A_283 = tpu.memref_slice %arg6[%dma_wait3A_282] : memref<100000xf32, #tpu.memory_space<hbm>> -> memref<100000xf32, #tpu.memory_space<hbm>>
    tpu.wait_indirect_dma semaphore(%arg20 : memref<!tpu.dma_semaphore, #tpu.memory_space<semaphore_mem>>) src(%dma_wait3A_283 : memref<100000xf32, #tpu.memory_space<hbm>>) dst(%dma_wait3A_279 : memref<128xf32, #tpu.memory_space<vmem>>)
    %dma_wait3A_284 = arith.constant 0 : i32
    %dma_wait3A_285 = tpu.memref_slice %arg15[%dma_wait3A_284] : memref<512xf32, #tpu.memory_space<vmem>> -> memref<128xf32, #tpu.memory_space<vmem>>
    %dma_wait3A_286 = arith.constant 0 : i32
    %dma_wait3A_287 = tpu.memref_slice %arg11[%dma_wait3A_286] : memref<512xi32, #tpu.memory_space<vmem>> -> memref<128xi32, #tpu.memory_space<vmem>>
    %dma_wait3A_288 = arith.constant 0 : i32
    %dma_wait3A_289 = tpu.memref_slice %arg7[%dma_wait3A_288] : memref<100000xf32, #tpu.memory_space<hbm>> -> memref<100000xf32, #tpu.memory_space<hbm>>
    tpu.wait_indirect_dma semaphore(%arg20 : memref<!tpu.dma_semaphore, #tpu.memory_space<semaphore_mem>>) src(%dma_wait3A_289 : memref<100000xf32, #tpu.memory_space<hbm>>) dst(%dma_wait3A_285 : memref<128xf32, #tpu.memory_space<vmem>>)
    %dma_wait3A_290 = arith.constant 128 : i32
    %dma_wait3A_291 = tpu.memref_slice %arg14[%dma_wait3A_290] : memref<512xf32, #tpu.memory_space<vmem>> -> memref<128xf32, #tpu.memory_space<vmem>>
    %dma_wait3A_292 = arith.constant 128 : i32
    %dma_wait3A_293 = tpu.memref_slice %arg10[%dma_wait3A_292] : memref<512xi32, #tpu.memory_space<vmem>> -> memref<128xi32, #tpu.memory_space<vmem>>
    %dma_wait3A_294 = arith.constant 0 : i32
    %dma_wait3A_295 = tpu.memref_slice %arg6[%dma_wait3A_294] : memref<100000xf32, #tpu.memory_space<hbm>> -> memref<100000xf32, #tpu.memory_space<hbm>>
    tpu.wait_indirect_dma semaphore(%arg20 : memref<!tpu.dma_semaphore, #tpu.memory_space<semaphore_mem>>) src(%dma_wait3A_295 : memref<100000xf32, #tpu.memory_space<hbm>>) dst(%dma_wait3A_291 : memref<128xf32, #tpu.memory_space<vmem>>)
    %dma_wait3A_296 = arith.constant 128 : i32
    %dma_wait3A_297 = tpu.memref_slice %arg15[%dma_wait3A_296] : memref<512xf32, #tpu.memory_space<vmem>> -> memref<128xf32, #tpu.memory_space<vmem>>
    %dma_wait3A_298 = arith.constant 128 : i32
    %dma_wait3A_299 = tpu.memref_slice %arg11[%dma_wait3A_298] : memref<512xi32, #tpu.memory_space<vmem>> -> memref<128xi32, #tpu.memory_space<vmem>>
    %dma_wait3A_300 = arith.constant 0 : i32
    %dma_wait3A_301 = tpu.memref_slice %arg7[%dma_wait3A_300] : memref<100000xf32, #tpu.memory_space<hbm>> -> memref<100000xf32, #tpu.memory_space<hbm>>
    tpu.wait_indirect_dma semaphore(%arg20 : memref<!tpu.dma_semaphore, #tpu.memory_space<semaphore_mem>>) src(%dma_wait3A_301 : memref<100000xf32, #tpu.memory_space<hbm>>) dst(%dma_wait3A_297 : memref<128xf32, #tpu.memory_space<vmem>>)
    %dma_wait3A_302 = arith.constant 256 : i32
    %dma_wait3A_303 = tpu.memref_slice %arg14[%dma_wait3A_302] : memref<512xf32, #tpu.memory_space<vmem>> -> memref<128xf32, #tpu.memory_space<vmem>>
    %dma_wait3A_304 = arith.constant 256 : i32
    %dma_wait3A_305 = tpu.memref_slice %arg10[%dma_wait3A_304] : memref<512xi32, #tpu.memory_space<vmem>> -> memref<128xi32, #tpu.memory_space<vmem>>
    %dma_wait3A_306 = arith.constant 0 : i32
    %dma_wait3A_307 = tpu.memref_slice %arg6[%dma_wait3A_306] : memref<100000xf32, #tpu.memory_space<hbm>> -> memref<100000xf32, #tpu.memory_space<hbm>>
    tpu.wait_indirect_dma semaphore(%arg20 : memref<!tpu.dma_semaphore, #tpu.memory_space<semaphore_mem>>) src(%dma_wait3A_307 : memref<100000xf32, #tpu.memory_space<hbm>>) dst(%dma_wait3A_303 : memref<128xf32, #tpu.memory_space<vmem>>)
    %dma_wait3A_308 = arith.constant 256 : i32
    %dma_wait3A_309 = tpu.memref_slice %arg15[%dma_wait3A_308] : memref<512xf32, #tpu.memory_space<vmem>> -> memref<128xf32, #tpu.memory_space<vmem>>
    %dma_wait3A_310 = arith.constant 256 : i32
    %dma_wait3A_311 = tpu.memref_slice %arg11[%dma_wait3A_310] : memref<512xi32, #tpu.memory_space<vmem>> -> memref<128xi32, #tpu.memory_space<vmem>>
    %dma_wait3A_312 = arith.constant 0 : i32
    %dma_wait3A_313 = tpu.memref_slice %arg7[%dma_wait3A_312] : memref<100000xf32, #tpu.memory_space<hbm>> -> memref<100000xf32, #tpu.memory_space<hbm>>
    tpu.wait_indirect_dma semaphore(%arg20 : memref<!tpu.dma_semaphore, #tpu.memory_space<semaphore_mem>>) src(%dma_wait3A_313 : memref<100000xf32, #tpu.memory_space<hbm>>) dst(%dma_wait3A_309 : memref<128xf32, #tpu.memory_space<vmem>>)
    %dma_wait3A_314 = arith.constant 384 : i32
    %dma_wait3A_315 = tpu.memref_slice %arg14[%dma_wait3A_314] : memref<512xf32, #tpu.memory_space<vmem>> -> memref<128xf32, #tpu.memory_space<vmem>>
    %dma_wait3A_316 = arith.constant 384 : i32
    %dma_wait3A_317 = tpu.memref_slice %arg10[%dma_wait3A_316] : memref<512xi32, #tpu.memory_space<vmem>> -> memref<128xi32, #tpu.memory_space<vmem>>
    %dma_wait3A_318 = arith.constant 0 : i32
    %dma_wait3A_319 = tpu.memref_slice %arg6[%dma_wait3A_318] : memref<100000xf32, #tpu.memory_space<hbm>> -> memref<100000xf32, #tpu.memory_space<hbm>>
    tpu.wait_indirect_dma semaphore(%arg20 : memref<!tpu.dma_semaphore, #tpu.memory_space<semaphore_mem>>) src(%dma_wait3A_319 : memref<100000xf32, #tpu.memory_space<hbm>>) dst(%dma_wait3A_315 : memref<128xf32, #tpu.memory_space<vmem>>)
    %dma_wait3A_320 = arith.constant 384 : i32
    %dma_wait3A_321 = tpu.memref_slice %arg15[%dma_wait3A_320] : memref<512xf32, #tpu.memory_space<vmem>> -> memref<128xf32, #tpu.memory_space<vmem>>
    %dma_wait3A_322 = arith.constant 384 : i32
    %dma_wait3A_323 = tpu.memref_slice %arg11[%dma_wait3A_322] : memref<512xi32, #tpu.memory_space<vmem>> -> memref<128xi32, #tpu.memory_space<vmem>>
    %dma_wait3A_324 = arith.constant 0 : i32
    %dma_wait3A_325 = tpu.memref_slice %arg7[%dma_wait3A_324] : memref<100000xf32, #tpu.memory_space<hbm>> -> memref<100000xf32, #tpu.memory_space<hbm>>
    tpu.wait_indirect_dma semaphore(%arg20 : memref<!tpu.dma_semaphore, #tpu.memory_space<semaphore_mem>>) src(%dma_wait3A_325 : memref<100000xf32, #tpu.memory_space<hbm>>) dst(%dma_wait3A_321 : memref<128xf32, #tpu.memory_space<vmem>>)
    %get3A = arith.constant 0 : index
    %get3A_326 = tpu.vector_load %arg16[%get3A] {strides = array<i32>} : memref<16xf32, #tpu.memory_space<vmem>>, vector<16xf32>,
    %scan3A_327 = arith.constant 0 : i32
    %scan3A_328 = arith.constant 0 : i32
    %scan3A_329 = arith.constant 32 : i32
    %scan3A_330 = arith.addi %scan3A_328, %scan3A_329 : i32
    %scan3A_331 = arith.constant 1 : i32
    scf.for %scan3A_333 = %scan3A_328 to %scan3A_330 step %scan3A_331  : i32 {
      %mul3A_334 = arith.constant 16 : i32
      %mul3A_335 = arith.muli %scan3A_333, %mul3A_334 : i32
      %get3A_336 = arith.index_cast %mul3A_335 : i32 to index
      %get3A_337 = tpu.vector_load %arg17[%get3A_336] {strides = array<i32>} : memref<528xf32, #tpu.memory_space<vmem>>, vector<16xf32>,
      %get3A_338 = arith.index_cast %mul3A_335 : i32 to index
      %get3A_339 = tpu.vector_load %arg14[%get3A_338] {strides = array<i32>} : memref<512xf32, #tpu.memory_space<vmem>>, vector<16xf32>,
      %add3A_340 = arith.addf %get3A_337, %get3A_339 : vector<16xf32>
      %get3A_341 = arith.index_cast %mul3A_335 : i32 to index
      %get3A_342 = tpu.vector_load %arg15[%get3A_341] {strides = array<i32>} : memref<512xf32, #tpu.memory_space<vmem>>, vector<16xf32>,
      %add3A_343 = arith.addf %add3A_340, %get3A_342 : vector<16xf32>
      %add3A_344 = arith.addf %add3A_343, %get3A_326 : vector<16xf32>
      %swap3A = arith.index_cast %mul3A_335 : i32 to index
      %swap3A_345 = tpu.vector_load %arg17[%swap3A] {strides = array<i32>} : memref<528xf32, #tpu.memory_space<vmem>>, vector<16xf32>,
      tpu.vector_store %arg17[%swap3A], %add3A_344 {strides = array<i32>} : memref<528xf32, #tpu.memory_space<vmem>>, vector<16xf32>,
    }
    %scan3A_332 = arith.constant 32 : i32
    "tpu.region"() ({
      %run_scoped3A = tpu.sem_alloc : memref<!tpu.dma_semaphore, #tpu.memory_space<semaphore_mem>>
      %dma_start3A_333 = arith.constant 0 : i32
      %dma_start3A_334 = tpu.memref_slice %arg17[%dma_start3A_333] : memref<528xf32, #tpu.memory_space<vmem>> -> memref<512xf32, #tpu.memory_space<vmem>>
      %dma_start3A_335 = tpu.memref_slice %arg9[%mul3A_2] : memref<16384xf32, #tpu.memory_space<hbm>> -> memref<512xf32, #tpu.memory_space<hbm>>
      %dma_start3A_336 = tpu.memref_slice %arg9[%mul3A_2] : memref<16384xf32, #tpu.memory_space<hbm>> -> memref<512xf32, #tpu.memory_space<hbm>>
      %dma_start3A_337 = arith.constant 0 : i32
      %dma_start3A_338 = tpu.memref_slice %arg17[%dma_start3A_337] : memref<528xf32, #tpu.memory_space<vmem>> -> memref<512xf32, #tpu.memory_space<vmem>>
      tpu.enqueue_dma source(%dma_start3A_338 : memref<512xf32, #tpu.memory_space<vmem>>) target(%dma_start3A_336 : memref<512xf32, #tpu.memory_space<hbm>>) target_semaphore(%run_scoped3A : memref<!tpu.dma_semaphore, #tpu.memory_space<semaphore_mem>>)
      %dma_wait3A_339 = arith.constant 0 : i32
      %dma_wait3A_340 = tpu.memref_slice %arg17[%dma_wait3A_339] : memref<528xf32, #tpu.memory_space<vmem>> -> memref<512xf32, #tpu.memory_space<vmem>>
      %dma_wait3A_341 = tpu.memref_slice %arg9[%mul3A_2] : memref<16384xf32, #tpu.memory_space<hbm>> -> memref<512xf32, #tpu.memory_space<hbm>>
      %dma_wait3A_342 = tpu.memref_slice %arg9[%mul3A_2] : memref<16384xf32, #tpu.memory_space<hbm>> -> memref<512xf32, #tpu.memory_space<hbm>>
      %dma_wait3A_343 = arith.constant 0 : i32
      %dma_wait3A_344 = tpu.memref_slice %arg17[%dma_wait3A_343] : memref<528xf32, #tpu.memory_space<vmem>> -> memref<512xf32, #tpu.memory_space<vmem>>
      tpu.wait_dma2 semaphore(%run_scoped3A : memref<!tpu.dma_semaphore, #tpu.memory_space<semaphore_mem>>) src(%dma_wait3A_344 : memref<512xf32, #tpu.memory_space<vmem>>) dst(%dma_wait3A_342 : memref<512xf32, #tpu.memory_space<hbm>>)
      tpu.yield
    }) : () -> ()
    return
  }
}

</mosaic_0001>

<sc_bundles>
// kernel: kernel.3.cloned.1.call-start
scs
__scs_entry_jumppad:
0x0: {  	(pc) =	sbr.rel $0x88, $3  }
0x1: {  	(tag) =	ssettag $0x0;
	lr =	simm.s32 $0x1  }
0x2: {  	[smem:$0x3F9A] =	sst lr;
	_ =	strace $0xD0000000  }
0x3: {  	_ = 	snop  }
0x4: {  	_ = 	snop  }
0x5: {  	_ = 	snop  }
0x6: {  	_ = 	snop  }
0x7: {  	_ = 	snop  }
__scs_overlays_trampoline_lowered:
0x8: {  	[smem:$0x3FA9] =	sst s0  }
0x9: {  	[smem:$0x3FAA] =	sst s1  }
0xa: {  	[smem:$0x3FAB] =	sst s2  }
0xb: {  	[smem:$0x3FAC] =	sst s3  }
0xc: {  	[smem:$0x3FAD] =	sst s4  }
0xd: {  	[smem:$0x3FAE] =	sst s5  }
0xe: {  	[smem:$0x3FAF] =	sst s6  }
0xf: {  	[smem:$0x3FB0] =	sst s7  }
0x10: {  	[smem:$0x3FB1] =	sst s8  }
0x11: {  	[smem:$0x3FB2] =	sst s9;
	s0 =	simm.s32 @!p0 $0x0  }
0x12: {  	s1 =	sld [smem:$0x3F98];
	s0 =	simm.s32 @p0 $0x1  }
0x13: {  	[smem:$0x3FB3] =	sst s0;
	s0 =	simm.s32 @!p1 $0x0  }
0x14: {  	s2 =	sld [smem:$0x3F97];
	s0 =	simm.s32 @p1 $0x1  }
0x15: {  	[smem:$0x3FB4] =	sst s0;
	s0 =	simm.s32 @!p2 $0x0  }
0x16: {  	s3 =	sld [smem:$0x3FDB];
	s0 =	simm.s32 @p2 $0x1  }
0x17: {  	s4 =	simm.s32 $0x1BF5;
	[smem:$0x3FB6] =	sst s0  }
0x18: {  	s0 =	sld [smem:$0x3F99];
	_ =	swait.ge [sflag:s4], $0x0  }
0x19: {  	s7 =	sld [smem:$0x3F9A]  }
0x1a: {  	s8 =	sadd.s32 $0xFFFFE003, lr  }
0x1b: {  	s9 =	sadd.s32 $0xFFFFFEF7, lr;
	s5 =	simm.s32 $0xFFFFFFFF;
	p2 =	slt.u32 s8, $0xFFFFF086  }
0x1c: {  	p1 =	slt.u32 s9, $0xF7A;
	s5 =	simm.s32 @!p2 $0x0  }
0x1d: {  	s5 =	simm.s32 @p1 $0x1;
	p0 =	seq.s32 s7, s2  }
0x1e: {  	s7 =	smul.u32 @!p0 $0xF7A, s2;
	p2 =	seq.s32 @!p0 s5, $0x0  }
0x1f: {  	s9 =	smul.u32 $0xF7A, s1;
	s8 =	simm.s32 @!p0 $0x1BF5;
	p2 =	por !p2, p0  }
0x20: {  	[sflag:s8] =	ssyncset.s32 @!p0 $0xFFFFF086;
	s6 =	sadd.s32 @!p0 s3, s7;
	s7 =	simm.s32 @!p0 $0x108  }
0x21: {  	s3 =	sadd.s32 s3, s9;
	s6 =	sadd.s32 @!p0 $0x88, s6;
	s7 =	simm.s32 @p2 $0x1082  }
0x22: {  	[simem:s7], [sflag:s8] =	dma.local @!p0 [hbm:s6], $0xF7A  }
0x23: {  	s9 =	sor.u32 $0xD0000000, s2;
	s6 =	simm.s32 $0x108;
	_ =	swait.ge @!p0 [sflag:s8], $0x0  }
0x24: {  	s3 =	sadd.s32 $0x88, s3;
	s6 =	simm.s32 @!p1 $0x1082;
	[sflag:s4] =	ssyncset.s32 $0xFFFFF086  }
0x25: {  	[simem:s6], [sflag:s4] =	dma.local [hbm:s3], $0xF7A  }
0x26: {  	[smem:$0x3F9A] =	sst s1;
	(tag) =	ssettag s2;
	_ =	strace s9  }
0x27: {  	s1 =	sld [smem:$0x3FAA]  }
0x28: {  	s2 =	sld [smem:$0x3FAB]  }
0x29: {  	s4 =	sld [smem:$0x3FAD]  }
0x2a: {  	p0 =	seq.s32 s5, $0x0;
	s5 =	sld [smem:$0x3FAE]  }
0x2b: {  	s6 =	sld [smem:$0x3FAF]  }
0x2c: {  	s7 =	sld [smem:$0x3FB0]  }
0x2d: {  	s3 =	simm.s32 $0x108;
	s8 =	sld [smem:$0x3FB1]  }
0x2e: {  	s3 =	simm.s32 @!p0 $0x1082;
	s9 =	sld [smem:$0x3FB2]  }
0x2f: {  	lr =	sadd.s32 s0, s3;
	s0 =	sld [smem:$0x3FA9]  }
0x30: {  	s3 =	sld [smem:$0x3FAC]  }
0x31: {  	[smem:$0x3FB5] =	sst s10  }
0x32: {  	s10 =	sld [smem:$0x3FB3];
	_ =	sdelay $0x3  }
0x33: {  	p0 =	seq.s32 s10, $0x1;
	s10 =	sld [smem:$0x3FB5];
	_ =	sdelay $0x3  }
0x34: {  	[smem:$0x3FB5] =	sst s10  }
0x35: {  	s10 =	sld [smem:$0x3FB4];
	_ =	sdelay $0x3  }
0x36: {  	p1 =	seq.s32 s10, $0x1;
	s10 =	sld [smem:$0x3FB5];
	_ =	sdelay $0x3  }
0x37: {  	[smem:$0x3FB5] =	sst s10  }
0x38: {  	s10 =	sld [smem:$0x3FB6]  }
0x39: {  	_ = 	snop;
	(pc) =	sbr.ind lr, $3  }
0x3a: {  	_ = 	snop  }
0x3b: {  	_ = 	snop  }
0x3c: {  	p2 =	seq.s32 s10, $0x1;
	s10 =	sld [smem:$0x3FB5]  }
0x3d: {  	_ =	shalt  }
0x3e: {  	_ =	shalt  }
0x3f: {  	_ =	shalt  }
0x40: {  	_ =	shalt  }
0x41: {  	_ =	shalt  }
0x42: {  	_ =	shalt  }
0x43: {  	_ =	shalt  }
0x44: {  	_ =	shalt  }
0x45: {  	_ =	shalt  }
0x46: {  	_ =	shalt  }
0x47: {  	_ =	shalt  }
0x48: {  	_ =	shalt  }
0x49: {  	_ =	shalt  }
0x4a: {  	_ =	shalt  }
0x4b: {  	_ =	shalt  }
0x4c: {  	_ =	shalt  }
0x4d: {  	_ =	shalt  }
0x4e: {  	_ =	shalt  }
0x4f: {  	_ =	shalt  }
0x50: {  	_ =	shalt  }
0x51: {  	_ =	shalt  }
0x52: {  	_ =	shalt  }
0x53: {  	_ =	shalt  }
0x54: {  	_ =	shalt  }
0x55: {  	_ =	shalt  }
0x56: {  	_ =	shalt  }
0x57: {  	_ =	shalt  }
0x58: {  	_ =	shalt  }
0x59: {  	_ =	shalt  }
0x5a: {  	_ =	shalt  }
0x5b: {  	_ =	shalt  }
0x5c: {  	_ =	shalt  }
0x5d: {  	_ =	shalt  }
0x5e: {  	_ =	shalt  }
0x5f: {  	_ =	shalt  }
0x60: {  	_ =	shalt  }
0x61: {  	_ =	shalt  }
0x62: {  	_ =	shalt  }
0x63: {  	_ =	shalt  }
0x64: {  	_ =	shalt  }
0x65: {  	_ =	shalt  }
0x66: {  	_ =	shalt  }
0x67: {  	_ =	shalt  }
0x68: {  	_ =	shalt  }
0x69: {  	_ =	shalt  }
0x6a: {  	_ =	shalt  }
0x6b: {  	_ =	shalt  }
0x6c: {  	_ =	shalt  }
0x6d: {  	_ =	shalt  }
0x6e: {  	_ =	shalt  }
0x6f: {  	_ =	shalt  }
0x70: {  	_ =	shalt  }
0x71: {  	_ =	shalt  }
0x72: {  	_ =	shalt  }
0x73: {  	_ =	shalt  }
0x74: {  	_ =	shalt  }
0x75: {  	_ =	shalt  }
0x76: {  	_ =	shalt  }
0x77: {  	_ =	shalt  }
0x78: {  	_ =	shalt  }
0x79: {  	_ =	shalt  }
0x7a: {  	_ =	shalt  }
0x7b: {  	_ =	shalt  }
0x7c: {  	_ =	shalt  }
0x7d: {  	_ =	shalt  }
0x7e: {  	_ =	shalt  }
0x7f: {  	_ =	shalt  }
0x80: {  	_ =	shalt  }
0x81: {  	_ =	shalt  }
0x82: {  	_ =	shalt  }
0x83: {  	_ =	shalt  }
0x84: {  	_ =	shalt  }
0x85: {  	_ =	shalt  }
0x86: {  	_ =	shalt  }
0x87: {  	_ =	shalt  }
.Lfunc_end0:
.L_simem_size_0:
called_computation_lowered:
.L_overlay_start_0:
0x88: {  	s2 =	sld [smem:$0x3FD9]  }
0x89: {  	s3 =	sld [smem:$0x3FFE];
	_ =	sdelay $0x1  }
0x8a: {  	s1 =	srdreg.scid  }
0x8b: {  	s0 =	sand.u32 $0x1, s1  }
0x8c: {  	s17 =	sshll.u32 s0, $0xA;
	s2 =	sadd.s32 s3, s2  }
0x8d: {  	s2 =	sadd.s32 s2, s17  }
0x8e: {  	[smem:$0x3FC1] =	sst s2  }
0x8f: {  	_ = 	snop  }
0x90: {  	s2 =	sld [smem:$0x3FC9]  }
0x91: {  	s18 =	sld [smem:$0x3FC8]  }
0x92: {  	s4 =	sld [smem:$0x3FC7]  }
0x93: {  	s5 =	sld [smem:$0x3FC6]  }
0x94: {  	s6 =	sld [smem:$0x3FC5]  }
0x95: {  	s7 =	sld [smem:$0x3FC4]  }
0x96: {  	s8 =	sld [smem:$0x3FD0];
	(tm) =	ssettm $0x1  }
0x97: {  	s9 =	sld [smem:$0x3FFB];
	_ =	sdelay $0x3  }
0x98: {  	_ =	strace s9  }
0x99: {  	s9 =	sld [smem:$0x3FFC];
	_ =	sdelay $0x3  }
0x9a: {  	_ =	strace s9  }
0x9b: {  	s9 =	sld [smem:$0x3FFD];
	_ =	sdelay $0x3  }
0x9c: {  	_ =	strace s9  }
0x9d: {  	_ =	strace $0x8FFFFFFF  }
0x9e: {  	s19 =	sld [smem:$0x3FDB];
	_ =	sdelay $0x1  }
0x9f: {  	s10 =	simm.s32 $_scs_section_size  }
0xa0: {  	s11 =	simm.s32 $_size__tile_overlayer_lowered;
	s12 =	simm.s32 $_tile_overlayer_lowered  }
0xa1: {  	s22 =	simm.s32 $0x1BFF;
	s21 =	sshll.u32 s12, $0x1;
	s9 =	sadd.s32 s10, s19  }
0xa2: {  	s13 =	simm.s32 $0x0;
	s20 =	sshll.u32 s11, $0x1;
	s11 =	sadd.s32 s21, s9  }
0xa3: {  	[timem:s13], [sflag:s22] =	dma.local [hbm:s11], s20  }
0xa4: {  	_ =	swait.ge [sflag:s22], s20  }
0xa5: {  	s10 =	ssub.s32 $0x0, s20;
	[sflag:s22] =	ssyncset.done $0x0  }
0xa6: {  	[sflag:s22] =	ssyncadd.s32 s10;
	_ =	sdelay $0x1  }
0xa7: {  	s23 =	simm.s32 $0x1B8B  }
0xa8: {  	_ =	swait.ge [sflag:s23], $0x1  }
0xa9: {  	[sflag:s23] =	ssyncset.done $0x0  }
0xaa: {  	s25 =	simm.s32 $0x1B8E;
	s24 =	sld [smem:$0x3FFE];
	[sflag:s23] =	ssyncadd.s32 $0xFFFFFFFF  }
0xab: {  	s26 =	simm.s32 $execute0_lowered;
	[smem:$0x3FD2] =	sst s25  }
0xac: {  	s11 =	sshll.u32 s26, $0x1;
	_ =	strace $0x80000046;
	[dreg:$0x1] =	wrdreg $0xFFFFFFFF  }
0xad: {  	s28 =	simm.s32 $_size_execute0_lowered;
	s9 =	sadd.s32 s9, s11;
	[dreg:$0x0] =	wrdreg $0x0  }
0xae: {  	s11 =	sshll.u32 s28, $0x1;
	[dreg:$0x2] =	wrdreg s9  }
0xaf: {  	[dreg:$0x3] =	wrdreg s11  }
0xb0: {  	[dreg:$0x4] =	wrdreg $0xC0  }
0xb1: {  	_ =	task [dreg:s13], $0x5FFFF  }
0xb2: {  	[dreg:$0x1] =	wrdreg $0xFFFFFFFF  }
0xb3: {  	[dreg:$0x0] =	wrdreg $0x60  }
0xb4: {  	[dreg:$0x2] =	wrdreg s2  }
0xb5: {  	[dreg:$0x3] =	wrdreg s18  }
0xb6: {  	[dreg:$0x4] =	wrdreg s4  }
0xb7: {  	[dreg:$0x5] =	wrdreg s5  }
0xb8: {  	[dreg:$0x6] =	wrdreg s6  }
0xb9: {  	[dreg:$0x7] =	wrdreg s7  }
0xba: {  	[dreg:$0x8] =	wrdreg s24  }
0xbb: {  	[dreg:$0x9] =	wrdreg s8  }
0xbc: {  	[dreg:$0xa] =	wrdreg $0x9  }
0xbd: {  	_ =	task.clear_ibuf [dreg:s13], $0xBFFFF;
	_ =	strace $0x90000046  }
0xbe: {  	s29 =	simm.s32 $0x9;
	_ =	strace $0x80000048  }
0xbf: {  	_ =	swait.ge [sflag:s29], $0x1  }
0xc0: {  	[sflag:s29] =	ssyncadd.s32 $0xFFFFFFFF  }
0xc1: {  	_ =	strace $0x90000048  }
0xc2: {  	_ =	sfence  }
0xc3: {  	s30 =	sld [smem:$0x0];
	_ =	sdelay $0x2  }
0xc4: {  	s31 =	sshll.u32 s1, $0xD;
	s1 =	sshrl.u32 s1, $0x2  }
0xc5: {  	s3 =	sand.u32 $0x4000, s31;
	s1 =	sadd.s32 s1, s30  }
0xc6: {  	s0 =	sor.u32 s3, s0;
	s1 =	sshll.u32 s1, $0x11  }
0xc7: {  	s0 =	sor.u32 s1, s0  }
0xc8: {  	s0 =	sadd.s32 $0x8F2B, s0  }
0xc9: {  	[sflag:s0] =	ssyncadd.remote.s32 $0x1  }
0xca: {  	_ =	sfence.sel $0xFFFF  }
0xcb: {  	[dreg:$0x0] =	wrdreg $0xFFFFFFFF;
	(pc) =	sbr.abs _section_cstart, $3  }
0xcc: {  	[dreg:$0x1] =	wrdreg $0xFFFFFFFF  }
0xcd: {  	_ =	task.clear_ibuf [dreg:s13], $0x2FFFF;
	_ =	strace $0x9FFFFFFF  }
0xce: {  	(tm) =	ssettm $0x7FFFFFFF  }
0xcf: {  	_ =	shalt  }
tec
execute0_lowered:
.L_overlay_start_1:
0x0: {  	(tag) =	ssettag $0x1  }
0x1: {  	s0 =	rddreg [dreg:$0x0]  }
0x2: {  	s5 =	rddreg [dreg:$0x1]  }
0x3: {  	s1 =	rddreg [dreg:$0x2]  }
0x4: {  	s2 =	rddreg [dreg:$0x3]  }
0x5: {  	s3 =	rddreg [dreg:$0x4]  }
0x6: {  	s4 =	rddreg [dreg:$0x5]  }
0x7: {  	s7 =	rddreg [dreg:$0x6]  }
0x8: {  	s10 =	rddreg [dreg:$0x7];
	s6 =	simm.s32 $0x0  }
0x9: {  	s8 =	srdreg.scid;
	s11 =	stileid.u32;
	s13 =	simm.s32 $0x4  }
0xa: {  	s14 =	simm.s32 $0x200;
	s15 =	simm.s32 $0x40;
	s18 =	simm.s32 $0x80  }
0xb: {  	s19 =	simm.s32 $0x4400;
	s21 =	simm.s32 $0xC400;
	s17 =	simm.s32 $0x1  }
0xc: {  	s23 =	simm.s32 $0x2;
	s29 =	simm.s32 $0x3;
	s30 =	simm.s32 $0x10880  }
0xd: {  	s31 =	simm.s32 $0x0;
	[smem:$0x7FF] =	sst s6;
	s8 =	sand.u32 $0x1, s8  }
0xe: {  	s11 =	sshll.u32 s11, $0x7;
	s9 =	ssub.s32 $0x2, s8;
	s8 =	sshll.u32 s8, $0x6  }
0xf: {  	s7 =	sadd.s32 $0x400, s7;
	s12 =	sshrl.u32 s9, $0x1;
	s11 =	sor.u32 s8, s11  }
0x10: {  	_ =	strace $0x80000047;
	s12 =	ssub.s32 s9, s12;
	s8 =	sadd.s32 s0, s11  }
0x11: {  	v0 =	vlaneseq.u32;
	s9 =	sadd.s32 s5, s11;
	s10 =	sadd.s32 s10, s11;
	s11 =	smax.u32 s12, $0x1  }
.LBB2_1:
0x12: {  	s0 =	simm.s32 $0x10800  }
0x13: {  	[tilespmem:s0], [sflag:$0x4] =	stream.linear.gather [hbm4b:s7+s6], $0x80, $0x38;
	[tilespmem:$0x10B00] =	vst v63  }
0x14: {  	_ =	swait.ge [sflag:s13], $0x80  }
0x15: {  	[sflag:s13] =	ssyncset.done $0x0  }
0x16: {  	[sflag:s13] =	ssyncadd.s32 $0xFFFFFF80  }
0x17: {  	[tilespmem:s6], [sflag:$0x4] =	stream.linear.gather [hbm4b:s8+s6], $0x200, $0x38;
	[tilespmem:$0x10B00] =	vst v63  }
0x18: {  	_ =	swait.ge [sflag:s13], $0x200  }
0x19: {  	[sflag:s13] =	ssyncset.done $0x0  }
0x1a: {  	[sflag:s13] =	ssyncadd.s32 $0xFFFFFE00  }
0x1b: {  	[tilespmem:s14], [sflag:$0x4] =	stream.linear.gather [hbm4b:s9+s6], $0x200, $0x38;
	[tilespmem:$0x10B00] =	vst v63  }
0x1c: {  	_ =	swait.ge [sflag:s13], $0x200  }
0x1d: {  	[sflag:s13] =	ssyncset.done $0x0  }
0x1e: {  	s16 =	simm.s32 $0x400;
	[sflag:s13] =	ssyncadd.s32 $0xFFFFFE00  }
0x1f: {  	[tilespmem:s16], [sflag:$0x1] =	stream.indirect.gather [hbm4b:s1+s15], $0x80, s6, s15, $0xb8;
	[tilespmem:$0x10B00] =	vst v63  }
0x20: {  	s20 =	simm.s32 $0x8400  }
0x21: {  	[tilespmem:s20], [sflag:$0x1] =	stream.indirect.gather [hbm4b:s2+s15], $0x80, s14, s15, $0xb8;
	[tilespmem:$0x10B00] =	vst v63  }
0x22: {  	_ = 	snop  }
0x23: {  	[tilespmem:s19], [sflag:$0x2] =	stream.indirect.gather [hbm4b:s1+s18], $0x80, s15, s18, $0xb8;
	[tilespmem:$0x10B00] =	vst v63  }
0x24: {  	s22 =	simm.s32 $0x240  }
0x25: {  	[tilespmem:s21], [sflag:$0x2] =	stream.indirect.gather [hbm4b:s2+s18], $0x80, s22, s18, $0xb8;
	[tilespmem:$0x10B00] =	vst v63  }
0x26: {  	s24 =	simm.s32 $0x10400  }
0x27: {  	[tilespmem:s24], [sflag:$0x3] =	stream.indirect.gather [hbm4b:s3+s18], $0x1, s6, s18, $0xb8;
	[tilespmem:$0x10B00] =	vst v63  }
0x28: {  	s25 =	simm.s32 $0x10600  }
0x29: {  	[tilespmem:s25], [sflag:$0x3] =	stream.indirect.gather [hbm4b:s4+s18], $0x1, s14, s18, $0xb8;
	[tilespmem:$0x10B00] =	vst v63  }
0x2a: {  	s26 =	simm.s32 $0x10480  }
0x2b: {  	[tilespmem:s26], [sflag:$0x3] =	stream.indirect.gather [hbm4b:s3+s18], $0x1, s18, s18, $0xb8;
	[tilespmem:$0x10B00] =	vst v63  }
0x2c: {  	s28 =	simm.s32 $0x280;
	s5 =	simm.s32 $0x10680  }
0x2d: {  	[tilespmem:s5], [sflag:$0x3] =	stream.indirect.gather [hbm4b:s4+s18], $0x1, s28, s18, $0xb8;
	[tilespmem:$0x10B00] =	vst v63  }
0x2e: {  	s12 =	simm.s32 $0x100;
	s16 =	simm.s32 $0x10500  }
0x2f: {  	[tilespmem:s16], [sflag:$0x3] =	stream.indirect.gather [hbm4b:s3+s18], $0x1, s12, s18, $0xb8;
	[tilespmem:$0x10B00] =	vst v63  }
0x30: {  	s20 =	simm.s32 $0x300;
	s22 =	simm.s32 $0x10700  }
0x31: {  	[tilespmem:s22], [sflag:$0x3] =	stream.indirect.gather [hbm4b:s4+s18], $0x1, s20, s18, $0xb8;
	[tilespmem:$0x10B00] =	vst v63  }
0x32: {  	s24 =	simm.s32 $0x180;
	s25 =	simm.s32 $0x10580  }
0x33: {  	[tilespmem:s25], [sflag:$0x3] =	stream.indirect.gather [hbm4b:s3+s18], $0x1, s24, s18, $0xb8;
	[tilespmem:$0x10B00] =	vst v63  }
0x34: {  	s26 =	simm.s32 $0x380;
	s28 =	simm.s32 $0x10780  }
0x35: {  	[tilespmem:s28], [sflag:$0x3] =	stream.indirect.gather [hbm4b:s4+s18], $0x1, s26, s18, $0xb8;
	[tilespmem:$0x10B00] =	vst v63  }
0x36: {  	_ =	swait.ge [sflag:s17], $0x2000  }
0x37: {  	[sflag:s17] =	ssyncset.done $0x0  }
0x38: {  	[sflag:s17] =	ssyncadd.s32 $0xFFFFE000  }
0x39: {  	_ =	swait.ge [sflag:s17], $0x2000  }
0x3a: {  	s0 =	simm.s32 $0x8500;
	[sflag:s17] =	ssyncset.done $0x0  }
0x3b: {  	s5 =	simm.s32 $0x500;
	s12 =	simm.s32 $0x0;
	[sflag:s17] =	ssyncadd.s32 $0xFFFFE000  }
.LBB2_2:
0x3c: {  	v3 =	vld [tilespmem:s5+$0x70]  }
0x3d: {  	v21 =	vld [tilespmem:s0+$0x70]  }
0x3e: {  	v12 =	vld [tilespmem:s5+$0xFFFFFFF0]  }
0x3f: {  	v24 =	vld [tilespmem:s0+$0xFFFFFFF0]  }
0x40: {  	v1 =	vld [tilespmem:s5+$0xE0]  }
0x41: {  	v2 =	vld [tilespmem:s5+$0xFFFFFF70]  }
0x42: {  	v30 =	vld [tilespmem:s5+$0x60]  }
0x43: {  	v45 =	vld [tilespmem:s0+$0x60]  }
0x44: {  	v46 =	vld [tilespmem:s5+$0xFFFFFFE0]  }
0x45: {  	v47 =	vld [tilespmem:s0+$0xFFFFFFE0]  }
0x46: {  	v4 =	vld [tilespmem:s5+$0xD0]  }
0x47: {  	v5 =	vld [tilespmem:s5+$0xFFFFFF60]  }
0x48: {  	v15 =	vld [tilespmem:s5+$0x50]  }
0x49: {  	v18 =	vld [tilespmem:s0+$0x50]  }
0x4a: {  	v13 =	vld [tilespmem:s5+$0xFFFFFFD0]  }
0x4b: {  	v14 =	vld [tilespmem:s0+$0xFFFFFFD0]  }
0x4c: {  	v6 =	vld [tilespmem:s5+$0xC0]  }
0x4d: {  	v7 =	vld [tilespmem:s5+$0xFFFFFF50]  }
0x4e: {  	v17 =	vld [tilespmem:s5+$0x40]  }
0x4f: {  	v19 =	vld [tilespmem:s0+$0x40]  }
0x50: {  	v10 =	vld [tilespmem:s5+$0xFFFFFFC0]  }
0x51: {  	v16 =	vld [tilespmem:s0+$0xFFFFFFC0]  }
0x52: {  	v8 =	vld [tilespmem:s5+$0xB0]  }
0x53: {  	v9 =	vld [tilespmem:s5+$0xFFFFFF40]  }
0x54: {  	v28 =	vld [tilespmem:s5+$0x30]  }
0x55: {  	v29 =	vld [tilespmem:s0+$0x30]  }
0x56: {  	v22 =	vld [tilespmem:s5+$0xFFFFFFB0]  }
0x57: {  	v23 =	vld [tilespmem:s0+$0xFFFFFFB0]  }
0x58: {  	v11 =	vld [tilespmem:s5+$0xA0]  }
0x59: {  	v20 =	vld [tilespmem:s5+$0xFFFFFF30]  }
0x5a: {  	v33 =	vld [tilespmem:s5+$0x20]  }
0x5b: {  	v34 =	vld [tilespmem:s0+$0x20]  }
0x5c: {  	v31 =	vld [tilespmem:s5+$0xFFFFFFA0]  }
0x5d: {  	v32 =	vld [tilespmem:s0+$0xFFFFFFA0]  }
0x5e: {  	v25 =	vld [tilespmem:s5+$0x80]  }
0x5f: {  	v26 =	vld [tilespmem:s0+$0x80]  }
0x60: {  	v27 =	vld [tilespmem:s5+$0x90]  }
0x61: {  	v42 =	vld [tilespmem:s5+$0x0]  }
0x62: {  	v43 =	vld [tilespmem:s0+$0x0]  }
0x63: {  	v44 =	vld [tilespmem:s5+$0x10]  }
0x64: {  	v48 =	vld [tilespmem:s0+$0x10]  }
0x65: {  	v38 =	vld [tilespmem:s5+$0xFFFFFF80]  }
0x66: {  	v39 =	vld [tilespmem:s0+$0xFFFFFF80]  }
0x67: {  	v40 =	vld [tilespmem:s5+$0xFFFFFF90]  }
0x68: {  	v41 =	vld [tilespmem:s0+$0xFFFFFF90]  }
0x69: {  	v35 =	vld [tilespmem:s5+$0xFFFFFF00]  }
0x6a: {  	v36 =	vld [tilespmem:s0+$0xFFFFFF00];
	v12 =	vmul.f32 v24, v12;
	v21 =	vmul.f32 v21, v3  }
0x6b: {  	v37 =	vld [tilespmem:s5+$0xFFFFFF10];
	s16 =	simm.s32 $0x0;
	v43 =	vmul.f32 v43, v42;
	v44 =	vmul.f32 v48, v44  }
0x6c: {  	s24 =	simm.s32 $0x4;
	s22 =	smov.u32 s5;
	s20 =	smov.u32 s0;
	v3 =	vimm.f32 $0.0e+00;
	v42 =	vld [tilespmem:s0+$0xFFFFFF10];
	v24 =	vmul.f32 v47, v46;
	v30 =	vmul.f32 v45, v30  }
.LBB2_3:
0x6d: {  	p0 =	sne.s32 s24, $0xC;
	v45 =	vld [tilespmem:s22+$0xFFFFFF20];
	v43 =	vadd.f32 v44, v43;
	v33 =	vmul.f32 v34, v33;
	v15 =	vmul.f32 v18, v15  }
0x6e: {  	v34 =	vmul.f32 v39, v38;
	v38 =	vmul.f32 v41, v40;
	v18 =	vld [tilespmem:s20+$0xFFFFFF20]  }
0x6f: {  	v13 =	vmul.f32 v14, v13;
	v28 =	vmul.f32 v29, v28;
	v14 =	vadd.f32 v33, v43;
	v29 =	vld [tilespmem:s20+$0x90]  }
0x70: {  	v31 =	vmul.f32 v32, v31;
	v17 =	vmul.f32 v19, v17;
	v34 =	vadd.f32 v38, v34;
	v33 =	vld [tilespmem:s20+$0xFFFFFF30]  }
0x71: {  	v19 =	vmul.f32 v36, v35;
	v32 =	vmul.f32 v42, v37;
	v14 =	vadd.f32 v28, v14;
	v28 =	vld [tilespmem:s20+$0xA0]  }
0x72: {  	v22 =	vmul.f32 v23, v22;
	v10 =	vmul.f32 v16, v10;
	v31 =	vadd.f32 v31, v34;
	v35 =	vld [tilespmem:s20+$0xFFFFFF40]  }
0x73: {  	v16 =	vadd.f32 v32, v19;
	v18 =	vmul.f32 v18, v45;
	v14 =	vadd.f32 v17, v14;
	v17 =	vld [tilespmem:s20+$0xB0]  }
0x74: {  	v23 =	vmul.f32 v26, v25;
	v22 =	vadd.f32 v22, v31;
	v19 =	vld [tilespmem:s20+$0xFFFFFF50];
	v25 =	vmul.f32 v29, v27  }
0x75: {  	v16 =	vadd.f32 v18, v16;
	v18 =	vmul.f32 v33, v20;
	v14 =	vadd.f32 v15, v14;
	v15 =	vld [tilespmem:s20+$0xC0]  }
0x76: {  	v10 =	vadd.f32 v10, v22;
	v20 =	vld [tilespmem:s20+$0xFFFFFF60];
	v22 =	vadd.f32 v25, v23;
	v11 =	vmul.f32 v28, v11  }
0x77: {  	v16 =	vadd.f32 v18, v16;
	v9 =	vmul.f32 v35, v9;
	v14 =	vadd.f32 v30, v14;
	v18 =	vld [tilespmem:s20+$0xD0]  }
0x78: {  	v10 =	vadd.f32 v13, v10;
	v23 =	vld [tilespmem:s20+$0xFFFFFF70];
	v11 =	vadd.f32 v11, v22;
	v8 =	vmul.f32 v17, v8  }
0x79: {  	v9 =	vadd.f32 v9, v16;
	v7 =	vmul.f32 v19, v7;
	v13 =	vadd.f32 v21, v14;
	v14 =	vld [tilespmem:s20+$0xE0]  }
0x7a: {  	v10 =	vadd.f32 v24, v10;
	v8 =	vadd.f32 v8, v11;
	v6 =	vmul.f32 v15, v6;
	v11 =	vld [tilespmem:s22+$0xF0]  }
0x7b: {  	s22 =	sadd.s32 $0x200, s22;
	v7 =	vadd.f32 v7, v9;
	v5 =	vmul.f32 v20, v5;
	v9 =	vld [tilespmem:s20+$0xF0];
	(xrf2) =	vadd.scan.msk.f32 $0xffff, v13  }
0x7c: {  	v10 =	vadd.f32 v12, v10;
	s20 =	sadd.s32 $0x200, s20;
	v21 =	vld [tilespmem:s22+$0x70];
	v6 =	vadd.f32 v6, v8;
	v4 =	vmul.f32 v18, v4  }
0x7d: {  	v24 =	vld [tilespmem:s20+$0x70];
	v5 =	vadd.f32 v5, v7;
	v2 =	vmul.f32 v23, v2  }
0x7e: {  	v12 =	vld [tilespmem:s22+$0xFFFFFFF0];
	v4 =	vadd.f32 v4, v6;
	v6 =	vmul.f32 v14, v1;
	(xrf2) =	vadd.scan.msk.f32 $0xffff, v10  }
0x7f: {  	v30 =	vld [tilespmem:s20+$0xFFFFFFF0];
	v5 =	vadd.f32 v2, v5  }
0x80: {  	v1 =	vld [tilespmem:s22+$0xE0];
	v4 =	vadd.f32 v6, v4;
	v6 =	vmul.f32 v9, v11  }
0x81: {  	v2 =	vld [tilespmem:s22+$0xFFFFFF70];
	(xrf2) =	vadd.scan.msk.f32 $0xffff, v5  }
0x82: {  	v45 =	vld [tilespmem:s22+$0x60];
	v4 =	vadd.f32 v6, v4  }
0x83: {  	v46 =	vld [tilespmem:s20+$0x60]  }
0x84: {  	v47 =	vld [tilespmem:s22+$0xFFFFFFE0];
	(xrf2) =	vadd.scan.msk.f32 $0xffff, v4  }
0x85: {  	v48 =	vld [tilespmem:s20+$0xFFFFFFE0];
	v8, _, _ =	vpop (xrf2)  }
0x86: {  	v4 =	vld [tilespmem:s22+$0xD0]  }
0x87: {  	v5 =	vld [tilespmem:s22+$0xFFFFFF60]  }
0x88: {  	v15 =	vld [tilespmem:s22+$0x50];
	v9, _, _ =	vpop (xrf2)  }
0x89: {  	v18 =	vld [tilespmem:s20+$0x50]  }
0x8a: {  	v13 =	vld [tilespmem:s22+$0xFFFFFFD0]  }
0x8b: {  	s25 =	sadd.s32 $0x2, s16;
	s26 =	sadd.s32 $0x3, s16;
	v10 =	vmov s16;
	v14 =	vld [tilespmem:s20+$0xFFFFFFD0];
	v7, _, _ =	vpop (xrf2)  }
0x8c: {  	s28 =	sadd.s32 $0x1, s16;
	v16 =	vmov s25;
	v20 =	vmov s26;
	s16 =	smov.u32 s24;
	v6 =	vld [tilespmem:s22+$0xC0];
	v11 =	vbroadcast v7, $0xF  }
0x8d: {  	v19 =	vmov s28;
	vm0 =	veq.s32 v10, v0;
	v9 =	vbroadcast v9, $0xF;
	v7 =	vld [tilespmem:s22+$0xFFFFFF50]  }
0x8e: {  	v8 =	vbroadcast v8, $0xF;
	v17 =	vld [tilespmem:s22+$0x40];
	v3 =	vsel vm0, v11, v3;
	vm0 =	veq.s32 v19, v0;
	v10, _, _ =	vpop (xrf2)  }
0x8f: {  	v19 =	vld [tilespmem:s20+$0x40];
	v3 =	vsel vm0, v9, v3;
	vm0 =	veq.s32 v16, v0;
	v9 =	vbroadcast v10, $0xF  }
0x90: {  	v10 =	vld [tilespmem:s22+$0xFFFFFFC0];
	v3 =	vsel vm0, v8, v3;
	vm0 =	veq.s32 v20, v0  }
0x91: {  	v16 =	vld [tilespmem:s20+$0xFFFFFFC0];
	v3 =	vsel vm0, v9, v3  }
0x92: {  	v8 =	vld [tilespmem:s22+$0xB0]  }
0x93: {  	v9 =	vld [tilespmem:s22+$0xFFFFFF40]  }
0x94: {  	v28 =	vld [tilespmem:s22+$0x30]  }
0x95: {  	v29 =	vld [tilespmem:s20+$0x30]  }
0x96: {  	v22 =	vld [tilespmem:s22+$0xFFFFFFB0]  }
0x97: {  	v23 =	vld [tilespmem:s20+$0xFFFFFFB0]  }
0x98: {  	v11 =	vld [tilespmem:s22+$0xA0]  }
0x99: {  	v20 =	vld [tilespmem:s22+$0xFFFFFF30]  }
0x9a: {  	v33 =	vld [tilespmem:s22+$0x20]  }
0x9b: {  	v34 =	vld [tilespmem:s20+$0x20]  }
0x9c: {  	v31 =	vld [tilespmem:s22+$0xFFFFFFA0]  }
0x9d: {  	v32 =	vld [tilespmem:s20+$0xFFFFFFA0]  }
0x9e: {  	v25 =	vld [tilespmem:s22+$0x80]  }
0x9f: {  	v26 =	vld [tilespmem:s20+$0x80]  }
0xa0: {  	v27 =	vld [tilespmem:s22+$0x90]  }
0xa1: {  	v42 =	vld [tilespmem:s22+$0x0]  }
0xa2: {  	v43 =	vld [tilespmem:s20+$0x0]  }
0xa3: {  	v44 =	vld [tilespmem:s22+$0x10]  }
0xa4: {  	v49 =	vld [tilespmem:s20+$0x10]  }
0xa5: {  	v38 =	vld [tilespmem:s22+$0xFFFFFF80]  }
0xa6: {  	v39 =	vld [tilespmem:s20+$0xFFFFFF80]  }
0xa7: {  	v40 =	vld [tilespmem:s22+$0xFFFFFF90]  }
.Ltmp0:
0xa8: {  	v41 =	vld [tilespmem:s20+$0xFFFFFF90];
	(pc) =	sbr.rel @p0 .LBB2_3-.Ltmp0, $4  }
0xa9: {  	v35 =	vld [tilespmem:s22+$0xFFFFFF00]  }
0xaa: {  	v21 =	vmul.f32 v24, v21;
	v12 =	vmul.f32 v30, v12;
	v36 =	vld [tilespmem:s20+$0xFFFFFF00]  }
0xab: {  	v43 =	vmul.f32 v43, v42;
	v44 =	vmul.f32 v49, v44;
	v37 =	vld [tilespmem:s22+$0xFFFFFF10]  }
0xac: {  	s24 =	sadd.s32 $0x4, s24;
	v30 =	vmul.f32 v46, v45;
	v24 =	vmul.f32 v48, v47;
	v42 =	vld [tilespmem:s20+$0xFFFFFF10]  }
0xad: {  	v45 =	vld [tilespmem:s22+$0xFFFFFF20];
	v33 =	vmul.f32 v34, v33;
	v15 =	vmul.f32 v18, v15  }
0xae: {  	v54 =	vld [tilespmem:s20+$0xFFFFFF20];
	v55 =	vmul.f32 v39, v38;
	v56 =	vmul.f32 v41, v40  }
0xaf: {  	v57 =	vld [tilespmem:s20+$0x90];
	v13 =	vmul.f32 v14, v13;
	v28 =	vmul.f32 v29, v28  }
0xb0: {  	v59 =	vld [tilespmem:s20+$0xFFFFFF30];
	v31 =	vmul.f32 v32, v31;
	v17 =	vmul.f32 v19, v17  }
0xb1: {  	v43 =	vadd.f32 v44, v43;
	v63 =	vld [tilespmem:s20+$0xA0];
	v61 =	vmul.f32 v36, v35;
	v62 =	vmul.f32 v42, v37  }
0xb2: {  	v40 =	vld [tilespmem:s20+$0xFFFFFF40];
	v22 =	vmul.f32 v23, v22;
	v25 =	vmul.f32 v26, v25;
	v60 =	vadd.f32 v56, v55  }
0xb3: {  	v58 =	vadd.f32 v33, v43;
	v42 =	vld [tilespmem:s20+$0xB0];
	v18 =	vmul.f32 v54, v45;
	v41 =	vadd.f32 v62, v61  }
0xb4: {  	v10 =	vmul.f32 v16, v10;
	v43 =	vld [tilespmem:s20+$0xFFFFFF50];
	v31 =	vadd.f32 v31, v60;
	v44 =	vmul.f32 v57, v27  }
0xb5: {  	v47 =	vld [tilespmem:s20+$0xC0];
	v14 =	vadd.f32 v28, v58;
	v46 =	vmul.f32 v59, v20;
	v45 =	vadd.f32 v18, v41  }
0xb6: {  	v48 =	vld [tilespmem:s20+$0xFFFFFF60];
	v11 =	vmul.f32 v63, v11;
	v22 =	vadd.f32 v22, v31;
	v25 =	vadd.f32 v44, v25  }
0xb7: {  	v49 =	vld [tilespmem:s20+$0xD0];
	v9 =	vmul.f32 v40, v9;
	v14 =	vadd.f32 v17, v14;
	v16 =	vadd.f32 v46, v45  }
0xb8: {  	v50 =	vld [tilespmem:s20+$0xFFFFFF70];
	v10 =	vadd.f32 v10, v22;
	v11 =	vadd.f32 v11, v25;
	v8 =	vmul.f32 v42, v8  }
0xb9: {  	v51 =	vld [tilespmem:s20+$0xE0];
	v7 =	vmul.f32 v43, v7;
	v14 =	vadd.f32 v15, v14;
	v9 =	vadd.f32 v9, v16  }
0xba: {  	v52 =	vld [tilespmem:s22+$0xF0];
	v6 =	vmul.f32 v47, v6;
	v10 =	vadd.f32 v13, v10;
	v8 =	vadd.f32 v8, v11  }
0xbb: {  	v5 =	vmul.f32 v48, v5;
	v54 =	vld [tilespmem:s20+$0xF0];
	v53 =	vadd.f32 v30, v14;
	v7 =	vadd.f32 v7, v9  }
0xbc: {  	v4 =	vmul.f32 v49, v4;
	v10 =	vadd.f32 v24, v10;
	v6 =	vadd.f32 v6, v8  }
0xbd: {  	v2 =	vmul.f32 v50, v2;
	v55 =	vadd.f32 v21, v53;
	v5 =	vadd.f32 v5, v7  }
0xbe: {  	v1 =	vmul.f32 v51, v1;
	v56 =	vadd.f32 v12, v10;
	v4 =	vadd.f32 v4, v6  }
0xbf: {  	(xrf2) =	vadd.scan.msk.f32 $0xffff, v55;
	v2 =	vadd.f32 v2, v5  }
0xc0: {  	v57 =	vmul.f32 v54, v52;
	(xrf2) =	vadd.scan.msk.f32 $0xffff, v56;
	v1 =	vadd.f32 v1, v4  }
0xc1: {  	(xrf2) =	vadd.scan.msk.f32 $0xffff, v2  }
0xc2: {  	v1 =	vadd.f32 v57, v1;
	_ =	sdelay $0x1  }
0xc3: {  	(xrf2) =	vadd.scan.msk.f32 $0xffff, v1;
	_ =	sdelay $0x4  }
0xc4: {  	v1, _, _ =	vpop (xrf2)  }
0xc5: {  	v2, _, _ =	vpop (xrf2)  }
0xc6: {  	s24 =	sadd.s32 $0x2, s16;
	v58 =	vmov s16;
	v59, _, _ =	vpop (xrf2)  }
0xc7: {  	s26 =	sadd.s32 $0x1, s16;
	s28 =	sshll.u32 s12, $0x4;
	s12 =	sadd.s32 $0x1, s12;
	v60 =	vmov s24;
	vm0 =	veq.s32 v58, v0;
	v5 =	vbroadcast v59, $0xF  }
0xc8: {  	p0 =	sne.s32 s12, $0x4;
	vm14 =	veq.s32 v60, v0;
	v62 =	vmov s26;
	v2 =	vbroadcast v2, $0xF  }
.Ltmp1:
0xc9: {  	s25 =	sadd.s32 $0x3, s16;
	vm13 =	veq.s32 v62, v0;
	v1 =	vbroadcast v1, $0xF;
	v63, _, _ =	vpop (xrf2);
	v3 =	vsel vm0, v5, v3;
	(pc) =	sbr.rel @p0 .LBB2_2-.Ltmp1, $4  }
0xca: {  	v61 =	vmov s25;
	v2 =	vsel vm13, v2, v3;
	v3 =	vbroadcast v63, $0xF  }
0xcb: {  	vm15 =	veq.s32 v61, v0;
	v1 =	vsel vm14, v1, v2  }
0xcc: {  	s16 =	sand.u32 $0x3FFFFFF0, s28;
	v1 =	vsel vm15, v3, v1  }
0xcd: {  	s0 =	sadd.s32 $0x800, s0;
	s5 =	sadd.s32 $0x800, s5;
	[tilespmem:s16+$0x10880] =	vst v1  }
0xce: {  	s0 =	simm.s32 $0x400;
	s5 =	simm.s32 $0xC0  }
0xcf: {  	[tilespmem:s0], [sflag:$0x1] =	stream.indirect.gather [hbm4b:s1+s18], $0x80, s5, s18, $0xb8;
	[tilespmem:$0x10B00] =	vst v63  }
0xd0: {  	s12 =	simm.s32 $0x2C0;
	s5 =	simm.s32 $0x8400  }
0xd1: {  	[tilespmem:s5], [sflag:$0x1] =	stream.indirect.gather [hbm4b:s2+s18], $0x80, s12, s18, $0xb8;
	[tilespmem:$0x10B00] =	vst v63  }
0xd2: {  	_ =	swait.ge [sflag:s23], $0x4000  }
0xd3: {  	[sflag:s23] =	ssyncset.done $0x0  }
0xd4: {  	[sflag:s23] =	ssyncadd.s32 $0xFFFFC000  }
0xd5: {  	_ =	swait.ge [sflag:s23], $0x4000  }
0xd6: {  	[sflag:s23] =	ssyncset.done $0x0  }
0xd7: {  	s12 =	simm.s32 $0x0;
	[sflag:s23] =	ssyncadd.s32 $0xFFFFC000  }
.LBB2_6:
0xd8: {  	v2 =	vmov s0  }
0xd9: {  	v1 =	vmov s5;
	_ =	sdelay $0x2  }
0xda: {  	s20 =	simm.s32 $0x0  }
0xdb: {  	v8 =	vld.idx.msk [tilespmem:v2+s20+$0x4170 ss:$0x1], $0xffff  }
0xdc: {  	v6 =	vld.idx.msk [tilespmem:v1+s20+$0x4170 ss:$0x1], $0xffff  }
0xdd: {  	v3 =	vld.idx.msk [tilespmem:v2+s20+$0x40F0 ss:$0x1], $0xffff  }
0xde: {  	v7 =	vld.idx.msk [tilespmem:v2+s20+$0x4160 ss:$0x1], $0xffff  }
0xdf: {  	v9 =	vld.idx.msk [tilespmem:v1+s20+$0x4160 ss:$0x1], $0xffff  }
0xe0: {  	v5 =	vld.idx.msk [tilespmem:v2+s20+$0x40E0 ss:$0x1], $0xffff  }
0xe1: {  	v14 =	vld.idx.msk [tilespmem:v1+s20+$0x40E0 ss:$0x1], $0xffff  }
0xe2: {  	v15 =	vld.idx.msk [tilespmem:v2+s20+$0x4150 ss:$0x1], $0xffff  }
0xe3: {  	v16 =	vld.idx.msk [tilespmem:v1+s20+$0x4150 ss:$0x1], $0xffff  }
0xe4: {  	v17 =	vld.idx.msk [tilespmem:v2+s20+$0x40D0 ss:$0x1], $0xffff  }
0xe5: {  	v18 =	vld.idx.msk [tilespmem:v1+s20+$0x40D0 ss:$0x1], $0xffff  }
0xe6: {  	v36 =	vld.idx.msk [tilespmem:v2+s20+$0x4050 ss:$0x1], $0xffff  }
0xe7: {  	v22 =	vld.idx.msk [tilespmem:v2+s20+$0x4140 ss:$0x1], $0xffff  }
0xe8: {  	v21 =	vld.idx.msk [tilespmem:v1+s20+$0x4140 ss:$0x1], $0xffff  }
0xe9: {  	v27 =	vld.idx.msk [tilespmem:v2+s20+$0x40C0 ss:$0x1], $0xffff  }
0xea: {  	v23 =	vld.idx.msk [tilespmem:v1+s20+$0x40C0 ss:$0x1], $0xffff  }
0xeb: {  	v30 =	vld.idx.msk [tilespmem:v2+s20+$0x41B0 ss:$0x1], $0xffff  }
0xec: {  	v29 =	vld.idx.msk [tilespmem:v2+s20+$0x4040 ss:$0x1], $0xffff  }
0xed: {  	v33 =	vld.idx.msk [tilespmem:v2+s20+$0x4130 ss:$0x1], $0xffff  }
0xee: {  	v37 =	vld.idx.msk [tilespmem:v1+s20+$0x4130 ss:$0x1], $0xffff  }
0xef: {  	v38 =	vld.idx.msk [tilespmem:v2+s20+$0x40B0 ss:$0x1], $0xffff  }
0xf0: {  	v39 =	vld.idx.msk [tilespmem:v1+s20+$0x40B0 ss:$0x1], $0xffff  }
0xf1: {  	v40 =	vld.idx.msk [tilespmem:v2+s20+$0x41A0 ss:$0x1], $0xffff  }
0xf2: {  	v41 =	vld.idx.msk [tilespmem:v2+s20+$0x4030 ss:$0x1], $0xffff  }
0xf3: {  	v42 =	vld.idx.msk [tilespmem:v2+s20+$0x4120 ss:$0x1], $0xffff  }
0xf4: {  	v43 =	vld.idx.msk [tilespmem:v1+s20+$0x4120 ss:$0x1], $0xffff  }
0xf5: {  	v44 =	vld.idx.msk [tilespmem:v2+s20+$0x40A0 ss:$0x1], $0xffff  }
0xf6: {  	v45 =	vld.idx.msk [tilespmem:v1+s20+$0x40A0 ss:$0x1], $0xffff  }
0xf7: {  	v46 =	vld.idx.msk [tilespmem:v2+s20+$0x4180 ss:$0x1], $0xffff  }
0xf8: {  	v47 =	vld.idx.msk [tilespmem:v1+s20+$0x4180 ss:$0x1], $0xffff  }
0xf9: {  	v48 =	vld.idx.msk [tilespmem:v2+s20+$0x4190 ss:$0x1], $0xffff  }
0xfa: {  	v12 =	vld.idx.msk [tilespmem:v2+s20+$0x4100 ss:$0x1], $0xffff  }
0xfb: {  	v49 =	vld.idx.msk [tilespmem:v1+s20+$0x4100 ss:$0x1], $0xffff  }
0xfc: {  	v50 =	vld.idx.msk [tilespmem:v2+s20+$0x4110 ss:$0x1], $0xffff  }
0xfd: {  	v51 =	vld.idx.msk [tilespmem:v1+s20+$0x4110 ss:$0x1], $0xffff  }
0xfe: {  	v52 =	vld.idx.msk [tilespmem:v2+s20+$0x4080 ss:$0x1], $0xffff  }
0xff: {  	v53 =	vld.idx.msk [tilespmem:v1+s20+$0x4080 ss:$0x1], $0xffff  }
0x100: {  	v54 =	vld.idx.msk [tilespmem:v2+s20+$0x4090 ss:$0x1], $0xffff  }
0x101: {  	v55 =	vld.idx.msk [tilespmem:v1+s20+$0x4090 ss:$0x1], $0xffff  }
0x102: {  	v56 =	vld.idx.msk [tilespmem:v2+s20+$0x4000 ss:$0x1], $0xffff  }
0x103: {  	v57 =	vld.idx.msk [tilespmem:v1+s20+$0x4000 ss:$0x1], $0xffff  }
0x104: {  	v58 =	vld.idx.msk [tilespmem:v2+s20+$0x4010 ss:$0x1], $0xffff  }
0x105: {  	v59 =	vld.idx.msk [tilespmem:v1+s20+$0x4010 ss:$0x1], $0xffff  }
0x106: {  	v60 =	vld.idx.msk [tilespmem:v2+s20+$0x4020 ss:$0x1], $0xffff  }
0x107: {  	v61 =	vld.idx.msk [tilespmem:v1+s20+$0x4020 ss:$0x1], $0xffff  }
0x108: {  	v62 =	vld.idx.msk [tilespmem:v1+s20+$0x4190 ss:$0x1], $0xffff  }
0x109: {  	v63 =	vld.idx.msk [tilespmem:v1+s20+$0x4030 ss:$0x1], $0xffff  }
0x10a: {  	v20 =	vld.idx.msk [tilespmem:v1+s20+$0x41A0 ss:$0x1], $0xffff  }
0x10b: {  	v13 =	vld.idx.msk [tilespmem:v1+s20+$0x4040 ss:$0x1], $0xffff  }
0x10c: {  	v19 =	vld.idx.msk [tilespmem:v1+s20+$0x41B0 ss:$0x1], $0xffff  }
0x10d: {  	v24 =	vld.idx.msk [tilespmem:v1+s20+$0x4050 ss:$0x1], $0xffff  }
0x10e: {  	v25 =	vld.idx.msk [tilespmem:v1+s20+$0x41C0 ss:$0x1], $0xffff  }
0x10f: {  	v26 =	vld.idx.msk [tilespmem:v1+s20+$0x4060 ss:$0x1], $0xffff  }
0x110: {  	v28 =	vld.idx.msk [tilespmem:v1+s20+$0x41D0 ss:$0x1], $0xffff  }
0x111: {  	v31 =	vld.idx.msk [tilespmem:v1+s20+$0x4070 ss:$0x1], $0xffff  }
0x112: {  	v32 =	vld.idx.msk [tilespmem:v1+s20+$0x41E0 ss:$0x1], $0xffff  }
0x113: {  	v35 =	vld.idx.msk [tilespmem:v2+s20+$0x41F0 ss:$0x1], $0xffff  }
0x114: {  	[tilespmem:$0x1FF70] =	vst v3;
	v3 =	vld.idx.msk [tilespmem:v1+s20+$0x40F0 ss:$0x1], $0xffff  }
0x115: {  	s16 =	simm.s32 $0x200;
	v34 =	vld.idx.msk [tilespmem:v1+s20+$0x41F0 ss:$0x1], $0xffff  }
0x116: {  	v4 =	vld.idx.msk [tilespmem:v2+s16+$0x4070 ss:$0x1], $0xffff  }
0x117: {  	v10 =	vld.idx.msk [tilespmem:v2+s16+$0x4160 ss:$0x1], $0xffff  }
0x118: {  	v11 =	vld.idx.msk [tilespmem:v1+s16+$0x4160 ss:$0x1], $0xffff  }
0x119: {  	[tilespmem:$0x1FF80] =	vst v3;
	v3 =	vld.idx.msk [tilespmem:v2+s20+$0x41E0 ss:$0x1], $0xffff  }
0x11a: {  	v8 =	vmul.f32 v6, v8;
	v6 =	vmul.f32 v49, v12;
	v12 =	vld.idx.msk [tilespmem:v2+s16+$0x40E0 ss:$0x1], $0xffff  }
0x11b: {  	v49 =	vmul.f32 v51, v50;
	v50 =	vmul.f32 v14, v5;
	v14 =	vld.idx.msk [tilespmem:v1+s16+$0x40E0 ss:$0x1], $0xffff  }
0x11c: {  	v51 =	vmul.f32 v9, v7;
	v5 =	vld.idx.msk [tilespmem:v2+s16+$0x41D0 ss:$0x1], $0xffff  }
0x11d: {  	v7 =	vmul.f32 v43, v42;
	v42 =	vmul.f32 v16, v15;
	v15 =	vld.idx.msk [tilespmem:v2+s16+$0x4150 ss:$0x1], $0xffff  }
0x11e: {  	[tilespmem:$0x1FFB0] =	vst v3;
	v3 =	vld.idx.msk [tilespmem:v2+s20+$0x4070 ss:$0x1], $0xffff  }
0x11f: {  	v16 =	vmul.f32 v53, v52;
	v53 =	vmul.f32 v18, v17;
	v17 =	vld.idx.msk [tilespmem:v1+s16+$0x4150 ss:$0x1], $0xffff  }
0x120: {  	v18 =	vld.idx.msk [tilespmem:v1+s16+$0x40D0 ss:$0x1], $0xffff;
	v60 =	vmul.f32 v61, v60  }
0x121: {  	v61 =	vmul.f32 v47, v46;
	v46 =	vmul.f32 v20, v40;
	v20 =	vld.idx.msk [tilespmem:v2+s16+$0x40C0 ss:$0x1], $0xffff  }
0x122: {  	v40 =	vld.idx.msk [tilespmem:v1+s16+$0x4120 ss:$0x1], $0xffff  }
0x123: {  	[tilespmem:$0x1FFA0] =	vst v3;
	v3 =	vld.idx.msk [tilespmem:v2+s20+$0x41D0 ss:$0x1], $0xffff  }
0x124: {  	v52 =	vmul.f32 v55, v54;
	v54 =	vmul.f32 v45, v44;
	v44 =	vld.idx.msk [tilespmem:v1+s16+$0x4100 ss:$0x1], $0xffff  }
0x125: {  	v57 =	vmul.f32 v57, v56;
	v59 =	vmul.f32 v59, v58;
	v43 =	vld.idx.msk [tilespmem:v2+s16+$0x4000 ss:$0x1], $0xffff  }
0x126: {  	v9 =	vadd.f32 v49, v6;
	v6 =	vld.idx.msk [tilespmem:v2+s16+$0x4060 ss:$0x1], $0xffff  }
0x127: {  	v27 =	vmul.f32 v23, v27;
	v55 =	vadd.f32 v52, v16;
	v16 =	vld.idx.msk [tilespmem:v2+s16+$0x40D0 ss:$0x1], $0xffff;
	v23 =	vadd.f32 v59, v57  }
0x128: {  	v38 =	vmul.f32 v39, v38;
	v45 =	vmul.f32 v62, v48;
	[tilespmem:$0x1FF90] =	vst v3;
	v3 =	vld.idx.msk [tilespmem:v2+s20+$0x4060 ss:$0x1], $0xffff  }
0x129: {  	v7 =	vadd.f32 v7, v9;
	v9 =	vmul.f32 v37, v33;
	v39 =	vadd.f32 v60, v23;
	v23 =	vld.idx.msk [tilespmem:v1+s16+$0x4140 ss:$0x1], $0xffff  }
0x12a: {  	v37 =	vadd.f32 v45, v61;
	v45 =	vld.idx.msk [tilespmem:v1+s16+$0x4080 ss:$0x1], $0xffff  }
0x12b: {  	v21 =	vmul.f32 v21, v22;
	v22 =	vadd.f32 v9, v7;
	v7 =	vld.idx.msk [tilespmem:v2+s16+$0x41C0 ss:$0x1], $0xffff  }
0x12c: {  	v9 =	vld.idx.msk [tilespmem:v2+s16+$0x4050 ss:$0x1], $0xffff  }
0x12d: {  	v33 =	vadd.f32 v54, v55;
	[tilespmem:$0x1FF60] =	vst v3;
	v3 =	vld.idx.msk [tilespmem:v2+s20+$0x41C0 ss:$0x1], $0xffff  }
0x12e: {  	v13 =	vmul.f32 v13, v29;
	v29 =	vadd.f32 v46, v37;
	v37 =	vld.idx.msk [tilespmem:v2+s16+$0x40A0 ss:$0x1], $0xffff  }
0x12f: {  	v19 =	vmul.f32 v19, v30;
	v33 =	vadd.f32 v38, v33;
	v38 =	vld.idx.msk [tilespmem:v1+s16+$0x40A0 ss:$0x1], $0xffff  }
0x130: {  	v41 =	vmul.f32 v63, v41;
	v46 =	vld.idx.msk [tilespmem:v2+s16+$0x4110 ss:$0x1], $0xffff  }
0x131: {  	v22 =	vadd.f32 v21, v22;
	v49 =	vadd.f32 v19, v29;
	v29 =	vld [tilespmem:$0x1FF60]  }
0x132: {  	v39 =	vadd.f32 v41, v39;
	v41 =	vld.idx.msk [tilespmem:v2+s16+$0x4080 ss:$0x1], $0xffff;
	[tilespmem:$0x1FF50] =	vst v3  }
0x133: {  	v47 =	vadd.f32 v42, v22;
	v19 =	vld [tilespmem:$0x1FF50]  }
0x134: {  	v24 =	vmul.f32 v24, v36;
	v21 =	vld.idx.msk [tilespmem:v2+s16+$0x4140 ss:$0x1], $0xffff;
	v48 =	vadd.f32 v13, v39  }
0x135: {  	v30 =	vadd.f32 v51, v47;
	v52 =	vld [tilespmem:$0x1FF90]  }
0x136: {  	v24 =	vadd.f32 v24, v48;
	v51 =	vld [tilespmem:$0x1FF80];
	v26 =	vmul.f32 v26, v29  }
0x137: {  	v8 =	vadd.f32 v8, v30;
	v30 =	vld [tilespmem:$0x1FF70]  }
0x138: {  	v27 =	vadd.f32 v27, v33;
	v24 =	vadd.f32 v26, v24;
	v26 =	vld [tilespmem:$0x1FFA0];
	v25 =	vmul.f32 v25, v19  }
0x139: {  	v13 =	vld.idx.msk [tilespmem:v2+s16+$0x41B0 ss:$0x1], $0xffff  }
0x13a: {  	v27 =	vadd.f32 v53, v27;
	v28 =	vmul.f32 v28, v52;
	v3 =	vld.idx.msk [tilespmem:v2+s16+$0x4170 ss:$0x1], $0xffff;
	v25 =	vadd.f32 v25, v49  }
0x13b: {  	v39 =	vld.idx.msk [tilespmem:v2+s16+$0x4120 ss:$0x1], $0xffff  }
0x13c: {  	v27 =	vadd.f32 v50, v27;
	v33 =	vmul.f32 v51, v30;
	v28 =	vadd.f32 v28, v25;
	v25 =	vld [tilespmem:$0x1FFB0]  }
0x13d: {  	v22 =	vld.idx.msk [tilespmem:v1+s16+$0x40C0 ss:$0x1], $0xffff;
	v31 =	vmul.f32 v31, v26  }
0x13e: {  	v42 =	vld.idx.msk [tilespmem:v2+s16+$0x4100 ss:$0x1], $0xffff;
	(xrf2) =	vadd.scan.msk.f32 $0xffff, v8;
	v8 =	vadd.f32 v33, v27  }
0x13f: {  	[tilespmem:$0x1FFE0] =	vst v3;
	v3 =	vld.idx.msk [tilespmem:v1+s16+$0x4170 ss:$0x1], $0xffff;
	v31 =	vadd.f32 v31, v24  }
0x140: {  	v48 =	vld.idx.msk [tilespmem:v2+s16+$0x4090 ss:$0x1], $0xffff;
	(xrf2) =	vadd.scan.msk.f32 $0xffff, v8  }
0x141: {  	v50 =	vld.idx.msk [tilespmem:v1+s16+$0x4110 ss:$0x1], $0xffff;
	(xrf2) =	vadd.scan.msk.f32 $0xffff, v31;
	v32 =	vmul.f32 v32, v25  }
0x142: {  	v47 =	vld.idx.msk [tilespmem:v1+s16+$0x4000 ss:$0x1], $0xffff  }
0x143: {  	v30 =	vld.idx.msk [tilespmem:v1+s16+$0x4130 ss:$0x1], $0xffff;
	v8 =	vadd.f32 v32, v28;
	v28 =	vmul.f32 v34, v35  }
0x144: {  	[tilespmem:$0x1FFF0] =	vst v3;
	v3 =	vld.idx.msk [tilespmem:v2+s16+$0x40F0 ss:$0x1], $0xffff  }
0x145: {  	v51 =	vld.idx.msk [tilespmem:v1+s16+$0x4090 ss:$0x1], $0xffff;
	v8 =	vadd.f32 v28, v8  }
0x146: {  	v27 =	vld.idx.msk [tilespmem:v1+s16+$0x40B0 ss:$0x1], $0xffff  }
0x147: {  	v33 =	vld.idx.msk [tilespmem:v2+s16+$0x4190 ss:$0x1], $0xffff  }
0x148: {  	v29 =	vld.idx.msk [tilespmem:v2+s16+$0x4130 ss:$0x1], $0xffff;
	(xrf2) =	vadd.scan.msk.f32 $0xffff, v8  }
0x149: {  	[tilespmem:$0x1FFC0] =	vst v3;
	v3 =	vld.idx.msk [tilespmem:v1+s16+$0x40F0 ss:$0x1], $0xffff;
	v8, _, _ =	vpop (xrf2)  }
0x14a: {  	s28 =	simm.s32 $0x1;
	v19 =	vld.idx.msk [tilespmem:v2+s16+$0x4040 ss:$0x1], $0xffff;
	v28, _, _ =	vpop (xrf2)  }
0x14b: {  	s26 =	simm.s32 $0x0;
	v56 =	vmov s28;
	v62 =	vld [tilespmem:$0x1FFE0];
	v53, _, _ =	vpop (xrf2)  }
0x14c: {  	vm13 =	veq.s32 v56, v0;
	v55 =	vmov s26;
	v26 =	vld.idx.msk [tilespmem:v2+s16+$0x40B0 ss:$0x1], $0xffff;
	v34 =	vbroadcast v53, $0xF  }
0x14d: {  	s22 =	simm.s32 $0x2;
	v54 =	vimm.f32 $0.0e+00;
	vm0 =	veq.s32 v55, v0;
	v49 =	vld.idx.msk [tilespmem:v2+s16+$0x4010 ss:$0x1], $0xffff;
	v28 =	vbroadcast v28, $0xF  }
0x14e: {  	v57 =	vmov s22;
	v63 =	vld [tilespmem:$0x1FFF0];
	[tilespmem:$0x1FFD0] =	vst v3;
	v8 =	vbroadcast v8, $0xF;
	v34 =	vsel vm0, v34, v54  }
0x14f: {  	vm14 =	veq.s32 v57, v0;
	v61 =	vld [tilespmem:$0x1FFD0];
	v28 =	vsel vm13, v28, v34  }
0x150: {  	v8 =	vsel vm14, v8, v28;
	v28 =	vld [tilespmem:$0x1FFC0]  }
0x151: {  	v24 =	vld.idx.msk [tilespmem:v2+s16+$0x41A0 ss:$0x1], $0xffff  }
0x152: {  	s20 =	simm.s32 $0x3;
	v31 =	vld.idx.msk [tilespmem:v2+s16+$0x4180 ss:$0x1], $0xffff;
	v58, _, _ =	vpop (xrf2)  }
0x153: {  	v59 =	vmov s20;
	v25 =	vld.idx.msk [tilespmem:v2+s16+$0x4030 ss:$0x1], $0xffff;
	v60 =	vbroadcast v58, $0xF  }
0x154: {  	vm15 =	veq.s32 v59, v0;
	v32 =	vld.idx.msk [tilespmem:v1+s16+$0x4180 ss:$0x1], $0xffff  }
0x155: {  	s22 =	simm.s32 $0x1000;
	v3 =	vld.idx.msk [tilespmem:v2+s16+$0x41E0 ss:$0x1], $0xffff;
	v34 =	vmul.f32 v63, v62;
	v8 =	vsel vm15, v60, v8;
	v28 =	vmul.f32 v61, v28  }
.LBB2_7:
0x156: {  	p0 =	sne.s32 s22, $0x1800;
	v35 =	vld.idx.msk [tilespmem:v1+s16+$0x4010 ss:$0x1], $0xffff;
	v36 =	vmul.f32 v44, v42;
	v42 =	vmul.f32 v50, v46  }
0x157: {  	v12 =	vmul.f32 v14, v12;
	v10 =	vmul.f32 v11, v10;
	v44 =	vld.idx.msk [tilespmem:v2+s16+$0x4020 ss:$0x1], $0xffff  }
0x158: {  	v15 =	vmul.f32 v17, v15;
	v11 =	vld.idx.msk [tilespmem:v1+s16+$0x4020 ss:$0x1], $0xffff;
	v14 =	vadd.f32 v42, v36;
	v36 =	vmul.f32 v40, v39  }
0x159: {  	v17 =	vmul.f32 v45, v41;
	v39 =	vmul.f32 v51, v48;
	v40 =	vld.idx.msk [tilespmem:v1+s16+$0x4190 ss:$0x1], $0xffff  }
0x15a: {  	v16 =	vmul.f32 v18, v16;
	v18 =	vmul.f32 v30, v29;
	v41 =	vld.idx.msk [tilespmem:v1+s16+$0x4030 ss:$0x1], $0xffff;
	v14 =	vadd.f32 v36, v14  }
0x15b: {  	v29 =	vmul.f32 v38, v37;
	v21 =	vmul.f32 v23, v21;
	v17 =	vadd.f32 v39, v17;
	v23 =	vld.idx.msk [tilespmem:v1+s16+$0x41A0 ss:$0x1], $0xffff  }
0x15c: {  	v30 =	vmul.f32 v47, v43;
	v35 =	vmul.f32 v35, v49;
	v36 =	vld.idx.msk [tilespmem:v1+s16+$0x4040 ss:$0x1], $0xffff;
	v14 =	vadd.f32 v18, v14  }
0x15d: {  	v20 =	vmul.f32 v22, v20;
	v17 =	vadd.f32 v29, v17;
	v18 =	vmul.f32 v27, v26;
	v22 =	vld.idx.msk [tilespmem:v1+s16+$0x41B0 ss:$0x1], $0xffff  }
0x15e: {  	v26 =	vadd.f32 v35, v30;
	v11 =	vmul.f32 v11, v44;
	v27 =	vld.idx.msk [tilespmem:v1+s16+$0x4050 ss:$0x1], $0xffff;
	v14 =	vadd.f32 v21, v14  }
0x15f: {  	v17 =	vadd.f32 v18, v17;
	v18 =	vmul.f32 v32, v31;
	v21 =	vmul.f32 v40, v33;
	v29 =	vld.idx.msk [tilespmem:v1+s16+$0x41C0 ss:$0x1], $0xffff  }
0x160: {  	v11 =	vadd.f32 v11, v26;
	v25 =	vmul.f32 v41, v25;
	v26 =	vld.idx.msk [tilespmem:v1+s16+$0x4060 ss:$0x1], $0xffff;
	v14 =	vadd.f32 v15, v14  }
0x161: {  	v15 =	vadd.f32 v20, v17;
	v17 =	vadd.f32 v21, v18;
	v18 =	vmul.f32 v23, v24;
	v20 =	vld.idx.msk [tilespmem:v1+s16+$0x41D0 ss:$0x1], $0xffff  }
0x162: {  	v11 =	vadd.f32 v25, v11;
	v19 =	vmul.f32 v36, v19;
	v21 =	vld.idx.msk [tilespmem:v1+s16+$0x4070 ss:$0x1], $0xffff;
	v10 =	vadd.f32 v10, v14  }
0x163: {  	v14 =	vadd.f32 v16, v15;
	v15 =	vadd.f32 v18, v17;
	v13 =	vmul.f32 v22, v13;
	v16 =	vld.idx.msk [tilespmem:v1+s16+$0x41E0 ss:$0x1], $0xffff  }
0x164: {  	v11 =	vadd.f32 v19, v11;
	v9 =	vmul.f32 v27, v9;
	v10 =	vadd.f32 v34, v10;
	v17 =	vld.idx.msk [tilespmem:v2+s16+$0x41F0 ss:$0x1], $0xffff  }
0x165: {  	v12 =	vadd.f32 v12, v14;
	v13 =	vadd.f32 v13, v15;
	v7 =	vmul.f32 v29, v7;
	v14 =	vld.idx.msk [tilespmem:v1+s16+$0x41F0 ss:$0x1], $0xffff;
	s16 =	sshra.s32 s22, $0x2  }
0x166: {  	v9 =	vadd.f32 v9, v11;
	v6 =	vmul.f32 v26, v6;
	v34 =	vld.idx.msk [tilespmem:v2+s16+$0x4170 ss:$0x1], $0xffff;
	(xrf2) =	vadd.scan.msk.f32 $0xffff, v10  }
0x167: {  	v10 =	vadd.f32 v28, v12;
	v7 =	vadd.f32 v7, v13;
	v5 =	vmul.f32 v20, v5;
	v35 =	vld.idx.msk [tilespmem:v1+s16+$0x4170 ss:$0x1], $0xffff  }
0x168: {  	v6 =	vadd.f32 v6, v9;
	v4 =	vmul.f32 v21, v4;
	v28 =	vld.idx.msk [tilespmem:v2+s16+$0x40F0 ss:$0x1], $0xffff  }
0x169: {  	v5 =	vadd.f32 v5, v7;
	v7 =	vmul.f32 v16, v3;
	v36 =	vld.idx.msk [tilespmem:v1+s16+$0x40F0 ss:$0x1], $0xffff;
	(xrf2) =	vadd.scan.msk.f32 $0xffff, v10  }
0x16a: {  	v6 =	vadd.f32 v4, v6;
	v3 =	vld.idx.msk [tilespmem:v2+s16+$0x41E0 ss:$0x1], $0xffff  }
0x16b: {  	v5 =	vadd.f32 v7, v5;
	v7 =	vmul.f32 v14, v17;
	v4 =	vld.idx.msk [tilespmem:v2+s16+$0x4070 ss:$0x1], $0xffff  }
0x16c: {  	v10 =	vld.idx.msk [tilespmem:v2+s16+$0x4160 ss:$0x1], $0xffff;
	(xrf2) =	vadd.scan.msk.f32 $0xffff, v6  }
0x16d: {  	v5 =	vadd.f32 v7, v5;
	v11 =	vld.idx.msk [tilespmem:v1+s16+$0x4160 ss:$0x1], $0xffff  }
0x16e: {  	v12 =	vld.idx.msk [tilespmem:v2+s16+$0x40E0 ss:$0x1], $0xffff  }
0x16f: {  	v14 =	vld.idx.msk [tilespmem:v1+s16+$0x40E0 ss:$0x1], $0xffff;
	(xrf2) =	vadd.scan.msk.f32 $0xffff, v5  }
0x170: {  	v5 =	vld.idx.msk [tilespmem:v2+s16+$0x41D0 ss:$0x1], $0xffff;
	v13, _, _ =	vpop (xrf2)  }
0x171: {  	v6 =	vld.idx.msk [tilespmem:v2+s16+$0x4060 ss:$0x1], $0xffff  }
0x172: {  	v15 =	vld.idx.msk [tilespmem:v2+s16+$0x4150 ss:$0x1], $0xffff  }
0x173: {  	v17 =	vld.idx.msk [tilespmem:v1+s16+$0x4150 ss:$0x1], $0xffff;
	v19, _, _ =	vpop (xrf2)  }
0x174: {  	v16 =	vld.idx.msk [tilespmem:v2+s16+$0x40D0 ss:$0x1], $0xffff  }
0x175: {  	s20 =	sadd.s32 $0x4, s20;
	v18 =	vld.idx.msk [tilespmem:v1+s16+$0x40D0 ss:$0x1], $0xffff  }
0x176: {  	s24 =	sadd.s32 $0xFFFFFFFD, s20;
	s25 =	sadd.s32 $0xFFFFFFFF, s20;
	v24 =	vmov s20;
	v7 =	vld.idx.msk [tilespmem:v2+s16+$0x41C0 ss:$0x1], $0xffff;
	v20, _, _ =	vpop (xrf2)  }
0x177: {  	v25 =	vmov s25;
	v27 =	vmov s24;
	s24 =	sadd.s32 $0xFFFFFFFE, s20;
	v9 =	vld.idx.msk [tilespmem:v2+s16+$0x4050 ss:$0x1], $0xffff;
	v20 =	vbroadcast v20, $0xF  }
0x178: {  	vm0 =	veq.s32 v27, v0;
	v26 =	vmov s24;
	v19 =	vbroadcast v19, $0xF;
	v21 =	vld.idx.msk [tilespmem:v2+s16+$0x4140 ss:$0x1], $0xffff  }
0x179: {  	v13 =	vbroadcast v13, $0xF;
	v23 =	vld.idx.msk [tilespmem:v1+s16+$0x4140 ss:$0x1], $0xffff;
	v8 =	vsel vm0, v20, v8;
	vm0 =	veq.s32 v26, v0;
	v22, _, _ =	vpop (xrf2)  }
0x17a: {  	v20 =	vld.idx.msk [tilespmem:v2+s16+$0x40C0 ss:$0x1], $0xffff;
	v8 =	vsel vm0, v19, v8;
	vm0 =	veq.s32 v25, v0;
	v19 =	vbroadcast v22, $0xF  }
0x17b: {  	v22 =	vld.idx.msk [tilespmem:v1+s16+$0x40C0 ss:$0x1], $0xffff;
	v8 =	vsel vm0, v13, v8;
	vm0 =	veq.s32 v24, v0  }
0x17c: {  	v13 =	vld.idx.msk [tilespmem:v2+s16+$0x41B0 ss:$0x1], $0xffff;
	v8 =	vsel vm0, v19, v8  }
0x17d: {  	v19 =	vld.idx.msk [tilespmem:v2+s16+$0x4040 ss:$0x1], $0xffff  }
0x17e: {  	v29 =	vld.idx.msk [tilespmem:v2+s16+$0x4130 ss:$0x1], $0xffff  }
0x17f: {  	v30 =	vld.idx.msk [tilespmem:v1+s16+$0x4130 ss:$0x1], $0xffff  }
0x180: {  	v26 =	vld.idx.msk [tilespmem:v2+s16+$0x40B0 ss:$0x1], $0xffff  }
0x181: {  	v27 =	vld.idx.msk [tilespmem:v1+s16+$0x40B0 ss:$0x1], $0xffff  }
0x182: {  	v24 =	vld.idx.msk [tilespmem:v2+s16+$0x41A0 ss:$0x1], $0xffff  }
0x183: {  	v25 =	vld.idx.msk [tilespmem:v2+s16+$0x4030 ss:$0x1], $0xffff  }
0x184: {  	v39 =	vld.idx.msk [tilespmem:v2+s16+$0x4120 ss:$0x1], $0xffff  }
0x185: {  	v40 =	vld.idx.msk [tilespmem:v1+s16+$0x4120 ss:$0x1], $0xffff  }
0x186: {  	v37 =	vld.idx.msk [tilespmem:v2+s16+$0x40A0 ss:$0x1], $0xffff  }
0x187: {  	v38 =	vld.idx.msk [tilespmem:v1+s16+$0x40A0 ss:$0x1], $0xffff  }
0x188: {  	v31 =	vld.idx.msk [tilespmem:v2+s16+$0x4180 ss:$0x1], $0xffff  }
0x189: {  	v32 =	vld.idx.msk [tilespmem:v1+s16+$0x4180 ss:$0x1], $0xffff  }
0x18a: {  	v33 =	vld.idx.msk [tilespmem:v2+s16+$0x4190 ss:$0x1], $0xffff  }
0x18b: {  	v42 =	vld.idx.msk [tilespmem:v2+s16+$0x4100 ss:$0x1], $0xffff  }
0x18c: {  	v44 =	vld.idx.msk [tilespmem:v1+s16+$0x4100 ss:$0x1], $0xffff  }
0x18d: {  	v46 =	vld.idx.msk [tilespmem:v2+s16+$0x4110 ss:$0x1], $0xffff  }
0x18e: {  	v50 =	vld.idx.msk [tilespmem:v1+s16+$0x4110 ss:$0x1], $0xffff  }
0x18f: {  	v41 =	vld.idx.msk [tilespmem:v2+s16+$0x4080 ss:$0x1], $0xffff  }
0x190: {  	v45 =	vld.idx.msk [tilespmem:v1+s16+$0x4080 ss:$0x1], $0xffff  }
.Ltmp2:
0x191: {  	v48 =	vld.idx.msk [tilespmem:v2+s16+$0x4090 ss:$0x1], $0xffff;
	(pc) =	sbr.rel @p0 .LBB2_7-.Ltmp2, $4  }
0x192: {  	v51 =	vld.idx.msk [tilespmem:v1+s16+$0x4090 ss:$0x1], $0xffff  }
0x193: {  	v43 =	vld.idx.msk [tilespmem:v2+s16+$0x4000 ss:$0x1], $0xffff  }
0x194: {  	v47 =	vld.idx.msk [tilespmem:v1+s16+$0x4000 ss:$0x1], $0xffff  }
0x195: {  	s22 =	sadd.s32 $0x800, s22;
	v34 =	vmul.f32 v35, v34;
	v28 =	vmul.f32 v36, v28;
	v49 =	vld.idx.msk [tilespmem:v2+s16+$0x4010 ss:$0x1], $0xffff  }
0x196: {  	_ =	sdelay $0x2  }
0x197: {  	v36 =	vmul.f32 v44, v42;
	v52 =	vmul.f32 v50, v46  }
0x198: {  	v35 =	vld.idx.msk [tilespmem:v1+s16+$0x4010 ss:$0x1], $0xffff;
	v12 =	vmul.f32 v14, v12;
	v10 =	vmul.f32 v11, v10  }
0x199: {  	v53 =	vld.idx.msk [tilespmem:v2+s16+$0x4020 ss:$0x1], $0xffff;
	v56 =	vmul.f32 v40, v39;
	v15 =	vmul.f32 v17, v15  }
0x19a: {  	v54 =	vld.idx.msk [tilespmem:v1+s16+$0x4020 ss:$0x1], $0xffff;
	v57 =	vmul.f32 v45, v41;
	v16 =	vmul.f32 v18, v16  }
0x19b: {  	v59 =	vld.idx.msk [tilespmem:v1+s16+$0x4190 ss:$0x1], $0xffff;
	v61 =	vmul.f32 v30, v29;
	v42 =	vmul.f32 v38, v37  }
0x19c: {  	v60 =	vld.idx.msk [tilespmem:v1+s16+$0x4030 ss:$0x1], $0xffff;
	v21 =	vmul.f32 v23, v21;
	v58 =	vmul.f32 v51, v48  }
0x19d: {  	v62 =	vld.idx.msk [tilespmem:v1+s16+$0x41A0 ss:$0x1], $0xffff;
	v55 =	vadd.f32 v52, v36;
	v63 =	vmul.f32 v47, v43;
	v35 =	vmul.f32 v35, v49  }
0x19e: {  	v45 =	vmul.f32 v27, v26;
	v31 =	vmul.f32 v32, v31;
	v17 =	vadd.f32 v58, v57;
	v43 =	vld.idx.msk [tilespmem:v1+s16+$0x4040 ss:$0x1], $0xffff  }
0x19f: {  	v46 =	vld.idx.msk [tilespmem:v1+s16+$0x41B0 ss:$0x1], $0xffff;
	v14 =	vadd.f32 v56, v55;
	v11 =	vmul.f32 v54, v53;
	v47 =	vadd.f32 v35, v63  }
0x1a0: {  	v20 =	vmul.f32 v22, v20;
	v48 =	vld.idx.msk [tilespmem:v1+s16+$0x4050 ss:$0x1], $0xffff;
	v17 =	vadd.f32 v42, v17;
	v49 =	vmul.f32 v59, v33  }
0x1a1: {  	v50 =	vld.idx.msk [tilespmem:v1+s16+$0x41C0 ss:$0x1], $0xffff;
	v25 =	vmul.f32 v60, v25;
	v14 =	vadd.f32 v61, v14;
	v11 =	vadd.f32 v11, v47  }
0x1a2: {  	v51 =	vld.idx.msk [tilespmem:v1+s16+$0x4060 ss:$0x1], $0xffff;
	v24 =	vmul.f32 v62, v24;
	v17 =	vadd.f32 v45, v17;
	v52 =	vadd.f32 v49, v31  }
0x1a3: {  	v53 =	vld.idx.msk [tilespmem:v1+s16+$0x41D0 ss:$0x1], $0xffff;
	v14 =	vadd.f32 v21, v14;
	v19 =	vmul.f32 v43, v19;
	v11 =	vadd.f32 v25, v11  }
0x1a4: {  	v54 =	vld.idx.msk [tilespmem:v1+s16+$0x4070 ss:$0x1], $0xffff;
	v13 =	vmul.f32 v46, v13;
	v17 =	vadd.f32 v20, v17;
	v55 =	vadd.f32 v24, v52  }
0x1a5: {  	v56 =	vld.idx.msk [tilespmem:v1+s16+$0x41E0 ss:$0x1], $0xffff;
	v9 =	vmul.f32 v48, v9;
	v14 =	vadd.f32 v15, v14;
	v11 =	vadd.f32 v19, v11  }
0x1a6: {  	v2 =	vld.idx.msk [tilespmem:v2+s16+$0x41F0 ss:$0x1], $0xffff;
	v7 =	vmul.f32 v50, v7;
	v16 =	vadd.f32 v16, v17;
	v13 =	vadd.f32 v13, v55  }
0x1a7: {  	v1 =	vld.idx.msk [tilespmem:v1+s16+$0x41F0 ss:$0x1], $0xffff;
	v6 =	vmul.f32 v51, v6;
	v10 =	vadd.f32 v10, v14;
	v9 =	vadd.f32 v9, v11  }
0x1a8: {  	v5 =	vmul.f32 v53, v5;
	v57 =	vadd.f32 v12, v16;
	v7 =	vadd.f32 v7, v13  }
0x1a9: {  	v4 =	vmul.f32 v54, v4;
	v10 =	vadd.f32 v34, v10;
	v6 =	vadd.f32 v6, v9  }
0x1aa: {  	v3 =	vmul.f32 v56, v3;
	v58 =	vadd.f32 v28, v57;
	v5 =	vadd.f32 v5, v7  }
0x1ab: {  	(xrf2) =	vadd.scan.msk.f32 $0xffff, v10;
	v4 =	vadd.f32 v4, v6  }
0x1ac: {  	v1 =	vmul.f32 v1, v2;
	(xrf2) =	vadd.scan.msk.f32 $0xffff, v58;
	v3 =	vadd.f32 v3, v5  }
0x1ad: {  	(xrf2) =	vadd.scan.msk.f32 $0xffff, v4  }
0x1ae: {  	v1 =	vadd.f32 v1, v3;
	_ =	sdelay $0x1  }
0x1af: {  	(xrf2) =	vadd.scan.msk.f32 $0xffff, v1;
	_ =	sdelay $0x4  }
0x1b0: {  	s26 =	sadd.s32 $0x4, s20;
	v1, _, _ =	vpop (xrf2)  }
0x1b1: {  	s20 =	sadd.s32 $0xFFFFFFFD, s26;
	v2, _, _ =	vpop (xrf2)  }
0x1b2: {  	s22 =	sadd.s32 $0xFFFFFFFF, s26;
	v59 =	vmov s20;
	v4, _, _ =	vpop (xrf2)  }
0x1b3: {  	s28 =	sshll.u32 s12, $0x4;
	s12 =	sadd.s32 $0x1, s12;
	s16 =	sadd.s32 $0xFFFFFFFE, s26;
	v60 =	vmov s22;
	vm0 =	veq.s32 v59, v0;
	v4 =	vbroadcast v4, $0xF  }
0x1b4: {  	p0 =	sne.s32 s12, $0x8;
	v61 =	vmov s16;
	vm14 =	veq.s32 v60, v0;
	v2 =	vbroadcast v2, $0xF  }
.Ltmp3:
0x1b5: {  	vm13 =	veq.s32 v61, v0;
	v1 =	vbroadcast v1, $0xF;
	v62, _, _ =	vpop (xrf2);
	v4 =	vsel vm0, v4, v8;
	(pc) =	sbr.rel @p0 .LBB2_6-.Ltmp3, $4  }
0x1b6: {  	v3 =	vmov s26;
	v63 =	vbroadcast v62, $0xF;
	v2 =	vsel vm13, v2, v4  }
0x1b7: {  	vm15 =	veq.s32 v3, v0;
	v1 =	vsel vm14, v1, v2  }
0x1b8: {  	s16 =	sand.u32 $0x3FFFFFF0, s28;
	v1 =	vsel vm15, v63, v1  }
0x1b9: {  	s0 =	sadd.s32 $0x800, s0;
	s5 =	sadd.s32 $0x800, s5;
	[tilespmem:s16+$0x108C0] =	vst v1  }
0x1ba: {  	s0 =	simm.s32 $0x140  }
0x1bb: {  	[tilespmem:s19], [sflag:$0x2] =	stream.indirect.gather [hbm4b:s1+s18], $0x80, s0, s18, $0xb8;
	[tilespmem:$0x10B00] =	vst v63  }
0x1bc: {  	s28 =	simm.s32 $0x340  }
0x1bd: {  	[tilespmem:s21], [sflag:$0x2] =	stream.indirect.gather [hbm4b:s2+s18], $0x80, s28, s18, $0xb8;
	[tilespmem:$0x10B00] =	vst v63  }
0x1be: {  	_ =	swait.ge [sflag:s17], $0x4000  }
0x1bf: {  	[sflag:s17] =	ssyncset.done $0x0  }
0x1c0: {  	[sflag:s17] =	ssyncadd.s32 $0xFFFFC000  }
0x1c1: {  	_ =	swait.ge [sflag:s17], $0x4000  }
0x1c2: {  	s5 =	simm.s32 $0x8500;
	[sflag:s17] =	ssyncset.done $0x0  }
0x1c3: {  	s22 =	simm.s32 $0x500;
	s0 =	simm.s32 $0x0;
	[sflag:s17] =	ssyncadd.s32 $0xFFFFC000  }
.LBB2_10:
0x1c4: {  	v3 =	vld [tilespmem:s22+$0x70]  }
0x1c5: {  	v21 =	vld [tilespmem:s5+$0x70]  }
0x1c6: {  	v12 =	vld [tilespmem:s22+$0xFFFFFFF0]  }
0x1c7: {  	v24 =	vld [tilespmem:s5+$0xFFFFFFF0]  }
0x1c8: {  	v1 =	vld [tilespmem:s22+$0xE0]  }
0x1c9: {  	v2 =	vld [tilespmem:s22+$0xFFFFFF70]  }
0x1ca: {  	v30 =	vld [tilespmem:s22+$0x60]  }
0x1cb: {  	v45 =	vld [tilespmem:s5+$0x60]  }
0x1cc: {  	v46 =	vld [tilespmem:s22+$0xFFFFFFE0]  }
0x1cd: {  	v47 =	vld [tilespmem:s5+$0xFFFFFFE0]  }
0x1ce: {  	v4 =	vld [tilespmem:s22+$0xD0]  }
0x1cf: {  	v5 =	vld [tilespmem:s22+$0xFFFFFF60]  }
0x1d0: {  	v15 =	vld [tilespmem:s22+$0x50]  }
0x1d1: {  	v18 =	vld [tilespmem:s5+$0x50]  }
0x1d2: {  	v13 =	vld [tilespmem:s22+$0xFFFFFFD0]  }
0x1d3: {  	v14 =	vld [tilespmem:s5+$0xFFFFFFD0]  }
0x1d4: {  	v6 =	vld [tilespmem:s22+$0xC0]  }
0x1d5: {  	v7 =	vld [tilespmem:s22+$0xFFFFFF50]  }
0x1d6: {  	v17 =	vld [tilespmem:s22+$0x40]  }
0x1d7: {  	v19 =	vld [tilespmem:s5+$0x40]  }
0x1d8: {  	v10 =	vld [tilespmem:s22+$0xFFFFFFC0]  }
0x1d9: {  	v16 =	vld [tilespmem:s5+$0xFFFFFFC0]  }
0x1da: {  	v8 =	vld [tilespmem:s22+$0xB0]  }
0x1db: {  	v9 =	vld [tilespmem:s22+$0xFFFFFF40]  }
0x1dc: {  	v28 =	vld [tilespmem:s22+$0x30]  }
0x1dd: {  	v29 =	vld [tilespmem:s5+$0x30]  }
0x1de: {  	v22 =	vld [tilespmem:s22+$0xFFFFFFB0]  }
0x1df: {  	v23 =	vld [tilespmem:s5+$0xFFFFFFB0]  }
0x1e0: {  	v11 =	vld [tilespmem:s22+$0xA0]  }
0x1e1: {  	v20 =	vld [tilespmem:s22+$0xFFFFFF30]  }
0x1e2: {  	v33 =	vld [tilespmem:s22+$0x20]  }
0x1e3: {  	v34 =	vld [tilespmem:s5+$0x20]  }
0x1e4: {  	v31 =	vld [tilespmem:s22+$0xFFFFFFA0]  }
0x1e5: {  	v32 =	vld [tilespmem:s5+$0xFFFFFFA0]  }
0x1e6: {  	v25 =	vld [tilespmem:s22+$0x80]  }
0x1e7: {  	v26 =	vld [tilespmem:s5+$0x80]  }
0x1e8: {  	v27 =	vld [tilespmem:s22+$0x90]  }
0x1e9: {  	v42 =	vld [tilespmem:s22+$0x0]  }
0x1ea: {  	v43 =	vld [tilespmem:s5+$0x0]  }
0x1eb: {  	v44 =	vld [tilespmem:s22+$0x10]  }
0x1ec: {  	v48 =	vld [tilespmem:s5+$0x10]  }
0x1ed: {  	v38 =	vld [tilespmem:s22+$0xFFFFFF80]  }
0x1ee: {  	v39 =	vld [tilespmem:s5+$0xFFFFFF80]  }
0x1ef: {  	v40 =	vld [tilespmem:s22+$0xFFFFFF90]  }
0x1f0: {  	v41 =	vld [tilespmem:s5+$0xFFFFFF90]  }
0x1f1: {  	v35 =	vld [tilespmem:s22+$0xFFFFFF00]  }
0x1f2: {  	v36 =	vld [tilespmem:s5+$0xFFFFFF00];
	v12 =	vmul.f32 v24, v12;
	v21 =	vmul.f32 v21, v3  }
0x1f3: {  	v37 =	vld [tilespmem:s22+$0xFFFFFF10];
	s24 =	simm.s32 $0x4;
	v43 =	vmul.f32 v43, v42;
	v44 =	vmul.f32 v48, v44  }
0x1f4: {  	s12 =	smov.u32 s22;
	s20 =	smov.u32 s5;
	s16 =	simm.s32 $0x0;
	v3 =	vimm.f32 $0.0e+00;
	v42 =	vld [tilespmem:s5+$0xFFFFFF10];
	v24 =	vmul.f32 v47, v46;
	v30 =	vmul.f32 v45, v30  }
.LBB2_11:
0x1f5: {  	p0 =	sne.s32 s24, $0xC;
	v45 =	vld [tilespmem:s12+$0xFFFFFF20];
	v43 =	vadd.f32 v44, v43;
	v33 =	vmul.f32 v34, v33;
	v15 =	vmul.f32 v18, v15  }
0x1f6: {  	v34 =	vmul.f32 v39, v38;
	v38 =	vmul.f32 v41, v40;
	v18 =	vld [tilespmem:s20+$0xFFFFFF20]  }
0x1f7: {  	v13 =	vmul.f32 v14, v13;
	v28 =	vmul.f32 v29, v28;
	v14 =	vadd.f32 v33, v43;
	v29 =	vld [tilespmem:s20+$0x90]  }
0x1f8: {  	v31 =	vmul.f32 v32, v31;
	v17 =	vmul.f32 v19, v17;
	v34 =	vadd.f32 v38, v34;
	v33 =	vld [tilespmem:s20+$0xFFFFFF30]  }
0x1f9: {  	v19 =	vmul.f32 v36, v35;
	v32 =	vmul.f32 v42, v37;
	v14 =	vadd.f32 v28, v14;
	v28 =	vld [tilespmem:s20+$0xA0]  }
0x1fa: {  	v22 =	vmul.f32 v23, v22;
	v10 =	vmul.f32 v16, v10;
	v31 =	vadd.f32 v31, v34;
	v35 =	vld [tilespmem:s20+$0xFFFFFF40]  }
0x1fb: {  	v16 =	vadd.f32 v32, v19;
	v18 =	vmul.f32 v18, v45;
	v14 =	vadd.f32 v17, v14;
	v17 =	vld [tilespmem:s20+$0xB0]  }
0x1fc: {  	v23 =	vmul.f32 v26, v25;
	v22 =	vadd.f32 v22, v31;
	v19 =	vld [tilespmem:s20+$0xFFFFFF50];
	v25 =	vmul.f32 v29, v27  }
0x1fd: {  	v16 =	vadd.f32 v18, v16;
	v18 =	vmul.f32 v33, v20;
	v14 =	vadd.f32 v15, v14;
	v15 =	vld [tilespmem:s20+$0xC0]  }
0x1fe: {  	v10 =	vadd.f32 v10, v22;
	v20 =	vld [tilespmem:s20+$0xFFFFFF60];
	v22 =	vadd.f32 v25, v23;
	v11 =	vmul.f32 v28, v11  }
0x1ff: {  	v16 =	vadd.f32 v18, v16;
	v9 =	vmul.f32 v35, v9;
	v14 =	vadd.f32 v30, v14;
	v18 =	vld [tilespmem:s20+$0xD0]  }
0x200: {  	v10 =	vadd.f32 v13, v10;
	v23 =	vld [tilespmem:s20+$0xFFFFFF70];
	v11 =	vadd.f32 v11, v22;
	v8 =	vmul.f32 v17, v8  }
0x201: {  	v9 =	vadd.f32 v9, v16;
	v7 =	vmul.f32 v19, v7;
	v13 =	vadd.f32 v21, v14;
	v14 =	vld [tilespmem:s20+$0xE0]  }
0x202: {  	v10 =	vadd.f32 v24, v10;
	v8 =	vadd.f32 v8, v11;
	v6 =	vmul.f32 v15, v6;
	v11 =	vld [tilespmem:s12+$0xF0]  }
0x203: {  	s12 =	sadd.s32 $0x200, s12;
	v7 =	vadd.f32 v7, v9;
	v5 =	vmul.f32 v20, v5;
	v9 =	vld [tilespmem:s20+$0xF0];
	(xrf2) =	vadd.scan.msk.f32 $0xffff, v13  }
0x204: {  	v10 =	vadd.f32 v12, v10;
	s20 =	sadd.s32 $0x200, s20;
	v21 =	vld [tilespmem:s12+$0x70];
	v6 =	vadd.f32 v6, v8;
	v4 =	vmul.f32 v18, v4  }
0x205: {  	v24 =	vld [tilespmem:s20+$0x70];
	v5 =	vadd.f32 v5, v7;
	v2 =	vmul.f32 v23, v2  }
0x206: {  	v12 =	vld [tilespmem:s12+$0xFFFFFFF0];
	v4 =	vadd.f32 v4, v6;
	v6 =	vmul.f32 v14, v1;
	(xrf2) =	vadd.scan.msk.f32 $0xffff, v10  }
0x207: {  	v30 =	vld [tilespmem:s20+$0xFFFFFFF0];
	v5 =	vadd.f32 v2, v5  }
0x208: {  	v1 =	vld [tilespmem:s12+$0xE0];
	v4 =	vadd.f32 v6, v4;
	v6 =	vmul.f32 v9, v11  }
0x209: {  	v2 =	vld [tilespmem:s12+$0xFFFFFF70];
	(xrf2) =	vadd.scan.msk.f32 $0xffff, v5  }
0x20a: {  	v45 =	vld [tilespmem:s12+$0x60];
	v4 =	vadd.f32 v6, v4  }
0x20b: {  	v46 =	vld [tilespmem:s20+$0x60]  }
0x20c: {  	v47 =	vld [tilespmem:s12+$0xFFFFFFE0];
	(xrf2) =	vadd.scan.msk.f32 $0xffff, v4  }
0x20d: {  	v48 =	vld [tilespmem:s20+$0xFFFFFFE0];
	v8, _, _ =	vpop (xrf2)  }
0x20e: {  	v4 =	vld [tilespmem:s12+$0xD0]  }
0x20f: {  	v5 =	vld [tilespmem:s12+$0xFFFFFF60]  }
0x210: {  	v15 =	vld [tilespmem:s12+$0x50];
	v9, _, _ =	vpop (xrf2)  }
0x211: {  	v18 =	vld [tilespmem:s20+$0x50]  }
0x212: {  	v13 =	vld [tilespmem:s12+$0xFFFFFFD0]  }
0x213: {  	s25 =	sadd.s32 $0x2, s16;
	s26 =	sadd.s32 $0x3, s16;
	v10 =	vmov s16;
	v14 =	vld [tilespmem:s20+$0xFFFFFFD0];
	v7, _, _ =	vpop (xrf2)  }
0x214: {  	s28 =	sadd.s32 $0x1, s16;
	v16 =	vmov s25;
	v20 =	vmov s26;
	s16 =	smov.u32 s24;
	v6 =	vld [tilespmem:s12+$0xC0];
	v11 =	vbroadcast v7, $0xF  }
0x215: {  	v19 =	vmov s28;
	vm0 =	veq.s32 v10, v0;
	v9 =	vbroadcast v9, $0xF;
	v7 =	vld [tilespmem:s12+$0xFFFFFF50]  }
0x216: {  	v8 =	vbroadcast v8, $0xF;
	v17 =	vld [tilespmem:s12+$0x40];
	v3 =	vsel vm0, v11, v3;
	vm0 =	veq.s32 v19, v0;
	v10, _, _ =	vpop (xrf2)  }
0x217: {  	v19 =	vld [tilespmem:s20+$0x40];
	v3 =	vsel vm0, v9, v3;
	vm0 =	veq.s32 v16, v0;
	v9 =	vbroadcast v10, $0xF  }
0x218: {  	v10 =	vld [tilespmem:s12+$0xFFFFFFC0];
	v3 =	vsel vm0, v8, v3;
	vm0 =	veq.s32 v20, v0  }
0x219: {  	v16 =	vld [tilespmem:s20+$0xFFFFFFC0];
	v3 =	vsel vm0, v9, v3  }
0x21a: {  	v8 =	vld [tilespmem:s12+$0xB0]  }
0x21b: {  	v9 =	vld [tilespmem:s12+$0xFFFFFF40]  }
0x21c: {  	v28 =	vld [tilespmem:s12+$0x30]  }
0x21d: {  	v29 =	vld [tilespmem:s20+$0x30]  }
0x21e: {  	v22 =	vld [tilespmem:s12+$0xFFFFFFB0]  }
0x21f: {  	v23 =	vld [tilespmem:s20+$0xFFFFFFB0]  }
0x220: {  	v11 =	vld [tilespmem:s12+$0xA0]  }
0x221: {  	v20 =	vld [tilespmem:s12+$0xFFFFFF30]  }
0x222: {  	v33 =	vld [tilespmem:s12+$0x20]  }
0x223: {  	v34 =	vld [tilespmem:s20+$0x20]  }
0x224: {  	v31 =	vld [tilespmem:s12+$0xFFFFFFA0]  }
0x225: {  	v32 =	vld [tilespmem:s20+$0xFFFFFFA0]  }
0x226: {  	v25 =	vld [tilespmem:s12+$0x80]  }
0x227: {  	v26 =	vld [tilespmem:s20+$0x80]  }
0x228: {  	v27 =	vld [tilespmem:s12+$0x90]  }
0x229: {  	v42 =	vld [tilespmem:s12+$0x0]  }
0x22a: {  	v43 =	vld [tilespmem:s20+$0x0]  }
0x22b: {  	v44 =	vld [tilespmem:s12+$0x10]  }
0x22c: {  	v49 =	vld [tilespmem:s20+$0x10]  }
0x22d: {  	v38 =	vld [tilespmem:s12+$0xFFFFFF80]  }
0x22e: {  	v39 =	vld [tilespmem:s20+$0xFFFFFF80]  }
0x22f: {  	v40 =	vld [tilespmem:s12+$0xFFFFFF90]  }
.Ltmp4:
0x230: {  	v41 =	vld [tilespmem:s20+$0xFFFFFF90];
	(pc) =	sbr.rel @p0 .LBB2_11-.Ltmp4, $4  }
0x231: {  	v35 =	vld [tilespmem:s12+$0xFFFFFF00]  }
0x232: {  	v21 =	vmul.f32 v24, v21;
	v12 =	vmul.f32 v30, v12;
	v36 =	vld [tilespmem:s20+$0xFFFFFF00]  }
0x233: {  	v43 =	vmul.f32 v43, v42;
	v44 =	vmul.f32 v49, v44;
	v37 =	vld [tilespmem:s12+$0xFFFFFF10]  }
0x234: {  	s24 =	sadd.s32 $0x4, s24;
	v30 =	vmul.f32 v46, v45;
	v24 =	vmul.f32 v48, v47;
	v42 =	vld [tilespmem:s20+$0xFFFFFF10]  }
0x235: {  	v45 =	vld [tilespmem:s12+$0xFFFFFF20];
	v33 =	vmul.f32 v34, v33;
	v15 =	vmul.f32 v18, v15  }
0x236: {  	v54 =	vld [tilespmem:s20+$0xFFFFFF20];
	v55 =	vmul.f32 v39, v38;
	v56 =	vmul.f32 v41, v40  }
0x237: {  	v57 =	vld [tilespmem:s20+$0x90];
	v13 =	vmul.f32 v14, v13;
	v28 =	vmul.f32 v29, v28  }
0x238: {  	v59 =	vld [tilespmem:s20+$0xFFFFFF30];
	v31 =	vmul.f32 v32, v31;
	v17 =	vmul.f32 v19, v17  }
0x239: {  	v43 =	vadd.f32 v44, v43;
	v63 =	vld [tilespmem:s20+$0xA0];
	v61 =	vmul.f32 v36, v35;
	v62 =	vmul.f32 v42, v37  }
0x23a: {  	v40 =	vld [tilespmem:s20+$0xFFFFFF40];
	v22 =	vmul.f32 v23, v22;
	v25 =	vmul.f32 v26, v25;
	v60 =	vadd.f32 v56, v55  }
0x23b: {  	v58 =	vadd.f32 v33, v43;
	v42 =	vld [tilespmem:s20+$0xB0];
	v18 =	vmul.f32 v54, v45;
	v41 =	vadd.f32 v62, v61  }
0x23c: {  	v10 =	vmul.f32 v16, v10;
	v43 =	vld [tilespmem:s20+$0xFFFFFF50];
	v31 =	vadd.f32 v31, v60;
	v44 =	vmul.f32 v57, v27  }
0x23d: {  	v47 =	vld [tilespmem:s20+$0xC0];
	v14 =	vadd.f32 v28, v58;
	v46 =	vmul.f32 v59, v20;
	v45 =	vadd.f32 v18, v41  }
0x23e: {  	v48 =	vld [tilespmem:s20+$0xFFFFFF60];
	v11 =	vmul.f32 v63, v11;
	v22 =	vadd.f32 v22, v31;
	v25 =	vadd.f32 v44, v25  }
0x23f: {  	v49 =	vld [tilespmem:s20+$0xD0];
	v9 =	vmul.f32 v40, v9;
	v14 =	vadd.f32 v17, v14;
	v16 =	vadd.f32 v46, v45  }
0x240: {  	v50 =	vld [tilespmem:s20+$0xFFFFFF70];
	v10 =	vadd.f32 v10, v22;
	v11 =	vadd.f32 v11, v25;
	v8 =	vmul.f32 v42, v8  }
0x241: {  	v51 =	vld [tilespmem:s20+$0xE0];
	v7 =	vmul.f32 v43, v7;
	v14 =	vadd.f32 v15, v14;
	v9 =	vadd.f32 v9, v16  }
0x242: {  	v52 =	vld [tilespmem:s12+$0xF0];
	v6 =	vmul.f32 v47, v6;
	v10 =	vadd.f32 v13, v10;
	v8 =	vadd.f32 v8, v11  }
0x243: {  	v5 =	vmul.f32 v48, v5;
	v54 =	vld [tilespmem:s20+$0xF0];
	v53 =	vadd.f32 v30, v14;
	v7 =	vadd.f32 v7, v9  }
0x244: {  	v4 =	vmul.f32 v49, v4;
	v10 =	vadd.f32 v24, v10;
	v6 =	vadd.f32 v6, v8  }
0x245: {  	v2 =	vmul.f32 v50, v2;
	v55 =	vadd.f32 v21, v53;
	v5 =	vadd.f32 v5, v7  }
0x246: {  	v1 =	vmul.f32 v51, v1;
	v56 =	vadd.f32 v12, v10;
	v4 =	vadd.f32 v4, v6  }
0x247: {  	(xrf2) =	vadd.scan.msk.f32 $0xffff, v55;
	v2 =	vadd.f32 v2, v5  }
0x248: {  	v57 =	vmul.f32 v54, v52;
	(xrf2) =	vadd.scan.msk.f32 $0xffff, v56;
	v1 =	vadd.f32 v1, v4  }
0x249: {  	(xrf2) =	vadd.scan.msk.f32 $0xffff, v2  }
0x24a: {  	v1 =	vadd.f32 v57, v1;
	_ =	sdelay $0x1  }
0x24b: {  	(xrf2) =	vadd.scan.msk.f32 $0xffff, v1;
	_ =	sdelay $0x4  }
0x24c: {  	v1, _, _ =	vpop (xrf2)  }
0x24d: {  	v2, _, _ =	vpop (xrf2)  }
0x24e: {  	s24 =	sadd.s32 $0x2, s16;
	v58 =	vmov s16;
	v59, _, _ =	vpop (xrf2)  }
0x24f: {  	s26 =	sadd.s32 $0x1, s16;
	s28 =	sshll.u32 s0, $0x4;
	s0 =	sadd.s32 $0x1, s0;
	v60 =	vmov s24;
	vm0 =	veq.s32 v58, v0;
	v5 =	vbroadcast v59, $0xF  }
0x250: {  	p0 =	sne.s32 s0, $0x8;
	vm14 =	veq.s32 v60, v0;
	v62 =	vmov s26;
	v2 =	vbroadcast v2, $0xF  }
.Ltmp5:
0x251: {  	s25 =	sadd.s32 $0x3, s16;
	vm13 =	veq.s32 v62, v0;
	v1 =	vbroadcast v1, $0xF;
	v63, _, _ =	vpop (xrf2);
	v3 =	vsel vm0, v5, v3;
	(pc) =	sbr.rel @p0 .LBB2_10-.Ltmp5, $4  }
0x252: {  	v61 =	vmov s25;
	v2 =	vsel vm13, v2, v3;
	v3 =	vbroadcast v63, $0xF  }
0x253: {  	vm15 =	veq.s32 v61, v0;
	v1 =	vsel vm14, v1, v2  }
0x254: {  	s12 =	sand.u32 $0x3FFFFFF0, s28;
	v1 =	vsel vm15, v3, v1  }
0x255: {  	s5 =	sadd.s32 $0x800, s5;
	s22 =	sadd.s32 $0x800, s22;
	[tilespmem:s12+$0x10940] =	vst v1  }
0x256: {  	s0 =	simm.s32 $0x400;
	s5 =	simm.s32 $0x1C0  }
0x257: {  	[tilespmem:s0], [sflag:$0x1] =	stream.indirect.gather [hbm4b:s1+s15], $0x80, s5, s15, $0xb8;
	[tilespmem:$0x10B00] =	vst v63  }
0x258: {  	s12 =	simm.s32 $0x3C0;
	s5 =	simm.s32 $0x8400  }
0x259: {  	[tilespmem:s5], [sflag:$0x1] =	stream.indirect.gather [hbm4b:s2+s15], $0x80, s12, s15, $0xb8;
	[tilespmem:$0x10B00] =	vst v63  }
0x25a: {  	_ =	swait.ge [sflag:s23], $0x4000  }
0x25b: {  	[sflag:s23] =	ssyncset.done $0x0  }
0x25c: {  	[sflag:s23] =	ssyncadd.s32 $0xFFFFC000  }
0x25d: {  	_ =	swait.ge [sflag:s23], $0x4000  }
0x25e: {  	[sflag:s23] =	ssyncset.done $0x0  }
0x25f: {  	s12 =	simm.s32 $0x0;
	[sflag:s23] =	ssyncadd.s32 $0xFFFFC000  }
.LBB2_14:
0x260: {  	v2 =	vmov s0  }
0x261: {  	v1 =	vmov s5;
	_ =	sdelay $0x2  }
0x262: {  	s20 =	simm.s32 $0x0  }
0x263: {  	v8 =	vld.idx.msk [tilespmem:v2+s20+$0x4170 ss:$0x1], $0xffff  }
0x264: {  	v6 =	vld.idx.msk [tilespmem:v1+s20+$0x4170 ss:$0x1], $0xffff  }
0x265: {  	v3 =	vld.idx.msk [tilespmem:v2+s20+$0x40F0 ss:$0x1], $0xffff  }
0x266: {  	v7 =	vld.idx.msk [tilespmem:v2+s20+$0x4160 ss:$0x1], $0xffff  }
0x267: {  	v9 =	vld.idx.msk [tilespmem:v1+s20+$0x4160 ss:$0x1], $0xffff  }
0x268: {  	v5 =	vld.idx.msk [tilespmem:v2+s20+$0x40E0 ss:$0x1], $0xffff  }
0x269: {  	v14 =	vld.idx.msk [tilespmem:v1+s20+$0x40E0 ss:$0x1], $0xffff  }
0x26a: {  	v15 =	vld.idx.msk [tilespmem:v2+s20+$0x4150 ss:$0x1], $0xffff  }
0x26b: {  	v16 =	vld.idx.msk [tilespmem:v1+s20+$0x4150 ss:$0x1], $0xffff  }
0x26c: {  	v17 =	vld.idx.msk [tilespmem:v2+s20+$0x40D0 ss:$0x1], $0xffff  }
0x26d: {  	v18 =	vld.idx.msk [tilespmem:v1+s20+$0x40D0 ss:$0x1], $0xffff  }
0x26e: {  	v36 =	vld.idx.msk [tilespmem:v2+s20+$0x4050 ss:$0x1], $0xffff  }
0x26f: {  	v22 =	vld.idx.msk [tilespmem:v2+s20+$0x4140 ss:$0x1], $0xffff  }
0x270: {  	v21 =	vld.idx.msk [tilespmem:v1+s20+$0x4140 ss:$0x1], $0xffff  }
0x271: {  	v27 =	vld.idx.msk [tilespmem:v2+s20+$0x40C0 ss:$0x1], $0xffff  }
0x272: {  	v23 =	vld.idx.msk [tilespmem:v1+s20+$0x40C0 ss:$0x1], $0xffff  }
0x273: {  	v30 =	vld.idx.msk [tilespmem:v2+s20+$0x41B0 ss:$0x1], $0xffff  }
0x274: {  	v29 =	vld.idx.msk [tilespmem:v2+s20+$0x4040 ss:$0x1], $0xffff  }
0x275: {  	v33 =	vld.idx.msk [tilespmem:v2+s20+$0x4130 ss:$0x1], $0xffff  }
0x276: {  	v37 =	vld.idx.msk [tilespmem:v1+s20+$0x4130 ss:$0x1], $0xffff  }
0x277: {  	v38 =	vld.idx.msk [tilespmem:v2+s20+$0x40B0 ss:$0x1], $0xffff  }
0x278: {  	v39 =	vld.idx.msk [tilespmem:v1+s20+$0x40B0 ss:$0x1], $0xffff  }
0x279: {  	v40 =	vld.idx.msk [tilespmem:v2+s20+$0x41A0 ss:$0x1], $0xffff  }
0x27a: {  	v41 =	vld.idx.msk [tilespmem:v2+s20+$0x4030 ss:$0x1], $0xffff  }
0x27b: {  	v42 =	vld.idx.msk [tilespmem:v2+s20+$0x4120 ss:$0x1], $0xffff  }
0x27c: {  	v43 =	vld.idx.msk [tilespmem:v1+s20+$0x4120 ss:$0x1], $0xffff  }
0x27d: {  	v44 =	vld.idx.msk [tilespmem:v2+s20+$0x40A0 ss:$0x1], $0xffff  }
0x27e: {  	v45 =	vld.idx.msk [tilespmem:v1+s20+$0x40A0 ss:$0x1], $0xffff  }
0x27f: {  	v46 =	vld.idx.msk [tilespmem:v2+s20+$0x4180 ss:$0x1], $0xffff  }
0x280: {  	v47 =	vld.idx.msk [tilespmem:v1+s20+$0x4180 ss:$0x1], $0xffff  }
0x281: {  	v48 =	vld.idx.msk [tilespmem:v2+s20+$0x4190 ss:$0x1], $0xffff  }
0x282: {  	v12 =	vld.idx.msk [tilespmem:v2+s20+$0x4100 ss:$0x1], $0xffff  }
0x283: {  	v49 =	vld.idx.msk [tilespmem:v1+s20+$0x4100 ss:$0x1], $0xffff  }
0x284: {  	v50 =	vld.idx.msk [tilespmem:v2+s20+$0x4110 ss:$0x1], $0xffff  }
0x285: {  	v51 =	vld.idx.msk [tilespmem:v1+s20+$0x4110 ss:$0x1], $0xffff  }
0x286: {  	v52 =	vld.idx.msk [tilespmem:v2+s20+$0x4080 ss:$0x1], $0xffff  }
0x287: {  	v53 =	vld.idx.msk [tilespmem:v1+s20+$0x4080 ss:$0x1], $0xffff  }
0x288: {  	v54 =	vld.idx.msk [tilespmem:v2+s20+$0x4090 ss:$0x1], $0xffff  }
0x289: {  	v55 =	vld.idx.msk [tilespmem:v1+s20+$0x4090 ss:$0x1], $0xffff  }
0x28a: {  	v56 =	vld.idx.msk [tilespmem:v2+s20+$0x4000 ss:$0x1], $0xffff  }
0x28b: {  	v57 =	vld.idx.msk [tilespmem:v1+s20+$0x4000 ss:$0x1], $0xffff  }
0x28c: {  	v58 =	vld.idx.msk [tilespmem:v2+s20+$0x4010 ss:$0x1], $0xffff  }
0x28d: {  	v59 =	vld.idx.msk [tilespmem:v1+s20+$0x4010 ss:$0x1], $0xffff  }
0x28e: {  	v60 =	vld.idx.msk [tilespmem:v2+s20+$0x4020 ss:$0x1], $0xffff  }
0x28f: {  	v61 =	vld.idx.msk [tilespmem:v1+s20+$0x4020 ss:$0x1], $0xffff  }
0x290: {  	v62 =	vld.idx.msk [tilespmem:v1+s20+$0x4190 ss:$0x1], $0xffff  }
0x291: {  	v63 =	vld.idx.msk [tilespmem:v1+s20+$0x4030 ss:$0x1], $0xffff  }
0x292: {  	v20 =	vld.idx.msk [tilespmem:v1+s20+$0x41A0 ss:$0x1], $0xffff  }
0x293: {  	v13 =	vld.idx.msk [tilespmem:v1+s20+$0x4040 ss:$0x1], $0xffff  }
0x294: {  	v19 =	vld.idx.msk [tilespmem:v1+s20+$0x41B0 ss:$0x1], $0xffff  }
0x295: {  	v24 =	vld.idx.msk [tilespmem:v1+s20+$0x4050 ss:$0x1], $0xffff  }
0x296: {  	v25 =	vld.idx.msk [tilespmem:v1+s20+$0x41C0 ss:$0x1], $0xffff  }
0x297: {  	v26 =	vld.idx.msk [tilespmem:v1+s20+$0x4060 ss:$0x1], $0xffff  }
0x298: {  	v28 =	vld.idx.msk [tilespmem:v1+s20+$0x41D0 ss:$0x1], $0xffff  }
0x299: {  	v31 =	vld.idx.msk [tilespmem:v1+s20+$0x4070 ss:$0x1], $0xffff  }
0x29a: {  	v32 =	vld.idx.msk [tilespmem:v1+s20+$0x41E0 ss:$0x1], $0xffff  }
0x29b: {  	v35 =	vld.idx.msk [tilespmem:v2+s20+$0x41F0 ss:$0x1], $0xffff  }
0x29c: {  	[tilespmem:$0x1FEC0] =	vst v3;
	v3 =	vld.idx.msk [tilespmem:v1+s20+$0x40F0 ss:$0x1], $0xffff  }
0x29d: {  	s16 =	simm.s32 $0x200;
	v34 =	vld.idx.msk [tilespmem:v1+s20+$0x41F0 ss:$0x1], $0xffff  }
0x29e: {  	v4 =	vld.idx.msk [tilespmem:v2+s16+$0x4070 ss:$0x1], $0xffff  }
0x29f: {  	v10 =	vld.idx.msk [tilespmem:v2+s16+$0x4160 ss:$0x1], $0xffff  }
0x2a0: {  	v11 =	vld.idx.msk [tilespmem:v1+s16+$0x4160 ss:$0x1], $0xffff  }
0x2a1: {  	[tilespmem:$0x1FED0] =	vst v3;
	v3 =	vld.idx.msk [tilespmem:v2+s20+$0x41E0 ss:$0x1], $0xffff  }
0x2a2: {  	v8 =	vmul.f32 v6, v8;
	v6 =	vmul.f32 v49, v12;
	v12 =	vld.idx.msk [tilespmem:v2+s16+$0x40E0 ss:$0x1], $0xffff  }
0x2a3: {  	v49 =	vmul.f32 v51, v50;
	v50 =	vmul.f32 v14, v5;
	v14 =	vld.idx.msk [tilespmem:v1+s16+$0x40E0 ss:$0x1], $0xffff  }
0x2a4: {  	v51 =	vmul.f32 v9, v7;
	v5 =	vld.idx.msk [tilespmem:v2+s16+$0x41D0 ss:$0x1], $0xffff  }
0x2a5: {  	v7 =	vmul.f32 v43, v42;
	v42 =	vmul.f32 v16, v15;
	v15 =	vld.idx.msk [tilespmem:v2+s16+$0x4150 ss:$0x1], $0xffff  }
0x2a6: {  	[tilespmem:$0x1FF00] =	vst v3;
	v3 =	vld.idx.msk [tilespmem:v2+s20+$0x4070 ss:$0x1], $0xffff  }
0x2a7: {  	v16 =	vmul.f32 v53, v52;
	v53 =	vmul.f32 v18, v17;
	v17 =	vld.idx.msk [tilespmem:v1+s16+$0x4150 ss:$0x1], $0xffff  }
0x2a8: {  	v18 =	vld.idx.msk [tilespmem:v1+s16+$0x40D0 ss:$0x1], $0xffff;
	v60 =	vmul.f32 v61, v60  }
0x2a9: {  	v61 =	vmul.f32 v47, v46;
	v46 =	vmul.f32 v20, v40;
	v20 =	vld.idx.msk [tilespmem:v2+s16+$0x40C0 ss:$0x1], $0xffff  }
0x2aa: {  	v40 =	vld.idx.msk [tilespmem:v1+s16+$0x4120 ss:$0x1], $0xffff  }
0x2ab: {  	[tilespmem:$0x1FEF0] =	vst v3;
	v3 =	vld.idx.msk [tilespmem:v2+s20+$0x41D0 ss:$0x1], $0xffff  }
0x2ac: {  	v52 =	vmul.f32 v55, v54;
	v54 =	vmul.f32 v45, v44;
	v44 =	vld.idx.msk [tilespmem:v1+s16+$0x4100 ss:$0x1], $0xffff  }
0x2ad: {  	v57 =	vmul.f32 v57, v56;
	v59 =	vmul.f32 v59, v58;
	v43 =	vld.idx.msk [tilespmem:v2+s16+$0x4000 ss:$0x1], $0xffff  }
0x2ae: {  	v9 =	vadd.f32 v49, v6;
	v6 =	vld.idx.msk [tilespmem:v2+s16+$0x4060 ss:$0x1], $0xffff  }
0x2af: {  	v27 =	vmul.f32 v23, v27;
	v55 =	vadd.f32 v52, v16;
	v16 =	vld.idx.msk [tilespmem:v2+s16+$0x40D0 ss:$0x1], $0xffff;
	v23 =	vadd.f32 v59, v57  }
0x2b0: {  	v38 =	vmul.f32 v39, v38;
	v45 =	vmul.f32 v62, v48;
	[tilespmem:$0x1FEE0] =	vst v3;
	v3 =	vld.idx.msk [tilespmem:v2+s20+$0x4060 ss:$0x1], $0xffff  }
0x2b1: {  	v7 =	vadd.f32 v7, v9;
	v9 =	vmul.f32 v37, v33;
	v39 =	vadd.f32 v60, v23;
	v23 =	vld.idx.msk [tilespmem:v1+s16+$0x4140 ss:$0x1], $0xffff  }
0x2b2: {  	v37 =	vadd.f32 v45, v61;
	v45 =	vld.idx.msk [tilespmem:v1+s16+$0x4080 ss:$0x1], $0xffff  }
0x2b3: {  	v21 =	vmul.f32 v21, v22;
	v22 =	vadd.f32 v9, v7;
	v7 =	vld.idx.msk [tilespmem:v2+s16+$0x41C0 ss:$0x1], $0xffff  }
0x2b4: {  	v9 =	vld.idx.msk [tilespmem:v2+s16+$0x4050 ss:$0x1], $0xffff  }
0x2b5: {  	v33 =	vadd.f32 v54, v55;
	[tilespmem:$0x1FEB0] =	vst v3;
	v3 =	vld.idx.msk [tilespmem:v2+s20+$0x41C0 ss:$0x1], $0xffff  }
0x2b6: {  	v13 =	vmul.f32 v13, v29;
	v29 =	vadd.f32 v46, v37;
	v37 =	vld.idx.msk [tilespmem:v2+s16+$0x40A0 ss:$0x1], $0xffff  }
0x2b7: {  	v19 =	vmul.f32 v19, v30;
	v33 =	vadd.f32 v38, v33;
	v38 =	vld.idx.msk [tilespmem:v1+s16+$0x40A0 ss:$0x1], $0xffff  }
0x2b8: {  	v41 =	vmul.f32 v63, v41;
	v46 =	vld.idx.msk [tilespmem:v2+s16+$0x4110 ss:$0x1], $0xffff  }
0x2b9: {  	v22 =	vadd.f32 v21, v22;
	v49 =	vadd.f32 v19, v29;
	v29 =	vld [tilespmem:$0x1FEB0]  }
0x2ba: {  	v39 =	vadd.f32 v41, v39;
	v41 =	vld.idx.msk [tilespmem:v2+s16+$0x4080 ss:$0x1], $0xffff;
	[tilespmem:$0x1FEA0] =	vst v3  }
0x2bb: {  	v47 =	vadd.f32 v42, v22;
	v19 =	vld [tilespmem:$0x1FEA0]  }
0x2bc: {  	v24 =	vmul.f32 v24, v36;
	v21 =	vld.idx.msk [tilespmem:v2+s16+$0x4140 ss:$0x1], $0xffff;
	v48 =	vadd.f32 v13, v39  }
0x2bd: {  	v30 =	vadd.f32 v51, v47;
	v52 =	vld [tilespmem:$0x1FEE0]  }
0x2be: {  	v24 =	vadd.f32 v24, v48;
	v51 =	vld [tilespmem:$0x1FED0];
	v26 =	vmul.f32 v26, v29  }
0x2bf: {  	v8 =	vadd.f32 v8, v30;
	v30 =	vld [tilespmem:$0x1FEC0]  }
0x2c0: {  	v27 =	vadd.f32 v27, v33;
	v24 =	vadd.f32 v26, v24;
	v26 =	vld [tilespmem:$0x1FEF0];
	v25 =	vmul.f32 v25, v19  }
0x2c1: {  	v13 =	vld.idx.msk [tilespmem:v2+s16+$0x41B0 ss:$0x1], $0xffff  }
0x2c2: {  	v27 =	vadd.f32 v53, v27;
	v28 =	vmul.f32 v28, v52;
	v3 =	vld.idx.msk [tilespmem:v2+s16+$0x4170 ss:$0x1], $0xffff;
	v25 =	vadd.f32 v25, v49  }
0x2c3: {  	v39 =	vld.idx.msk [tilespmem:v2+s16+$0x4120 ss:$0x1], $0xffff  }
0x2c4: {  	v27 =	vadd.f32 v50, v27;
	v33 =	vmul.f32 v51, v30;
	v28 =	vadd.f32 v28, v25;
	v25 =	vld [tilespmem:$0x1FF00]  }
0x2c5: {  	v22 =	vld.idx.msk [tilespmem:v1+s16+$0x40C0 ss:$0x1], $0xffff;
	v31 =	vmul.f32 v31, v26  }
0x2c6: {  	v42 =	vld.idx.msk [tilespmem:v2+s16+$0x4100 ss:$0x1], $0xffff;
	(xrf2) =	vadd.scan.msk.f32 $0xffff, v8;
	v8 =	vadd.f32 v33, v27  }
0x2c7: {  	[tilespmem:$0x1FF30] =	vst v3;
	v3 =	vld.idx.msk [tilespmem:v1+s16+$0x4170 ss:$0x1], $0xffff;
	v31 =	vadd.f32 v31, v24  }
0x2c8: {  	v48 =	vld.idx.msk [tilespmem:v2+s16+$0x4090 ss:$0x1], $0xffff;
	(xrf2) =	vadd.scan.msk.f32 $0xffff, v8  }
0x2c9: {  	v50 =	vld.idx.msk [tilespmem:v1+s16+$0x4110 ss:$0x1], $0xffff;
	(xrf2) =	vadd.scan.msk.f32 $0xffff, v31;
	v32 =	vmul.f32 v32, v25  }
0x2ca: {  	v47 =	vld.idx.msk [tilespmem:v1+s16+$0x4000 ss:$0x1], $0xffff  }
0x2cb: {  	v30 =	vld.idx.msk [tilespmem:v1+s16+$0x4130 ss:$0x1], $0xffff;
	v8 =	vadd.f32 v32, v28;
	v28 =	vmul.f32 v34, v35  }
0x2cc: {  	[tilespmem:$0x1FF40] =	vst v3;
	v3 =	vld.idx.msk [tilespmem:v2+s16+$0x40F0 ss:$0x1], $0xffff  }
0x2cd: {  	v51 =	vld.idx.msk [tilespmem:v1+s16+$0x4090 ss:$0x1], $0xffff;
	v8 =	vadd.f32 v28, v8  }
0x2ce: {  	v27 =	vld.idx.msk [tilespmem:v1+s16+$0x40B0 ss:$0x1], $0xffff  }
0x2cf: {  	v33 =	vld.idx.msk [tilespmem:v2+s16+$0x4190 ss:$0x1], $0xffff  }
0x2d0: {  	v29 =	vld.idx.msk [tilespmem:v2+s16+$0x4130 ss:$0x1], $0xffff;
	(xrf2) =	vadd.scan.msk.f32 $0xffff, v8  }
0x2d1: {  	[tilespmem:$0x1FF10] =	vst v3;
	v3 =	vld.idx.msk [tilespmem:v1+s16+$0x40F0 ss:$0x1], $0xffff;
	v8, _, _ =	vpop (xrf2)  }
0x2d2: {  	s28 =	simm.s32 $0x1;
	v19 =	vld.idx.msk [tilespmem:v2+s16+$0x4040 ss:$0x1], $0xffff;
	v28, _, _ =	vpop (xrf2)  }
0x2d3: {  	s26 =	simm.s32 $0x0;
	v56 =	vmov s28;
	v62 =	vld [tilespmem:$0x1FF30];
	v53, _, _ =	vpop (xrf2)  }
0x2d4: {  	vm13 =	veq.s32 v56, v0;
	v55 =	vmov s26;
	v26 =	vld.idx.msk [tilespmem:v2+s16+$0x40B0 ss:$0x1], $0xffff;
	v34 =	vbroadcast v53, $0xF  }
0x2d5: {  	s22 =	simm.s32 $0x2;
	v54 =	vimm.f32 $0.0e+00;
	vm0 =	veq.s32 v55, v0;
	v49 =	vld.idx.msk [tilespmem:v2+s16+$0x4010 ss:$0x1], $0xffff;
	v28 =	vbroadcast v28, $0xF  }
0x2d6: {  	v57 =	vmov s22;
	v63 =	vld [tilespmem:$0x1FF40];
	[tilespmem:$0x1FF20] =	vst v3;
	v8 =	vbroadcast v8, $0xF;
	v34 =	vsel vm0, v34, v54  }
0x2d7: {  	vm14 =	veq.s32 v57, v0;
	v61 =	vld [tilespmem:$0x1FF20];
	v28 =	vsel vm13, v28, v34  }
0x2d8: {  	v8 =	vsel vm14, v8, v28;
	v28 =	vld [tilespmem:$0x1FF10]  }
0x2d9: {  	v24 =	vld.idx.msk [tilespmem:v2+s16+$0x41A0 ss:$0x1], $0xffff  }
0x2da: {  	s20 =	simm.s32 $0x3;
	v31 =	vld.idx.msk [tilespmem:v2+s16+$0x4180 ss:$0x1], $0xffff;
	v58, _, _ =	vpop (xrf2)  }
0x2db: {  	v59 =	vmov s20;
	v25 =	vld.idx.msk [tilespmem:v2+s16+$0x4030 ss:$0x1], $0xffff;
	v60 =	vbroadcast v58, $0xF  }
0x2dc: {  	vm15 =	veq.s32 v59, v0;
	v32 =	vld.idx.msk [tilespmem:v1+s16+$0x4180 ss:$0x1], $0xffff  }
0x2dd: {  	s22 =	simm.s32 $0x1000;
	v3 =	vld.idx.msk [tilespmem:v2+s16+$0x41E0 ss:$0x1], $0xffff;
	v34 =	vmul.f32 v63, v62;
	v8 =	vsel vm15, v60, v8;
	v28 =	vmul.f32 v61, v28  }
.LBB2_15:
0x2de: {  	p0 =	sne.s32 s22, $0x1800;
	v35 =	vld.idx.msk [tilespmem:v1+s16+$0x4010 ss:$0x1], $0xffff;
	v36 =	vmul.f32 v44, v42;
	v42 =	vmul.f32 v50, v46  }
0x2df: {  	v12 =	vmul.f32 v14, v12;
	v10 =	vmul.f32 v11, v10;
	v44 =	vld.idx.msk [tilespmem:v2+s16+$0x4020 ss:$0x1], $0xffff  }
0x2e0: {  	v15 =	vmul.f32 v17, v15;
	v11 =	vld.idx.msk [tilespmem:v1+s16+$0x4020 ss:$0x1], $0xffff;
	v14 =	vadd.f32 v42, v36;
	v36 =	vmul.f32 v40, v39  }
0x2e1: {  	v17 =	vmul.f32 v45, v41;
	v39 =	vmul.f32 v51, v48;
	v40 =	vld.idx.msk [tilespmem:v1+s16+$0x4190 ss:$0x1], $0xffff  }
0x2e2: {  	v16 =	vmul.f32 v18, v16;
	v18 =	vmul.f32 v30, v29;
	v41 =	vld.idx.msk [tilespmem:v1+s16+$0x4030 ss:$0x1], $0xffff;
	v14 =	vadd.f32 v36, v14  }
0x2e3: {  	v29 =	vmul.f32 v38, v37;
	v21 =	vmul.f32 v23, v21;
	v17 =	vadd.f32 v39, v17;
	v23 =	vld.idx.msk [tilespmem:v1+s16+$0x41A0 ss:$0x1], $0xffff  }
0x2e4: {  	v30 =	vmul.f32 v47, v43;
	v35 =	vmul.f32 v35, v49;
	v36 =	vld.idx.msk [tilespmem:v1+s16+$0x4040 ss:$0x1], $0xffff;
	v14 =	vadd.f32 v18, v14  }
0x2e5: {  	v20 =	vmul.f32 v22, v20;
	v17 =	vadd.f32 v29, v17;
	v18 =	vmul.f32 v27, v26;
	v22 =	vld.idx.msk [tilespmem:v1+s16+$0x41B0 ss:$0x1], $0xffff  }
0x2e6: {  	v26 =	vadd.f32 v35, v30;
	v11 =	vmul.f32 v11, v44;
	v27 =	vld.idx.msk [tilespmem:v1+s16+$0x4050 ss:$0x1], $0xffff;
	v14 =	vadd.f32 v21, v14  }
0x2e7: {  	v17 =	vadd.f32 v18, v17;
	v18 =	vmul.f32 v32, v31;
	v21 =	vmul.f32 v40, v33;
	v29 =	vld.idx.msk [tilespmem:v1+s16+$0x41C0 ss:$0x1], $0xffff  }
0x2e8: {  	v11 =	vadd.f32 v11, v26;
	v25 =	vmul.f32 v41, v25;
	v26 =	vld.idx.msk [tilespmem:v1+s16+$0x4060 ss:$0x1], $0xffff;
	v14 =	vadd.f32 v15, v14  }
0x2e9: {  	v15 =	vadd.f32 v20, v17;
	v17 =	vadd.f32 v21, v18;
	v18 =	vmul.f32 v23, v24;
	v20 =	vld.idx.msk [tilespmem:v1+s16+$0x41D0 ss:$0x1], $0xffff  }
0x2ea: {  	v11 =	vadd.f32 v25, v11;
	v19 =	vmul.f32 v36, v19;
	v21 =	vld.idx.msk [tilespmem:v1+s16+$0x4070 ss:$0x1], $0xffff;
	v10 =	vadd.f32 v10, v14  }
0x2eb: {  	v14 =	vadd.f32 v16, v15;
	v15 =	vadd.f32 v18, v17;
	v13 =	vmul.f32 v22, v13;
	v16 =	vld.idx.msk [tilespmem:v1+s16+$0x41E0 ss:$0x1], $0xffff  }
0x2ec: {  	v11 =	vadd.f32 v19, v11;
	v9 =	vmul.f32 v27, v9;
	v10 =	vadd.f32 v34, v10;
	v17 =	vld.idx.msk [tilespmem:v2+s16+$0x41F0 ss:$0x1], $0xffff  }
0x2ed: {  	v12 =	vadd.f32 v12, v14;
	v13 =	vadd.f32 v13, v15;
	v7 =	vmul.f32 v29, v7;
	v14 =	vld.idx.msk [tilespmem:v1+s16+$0x41F0 ss:$0x1], $0xffff;
	s16 =	sshra.s32 s22, $0x2  }
0x2ee: {  	v9 =	vadd.f32 v9, v11;
	v6 =	vmul.f32 v26, v6;
	v34 =	vld.idx.msk [tilespmem:v2+s16+$0x4170 ss:$0x1], $0xffff;
	(xrf2) =	vadd.scan.msk.f32 $0xffff, v10  }
0x2ef: {  	v10 =	vadd.f32 v28, v12;
	v7 =	vadd.f32 v7, v13;
	v5 =	vmul.f32 v20, v5;
	v35 =	vld.idx.msk [tilespmem:v1+s16+$0x4170 ss:$0x1], $0xffff  }
0x2f0: {  	v6 =	vadd.f32 v6, v9;
	v4 =	vmul.f32 v21, v4;
	v28 =	vld.idx.msk [tilespmem:v2+s16+$0x40F0 ss:$0x1], $0xffff  }
0x2f1: {  	v5 =	vadd.f32 v5, v7;
	v7 =	vmul.f32 v16, v3;
	v36 =	vld.idx.msk [tilespmem:v1+s16+$0x40F0 ss:$0x1], $0xffff;
	(xrf2) =	vadd.scan.msk.f32 $0xffff, v10  }
0x2f2: {  	v6 =	vadd.f32 v4, v6;
	v3 =	vld.idx.msk [tilespmem:v2+s16+$0x41E0 ss:$0x1], $0xffff  }
0x2f3: {  	v5 =	vadd.f32 v7, v5;
	v7 =	vmul.f32 v14, v17;
	v4 =	vld.idx.msk [tilespmem:v2+s16+$0x4070 ss:$0x1], $0xffff  }
0x2f4: {  	v10 =	vld.idx.msk [tilespmem:v2+s16+$0x4160 ss:$0x1], $0xffff;
	(xrf2) =	vadd.scan.msk.f32 $0xffff, v6  }
0x2f5: {  	v5 =	vadd.f32 v7, v5;
	v11 =	vld.idx.msk [tilespmem:v1+s16+$0x4160 ss:$0x1], $0xffff  }
0x2f6: {  	v12 =	vld.idx.msk [tilespmem:v2+s16+$0x40E0 ss:$0x1], $0xffff  }
0x2f7: {  	v14 =	vld.idx.msk [tilespmem:v1+s16+$0x40E0 ss:$0x1], $0xffff;
	(xrf2) =	vadd.scan.msk.f32 $0xffff, v5  }
0x2f8: {  	v5 =	vld.idx.msk [tilespmem:v2+s16+$0x41D0 ss:$0x1], $0xffff;
	v13, _, _ =	vpop (xrf2)  }
0x2f9: {  	v6 =	vld.idx.msk [tilespmem:v2+s16+$0x4060 ss:$0x1], $0xffff  }
0x2fa: {  	v15 =	vld.idx.msk [tilespmem:v2+s16+$0x4150 ss:$0x1], $0xffff  }
0x2fb: {  	v17 =	vld.idx.msk [tilespmem:v1+s16+$0x4150 ss:$0x1], $0xffff;
	v19, _, _ =	vpop (xrf2)  }
0x2fc: {  	v16 =	vld.idx.msk [tilespmem:v2+s16+$0x40D0 ss:$0x1], $0xffff  }
0x2fd: {  	s20 =	sadd.s32 $0x4, s20;
	v18 =	vld.idx.msk [tilespmem:v1+s16+$0x40D0 ss:$0x1], $0xffff  }
0x2fe: {  	s24 =	sadd.s32 $0xFFFFFFFD, s20;
	s25 =	sadd.s32 $0xFFFFFFFF, s20;
	v24 =	vmov s20;
	v7 =	vld.idx.msk [tilespmem:v2+s16+$0x41C0 ss:$0x1], $0xffff;
	v20, _, _ =	vpop (xrf2)  }
0x2ff: {  	v25 =	vmov s25;
	v27 =	vmov s24;
	s24 =	sadd.s32 $0xFFFFFFFE, s20;
	v9 =	vld.idx.msk [tilespmem:v2+s16+$0x4050 ss:$0x1], $0xffff;
	v20 =	vbroadcast v20, $0xF  }
0x300: {  	vm0 =	veq.s32 v27, v0;
	v26 =	vmov s24;
	v19 =	vbroadcast v19, $0xF;
	v21 =	vld.idx.msk [tilespmem:v2+s16+$0x4140 ss:$0x1], $0xffff  }
0x301: {  	v13 =	vbroadcast v13, $0xF;
	v23 =	vld.idx.msk [tilespmem:v1+s16+$0x4140 ss:$0x1], $0xffff;
	v8 =	vsel vm0, v20, v8;
	vm0 =	veq.s32 v26, v0;
	v22, _, _ =	vpop (xrf2)  }
0x302: {  	v20 =	vld.idx.msk [tilespmem:v2+s16+$0x40C0 ss:$0x1], $0xffff;
	v8 =	vsel vm0, v19, v8;
	vm0 =	veq.s32 v25, v0;
	v19 =	vbroadcast v22, $0xF  }
0x303: {  	v22 =	vld.idx.msk [tilespmem:v1+s16+$0x40C0 ss:$0x1], $0xffff;
	v8 =	vsel vm0, v13, v8;
	vm0 =	veq.s32 v24, v0  }
0x304: {  	v13 =	vld.idx.msk [tilespmem:v2+s16+$0x41B0 ss:$0x1], $0xffff;
	v8 =	vsel vm0, v19, v8  }
0x305: {  	v19 =	vld.idx.msk [tilespmem:v2+s16+$0x4040 ss:$0x1], $0xffff  }
0x306: {  	v29 =	vld.idx.msk [tilespmem:v2+s16+$0x4130 ss:$0x1], $0xffff  }
0x307: {  	v30 =	vld.idx.msk [tilespmem:v1+s16+$0x4130 ss:$0x1], $0xffff  }
0x308: {  	v26 =	vld.idx.msk [tilespmem:v2+s16+$0x40B0 ss:$0x1], $0xffff  }
0x309: {  	v27 =	vld.idx.msk [tilespmem:v1+s16+$0x40B0 ss:$0x1], $0xffff  }
0x30a: {  	v24 =	vld.idx.msk [tilespmem:v2+s16+$0x41A0 ss:$0x1], $0xffff  }
0x30b: {  	v25 =	vld.idx.msk [tilespmem:v2+s16+$0x4030 ss:$0x1], $0xffff  }
0x30c: {  	v39 =	vld.idx.msk [tilespmem:v2+s16+$0x4120 ss:$0x1], $0xffff  }
0x30d: {  	v40 =	vld.idx.msk [tilespmem:v1+s16+$0x4120 ss:$0x1], $0xffff  }
0x30e: {  	v37 =	vld.idx.msk [tilespmem:v2+s16+$0x40A0 ss:$0x1], $0xffff  }
0x30f: {  	v38 =	vld.idx.msk [tilespmem:v1+s16+$0x40A0 ss:$0x1], $0xffff  }
0x310: {  	v31 =	vld.idx.msk [tilespmem:v2+s16+$0x4180 ss:$0x1], $0xffff  }
0x311: {  	v32 =	vld.idx.msk [tilespmem:v1+s16+$0x4180 ss:$0x1], $0xffff  }
0x312: {  	v33 =	vld.idx.msk [tilespmem:v2+s16+$0x4190 ss:$0x1], $0xffff  }
0x313: {  	v42 =	vld.idx.msk [tilespmem:v2+s16+$0x4100 ss:$0x1], $0xffff  }
0x314: {  	v44 =	vld.idx.msk [tilespmem:v1+s16+$0x4100 ss:$0x1], $0xffff  }
0x315: {  	v46 =	vld.idx.msk [tilespmem:v2+s16+$0x4110 ss:$0x1], $0xffff  }
0x316: {  	v50 =	vld.idx.msk [tilespmem:v1+s16+$0x4110 ss:$0x1], $0xffff  }
0x317: {  	v41 =	vld.idx.msk [tilespmem:v2+s16+$0x4080 ss:$0x1], $0xffff  }
0x318: {  	v45 =	vld.idx.msk [tilespmem:v1+s16+$0x4080 ss:$0x1], $0xffff  }
.Ltmp6:
0x319: {  	v48 =	vld.idx.msk [tilespmem:v2+s16+$0x4090 ss:$0x1], $0xffff;
	(pc) =	sbr.rel @p0 .LBB2_15-.Ltmp6, $4  }
0x31a: {  	v51 =	vld.idx.msk [tilespmem:v1+s16+$0x4090 ss:$0x1], $0xffff  }
0x31b: {  	v43 =	vld.idx.msk [tilespmem:v2+s16+$0x4000 ss:$0x1], $0xffff  }
0x31c: {  	v47 =	vld.idx.msk [tilespmem:v1+s16+$0x4000 ss:$0x1], $0xffff  }
0x31d: {  	s22 =	sadd.s32 $0x800, s22;
	v34 =	vmul.f32 v35, v34;
	v28 =	vmul.f32 v36, v28;
	v49 =	vld.idx.msk [tilespmem:v2+s16+$0x4010 ss:$0x1], $0xffff  }
0x31e: {  	_ =	sdelay $0x2  }
0x31f: {  	v36 =	vmul.f32 v44, v42;
	v52 =	vmul.f32 v50, v46  }
0x320: {  	v35 =	vld.idx.msk [tilespmem:v1+s16+$0x4010 ss:$0x1], $0xffff;
	v12 =	vmul.f32 v14, v12;
	v10 =	vmul.f32 v11, v10  }
0x321: {  	v53 =	vld.idx.msk [tilespmem:v2+s16+$0x4020 ss:$0x1], $0xffff;
	v56 =	vmul.f32 v40, v39;
	v15 =	vmul.f32 v17, v15  }
0x322: {  	v54 =	vld.idx.msk [tilespmem:v1+s16+$0x4020 ss:$0x1], $0xffff;
	v57 =	vmul.f32 v45, v41;
	v16 =	vmul.f32 v18, v16  }
0x323: {  	v59 =	vld.idx.msk [tilespmem:v1+s16+$0x4190 ss:$0x1], $0xffff;
	v61 =	vmul.f32 v30, v29;
	v42 =	vmul.f32 v38, v37  }
0x324: {  	v60 =	vld.idx.msk [tilespmem:v1+s16+$0x4030 ss:$0x1], $0xffff;
	v21 =	vmul.f32 v23, v21;
	v58 =	vmul.f32 v51, v48  }
0x325: {  	v62 =	vld.idx.msk [tilespmem:v1+s16+$0x41A0 ss:$0x1], $0xffff;
	v55 =	vadd.f32 v52, v36;
	v63 =	vmul.f32 v47, v43;
	v35 =	vmul.f32 v35, v49  }
0x326: {  	v45 =	vmul.f32 v27, v26;
	v31 =	vmul.f32 v32, v31;
	v17 =	vadd.f32 v58, v57;
	v43 =	vld.idx.msk [tilespmem:v1+s16+$0x4040 ss:$0x1], $0xffff  }
0x327: {  	v46 =	vld.idx.msk [tilespmem:v1+s16+$0x41B0 ss:$0x1], $0xffff;
	v14 =	vadd.f32 v56, v55;
	v11 =	vmul.f32 v54, v53;
	v47 =	vadd.f32 v35, v63  }
0x328: {  	v20 =	vmul.f32 v22, v20;
	v48 =	vld.idx.msk [tilespmem:v1+s16+$0x4050 ss:$0x1], $0xffff;
	v17 =	vadd.f32 v42, v17;
	v49 =	vmul.f32 v59, v33  }
0x329: {  	v50 =	vld.idx.msk [tilespmem:v1+s16+$0x41C0 ss:$0x1], $0xffff;
	v25 =	vmul.f32 v60, v25;
	v14 =	vadd.f32 v61, v14;
	v11 =	vadd.f32 v11, v47  }
0x32a: {  	v51 =	vld.idx.msk [tilespmem:v1+s16+$0x4060 ss:$0x1], $0xffff;
	v24 =	vmul.f32 v62, v24;
	v17 =	vadd.f32 v45, v17;
	v52 =	vadd.f32 v49, v31  }
0x32b: {  	v53 =	vld.idx.msk [tilespmem:v1+s16+$0x41D0 ss:$0x1], $0xffff;
	v14 =	vadd.f32 v21, v14;
	v19 =	vmul.f32 v43, v19;
	v11 =	vadd.f32 v25, v11  }
0x32c: {  	v54 =	vld.idx.msk [tilespmem:v1+s16+$0x4070 ss:$0x1], $0xffff;
	v13 =	vmul.f32 v46, v13;
	v17 =	vadd.f32 v20, v17;
	v55 =	vadd.f32 v24, v52  }
0x32d: {  	v56 =	vld.idx.msk [tilespmem:v1+s16+$0x41E0 ss:$0x1], $0xffff;
	v9 =	vmul.f32 v48, v9;
	v14 =	vadd.f32 v15, v14;
	v11 =	vadd.f32 v19, v11  }
0x32e: {  	v2 =	vld.idx.msk [tilespmem:v2+s16+$0x41F0 ss:$0x1], $0xffff;
	v7 =	vmul.f32 v50, v7;
	v16 =	vadd.f32 v16, v17;
	v13 =	vadd.f32 v13, v55  }
0x32f: {  	v1 =	vld.idx.msk [tilespmem:v1+s16+$0x41F0 ss:$0x1], $0xffff;
	v6 =	vmul.f32 v51, v6;
	v10 =	vadd.f32 v10, v14;
	v9 =	vadd.f32 v9, v11  }
0x330: {  	v5 =	vmul.f32 v53, v5;
	v57 =	vadd.f32 v12, v16;
	v7 =	vadd.f32 v7, v13  }
0x331: {  	v4 =	vmul.f32 v54, v4;
	v10 =	vadd.f32 v34, v10;
	v6 =	vadd.f32 v6, v9  }
0x332: {  	v3 =	vmul.f32 v56, v3;
	v58 =	vadd.f32 v28, v57;
	v5 =	vadd.f32 v5, v7  }
0x333: {  	(xrf2) =	vadd.scan.msk.f32 $0xffff, v10;
	v4 =	vadd.f32 v4, v6  }
0x334: {  	v1 =	vmul.f32 v1, v2;
	(xrf2) =	vadd.scan.msk.f32 $0xffff, v58;
	v3 =	vadd.f32 v3, v5  }
0x335: {  	(xrf2) =	vadd.scan.msk.f32 $0xffff, v4  }
0x336: {  	v1 =	vadd.f32 v1, v3;
	_ =	sdelay $0x1  }
0x337: {  	(xrf2) =	vadd.scan.msk.f32 $0xffff, v1;
	_ =	sdelay $0x4  }
0x338: {  	s26 =	sadd.s32 $0x4, s20;
	v1, _, _ =	vpop (xrf2)  }
0x339: {  	s20 =	sadd.s32 $0xFFFFFFFD, s26;
	v2, _, _ =	vpop (xrf2)  }
0x33a: {  	s22 =	sadd.s32 $0xFFFFFFFF, s26;
	v59 =	vmov s20;
	v4, _, _ =	vpop (xrf2)  }
0x33b: {  	s28 =	sshll.u32 s12, $0x4;
	s12 =	sadd.s32 $0x1, s12;
	s16 =	sadd.s32 $0xFFFFFFFE, s26;
	v60 =	vmov s22;
	vm0 =	veq.s32 v59, v0;
	v4 =	vbroadcast v4, $0xF  }
0x33c: {  	p0 =	sne.s32 s12, $0x8;
	v61 =	vmov s16;
	vm14 =	veq.s32 v60, v0;
	v2 =	vbroadcast v2, $0xF  }
.Ltmp7:
0x33d: {  	vm13 =	veq.s32 v61, v0;
	v1 =	vbroadcast v1, $0xF;
	v62, _, _ =	vpop (xrf2);
	v4 =	vsel vm0, v4, v8;
	(pc) =	sbr.rel @p0 .LBB2_14-.Ltmp7, $4  }
0x33e: {  	v3 =	vmov s26;
	v63 =	vbroadcast v62, $0xF;
	v2 =	vsel vm13, v2, v4  }
0x33f: {  	vm15 =	veq.s32 v3, v0;
	v1 =	vsel vm14, v1, v2  }
0x340: {  	s16 =	sand.u32 $0x3FFFFFF0, s28;
	v1 =	vsel vm15, v63, v1  }
0x341: {  	s0 =	sadd.s32 $0x800, s0;
	s5 =	sadd.s32 $0x800, s5;
	[tilespmem:s16+$0x109C0] =	vst v1  }
0x342: {  	_ =	swait.ge [sflag:s17], $0x2000  }
0x343: {  	[sflag:s17] =	ssyncset.done $0x0  }
0x344: {  	[sflag:s17] =	ssyncadd.s32 $0xFFFFE000  }
0x345: {  	_ =	swait.ge [sflag:s17], $0x2000  }
0x346: {  	s0 =	simm.s32 $0x0;
	[sflag:s17] =	ssyncset.done $0x0  }
0x347: {  	s5 =	simm.s32 $0x8500;
	s12 =	simm.s32 $0x500;
	[sflag:s17] =	ssyncadd.s32 $0xFFFFE000  }
.LBB2_18:
0x348: {  	v3 =	vld [tilespmem:s12+$0x70]  }
0x349: {  	v21 =	vld [tilespmem:s5+$0x70]  }
0x34a: {  	v12 =	vld [tilespmem:s12+$0xFFFFFFF0]  }
0x34b: {  	v24 =	vld [tilespmem:s5+$0xFFFFFFF0]  }
0x34c: {  	v1 =	vld [tilespmem:s12+$0xE0]  }
0x34d: {  	v2 =	vld [tilespmem:s12+$0xFFFFFF70]  }
0x34e: {  	v30 =	vld [tilespmem:s12+$0x60]  }
0x34f: {  	v45 =	vld [tilespmem:s5+$0x60]  }
0x350: {  	v46 =	vld [tilespmem:s12+$0xFFFFFFE0]  }
0x351: {  	v47 =	vld [tilespmem:s5+$0xFFFFFFE0]  }
0x352: {  	v4 =	vld [tilespmem:s12+$0xD0]  }
0x353: {  	v5 =	vld [tilespmem:s12+$0xFFFFFF60]  }
0x354: {  	v15 =	vld [tilespmem:s12+$0x50]  }
0x355: {  	v18 =	vld [tilespmem:s5+$0x50]  }
0x356: {  	v13 =	vld [tilespmem:s12+$0xFFFFFFD0]  }
0x357: {  	v14 =	vld [tilespmem:s5+$0xFFFFFFD0]  }
0x358: {  	v6 =	vld [tilespmem:s12+$0xC0]  }
0x359: {  	v7 =	vld [tilespmem:s12+$0xFFFFFF50]  }
0x35a: {  	v17 =	vld [tilespmem:s12+$0x40]  }
0x35b: {  	v19 =	vld [tilespmem:s5+$0x40]  }
0x35c: {  	v10 =	vld [tilespmem:s12+$0xFFFFFFC0]  }
0x35d: {  	v16 =	vld [tilespmem:s5+$0xFFFFFFC0]  }
0x35e: {  	v8 =	vld [tilespmem:s12+$0xB0]  }
0x35f: {  	v9 =	vld [tilespmem:s12+$0xFFFFFF40]  }
0x360: {  	v28 =	vld [tilespmem:s12+$0x30]  }
0x361: {  	v29 =	vld [tilespmem:s5+$0x30]  }
0x362: {  	v22 =	vld [tilespmem:s12+$0xFFFFFFB0]  }
0x363: {  	v23 =	vld [tilespmem:s5+$0xFFFFFFB0]  }
0x364: {  	v11 =	vld [tilespmem:s12+$0xA0]  }
0x365: {  	v20 =	vld [tilespmem:s12+$0xFFFFFF30]  }
0x366: {  	v33 =	vld [tilespmem:s12+$0x20]  }
0x367: {  	v34 =	vld [tilespmem:s5+$0x20]  }
0x368: {  	v31 =	vld [tilespmem:s12+$0xFFFFFFA0]  }
0x369: {  	v32 =	vld [tilespmem:s5+$0xFFFFFFA0]  }
0x36a: {  	v25 =	vld [tilespmem:s12+$0x80]  }
0x36b: {  	v26 =	vld [tilespmem:s5+$0x80]  }
0x36c: {  	v27 =	vld [tilespmem:s12+$0x90]  }
0x36d: {  	v42 =	vld [tilespmem:s12+$0x0]  }
0x36e: {  	v43 =	vld [tilespmem:s5+$0x0]  }
0x36f: {  	v44 =	vld [tilespmem:s12+$0x10]  }
0x370: {  	v48 =	vld [tilespmem:s5+$0x10]  }
0x371: {  	v38 =	vld [tilespmem:s12+$0xFFFFFF80]  }
0x372: {  	v39 =	vld [tilespmem:s5+$0xFFFFFF80]  }
0x373: {  	v40 =	vld [tilespmem:s12+$0xFFFFFF90]  }
0x374: {  	v41 =	vld [tilespmem:s5+$0xFFFFFF90]  }
0x375: {  	v35 =	vld [tilespmem:s12+$0xFFFFFF00]  }
0x376: {  	v36 =	vld [tilespmem:s5+$0xFFFFFF00];
	v12 =	vmul.f32 v24, v12;
	v21 =	vmul.f32 v21, v3  }
0x377: {  	v37 =	vld [tilespmem:s12+$0xFFFFFF10];
	s24 =	simm.s32 $0x4;
	v43 =	vmul.f32 v43, v42;
	v44 =	vmul.f32 v48, v44  }
0x378: {  	s22 =	smov.u32 s12;
	s20 =	smov.u32 s5;
	s16 =	simm.s32 $0x0;
	v3 =	vimm.f32 $0.0e+00;
	v42 =	vld [tilespmem:s5+$0xFFFFFF10];
	v24 =	vmul.f32 v47, v46;
	v30 =	vmul.f32 v45, v30  }
.LBB2_19:
0x379: {  	p0 =	sne.s32 s24, $0xC;
	v45 =	vld [tilespmem:s22+$0xFFFFFF20];
	v43 =	vadd.f32 v44, v43;
	v33 =	vmul.f32 v34, v33;
	v15 =	vmul.f32 v18, v15  }
0x37a: {  	v34 =	vmul.f32 v39, v38;
	v38 =	vmul.f32 v41, v40;
	v18 =	vld [tilespmem:s20+$0xFFFFFF20]  }
0x37b: {  	v13 =	vmul.f32 v14, v13;
	v28 =	vmul.f32 v29, v28;
	v14 =	vadd.f32 v33, v43;
	v29 =	vld [tilespmem:s20+$0x90]  }
0x37c: {  	v31 =	vmul.f32 v32, v31;
	v17 =	vmul.f32 v19, v17;
	v34 =	vadd.f32 v38, v34;
	v33 =	vld [tilespmem:s20+$0xFFFFFF30]  }
0x37d: {  	v19 =	vmul.f32 v36, v35;
	v32 =	vmul.f32 v42, v37;
	v14 =	vadd.f32 v28, v14;
	v28 =	vld [tilespmem:s20+$0xA0]  }
0x37e: {  	v22 =	vmul.f32 v23, v22;
	v10 =	vmul.f32 v16, v10;
	v31 =	vadd.f32 v31, v34;
	v35 =	vld [tilespmem:s20+$0xFFFFFF40]  }
0x37f: {  	v16 =	vadd.f32 v32, v19;
	v18 =	vmul.f32 v18, v45;
	v14 =	vadd.f32 v17, v14;
	v17 =	vld [tilespmem:s20+$0xB0]  }
0x380: {  	v23 =	vmul.f32 v26, v25;
	v22 =	vadd.f32 v22, v31;
	v19 =	vld [tilespmem:s20+$0xFFFFFF50];
	v25 =	vmul.f32 v29, v27  }
0x381: {  	v16 =	vadd.f32 v18, v16;
	v18 =	vmul.f32 v33, v20;
	v14 =	vadd.f32 v15, v14;
	v15 =	vld [tilespmem:s20+$0xC0]  }
0x382: {  	v10 =	vadd.f32 v10, v22;
	v20 =	vld [tilespmem:s20+$0xFFFFFF60];
	v22 =	vadd.f32 v25, v23;
	v11 =	vmul.f32 v28, v11  }
0x383: {  	v16 =	vadd.f32 v18, v16;
	v9 =	vmul.f32 v35, v9;
	v14 =	vadd.f32 v30, v14;
	v18 =	vld [tilespmem:s20+$0xD0]  }
0x384: {  	v10 =	vadd.f32 v13, v10;
	v23 =	vld [tilespmem:s20+$0xFFFFFF70];
	v11 =	vadd.f32 v11, v22;
	v8 =	vmul.f32 v17, v8  }
0x385: {  	v9 =	vadd.f32 v9, v16;
	v7 =	vmul.f32 v19, v7;
	v13 =	vadd.f32 v21, v14;
	v14 =	vld [tilespmem:s20+$0xE0]  }
0x386: {  	v10 =	vadd.f32 v24, v10;
	v8 =	vadd.f32 v8, v11;
	v6 =	vmul.f32 v15, v6;
	v11 =	vld [tilespmem:s22+$0xF0]  }
0x387: {  	s22 =	sadd.s32 $0x200, s22;
	v7 =	vadd.f32 v7, v9;
	v5 =	vmul.f32 v20, v5;
	v9 =	vld [tilespmem:s20+$0xF0];
	(xrf2) =	vadd.scan.msk.f32 $0xffff, v13  }
0x388: {  	v10 =	vadd.f32 v12, v10;
	s20 =	sadd.s32 $0x200, s20;
	v21 =	vld [tilespmem:s22+$0x70];
	v6 =	vadd.f32 v6, v8;
	v4 =	vmul.f32 v18, v4  }
0x389: {  	v24 =	vld [tilespmem:s20+$0x70];
	v5 =	vadd.f32 v5, v7;
	v2 =	vmul.f32 v23, v2  }
0x38a: {  	v12 =	vld [tilespmem:s22+$0xFFFFFFF0];
	v4 =	vadd.f32 v4, v6;
	v6 =	vmul.f32 v14, v1;
	(xrf2) =	vadd.scan.msk.f32 $0xffff, v10  }
0x38b: {  	v30 =	vld [tilespmem:s20+$0xFFFFFFF0];
	v5 =	vadd.f32 v2, v5  }
0x38c: {  	v1 =	vld [tilespmem:s22+$0xE0];
	v4 =	vadd.f32 v6, v4;
	v6 =	vmul.f32 v9, v11  }
0x38d: {  	v2 =	vld [tilespmem:s22+$0xFFFFFF70];
	(xrf2) =	vadd.scan.msk.f32 $0xffff, v5  }
0x38e: {  	v45 =	vld [tilespmem:s22+$0x60];
	v4 =	vadd.f32 v6, v4  }
0x38f: {  	v46 =	vld [tilespmem:s20+$0x60]  }
0x390: {  	v47 =	vld [tilespmem:s22+$0xFFFFFFE0];
	(xrf2) =	vadd.scan.msk.f32 $0xffff, v4  }
0x391: {  	v48 =	vld [tilespmem:s20+$0xFFFFFFE0];
	v8, _, _ =	vpop (xrf2)  }
0x392: {  	v4 =	vld [tilespmem:s22+$0xD0]  }
0x393: {  	v5 =	vld [tilespmem:s22+$0xFFFFFF60]  }
0x394: {  	v15 =	vld [tilespmem:s22+$0x50];
	v9, _, _ =	vpop (xrf2)  }
0x395: {  	v18 =	vld [tilespmem:s20+$0x50]  }
0x396: {  	v13 =	vld [tilespmem:s22+$0xFFFFFFD0]  }
0x397: {  	s25 =	sadd.s32 $0x2, s16;
	s26 =	sadd.s32 $0x3, s16;
	v10 =	vmov s16;
	v14 =	vld [tilespmem:s20+$0xFFFFFFD0];
	v7, _, _ =	vpop (xrf2)  }
0x398: {  	s28 =	sadd.s32 $0x1, s16;
	v16 =	vmov s25;
	v20 =	vmov s26;
	s16 =	smov.u32 s24;
	v6 =	vld [tilespmem:s22+$0xC0];
	v11 =	vbroadcast v7, $0xF  }
0x399: {  	v19 =	vmov s28;
	vm0 =	veq.s32 v10, v0;
	v9 =	vbroadcast v9, $0xF;
	v7 =	vld [tilespmem:s22+$0xFFFFFF50]  }
0x39a: {  	v8 =	vbroadcast v8, $0xF;
	v17 =	vld [tilespmem:s22+$0x40];
	v3 =	vsel vm0, v11, v3;
	vm0 =	veq.s32 v19, v0;
	v10, _, _ =	vpop (xrf2)  }
0x39b: {  	v19 =	vld [tilespmem:s20+$0x40];
	v3 =	vsel vm0, v9, v3;
	vm0 =	veq.s32 v16, v0;
	v9 =	vbroadcast v10, $0xF  }
0x39c: {  	v10 =	vld [tilespmem:s22+$0xFFFFFFC0];
	v3 =	vsel vm0, v8, v3;
	vm0 =	veq.s32 v20, v0  }
0x39d: {  	v16 =	vld [tilespmem:s20+$0xFFFFFFC0];
	v3 =	vsel vm0, v9, v3  }
0x39e: {  	v8 =	vld [tilespmem:s22+$0xB0]  }
0x39f: {  	v9 =	vld [tilespmem:s22+$0xFFFFFF40]  }
0x3a0: {  	v28 =	vld [tilespmem:s22+$0x30]  }
0x3a1: {  	v29 =	vld [tilespmem:s20+$0x30]  }
0x3a2: {  	v22 =	vld [tilespmem:s22+$0xFFFFFFB0]  }
0x3a3: {  	v23 =	vld [tilespmem:s20+$0xFFFFFFB0]  }
0x3a4: {  	v11 =	vld [tilespmem:s22+$0xA0]  }
0x3a5: {  	v20 =	vld [tilespmem:s22+$0xFFFFFF30]  }
0x3a6: {  	v33 =	vld [tilespmem:s22+$0x20]  }
0x3a7: {  	v34 =	vld [tilespmem:s20+$0x20]  }
0x3a8: {  	v31 =	vld [tilespmem:s22+$0xFFFFFFA0]  }
0x3a9: {  	v32 =	vld [tilespmem:s20+$0xFFFFFFA0]  }
0x3aa: {  	v25 =	vld [tilespmem:s22+$0x80]  }
0x3ab: {  	v26 =	vld [tilespmem:s20+$0x80]  }
0x3ac: {  	v27 =	vld [tilespmem:s22+$0x90]  }
0x3ad: {  	v42 =	vld [tilespmem:s22+$0x0]  }
0x3ae: {  	v43 =	vld [tilespmem:s20+$0x0]  }
0x3af: {  	v44 =	vld [tilespmem:s22+$0x10]  }
0x3b0: {  	v49 =	vld [tilespmem:s20+$0x10]  }
0x3b1: {  	v38 =	vld [tilespmem:s22+$0xFFFFFF80]  }
0x3b2: {  	v39 =	vld [tilespmem:s20+$0xFFFFFF80]  }
0x3b3: {  	v40 =	vld [tilespmem:s22+$0xFFFFFF90]  }
.Ltmp8:
0x3b4: {  	v41 =	vld [tilespmem:s20+$0xFFFFFF90];
	(pc) =	sbr.rel @p0 .LBB2_19-.Ltmp8, $4  }
0x3b5: {  	v35 =	vld [tilespmem:s22+$0xFFFFFF00]  }
0x3b6: {  	v21 =	vmul.f32 v24, v21;
	v12 =	vmul.f32 v30, v12;
	v36 =	vld [tilespmem:s20+$0xFFFFFF00]  }
0x3b7: {  	v43 =	vmul.f32 v43, v42;
	v44 =	vmul.f32 v49, v44;
	v37 =	vld [tilespmem:s22+$0xFFFFFF10]  }
0x3b8: {  	s24 =	sadd.s32 $0x4, s24;
	v30 =	vmul.f32 v46, v45;
	v24 =	vmul.f32 v48, v47;
	v42 =	vld [tilespmem:s20+$0xFFFFFF10]  }
0x3b9: {  	v45 =	vld [tilespmem:s22+$0xFFFFFF20];
	v33 =	vmul.f32 v34, v33;
	v15 =	vmul.f32 v18, v15  }
0x3ba: {  	v54 =	vld [tilespmem:s20+$0xFFFFFF20];
	v55 =	vmul.f32 v39, v38;
	v56 =	vmul.f32 v41, v40  }
0x3bb: {  	v57 =	vld [tilespmem:s20+$0x90];
	v13 =	vmul.f32 v14, v13;
	v28 =	vmul.f32 v29, v28  }
0x3bc: {  	v59 =	vld [tilespmem:s20+$0xFFFFFF30];
	v31 =	vmul.f32 v32, v31;
	v17 =	vmul.f32 v19, v17  }
0x3bd: {  	v43 =	vadd.f32 v44, v43;
	v63 =	vld [tilespmem:s20+$0xA0];
	v61 =	vmul.f32 v36, v35;
	v62 =	vmul.f32 v42, v37  }
0x3be: {  	v40 =	vld [tilespmem:s20+$0xFFFFFF40];
	v22 =	vmul.f32 v23, v22;
	v25 =	vmul.f32 v26, v25;
	v60 =	vadd.f32 v56, v55  }
0x3bf: {  	v58 =	vadd.f32 v33, v43;
	v42 =	vld [tilespmem:s20+$0xB0];
	v18 =	vmul.f32 v54, v45;
	v41 =	vadd.f32 v62, v61  }
0x3c0: {  	v10 =	vmul.f32 v16, v10;
	v43 =	vld [tilespmem:s20+$0xFFFFFF50];
	v31 =	vadd.f32 v31, v60;
	v44 =	vmul.f32 v57, v27  }
0x3c1: {  	v47 =	vld [tilespmem:s20+$0xC0];
	v14 =	vadd.f32 v28, v58;
	v46 =	vmul.f32 v59, v20;
	v45 =	vadd.f32 v18, v41  }
0x3c2: {  	v48 =	vld [tilespmem:s20+$0xFFFFFF60];
	v11 =	vmul.f32 v63, v11;
	v22 =	vadd.f32 v22, v31;
	v25 =	vadd.f32 v44, v25  }
0x3c3: {  	v49 =	vld [tilespmem:s20+$0xD0];
	v9 =	vmul.f32 v40, v9;
	v14 =	vadd.f32 v17, v14;
	v16 =	vadd.f32 v46, v45  }
0x3c4: {  	v50 =	vld [tilespmem:s20+$0xFFFFFF70];
	v10 =	vadd.f32 v10, v22;
	v11 =	vadd.f32 v11, v25;
	v8 =	vmul.f32 v42, v8  }
0x3c5: {  	v51 =	vld [tilespmem:s20+$0xE0];
	v7 =	vmul.f32 v43, v7;
	v14 =	vadd.f32 v15, v14;
	v9 =	vadd.f32 v9, v16  }
0x3c6: {  	v52 =	vld [tilespmem:s22+$0xF0];
	v6 =	vmul.f32 v47, v6;
	v10 =	vadd.f32 v13, v10;
	v8 =	vadd.f32 v8, v11  }
0x3c7: {  	v5 =	vmul.f32 v48, v5;
	v54 =	vld [tilespmem:s20+$0xF0];
	v53 =	vadd.f32 v30, v14;
	v7 =	vadd.f32 v7, v9  }
0x3c8: {  	v4 =	vmul.f32 v49, v4;
	v10 =	vadd.f32 v24, v10;
	v6 =	vadd.f32 v6, v8  }
0x3c9: {  	v2 =	vmul.f32 v50, v2;
	v55 =	vadd.f32 v21, v53;
	v5 =	vadd.f32 v5, v7  }
0x3ca: {  	v1 =	vmul.f32 v51, v1;
	v56 =	vadd.f32 v12, v10;
	v4 =	vadd.f32 v4, v6  }
0x3cb: {  	(xrf2) =	vadd.scan.msk.f32 $0xffff, v55;
	v2 =	vadd.f32 v2, v5  }
0x3cc: {  	v57 =	vmul.f32 v54, v52;
	(xrf2) =	vadd.scan.msk.f32 $0xffff, v56;
	v1 =	vadd.f32 v1, v4  }
0x3cd: {  	(xrf2) =	vadd.scan.msk.f32 $0xffff, v2  }
0x3ce: {  	v1 =	vadd.f32 v57, v1;
	_ =	sdelay $0x1  }
0x3cf: {  	(xrf2) =	vadd.scan.msk.f32 $0xffff, v1;
	_ =	sdelay $0x4  }
0x3d0: {  	v1, _, _ =	vpop (xrf2)  }
0x3d1: {  	v2, _, _ =	vpop (xrf2)  }
0x3d2: {  	s24 =	sadd.s32 $0x2, s16;
	v58 =	vmov s16;
	v59, _, _ =	vpop (xrf2)  }
0x3d3: {  	s26 =	sadd.s32 $0x1, s16;
	s28 =	sshll.u32 s0, $0x4;
	s0 =	sadd.s32 $0x1, s0;
	v60 =	vmov s24;
	vm0 =	veq.s32 v58, v0;
	v5 =	vbroadcast v59, $0xF  }
0x3d4: {  	p0 =	sne.s32 s0, $0x4;
	vm14 =	veq.s32 v60, v0;
	v62 =	vmov s26;
	v2 =	vbroadcast v2, $0xF  }
.Ltmp9:
0x3d5: {  	s25 =	sadd.s32 $0x3, s16;
	vm13 =	veq.s32 v62, v0;
	v1 =	vbroadcast v1, $0xF;
	v63, _, _ =	vpop (xrf2);
	v3 =	vsel vm0, v5, v3;
	(pc) =	sbr.rel @p0 .LBB2_18-.Ltmp9, $4  }
0x3d6: {  	v61 =	vmov s25;
	v2 =	vsel vm13, v2, v3;
	v3 =	vbroadcast v63, $0xF  }
0x3d7: {  	vm15 =	veq.s32 v61, v0;
	v1 =	vsel vm14, v1, v2  }
0x3d8: {  	s16 =	sand.u32 $0x3FFFFFF0, s28;
	v1 =	vsel vm15, v3, v1  }
0x3d9: {  	s5 =	sadd.s32 $0x800, s5;
	s12 =	sadd.s32 $0x800, s12;
	[tilespmem:s16+$0x10A40] =	vst v1  }
0x3da: {  	_ =	swait.ge [sflag:s29], $0x80  }
0x3db: {  	[sflag:s29] =	ssyncset.done $0x0  }
0x3dc: {  	[sflag:s29] =	ssyncadd.s32 $0xFFFFFF80  }
0x3dd: {  	_ =	swait.ge [sflag:s29], $0x80  }
0x3de: {  	[sflag:s29] =	ssyncset.done $0x0  }
0x3df: {  	[sflag:s29] =	ssyncadd.s32 $0xFFFFFF80  }
0x3e0: {  	_ =	swait.ge [sflag:s29], $0x80  }
0x3e1: {  	[sflag:s29] =	ssyncset.done $0x0  }
0x3e2: {  	[sflag:s29] =	ssyncadd.s32 $0xFFFFFF80  }
0x3e3: {  	_ =	swait.ge [sflag:s29], $0x80  }
0x3e4: {  	[sflag:s29] =	ssyncset.done $0x0  }
0x3e5: {  	[sflag:s29] =	ssyncadd.s32 $0xFFFFFF80  }
0x3e6: {  	_ =	swait.ge [sflag:s29], $0x80  }
0x3e7: {  	[sflag:s29] =	ssyncset.done $0x0  }
0x3e8: {  	[sflag:s29] =	ssyncadd.s32 $0xFFFFFF80  }
0x3e9: {  	_ =	swait.ge [sflag:s29], $0x80  }
0x3ea: {  	[sflag:s29] =	ssyncset.done $0x0  }
0x3eb: {  	[sflag:s29] =	ssyncadd.s32 $0xFFFFFF80  }
0x3ec: {  	_ =	swait.ge [sflag:s29], $0x80  }
0x3ed: {  	[sflag:s29] =	ssyncset.done $0x0  }
0x3ee: {  	[sflag:s29] =	ssyncadd.s32 $0xFFFFFF80  }
0x3ef: {  	_ =	swait.ge [sflag:s29], $0x80  }
0x3f0: {  	[sflag:s29] =	ssyncset.done $0x0  }
0x3f1: {  	[sflag:s29] =	ssyncadd.s32 $0xFFFFFF80  }
0x3f2: {  	s0 =	simm.s32 $0x0;
	v1 =	vld [tilespmem:$0x10800]  }
0x3f3: {  	s5 =	simm.s32 $0x40;
	v2 =	vld [tilespmem:s0+$0x10400]  }
.LBB2_22:
0x3f4: {  	p0 =	sne.s32 s5, $0x7C0;
	v3 =	vld [tilespmem:s0+$0x10880];
	_ =	sdelay $0x1  }
0x3f5: {  	v4 =	vld [tilespmem:s0+$0x10600];
	_ =	sdelay $0x2  }
0x3f6: {  	v2 =	vadd.f32 v2, v3;
	_ =	sdelay $0x1  }
.Ltmp10:
0x3f7: {  	v2 =	vadd.f32 v4, v2;
	(pc) =	sbr.rel @p0 .LBB2_22-.Ltmp10, $4  }
0x3f8: {  	_ = 	snop  }
0x3f9: {  	v3 =	vadd.f32 v2, v1  }
0x3fa: {  	s12 =	sshra.s32 s5, $0x2  }
0x3fb: {  	s5 =	sadd.s32 $0x40, s5;
	v2 =	vld [tilespmem:s12+$0x10400];
	[tilespmem:s0+$0x10880] =	vst v3;
	s0 =	smov.u32 s12  }
0x3fc: {  	v3 =	vld [tilespmem:s0+$0x10880];
	_ =	sdelay $0x1  }
0x3fd: {  	v4 =	vld [tilespmem:s0+$0x10600];
	_ =	sdelay $0x2  }
0x3fe: {  	v2 =	vadd.f32 v2, v3;
	_ =	sdelay $0x1  }
0x3ff: {  	v2 =	vadd.f32 v4, v2;
	_ =	sdelay $0x1  }
0x400: {  	s31 =	sadd.s32 $0x1, s31;
	v1 =	vadd.f32 v2, v1  }
0x401: {  	p0 =	sne.s32 s31, s11  }
.Ltmp11:
0x402: {  	[tilespmem:s0+$0x10880] =	vst v1;
	(pc) =	sbr.rel @p0 .LBB2_1-.Ltmp11, $4  }
0x403: {  	[hbm4b:s10+s6] =	stream.linear.scatter [tilespmem:s30], [sflag:$0x4], $0x200, $0x38;
	[tilespmem:$0x10B00] =	vst v63  }
0x404: {  	_ =	swait.ge [sflag:s13], $0x200  }
0x405: {  	[sflag:s13] =	ssyncset.done $0x0  }
0x406: {  	[sflag:s13] =	ssyncadd.s32 $0xFFFFFE00  }
0x407: {  	_ =	sfence.sel $0x180000  }
0x408: {  	[bflag:$0x0] =	sbarrier.arrive $0xFFFF  }
0x409: {  	_ =	strace $0x90000047  }
0x40a: {  	s0 =	stileid.u32;
	[bflag:$0x2] =	sbarrier.arrive $0xFFFF  }
0x40b: {  	p0 =	sne.s32 s0, $0x0;
	s0 =	rddreg [dreg:$0x8]  }
0x40c: {  	s0 =	sadd.s32 @!p0 $0x100000, s0  }
0x40d: {  	[sflag:s0] =	ssyncadd.tile.s32 @!p0 $0x1;
	_ =	shalt  }
.Lfunc_end2:
_tile_overlayer_lowered:
.L_overlay_start_2:
0x40e: {  	(tag) =	ssettag $0x2  }
0x40f: {  	s0 =	rddreg [dreg:$0x0];
	s2 =	stileid.u32  }
0x410: {  	s1 =	rddreg [dreg:$0x1];
	p0 =	sne.s32 s2, $0x0  }
0x411: {  	s3 =	rddreg [dreg:$0x2];
	[bflag:$0x3] =	sbarrier.arrive $0xFFFF;
	s2 =	simm.s32 @!p0 $0x1C04  }
0x412: {  	[timem:s3], [sflag:s2] =	dma.local @!p0 [hbm:s0], s1  }
0x413: {  	s0 =	simm.s32 @!p0 $0x4  }
0x414: {  	_ =	swait.ge @!p0 [sflag:s0], s1  }
0x415: {  	s1 =	ssub.s32 @!p0 $0x0, s1;
	[sflag:s0] =	ssyncset.done @!p0 $0x0  }
0x416: {  	[sflag:s0] =	ssyncadd.s32 @!p0 s1  }
0x417: {  	[bflag:$0x3] =	sbarrier.arrive $0xFFFF  }
0x418: {  	_ =	shalt  }

</sc_bundles>
